<compile_context>
chip_gen: v7x
topology: tpu7x:2x2x1
jax: 0.10.2.dev20260603
libtpu: 0.0.44.dev20260713+nightly
codegen_flags: <defaults>
</compile_context>

<pallas_src>
import functools

import jax
import jax.numpy as jnp
from jax import lax
from jax.experimental import pallas as pl
from jax.experimental.pallas import tpu as pltpu
from jax.experimental.pallas import tpu_sc as plsc

VOCAB = 1000000
EMB = 64
BATCH = 16384
NEG = 20
NP1 = NEG + 1

NC, NS = 2, 16
NW = NC * NS

BW = BATCH // NW
GB = 16
NBLK = BW // GB
CH = 128
TROWS = BW // CH
NROWS = BW * NEG // CH
NCHB = GB * NEG // 64
PN = 24

DCOLS = 128
DROWS = BATCH * NP1 // DCOLS
DW = DROWS // NW


def _dots_body(emb_in, emb_out, idx_t, idx_c, idx_n, par_t, par_c, par_n,
               dots_out,
               itv, icv, inv, ptv, pcv, pnv, vbuf, ubuf, nbuf, dots,
               sem0, sem1):
    c = lax.axis_index("c")
    s = lax.axis_index("s")
    wid = s * NC + c

    pltpu.sync_copy(idx_t.at[pl.ds(wid * BW, BW)], itv)
    pltpu.sync_copy(idx_c.at[pl.ds(wid * BW, BW)], icv)
    pltpu.sync_copy(idx_n.at[pl.ds(wid * BW * NEG, BW * NEG)], inv)
    pltpu.sync_copy(par_t.at[pl.ds(wid * BW, BW)], ptv)
    pltpu.sync_copy(par_c.at[pl.ds(wid * BW, BW)], pcv)
    pltpu.sync_copy(par_n.at[pl.ds(wid * BW * PN, BW * PN)], pnv)

    def copies(blk, buf):
        yield emb_in.at[itv.at[pl.ds(blk * GB, GB)]], vbuf.at[buf]
        yield emb_out.at[icv.at[pl.ds(blk * GB, GB)]], ubuf.at[buf]
        for i in range(NCHB):
            yield (emb_out.at[inv.at[pl.ds(blk * (GB * NEG) + i * 64, 64)]],
                   nbuf.at[buf, pl.ds(i * 64, 64)])

    def start(blk, buf, sem):
        for src, dst in copies(blk, buf):
            pltpu.async_copy(src, dst, sem)

    def drain(blk, buf, sem):
        for src, dst in copies(blk, buf):
            pltpu.make_async_copy(src, dst, sem).wait()

    last = lax.iota(jnp.int32, 16) == 15
    lane = lax.iota(jnp.int32, 16)

    def bcast(vec, j):
        return jnp.take_along_axis(vec, jnp.full((16,), j, jnp.int32), axis=0)

    def compute(blk, buf):
        vb, ub, nb = vbuf.at[buf], ubuf.at[buf], nbuf.at[buf]

        pvv = ptv[pl.ds(blk * GB, 16)]
        pcc = pcv[pl.ds(blk * GB, 16)]

        def bstep(b, _):
            ob = blk * GB + b
            on = ob * PN
            pn0 = pnv[pl.ds(on, 16)]
            pn1 = pnv[pl.ds(on + 8, 16)]

            def cols(par_vec, j):
                return bcast(par_vec, j) * 64 + lane

            vcol = cols(pvv, b)
            vr = [plsc.load_gather(vb.at[b], [vcol + c_ * 16])
                  for c_ in range(EMB // 16)]
            flat = ob * NP1

            def emit(ref_row, col0, f):
                ss = plsc.load_gather(ref_row, [col0]) * vr[0]
                for c_ in range(1, EMB // 16):
                    ss = ss + plsc.load_gather(ref_row,
                                               [col0 + c_ * 16]) * vr[c_]
                cs = plsc.cumsum(ss)
                fv = jnp.full((16,), f, jnp.int32)
                plsc.store_scatter(dots, [fv], cs, mask=last)

            emit(ub.at[b], cols(pcc, b), flat)
            for k in range(NEG):
                pv_k = cols(pn0, k) if k < 8 else cols(pn1, k - 8)
                emit(nb.at[b * NEG + k], pv_k, flat + 1 + k)
            return 0

        lax.fori_loop(0, GB, bstep, 0)

    start(0, 0, sem0)

    def pairstep(p, _):
        blk = 2 * p
        start(blk + 1, 1, sem1)
        drain(blk, 0, sem0)
        compute(blk, 0)

        @pl.when(blk + 2 < NBLK)
        def _():
            start(blk + 2, 0, sem0)

        drain(blk + 1, 1, sem1)
        compute(blk + 1, 1)
        return 0

    lax.fori_loop(0, NBLK // 2, pairstep, 0)

    pltpu.sync_copy(dots, dots_out.at[pl.ds(wid * (BW * NP1), BW * NP1)])


_dots = functools.partial(
    pl.kernel,
    out_type=jax.ShapeDtypeStruct((BATCH * NP1,), jnp.float32),
    mesh=plsc.VectorSubcoreMesh(core_axis_name="c", subcore_axis_name="s",
                                num_cores=NC, num_subcores=NS),
    scratch_types=[
        pltpu.VMEM((BW,), jnp.int32),
        pltpu.VMEM((BW,), jnp.int32),
        pltpu.VMEM((BW * NEG,), jnp.int32),
        pltpu.VMEM((BW,), jnp.int32),
        pltpu.VMEM((BW,), jnp.int32),
        pltpu.VMEM((BW * PN,), jnp.int32),
        pltpu.VMEM((2, GB, 128), jnp.float32),
        pltpu.VMEM((2, GB, 128), jnp.float32),
        pltpu.VMEM((2, GB * NEG, 128), jnp.float32),
        pltpu.VMEM((BW * NP1,), jnp.float32),
        pltpu.SemaphoreType.DMA,
        pltpu.SemaphoreType.DMA,
    ],
    compiler_params=pltpu.CompilerParams(needs_layout_passes=False),
)(_dots_body)


def _log_sigmoid(x):
    return jnp.minimum(x, 0.0) - jnp.log1p(jnp.exp(-jnp.abs(x)))


def _loss_body(d_ref, out_ref):
    x = d_ref[...]
    r = lax.broadcasted_iota(jnp.int32, (DROWS, DCOLS), 0)
    col = lax.broadcasted_iota(jnp.int32, (DROWS, DCOLS), 1)
    flat = r * DCOLS + col
    y = jnp.where(flat % NP1 == 0, x, -x)
    ls = _log_sigmoid(y)
    out_ref[0, 0] = -jnp.sum(ls) / BATCH


_loss = pl.pallas_call(
    _loss_body,
    in_specs=[pl.BlockSpec((DROWS, DCOLS), lambda: (0, 0))],
    out_specs=pl.BlockSpec(memory_space=pltpu.SMEM),
    out_shape=jax.ShapeDtypeStruct((1, 1), jnp.float32),
)


def kernel(target_input, context, neg, input_emb, output_emb):
    ht = target_input.astype(jnp.int32)
    hc = context.astype(jnp.int32)
    hn = neg.astype(jnp.int32)
    idx_t = ht >> 1
    idx_c = hc >> 1
    idx_n = (hn >> 1).reshape(BATCH * NEG)
    par_t = ht & 1
    par_c = hc & 1
    par_n = jnp.pad(hn & 1, ((0, 0), (0, PN - NEG))).reshape(BATCH * PN)
    dots = _dots(input_emb.reshape(VOCAB // 2, 128),
                 output_emb.reshape(VOCAB // 2, 128),
                 idx_t, idx_c, idx_n, par_t, par_c, par_n)
    return _loss(dots.reshape(DROWS, DCOLS))[0, 0]

# --- scband reference (transcript-rebuilt; emitter-appended) ---
"""Pipeline reference for scband-skip-gram-neg-50216757625365 (READ-ONLY COPY).

The authoritative reference and input builder live on the scoring server;
editing this copy changes nothing except your own understanding.
"""

import jax, jax.numpy as jnp
import numpy as np

VOCAB = 1000000
EMB = 64
BATCH = 16384
NEG = 20

def setup_inputs(seed: int = 0) -> dict:
    key = jax.random.key(seed)
    k1, k2, k3, k4, k5 = jax.random.split(key, 5)
    target_input = jax.random.randint(k1, (BATCH,), 0, VOCAB, dtype=jnp.int64 if jax.config.jax_enable_x64 else jnp.int32)
    context = jax.random.randint(k2, (BATCH,), 0, VOCAB, dtype=jnp.int64 if jax.config.jax_enable_x64 else jnp.int32)
    neg = jax.random.randint(k3, (BATCH, NEG), 0, VOCAB, dtype=jnp.int64 if jax.config.jax_enable_x64 else jnp.int32)
    input_emb = jax.random.normal(k4, (VOCAB, EMB), dtype=jnp.float32) * 0.02
    output_emb = jax.random.normal(k5, (VOCAB, EMB), dtype=jnp.float32) * 0.02
    return {"target_input": target_input, "context": context, "neg": neg, "input_emb": input_emb, "output_emb": output_emb}

def reference(target_input, context, neg, input_emb, output_emb):
    # v = self.input_emb(target_input): [B, D]
    v = jnp.take(input_emb, target_input, axis=0)
    # u = self.output_emb(context): [B, D]
    u = jnp.take(output_emb, context, axis=0)
    # u_neg = self.output_emb(neg): [B, K, D]
    u_neg = jnp.take(output_emb, neg, axis=0)
    # positive score: log sigmoid(u . v)
    pos_score = jax.nn.log_sigmoid(jnp.sum(u * v, axis=-1))  # [B]
    # negative score: log sigmoid(-u_neg . v), summed over negatives
    neg_dots = jnp.einsum('bkd,bd->bk', u_neg, v)  # [B, K]
    neg_score = jnp.sum(jax.nn.log_sigmoid(-neg_dots), axis=-1)  # [B]
    loss = -jnp.mean(pos_score + neg_score)
    return loss

if __name__ == "__main__":
    import jax
    _d = setup_inputs()
    print(jax.jit(kernel)(*tuple(_d.values())))

</pallas_src>

<mosaic_0001>
#map = affine_map<(d0, d1) -> (0, 0)>
#map1 = affine_map<(d0, d1) -> (0)>
module attributes {stable_mosaic.version = 14 : i64} {
  func.func @_dots_body(%arg0: i32, %arg1: i32, %arg2: memref<500000x128xf32, #tpu.memory_space<hbm>>, %arg3: memref<500000x128xf32, #tpu.memory_space<hbm>>, %arg4: memref<16384xi32, #tpu.memory_space<hbm>>, %arg5: memref<16384xi32, #tpu.memory_space<hbm>>, %arg6: memref<327680xi32, #tpu.memory_space<hbm>>, %arg7: memref<16384xi32, #tpu.memory_space<hbm>>, %arg8: memref<16384xi32, #tpu.memory_space<hbm>>, %arg9: memref<393216xi32, #tpu.memory_space<hbm>>, %arg10: memref<344064xf32, #tpu.memory_space<hbm>>, %arg11: memref<512xi32, #tpu.memory_space<vmem>>, %arg12: memref<512xi32, #tpu.memory_space<vmem>>, %arg13: memref<10240xi32, #tpu.memory_space<vmem>>, %arg14: memref<512xi32, #tpu.memory_space<vmem>>, %arg15: memref<512xi32, #tpu.memory_space<vmem>>, %arg16: memref<12288xi32, #tpu.memory_space<vmem>>, %arg17: memref<2x16x128xf32, #tpu.memory_space<vmem>>, %arg18: memref<2x16x128xf32, #tpu.memory_space<vmem>>, %arg19: memref<2x320x128xf32, #tpu.memory_space<vmem>>, %arg20: memref<10752xf32, #tpu.memory_space<vmem>>, %arg21: memref<!tpu.dma_semaphore, #tpu.memory_space<semaphore_mem>>, %arg22: memref<!tpu.dma_semaphore, #tpu.memory_space<semaphore_mem>>) attributes {dimension_semantics = [#tpu.dimension_semantics<core_parallel>, #tpu.dimension_semantics<subcore_parallel>], iteration_bounds = array<i64: 2, 16>, scalar_prefetch = 0 : i64, scratch_operands = 12 : i64, tpu.core_type = #tpu.core_type<sc_vector_subcore>, window_params = [{transform_indices = #map}, {transform_indices = #map}, {transform_indices = #map1}, {transform_indices = #map1}, {transform_indices = #map1}, {transform_indices = #map1}, {transform_indices = #map1}, {transform_indices = #map1}, {transform_indices = #map1}]} {
    %mul3A = arith.constant 2 : i32
    %mul3A_0 = arith.muli %arg1, %mul3A : i32
    %add3A = arith.addi %mul3A_0, %arg0 : i32
    %mul3A_1 = arith.constant 512 : i32
    %mul3A_2 = arith.muli %add3A, %mul3A_1 : i32
    "tpu.region"() ({
      %run_scoped3A = tpu.sem_alloc : memref<!tpu.dma_semaphore, #tpu.memory_space<semaphore_mem>>
      %dma_start3A_97 = tpu.memref_slice %arg4[%mul3A_2] : memref<16384xi32, #tpu.memory_space<hbm>> -> memref<512xi32, #tpu.memory_space<hbm>>
      %dma_start3A_98 = tpu.memref_slice %arg4[%mul3A_2] : memref<16384xi32, #tpu.memory_space<hbm>> -> memref<512xi32, #tpu.memory_space<hbm>>
      tpu.enqueue_dma source(%dma_start3A_98 : memref<512xi32, #tpu.memory_space<hbm>>) target(%arg11 : memref<512xi32, #tpu.memory_space<vmem>>) target_semaphore(%run_scoped3A : memref<!tpu.dma_semaphore, #tpu.memory_space<semaphore_mem>>)
      %dma_wait3A = tpu.memref_slice %arg4[%mul3A_2] : memref<16384xi32, #tpu.memory_space<hbm>> -> memref<512xi32, #tpu.memory_space<hbm>>
      %dma_wait3A_99 = tpu.memref_slice %arg4[%mul3A_2] : memref<16384xi32, #tpu.memory_space<hbm>> -> memref<512xi32, #tpu.memory_space<hbm>>
      tpu.wait_dma2 semaphore(%run_scoped3A : memref<!tpu.dma_semaphore, #tpu.memory_space<semaphore_mem>>) src(%dma_wait3A_99 : memref<512xi32, #tpu.memory_space<hbm>>) dst(%arg11 : memref<512xi32, #tpu.memory_space<vmem>>)
      tpu.yield
    }) : () -> ()
    %mul3A_3 = arith.constant 512 : i32
    %mul3A_4 = arith.muli %add3A, %mul3A_3 : i32
    "tpu.region"() ({
      %run_scoped3A = tpu.sem_alloc : memref<!tpu.dma_semaphore, #tpu.memory_space<semaphore_mem>>
      %dma_start3A_97 = tpu.memref_slice %arg5[%mul3A_4] : memref<16384xi32, #tpu.memory_space<hbm>> -> memref<512xi32, #tpu.memory_space<hbm>>
      %dma_start3A_98 = tpu.memref_slice %arg5[%mul3A_4] : memref<16384xi32, #tpu.memory_space<hbm>> -> memref<512xi32, #tpu.memory_space<hbm>>
      tpu.enqueue_dma source(%dma_start3A_98 : memref<512xi32, #tpu.memory_space<hbm>>) target(%arg12 : memref<512xi32, #tpu.memory_space<vmem>>) target_semaphore(%run_scoped3A : memref<!tpu.dma_semaphore, #tpu.memory_space<semaphore_mem>>)
      %dma_wait3A = tpu.memref_slice %arg5[%mul3A_4] : memref<16384xi32, #tpu.memory_space<hbm>> -> memref<512xi32, #tpu.memory_space<hbm>>
      %dma_wait3A_99 = tpu.memref_slice %arg5[%mul3A_4] : memref<16384xi32, #tpu.memory_space<hbm>> -> memref<512xi32, #tpu.memory_space<hbm>>
      tpu.wait_dma2 semaphore(%run_scoped3A : memref<!tpu.dma_semaphore, #tpu.memory_space<semaphore_mem>>) src(%dma_wait3A_99 : memref<512xi32, #tpu.memory_space<hbm>>) dst(%arg12 : memref<512xi32, #tpu.memory_space<vmem>>)
      tpu.yield
    }) : () -> ()
    %mul3A_5 = arith.constant 512 : i32
    %mul3A_6 = arith.muli %add3A, %mul3A_5 : i32
    %mul3A_7 = arith.constant 20 : i32
    %mul3A_8 = arith.muli %mul3A_6, %mul3A_7 : i32
    "tpu.region"() ({
      %run_scoped3A = tpu.sem_alloc : memref<!tpu.dma_semaphore, #tpu.memory_space<semaphore_mem>>
      %dma_start3A_97 = tpu.memref_slice %arg6[%mul3A_8] : memref<327680xi32, #tpu.memory_space<hbm>> -> memref<10240xi32, #tpu.memory_space<hbm>>
      %dma_start3A_98 = tpu.memref_slice %arg6[%mul3A_8] : memref<327680xi32, #tpu.memory_space<hbm>> -> memref<10240xi32, #tpu.memory_space<hbm>>
      tpu.enqueue_dma source(%dma_start3A_98 : memref<10240xi32, #tpu.memory_space<hbm>>) target(%arg13 : memref<10240xi32, #tpu.memory_space<vmem>>) target_semaphore(%run_scoped3A : memref<!tpu.dma_semaphore, #tpu.memory_space<semaphore_mem>>)
      %dma_wait3A = tpu.memref_slice %arg6[%mul3A_8] : memref<327680xi32, #tpu.memory_space<hbm>> -> memref<10240xi32, #tpu.memory_space<hbm>>
      %dma_wait3A_99 = tpu.memref_slice %arg6[%mul3A_8] : memref<327680xi32, #tpu.memory_space<hbm>> -> memref<10240xi32, #tpu.memory_space<hbm>>
      tpu.wait_dma2 semaphore(%run_scoped3A : memref<!tpu.dma_semaphore, #tpu.memory_space<semaphore_mem>>) src(%dma_wait3A_99 : memref<10240xi32, #tpu.memory_space<hbm>>) dst(%arg13 : memref<10240xi32, #tpu.memory_space<vmem>>)
      tpu.yield
    }) : () -> ()
    %mul3A_9 = arith.constant 512 : i32
    %mul3A_10 = arith.muli %add3A, %mul3A_9 : i32
    "tpu.region"() ({
      %run_scoped3A = tpu.sem_alloc : memref<!tpu.dma_semaphore, #tpu.memory_space<semaphore_mem>>
      %dma_start3A_97 = tpu.memref_slice %arg7[%mul3A_10] : memref<16384xi32, #tpu.memory_space<hbm>> -> memref<512xi32, #tpu.memory_space<hbm>>
      %dma_start3A_98 = tpu.memref_slice %arg7[%mul3A_10] : memref<16384xi32, #tpu.memory_space<hbm>> -> memref<512xi32, #tpu.memory_space<hbm>>
      tpu.enqueue_dma source(%dma_start3A_98 : memref<512xi32, #tpu.memory_space<hbm>>) target(%arg14 : memref<512xi32, #tpu.memory_space<vmem>>) target_semaphore(%run_scoped3A : memref<!tpu.dma_semaphore, #tpu.memory_space<semaphore_mem>>)
      %dma_wait3A = tpu.memref_slice %arg7[%mul3A_10] : memref<16384xi32, #tpu.memory_space<hbm>> -> memref<512xi32, #tpu.memory_space<hbm>>
      %dma_wait3A_99 = tpu.memref_slice %arg7[%mul3A_10] : memref<16384xi32, #tpu.memory_space<hbm>> -> memref<512xi32, #tpu.memory_space<hbm>>
      tpu.wait_dma2 semaphore(%run_scoped3A : memref<!tpu.dma_semaphore, #tpu.memory_space<semaphore_mem>>) src(%dma_wait3A_99 : memref<512xi32, #tpu.memory_space<hbm>>) dst(%arg14 : memref<512xi32, #tpu.memory_space<vmem>>)
      tpu.yield
    }) : () -> ()
    %mul3A_11 = arith.constant 512 : i32
    %mul3A_12 = arith.muli %add3A, %mul3A_11 : i32
    "tpu.region"() ({
      %run_scoped3A = tpu.sem_alloc : memref<!tpu.dma_semaphore, #tpu.memory_space<semaphore_mem>>
      %dma_start3A_97 = tpu.memref_slice %arg8[%mul3A_12] : memref<16384xi32, #tpu.memory_space<hbm>> -> memref<512xi32, #tpu.memory_space<hbm>>
      %dma_start3A_98 = tpu.memref_slice %arg8[%mul3A_12] : memref<16384xi32, #tpu.memory_space<hbm>> -> memref<512xi32, #tpu.memory_space<hbm>>
      tpu.enqueue_dma source(%dma_start3A_98 : memref<512xi32, #tpu.memory_space<hbm>>) target(%arg15 : memref<512xi32, #tpu.memory_space<vmem>>) target_semaphore(%run_scoped3A : memref<!tpu.dma_semaphore, #tpu.memory_space<semaphore_mem>>)
      %dma_wait3A = tpu.memref_slice %arg8[%mul3A_12] : memref<16384xi32, #tpu.memory_space<hbm>> -> memref<512xi32, #tpu.memory_space<hbm>>
      %dma_wait3A_99 = tpu.memref_slice %arg8[%mul3A_12] : memref<16384xi32, #tpu.memory_space<hbm>> -> memref<512xi32, #tpu.memory_space<hbm>>
      tpu.wait_dma2 semaphore(%run_scoped3A : memref<!tpu.dma_semaphore, #tpu.memory_space<semaphore_mem>>) src(%dma_wait3A_99 : memref<512xi32, #tpu.memory_space<hbm>>) dst(%arg15 : memref<512xi32, #tpu.memory_space<vmem>>)
      tpu.yield
    }) : () -> ()
    %mul3A_13 = arith.constant 512 : i32
    %mul3A_14 = arith.muli %add3A, %mul3A_13 : i32
    %mul3A_15 = arith.constant 24 : i32
    %mul3A_16 = arith.muli %mul3A_14, %mul3A_15 : i32
    "tpu.region"() ({
      %run_scoped3A = tpu.sem_alloc : memref<!tpu.dma_semaphore, #tpu.memory_space<semaphore_mem>>
      %dma_start3A_97 = tpu.memref_slice %arg9[%mul3A_16] : memref<393216xi32, #tpu.memory_space<hbm>> -> memref<12288xi32, #tpu.memory_space<hbm>>
      %dma_start3A_98 = tpu.memref_slice %arg9[%mul3A_16] : memref<393216xi32, #tpu.memory_space<hbm>> -> memref<12288xi32, #tpu.memory_space<hbm>>
      tpu.enqueue_dma source(%dma_start3A_98 : memref<12288xi32, #tpu.memory_space<hbm>>) target(%arg16 : memref<12288xi32, #tpu.memory_space<vmem>>) target_semaphore(%run_scoped3A : memref<!tpu.dma_semaphore, #tpu.memory_space<semaphore_mem>>)
      %dma_wait3A = tpu.memref_slice %arg9[%mul3A_16] : memref<393216xi32, #tpu.memory_space<hbm>> -> memref<12288xi32, #tpu.memory_space<hbm>>
      %dma_wait3A_99 = tpu.memref_slice %arg9[%mul3A_16] : memref<393216xi32, #tpu.memory_space<hbm>> -> memref<12288xi32, #tpu.memory_space<hbm>>
      tpu.wait_dma2 semaphore(%run_scoped3A : memref<!tpu.dma_semaphore, #tpu.memory_space<semaphore_mem>>) src(%dma_wait3A_99 : memref<12288xi32, #tpu.memory_space<hbm>>) dst(%arg16 : memref<12288xi32, #tpu.memory_space<vmem>>)
      tpu.yield
    }) : () -> ()
    %iota3A = tpu.iota {dimensions = array<i32: 0>} : vector<16xi32>
    %eq3A = arith.constant 15 : i32
    %eq3A_17 = vector.broadcast %eq3A : i32 to vector<16xi32>
    %eq3A_18 = arith.cmpi eq, %iota3A, %eq3A_17 : vector<16xi32>
    %iota3A_19 = tpu.iota {dimensions = array<i32: 0>} : vector<16xi32>
    %dma_start3A = arith.constant 0 : i32
    %dma_start3A_20 = arith.constant 0 : i32
    %dma_start3A_21 = arith.constant 0 : i32
    %dma_start3A_22 = tpu.memref_slice %arg17[%dma_start3A, %dma_start3A_20, %dma_start3A_21] : memref<2x16x128xf32, #tpu.memory_space<vmem>> -> memref<1x16x128xf32, #tpu.memory_space<vmem>>
    %dma_start3A_23 = tpu.memref_squeeze %dma_start3A_22 : memref<1x16x128xf32, #tpu.memory_space<vmem>> -> memref<16x128xf32, #tpu.memory_space<vmem>>
    %dma_start3A_24 = arith.constant 0 : i32
    %dma_start3A_25 = tpu.memref_slice %arg11[%dma_start3A_24] : memref<512xi32, #tpu.memory_space<vmem>> -> memref<16xi32, #tpu.memory_space<vmem>>
    %dma_start3A_26 = arith.constant 0 : i32
    %dma_start3A_27 = arith.constant 0 : i32
    %dma_start3A_28 = tpu.memref_slice %arg2[%dma_start3A_26, %dma_start3A_27] : memref<500000x128xf32, #tpu.memory_space<hbm>> -> memref<500000x128xf32, #tpu.memory_space<hbm>>
    tpu.enqueue_indirect_dma source(%dma_start3A_28 : memref<500000x128xf32, #tpu.memory_space<hbm>>) target(%dma_start3A_23 : memref<16x128xf32, #tpu.memory_space<vmem>>) offsets(%dma_start3A_25 : memref<16xi32, #tpu.memory_space<vmem>>) semaphore(%arg21 : memref<!tpu.dma_semaphore, #tpu.memory_space<semaphore_mem>>)
    %dma_start3A_29 = arith.constant 0 : i32
    %dma_start3A_30 = arith.constant 0 : i32
    %dma_start3A_31 = arith.constant 0 : i32
    %dma_start3A_32 = tpu.memref_slice %arg18[%dma_start3A_29, %dma_start3A_30, %dma_start3A_31] : memref<2x16x128xf32, #tpu.memory_space<vmem>> -> memref<1x16x128xf32, #tpu.memory_space<vmem>>
    %dma_start3A_33 = tpu.memref_squeeze %dma_start3A_32 : memref<1x16x128xf32, #tpu.memory_space<vmem>> -> memref<16x128xf32, #tpu.memory_space<vmem>>
    %dma_start3A_34 = arith.constant 0 : i32
    %dma_start3A_35 = tpu.memref_slice %arg12[%dma_start3A_34] : memref<512xi32, #tpu.memory_space<vmem>> -> memref<16xi32, #tpu.memory_space<vmem>>
    %dma_start3A_36 = arith.constant 0 : i32
    %dma_start3A_37 = arith.constant 0 : i32
    %dma_start3A_38 = tpu.memref_slice %arg3[%dma_start3A_36, %dma_start3A_37] : memref<500000x128xf32, #tpu.memory_space<hbm>> -> memref<500000x128xf32, #tpu.memory_space<hbm>>
    tpu.enqueue_indirect_dma source(%dma_start3A_38 : memref<500000x128xf32, #tpu.memory_space<hbm>>) target(%dma_start3A_33 : memref<16x128xf32, #tpu.memory_space<vmem>>) offsets(%dma_start3A_35 : memref<16xi32, #tpu.memory_space<vmem>>) semaphore(%arg21 : memref<!tpu.dma_semaphore, #tpu.memory_space<semaphore_mem>>)
    %dma_start3A_39 = arith.constant 0 : i32
    %dma_start3A_40 = arith.constant 0 : i32
    %dma_start3A_41 = arith.constant 0 : i32
    %dma_start3A_42 = tpu.memref_slice %arg19[%dma_start3A_39, %dma_start3A_40, %dma_start3A_41] : memref<2x320x128xf32, #tpu.memory_space<vmem>> -> memref<1x64x128xf32, #tpu.memory_space<vmem>>
    %dma_start3A_43 = tpu.memref_squeeze %dma_start3A_42 : memref<1x64x128xf32, #tpu.memory_space<vmem>> -> memref<64x128xf32, #tpu.memory_space<vmem>>
    %dma_start3A_44 = arith.constant 0 : i32
    %dma_start3A_45 = tpu.memref_slice %arg13[%dma_start3A_44] : memref<10240xi32, #tpu.memory_space<vmem>> -> memref<64xi32, #tpu.memory_space<vmem>>
    %dma_start3A_46 = arith.constant 0 : i32
    %dma_start3A_47 = arith.constant 0 : i32
    %dma_start3A_48 = tpu.memref_slice %arg3[%dma_start3A_46, %dma_start3A_47] : memref<500000x128xf32, #tpu.memory_space<hbm>> -> memref<500000x128xf32, #tpu.memory_space<hbm>>
    tpu.enqueue_indirect_dma source(%dma_start3A_48 : memref<500000x128xf32, #tpu.memory_space<hbm>>) target(%dma_start3A_43 : memref<64x128xf32, #tpu.memory_space<vmem>>) offsets(%dma_start3A_45 : memref<64xi32, #tpu.memory_space<vmem>>) semaphore(%arg21 : memref<!tpu.dma_semaphore, #tpu.memory_space<semaphore_mem>>)
    %dma_start3A_49 = arith.constant 0 : i32
    %dma_start3A_50 = arith.constant 64 : i32
    %dma_start3A_51 = arith.constant 0 : i32
    %dma_start3A_52 = tpu.memref_slice %arg19[%dma_start3A_49, %dma_start3A_50, %dma_start3A_51] : memref<2x320x128xf32, #tpu.memory_space<vmem>> -> memref<1x64x128xf32, #tpu.memory_space<vmem>>
    %dma_start3A_53 = tpu.memref_squeeze %dma_start3A_52 : memref<1x64x128xf32, #tpu.memory_space<vmem>> -> memref<64x128xf32, #tpu.memory_space<vmem>>
    %dma_start3A_54 = arith.constant 64 : i32
    %dma_start3A_55 = tpu.memref_slice %arg13[%dma_start3A_54] : memref<10240xi32, #tpu.memory_space<vmem>> -> memref<64xi32, #tpu.memory_space<vmem>>
    %dma_start3A_56 = arith.constant 0 : i32
    %dma_start3A_57 = arith.constant 0 : i32
    %dma_start3A_58 = tpu.memref_slice %arg3[%dma_start3A_56, %dma_start3A_57] : memref<500000x128xf32, #tpu.memory_space<hbm>> -> memref<500000x128xf32, #tpu.memory_space<hbm>>
    tpu.enqueue_indirect_dma source(%dma_start3A_58 : memref<500000x128xf32, #tpu.memory_space<hbm>>) target(%dma_start3A_53 : memref<64x128xf32, #tpu.memory_space<vmem>>) offsets(%dma_start3A_55 : memref<64xi32, #tpu.memory_space<vmem>>) semaphore(%arg21 : memref<!tpu.dma_semaphore, #tpu.memory_space<semaphore_mem>>)
    %dma_start3A_59 = arith.constant 0 : i32
    %dma_start3A_60 = arith.constant 128 : i32
    %dma_start3A_61 = arith.constant 0 : i32
    %dma_start3A_62 = tpu.memref_slice %arg19[%dma_start3A_59, %dma_start3A_60, %dma_start3A_61] : memref<2x320x128xf32, #tpu.memory_space<vmem>> -> memref<1x64x128xf32, #tpu.memory_space<vmem>>
    %dma_start3A_63 = tpu.memref_squeeze %dma_start3A_62 : memref<1x64x128xf32, #tpu.memory_space<vmem>> -> memref<64x128xf32, #tpu.memory_space<vmem>>
    %dma_start3A_64 = arith.constant 128 : i32
    %dma_start3A_65 = tpu.memref_slice %arg13[%dma_start3A_64] : memref<10240xi32, #tpu.memory_space<vmem>> -> memref<64xi32, #tpu.memory_space<vmem>>
    %dma_start3A_66 = arith.constant 0 : i32
    %dma_start3A_67 = arith.constant 0 : i32
    %dma_start3A_68 = tpu.memref_slice %arg3[%dma_start3A_66, %dma_start3A_67] : memref<500000x128xf32, #tpu.memory_space<hbm>> -> memref<500000x128xf32, #tpu.memory_space<hbm>>
    tpu.enqueue_indirect_dma source(%dma_start3A_68 : memref<500000x128xf32, #tpu.memory_space<hbm>>) target(%dma_start3A_63 : memref<64x128xf32, #tpu.memory_space<vmem>>) offsets(%dma_start3A_65 : memref<64xi32, #tpu.memory_space<vmem>>) semaphore(%arg21 : memref<!tpu.dma_semaphore, #tpu.memory_space<semaphore_mem>>)
    %dma_start3A_69 = arith.constant 0 : i32
    %dma_start3A_70 = arith.constant 192 : i32
    %dma_start3A_71 = arith.constant 0 : i32
    %dma_start3A_72 = tpu.memref_slice %arg19[%dma_start3A_69, %dma_start3A_70, %dma_start3A_71] : memref<2x320x128xf32, #tpu.memory_space<vmem>> -> memref<1x64x128xf32, #tpu.memory_space<vmem>>
    %dma_start3A_73 = tpu.memref_squeeze %dma_start3A_72 : memref<1x64x128xf32, #tpu.memory_space<vmem>> -> memref<64x128xf32, #tpu.memory_space<vmem>>
    %dma_start3A_74 = arith.constant 192 : i32
    %dma_start3A_75 = tpu.memref_slice %arg13[%dma_start3A_74] : memref<10240xi32, #tpu.memory_space<vmem>> -> memref<64xi32, #tpu.memory_space<vmem>>
    %dma_start3A_76 = arith.constant 0 : i32
    %dma_start3A_77 = arith.constant 0 : i32
    %dma_start3A_78 = tpu.memref_slice %arg3[%dma_start3A_76, %dma_start3A_77] : memref<500000x128xf32, #tpu.memory_space<hbm>> -> memref<500000x128xf32, #tpu.memory_space<hbm>>
    tpu.enqueue_indirect_dma source(%dma_start3A_78 : memref<500000x128xf32, #tpu.memory_space<hbm>>) target(%dma_start3A_73 : memref<64x128xf32, #tpu.memory_space<vmem>>) offsets(%dma_start3A_75 : memref<64xi32, #tpu.memory_space<vmem>>) semaphore(%arg21 : memref<!tpu.dma_semaphore, #tpu.memory_space<semaphore_mem>>)
    %dma_start3A_79 = arith.constant 0 : i32
    %dma_start3A_80 = arith.constant 256 : i32
    %dma_start3A_81 = arith.constant 0 : i32
    %dma_start3A_82 = tpu.memref_slice %arg19[%dma_start3A_79, %dma_start3A_80, %dma_start3A_81] : memref<2x320x128xf32, #tpu.memory_space<vmem>> -> memref<1x64x128xf32, #tpu.memory_space<vmem>>
    %dma_start3A_83 = tpu.memref_squeeze %dma_start3A_82 : memref<1x64x128xf32, #tpu.memory_space<vmem>> -> memref<64x128xf32, #tpu.memory_space<vmem>>
    %dma_start3A_84 = arith.constant 256 : i32
    %dma_start3A_85 = tpu.memref_slice %arg13[%dma_start3A_84] : memref<10240xi32, #tpu.memory_space<vmem>> -> memref<64xi32, #tpu.memory_space<vmem>>
    %dma_start3A_86 = arith.constant 0 : i32
    %dma_start3A_87 = arith.constant 0 : i32
    %dma_start3A_88 = tpu.memref_slice %arg3[%dma_start3A_86, %dma_start3A_87] : memref<500000x128xf32, #tpu.memory_space<hbm>> -> memref<500000x128xf32, #tpu.memory_space<hbm>>
    tpu.enqueue_indirect_dma source(%dma_start3A_88 : memref<500000x128xf32, #tpu.memory_space<hbm>>) target(%dma_start3A_83 : memref<64x128xf32, #tpu.memory_space<vmem>>) offsets(%dma_start3A_85 : memref<64xi32, #tpu.memory_space<vmem>>) semaphore(%arg21 : memref<!tpu.dma_semaphore, #tpu.memory_space<semaphore_mem>>)
    %scan3A = arith.constant 0 : i32
    %scan3A_89 = arith.constant 0 : i32
    %scan3A_90 = arith.constant 16 : i32
    %scan3A_91 = arith.addi %scan3A_89, %scan3A_90 : i32
    %scan3A_92 = arith.constant 1 : i32
    %scan3A_93 = scf.for %scan3A_97 = %scan3A_89 to %scan3A_91 step %scan3A_92 iter_args(%scan3A_98 = %scan3A) -> (i32)  : i32 {
      %mul3A_99 = arith.constant 2 : i32
      %mul3A_100 = arith.muli %mul3A_99, %scan3A_97 : i32
      %add3A_101 = arith.constant 1 : i32
      %add3A_102 = arith.addi %mul3A_100, %add3A_101 : i32
      %mul3A_103 = arith.constant 16 : i32
      %mul3A_104 = arith.muli %add3A_102, %mul3A_103 : i32
      %dma_start3A_105 = arith.constant 1 : i32
      %dma_start3A_106 = arith.constant 0 : i32
      %dma_start3A_107 = arith.constant 0 : i32
      %dma_start3A_108 = tpu.memref_slice %arg17[%dma_start3A_105, %dma_start3A_106, %dma_start3A_107] : memref<2x16x128xf32, #tpu.memory_space<vmem>> -> memref<1x16x128xf32, #tpu.memory_space<vmem>>
      %dma_start3A_109 = tpu.memref_squeeze %dma_start3A_108 : memref<1x16x128xf32, #tpu.memory_space<vmem>> -> memref<16x128xf32, #tpu.memory_space<vmem>>
      %dma_start3A_110 = tpu.memref_slice %arg11[%mul3A_104] : memref<512xi32, #tpu.memory_space<vmem>> -> memref<16xi32, #tpu.memory_space<vmem>>
      %dma_start3A_111 = arith.constant 0 : i32
      %dma_start3A_112 = arith.constant 0 : i32
      %dma_start3A_113 = tpu.memref_slice %arg2[%dma_start3A_111, %dma_start3A_112] : memref<500000x128xf32, #tpu.memory_space<hbm>> -> memref<500000x128xf32, #tpu.memory_space<hbm>>
      tpu.enqueue_indirect_dma source(%dma_start3A_113 : memref<500000x128xf32, #tpu.memory_space<hbm>>) target(%dma_start3A_109 : memref<16x128xf32, #tpu.memory_space<vmem>>) offsets(%dma_start3A_110 : memref<16xi32, #tpu.memory_space<vmem>>) semaphore(%arg22 : memref<!tpu.dma_semaphore, #tpu.memory_space<semaphore_mem>>)
      %mul3A_114 = arith.constant 16 : i32
      %mul3A_115 = arith.muli %add3A_102, %mul3A_114 : i32
      %dma_start3A_116 = arith.constant 1 : i32
      %dma_start3A_117 = arith.constant 0 : i32
      %dma_start3A_118 = arith.constant 0 : i32
      %dma_start3A_119 = tpu.memref_slice %arg18[%dma_start3A_116, %dma_start3A_117, %dma_start3A_118] : memref<2x16x128xf32, #tpu.memory_space<vmem>> -> memref<1x16x128xf32, #tpu.memory_space<vmem>>
      %dma_start3A_120 = tpu.memref_squeeze %dma_start3A_119 : memref<1x16x128xf32, #tpu.memory_space<vmem>> -> memref<16x128xf32, #tpu.memory_space<vmem>>
      %dma_start3A_121 = tpu.memref_slice %arg12[%mul3A_115] : memref<512xi32, #tpu.memory_space<vmem>> -> memref<16xi32, #tpu.memory_space<vmem>>
      %dma_start3A_122 = arith.constant 0 : i32
      %dma_start3A_123 = arith.constant 0 : i32
      %dma_start3A_124 = tpu.memref_slice %arg3[%dma_start3A_122, %dma_start3A_123] : memref<500000x128xf32, #tpu.memory_space<hbm>> -> memref<500000x128xf32, #tpu.memory_space<hbm>>
      tpu.enqueue_indirect_dma source(%dma_start3A_124 : memref<500000x128xf32, #tpu.memory_space<hbm>>) target(%dma_start3A_120 : memref<16x128xf32, #tpu.memory_space<vmem>>) offsets(%dma_start3A_121 : memref<16xi32, #tpu.memory_space<vmem>>) semaphore(%arg22 : memref<!tpu.dma_semaphore, #tpu.memory_space<semaphore_mem>>)
      %mul3A_125 = arith.constant 320 : i32
      %mul3A_126 = arith.muli %add3A_102, %mul3A_125 : i32
      %add3A_127 = arith.constant 0 : i32
      %add3A_128 = arith.addi %mul3A_126, %add3A_127 : i32
      %dma_start3A_129 = arith.constant 1 : i32
      %dma_start3A_130 = arith.constant 0 : i32
      %dma_start3A_131 = arith.constant 0 : i32
      %dma_start3A_132 = tpu.memref_slice %arg19[%dma_start3A_129, %dma_start3A_130, %dma_start3A_131] : memref<2x320x128xf32, #tpu.memory_space<vmem>> -> memref<1x64x128xf32, #tpu.memory_space<vmem>>
      %dma_start3A_133 = tpu.memref_squeeze %dma_start3A_132 : memref<1x64x128xf32, #tpu.memory_space<vmem>> -> memref<64x128xf32, #tpu.memory_space<vmem>>
      %dma_start3A_134 = tpu.memref_slice %arg13[%add3A_128] : memref<10240xi32, #tpu.memory_space<vmem>> -> memref<64xi32, #tpu.memory_space<vmem>>
      %dma_start3A_135 = arith.constant 0 : i32
      %dma_start3A_136 = arith.constant 0 : i32
      %dma_start3A_137 = tpu.memref_slice %arg3[%dma_start3A_135, %dma_start3A_136] : memref<500000x128xf32, #tpu.memory_space<hbm>> -> memref<500000x128xf32, #tpu.memory_space<hbm>>
      tpu.enqueue_indirect_dma source(%dma_start3A_137 : memref<500000x128xf32, #tpu.memory_space<hbm>>) target(%dma_start3A_133 : memref<64x128xf32, #tpu.memory_space<vmem>>) offsets(%dma_start3A_134 : memref<64xi32, #tpu.memory_space<vmem>>) semaphore(%arg22 : memref<!tpu.dma_semaphore, #tpu.memory_space<semaphore_mem>>)
      %mul3A_138 = arith.constant 320 : i32
      %mul3A_139 = arith.muli %add3A_102, %mul3A_138 : i32
      %add3A_140 = arith.constant 64 : i32
      %add3A_141 = arith.addi %mul3A_139, %add3A_140 : i32
      %dma_start3A_142 = arith.constant 1 : i32
      %dma_start3A_143 = arith.constant 64 : i32
      %dma_start3A_144 = arith.constant 0 : i32
      %dma_start3A_145 = tpu.memref_slice %arg19[%dma_start3A_142, %dma_start3A_143, %dma_start3A_144] : memref<2x320x128xf32, #tpu.memory_space<vmem>> -> memref<1x64x128xf32, #tpu.memory_space<vmem>>
      %dma_start3A_146 = tpu.memref_squeeze %dma_start3A_145 : memref<1x64x128xf32, #tpu.memory_space<vmem>> -> memref<64x128xf32, #tpu.memory_space<vmem>>
      %dma_start3A_147 = tpu.memref_slice %arg13[%add3A_141] : memref<10240xi32, #tpu.memory_space<vmem>> -> memref<64xi32, #tpu.memory_space<vmem>>
      %dma_start3A_148 = arith.constant 0 : i32
      %dma_start3A_149 = arith.constant 0 : i32
      %dma_start3A_150 = tpu.memref_slice %arg3[%dma_start3A_148, %dma_start3A_149] : memref<500000x128xf32, #tpu.memory_space<hbm>> -> memref<500000x128xf32, #tpu.memory_space<hbm>>
      tpu.enqueue_indirect_dma source(%dma_start3A_150 : memref<500000x128xf32, #tpu.memory_space<hbm>>) target(%dma_start3A_146 : memref<64x128xf32, #tpu.memory_space<vmem>>) offsets(%dma_start3A_147 : memref<64xi32, #tpu.memory_space<vmem>>) semaphore(%arg22 : memref<!tpu.dma_semaphore, #tpu.memory_space<semaphore_mem>>)
      %mul3A_151 = arith.constant 320 : i32
      %mul3A_152 = arith.muli %add3A_102, %mul3A_151 : i32
      %add3A_153 = arith.constant 128 : i32
      %add3A_154 = arith.addi %mul3A_152, %add3A_153 : i32
      %dma_start3A_155 = arith.constant 1 : i32
      %dma_start3A_156 = arith.constant 128 : i32
      %dma_start3A_157 = arith.constant 0 : i32
      %dma_start3A_158 = tpu.memref_slice %arg19[%dma_start3A_155, %dma_start3A_156, %dma_start3A_157] : memref<2x320x128xf32, #tpu.memory_space<vmem>> -> memref<1x64x128xf32, #tpu.memory_space<vmem>>
      %dma_start3A_159 = tpu.memref_squeeze %dma_start3A_158 : memref<1x64x128xf32, #tpu.memory_space<vmem>> -> memref<64x128xf32, #tpu.memory_space<vmem>>
      %dma_start3A_160 = tpu.memref_slice %arg13[%add3A_154] : memref<10240xi32, #tpu.memory_space<vmem>> -> memref<64xi32, #tpu.memory_space<vmem>>
      %dma_start3A_161 = arith.constant 0 : i32
      %dma_start3A_162 = arith.constant 0 : i32
      %dma_start3A_163 = tpu.memref_slice %arg3[%dma_start3A_161, %dma_start3A_162] : memref<500000x128xf32, #tpu.memory_space<hbm>> -> memref<500000x128xf32, #tpu.memory_space<hbm>>
      tpu.enqueue_indirect_dma source(%dma_start3A_163 : memref<500000x128xf32, #tpu.memory_space<hbm>>) target(%dma_start3A_159 : memref<64x128xf32, #tpu.memory_space<vmem>>) offsets(%dma_start3A_160 : memref<64xi32, #tpu.memory_space<vmem>>) semaphore(%arg22 : memref<!tpu.dma_semaphore, #tpu.memory_space<semaphore_mem>>)
      %mul3A_164 = arith.constant 320 : i32
      %mul3A_165 = arith.muli %add3A_102, %mul3A_164 : i32
      %add3A_166 = arith.constant 192 : i32
      %add3A_167 = arith.addi %mul3A_165, %add3A_166 : i32
      %dma_start3A_168 = arith.constant 1 : i32
      %dma_start3A_169 = arith.constant 192 : i32
      %dma_start3A_170 = arith.constant 0 : i32
      %dma_start3A_171 = tpu.memref_slice %arg19[%dma_start3A_168, %dma_start3A_169, %dma_start3A_170] : memref<2x320x128xf32, #tpu.memory_space<vmem>> -> memref<1x64x128xf32, #tpu.memory_space<vmem>>
      %dma_start3A_172 = tpu.memref_squeeze %dma_start3A_171 : memref<1x64x128xf32, #tpu.memory_space<vmem>> -> memref<64x128xf32, #tpu.memory_space<vmem>>
      %dma_start3A_173 = tpu.memref_slice %arg13[%add3A_167] : memref<10240xi32, #tpu.memory_space<vmem>> -> memref<64xi32, #tpu.memory_space<vmem>>
      %dma_start3A_174 = arith.constant 0 : i32
      %dma_start3A_175 = arith.constant 0 : i32
      %dma_start3A_176 = tpu.memref_slice %arg3[%dma_start3A_174, %dma_start3A_175] : memref<500000x128xf32, #tpu.memory_space<hbm>> -> memref<500000x128xf32, #tpu.memory_space<hbm>>
      tpu.enqueue_indirect_dma source(%dma_start3A_176 : memref<500000x128xf32, #tpu.memory_space<hbm>>) target(%dma_start3A_172 : memref<64x128xf32, #tpu.memory_space<vmem>>) offsets(%dma_start3A_173 : memref<64xi32, #tpu.memory_space<vmem>>) semaphore(%arg22 : memref<!tpu.dma_semaphore, #tpu.memory_space<semaphore_mem>>)
      %mul3A_177 = arith.constant 320 : i32
      %mul3A_178 = arith.muli %add3A_102, %mul3A_177 : i32
      %add3A_179 = arith.constant 256 : i32
      %add3A_180 = arith.addi %mul3A_178, %add3A_179 : i32
      %dma_start3A_181 = arith.constant 1 : i32
      %dma_start3A_182 = arith.constant 256 : i32
      %dma_start3A_183 = arith.constant 0 : i32
      %dma_start3A_184 = tpu.memref_slice %arg19[%dma_start3A_181, %dma_start3A_182, %dma_start3A_183] : memref<2x320x128xf32, #tpu.memory_space<vmem>> -> memref<1x64x128xf32, #tpu.memory_space<vmem>>
      %dma_start3A_185 = tpu.memref_squeeze %dma_start3A_184 : memref<1x64x128xf32, #tpu.memory_space<vmem>> -> memref<64x128xf32, #tpu.memory_space<vmem>>
      %dma_start3A_186 = tpu.memref_slice %arg13[%add3A_180] : memref<10240xi32, #tpu.memory_space<vmem>> -> memref<64xi32, #tpu.memory_space<vmem>>
      %dma_start3A_187 = arith.constant 0 : i32
      %dma_start3A_188 = arith.constant 0 : i32
      %dma_start3A_189 = tpu.memref_slice %arg3[%dma_start3A_187, %dma_start3A_188] : memref<500000x128xf32, #tpu.memory_space<hbm>> -> memref<500000x128xf32, #tpu.memory_space<hbm>>
      tpu.enqueue_indirect_dma source(%dma_start3A_189 : memref<500000x128xf32, #tpu.memory_space<hbm>>) target(%dma_start3A_185 : memref<64x128xf32, #tpu.memory_space<vmem>>) offsets(%dma_start3A_186 : memref<64xi32, #tpu.memory_space<vmem>>) semaphore(%arg22 : memref<!tpu.dma_semaphore, #tpu.memory_space<semaphore_mem>>)
      %mul3A_190 = arith.constant 16 : i32
      %mul3A_191 = arith.muli %mul3A_100, %mul3A_190 : i32
      %dma_wait3A = arith.constant 0 : i32
      %dma_wait3A_192 = arith.constant 0 : i32
      %dma_wait3A_193 = arith.constant 0 : i32
      %dma_wait3A_194 = tpu.memref_slice %arg17[%dma_wait3A, %dma_wait3A_192, %dma_wait3A_193] : memref<2x16x128xf32, #tpu.memory_space<vmem>> -> memref<1x16x128xf32, #tpu.memory_space<vmem>>
      %dma_wait3A_195 = tpu.memref_squeeze %dma_wait3A_194 : memref<1x16x128xf32, #tpu.memory_space<vmem>> -> memref<16x128xf32, #tpu.memory_space<vmem>>
      %dma_wait3A_196 = tpu.memref_slice %arg11[%mul3A_191] : memref<512xi32, #tpu.memory_space<vmem>> -> memref<16xi32, #tpu.memory_space<vmem>>
      %dma_wait3A_197 = arith.constant 0 : i32
      %dma_wait3A_198 = arith.constant 0 : i32
      %dma_wait3A_199 = tpu.memref_slice %arg2[%dma_wait3A_197, %dma_wait3A_198] : memref<500000x128xf32, #tpu.memory_space<hbm>> -> memref<500000x128xf32, #tpu.memory_space<hbm>>
      tpu.wait_indirect_dma semaphore(%arg21 : memref<!tpu.dma_semaphore, #tpu.memory_space<semaphore_mem>>) src(%dma_wait3A_199 : memref<500000x128xf32, #tpu.memory_space<hbm>>) dst(%dma_wait3A_195 : memref<16x128xf32, #tpu.memory_space<vmem>>)
      %mul3A_200 = arith.constant 16 : i32
      %mul3A_201 = arith.muli %mul3A_100, %mul3A_200 : i32
      %dma_wait3A_202 = arith.constant 0 : i32
      %dma_wait3A_203 = arith.constant 0 : i32
      %dma_wait3A_204 = arith.constant 0 : i32
      %dma_wait3A_205 = tpu.memref_slice %arg18[%dma_wait3A_202, %dma_wait3A_203, %dma_wait3A_204] : memref<2x16x128xf32, #tpu.memory_space<vmem>> -> memref<1x16x128xf32, #tpu.memory_space<vmem>>
      %dma_wait3A_206 = tpu.memref_squeeze %dma_wait3A_205 : memref<1x16x128xf32, #tpu.memory_space<vmem>> -> memref<16x128xf32, #tpu.memory_space<vmem>>
      %dma_wait3A_207 = tpu.memref_slice %arg12[%mul3A_201] : memref<512xi32, #tpu.memory_space<vmem>> -> memref<16xi32, #tpu.memory_space<vmem>>
      %dma_wait3A_208 = arith.constant 0 : i32
      %dma_wait3A_209 = arith.constant 0 : i32
      %dma_wait3A_210 = tpu.memref_slice %arg3[%dma_wait3A_208, %dma_wait3A_209] : memref<500000x128xf32, #tpu.memory_space<hbm>> -> memref<500000x128xf32, #tpu.memory_space<hbm>>
      tpu.wait_indirect_dma semaphore(%arg21 : memref<!tpu.dma_semaphore, #tpu.memory_space<semaphore_mem>>) src(%dma_wait3A_210 : memref<500000x128xf32, #tpu.memory_space<hbm>>) dst(%dma_wait3A_206 : memref<16x128xf32, #tpu.memory_space<vmem>>)
      %mul3A_211 = arith.constant 320 : i32
      %mul3A_212 = arith.muli %mul3A_100, %mul3A_211 : i32
      %add3A_213 = arith.constant 0 : i32
      %add3A_214 = arith.addi %mul3A_212, %add3A_213 : i32
      %dma_wait3A_215 = arith.constant 0 : i32
      %dma_wait3A_216 = arith.constant 0 : i32
      %dma_wait3A_217 = arith.constant 0 : i32
      %dma_wait3A_218 = tpu.memref_slice %arg19[%dma_wait3A_215, %dma_wait3A_216, %dma_wait3A_217] : memref<2x320x128xf32, #tpu.memory_space<vmem>> -> memref<1x64x128xf32, #tpu.memory_space<vmem>>
      %dma_wait3A_219 = tpu.memref_squeeze %dma_wait3A_218 : memref<1x64x128xf32, #tpu.memory_space<vmem>> -> memref<64x128xf32, #tpu.memory_space<vmem>>
      %dma_wait3A_220 = tpu.memref_slice %arg13[%add3A_214] : memref<10240xi32, #tpu.memory_space<vmem>> -> memref<64xi32, #tpu.memory_space<vmem>>
      %dma_wait3A_221 = arith.constant 0 : i32
      %dma_wait3A_222 = arith.constant 0 : i32
      %dma_wait3A_223 = tpu.memref_slice %arg3[%dma_wait3A_221, %dma_wait3A_222] : memref<500000x128xf32, #tpu.memory_space<hbm>> -> memref<500000x128xf32, #tpu.memory_space<hbm>>
      tpu.wait_indirect_dma semaphore(%arg21 : memref<!tpu.dma_semaphore, #tpu.memory_space<semaphore_mem>>) src(%dma_wait3A_223 : memref<500000x128xf32, #tpu.memory_space<hbm>>) dst(%dma_wait3A_219 : memref<64x128xf32, #tpu.memory_space<vmem>>)
      %mul3A_224 = arith.constant 320 : i32
      %mul3A_225 = arith.muli %mul3A_100, %mul3A_224 : i32
      %add3A_226 = arith.constant 64 : i32
      %add3A_227 = arith.addi %mul3A_225, %add3A_226 : i32
      %dma_wait3A_228 = arith.constant 0 : i32
      %dma_wait3A_229 = arith.constant 64 : i32
      %dma_wait3A_230 = arith.constant 0 : i32
      %dma_wait3A_231 = tpu.memref_slice %arg19[%dma_wait3A_228, %dma_wait3A_229, %dma_wait3A_230] : memref<2x320x128xf32, #tpu.memory_space<vmem>> -> memref<1x64x128xf32, #tpu.memory_space<vmem>>
      %dma_wait3A_232 = tpu.memref_squeeze %dma_wait3A_231 : memref<1x64x128xf32, #tpu.memory_space<vmem>> -> memref<64x128xf32, #tpu.memory_space<vmem>>
      %dma_wait3A_233 = tpu.memref_slice %arg13[%add3A_227] : memref<10240xi32, #tpu.memory_space<vmem>> -> memref<64xi32, #tpu.memory_space<vmem>>
      %dma_wait3A_234 = arith.constant 0 : i32
      %dma_wait3A_235 = arith.constant 0 : i32
      %dma_wait3A_236 = tpu.memref_slice %arg3[%dma_wait3A_234, %dma_wait3A_235] : memref<500000x128xf32, #tpu.memory_space<hbm>> -> memref<500000x128xf32, #tpu.memory_space<hbm>>
      tpu.wait_indirect_dma semaphore(%arg21 : memref<!tpu.dma_semaphore, #tpu.memory_space<semaphore_mem>>) src(%dma_wait3A_236 : memref<500000x128xf32, #tpu.memory_space<hbm>>) dst(%dma_wait3A_232 : memref<64x128xf32, #tpu.memory_space<vmem>>)
      %mul3A_237 = arith.constant 320 : i32
      %mul3A_238 = arith.muli %mul3A_100, %mul3A_237 : i32
      %add3A_239 = arith.constant 128 : i32
      %add3A_240 = arith.addi %mul3A_238, %add3A_239 : i32
      %dma_wait3A_241 = arith.constant 0 : i32
      %dma_wait3A_242 = arith.constant 128 : i32
      %dma_wait3A_243 = arith.constant 0 : i32
      %dma_wait3A_244 = tpu.memref_slice %arg19[%dma_wait3A_241, %dma_wait3A_242, %dma_wait3A_243] : memref<2x320x128xf32, #tpu.memory_space<vmem>> -> memref<1x64x128xf32, #tpu.memory_space<vmem>>
      %dma_wait3A_245 = tpu.memref_squeeze %dma_wait3A_244 : memref<1x64x128xf32, #tpu.memory_space<vmem>> -> memref<64x128xf32, #tpu.memory_space<vmem>>
      %dma_wait3A_246 = tpu.memref_slice %arg13[%add3A_240] : memref<10240xi32, #tpu.memory_space<vmem>> -> memref<64xi32, #tpu.memory_space<vmem>>
      %dma_wait3A_247 = arith.constant 0 : i32
      %dma_wait3A_248 = arith.constant 0 : i32
      %dma_wait3A_249 = tpu.memref_slice %arg3[%dma_wait3A_247, %dma_wait3A_248] : memref<500000x128xf32, #tpu.memory_space<hbm>> -> memref<500000x128xf32, #tpu.memory_space<hbm>>
      tpu.wait_indirect_dma semaphore(%arg21 : memref<!tpu.dma_semaphore, #tpu.memory_space<semaphore_mem>>) src(%dma_wait3A_249 : memref<500000x128xf32, #tpu.memory_space<hbm>>) dst(%dma_wait3A_245 : memref<64x128xf32, #tpu.memory_space<vmem>>)
      %mul3A_250 = arith.constant 320 : i32
      %mul3A_251 = arith.muli %mul3A_100, %mul3A_250 : i32
      %add3A_252 = arith.constant 192 : i32
      %add3A_253 = arith.addi %mul3A_251, %add3A_252 : i32
      %dma_wait3A_254 = arith.constant 0 : i32
      %dma_wait3A_255 = arith.constant 192 : i32
      %dma_wait3A_256 = arith.constant 0 : i32
      %dma_wait3A_257 = tpu.memref_slice %arg19[%dma_wait3A_254, %dma_wait3A_255, %dma_wait3A_256] : memref<2x320x128xf32, #tpu.memory_space<vmem>> -> memref<1x64x128xf32, #tpu.memory_space<vmem>>
      %dma_wait3A_258 = tpu.memref_squeeze %dma_wait3A_257 : memref<1x64x128xf32, #tpu.memory_space<vmem>> -> memref<64x128xf32, #tpu.memory_space<vmem>>
      %dma_wait3A_259 = tpu.memref_slice %arg13[%add3A_253] : memref<10240xi32, #tpu.memory_space<vmem>> -> memref<64xi32, #tpu.memory_space<vmem>>
      %dma_wait3A_260 = arith.constant 0 : i32
      %dma_wait3A_261 = arith.constant 0 : i32
      %dma_wait3A_262 = tpu.memref_slice %arg3[%dma_wait3A_260, %dma_wait3A_261] : memref<500000x128xf32, #tpu.memory_space<hbm>> -> memref<500000x128xf32, #tpu.memory_space<hbm>>
      tpu.wait_indirect_dma semaphore(%arg21 : memref<!tpu.dma_semaphore, #tpu.memory_space<semaphore_mem>>) src(%dma_wait3A_262 : memref<500000x128xf32, #tpu.memory_space<hbm>>) dst(%dma_wait3A_258 : memref<64x128xf32, #tpu.memory_space<vmem>>)
      %mul3A_263 = arith.constant 320 : i32
      %mul3A_264 = arith.muli %mul3A_100, %mul3A_263 : i32
      %add3A_265 = arith.constant 256 : i32
      %add3A_266 = arith.addi %mul3A_264, %add3A_265 : i32
      %dma_wait3A_267 = arith.constant 0 : i32
      %dma_wait3A_268 = arith.constant 256 : i32
      %dma_wait3A_269 = arith.constant 0 : i32
      %dma_wait3A_270 = tpu.memref_slice %arg19[%dma_wait3A_267, %dma_wait3A_268, %dma_wait3A_269] : memref<2x320x128xf32, #tpu.memory_space<vmem>> -> memref<1x64x128xf32, #tpu.memory_space<vmem>>
      %dma_wait3A_271 = tpu.memref_squeeze %dma_wait3A_270 : memref<1x64x128xf32, #tpu.memory_space<vmem>> -> memref<64x128xf32, #tpu.memory_space<vmem>>
      %dma_wait3A_272 = tpu.memref_slice %arg13[%add3A_266] : memref<10240xi32, #tpu.memory_space<vmem>> -> memref<64xi32, #tpu.memory_space<vmem>>
      %dma_wait3A_273 = arith.constant 0 : i32
      %dma_wait3A_274 = arith.constant 0 : i32
      %dma_wait3A_275 = tpu.memref_slice %arg3[%dma_wait3A_273, %dma_wait3A_274] : memref<500000x128xf32, #tpu.memory_space<hbm>> -> memref<500000x128xf32, #tpu.memory_space<hbm>>
      tpu.wait_indirect_dma semaphore(%arg21 : memref<!tpu.dma_semaphore, #tpu.memory_space<semaphore_mem>>) src(%dma_wait3A_275 : memref<500000x128xf32, #tpu.memory_space<hbm>>) dst(%dma_wait3A_271 : memref<64x128xf32, #tpu.memory_space<vmem>>)
      %mul3A_276 = arith.constant 16 : i32
      %mul3A_277 = arith.muli %mul3A_100, %mul3A_276 : i32
      %get3A = arith.index_cast %mul3A_277 : i32 to index
      %get3A_278 = tpu.vector_load %arg14[%get3A] {strides = array<i32>} : memref<512xi32, #tpu.memory_space<vmem>>, vector<16xi32>,
      %mul3A_279 = arith.constant 16 : i32
      %mul3A_280 = arith.muli %mul3A_100, %mul3A_279 : i32
      %get3A_281 = arith.index_cast %mul3A_280 : i32 to index
      %get3A_282 = tpu.vector_load %arg15[%get3A_281] {strides = array<i32>} : memref<512xi32, #tpu.memory_space<vmem>>, vector<16xi32>,
      %scan3A_283 = arith.constant 0 : i32
      %scan3A_284 = arith.constant 0 : i32
      %scan3A_285 = arith.constant 0 : i32
      %scan3A_286 = arith.constant 0 : i32
      %scan3A_287 = arith.constant 0 : i32
      %scan3A_288 = arith.constant 16 : i32
      %scan3A_289 = arith.addi %scan3A_287, %scan3A_288 : i32
      %scan3A_290 = arith.constant 1 : i32
      %scan3A_291 = scf.for %scan3A_407 = %scan3A_287 to %scan3A_289 step %scan3A_290 iter_args(%scan3A_408 = %scan3A_286) -> (i32)  : i32 {
        %mul3A_409 = arith.constant 16 : i32
        %mul3A_410 = arith.muli %mul3A_100, %mul3A_409 : i32
        %add3A_411 = arith.addi %mul3A_410, %scan3A_407 : i32
        %mul3A_412 = arith.constant 24 : i32
        %mul3A_413 = arith.muli %add3A_411, %mul3A_412 : i32
        %get3A_414 = arith.index_cast %mul3A_413 : i32 to index
        %get3A_415 = tpu.vector_load %arg16[%get3A_414] {strides = array<i32>} : memref<12288xi32, #tpu.memory_space<vmem>>, vector<16xi32>,
        %add3A_416 = arith.constant 8 : i32
        %add3A_417 = arith.addi %mul3A_413, %add3A_416 : i32
        %get3A_418 = arith.index_cast %add3A_417 : i32 to index
        %get3A_419 = tpu.vector_load %arg16[%get3A_418] {strides = array<i32>} : memref<12288xi32, #tpu.memory_space<vmem>>, vector<16xi32>,
        %broadcast_in_dim3A = vector.broadcast %scan3A_407 : i32 to vector<16xi32>
        %lt3A_420 = arith.constant 0 : i32
        %lt3A_421 = vector.broadcast %lt3A_420 : i32 to vector<16xi32>
        %lt3A_422 = arith.cmpi slt, %broadcast_in_dim3A, %lt3A_421 : vector<16xi32>
        %add3A_423 = arith.constant 16 : i32
        %add3A_424 = vector.broadcast %add3A_423 : i32 to vector<16xi32>
        %add3A_425 = arith.addi %broadcast_in_dim3A, %add3A_424 : vector<16xi32>
        %select_n3A = arith.select %lt3A_422, %add3A_425, %broadcast_in_dim3A : vector<16xi1>, vector<16xi32>
        %reshape3A = vector.shape_cast %select_n3A : vector<16xi32> to vector<16x1xi32>
        %gather3A = vector.shape_cast %reshape3A : vector<16x1xi32> to vector<16xi32>
        %gather3A_426 = tpu.dynamic_gather %get3A_278[%gather3A] in [0] : vector<16xi32>, vector<16xi32> -> vector<16xi32>
        %mul3A_427 = arith.constant 64 : i32
        %mul3A_428 = vector.broadcast %mul3A_427 : i32 to vector<16xi32>
        %mul3A_429 = arith.muli %gather3A_426, %mul3A_428 : vector<16xi32>
        %add3A_430 = arith.addi %mul3A_429, %iota3A_19 : vector<16xi32>
        %add3A_431 = arith.constant 0 : i32
        %add3A_432 = vector.broadcast %add3A_431 : i32 to vector<16xi32>
        %add3A_433 = arith.addi %add3A_430, %add3A_432 : vector<16xi32>
        %gather3A_434 = arith.constant 0 : i32
        %gather3A_435 = arith.constant 0 : i32
        %gather3A_436 = tpu.memref_slice %arg17[%scan3A_283, %gather3A_434, %gather3A_435] : memref<2x16x128xf32, #tpu.memory_space<vmem>> -> memref<1x16x128xf32, #tpu.memory_space<vmem>>
        %gather3A_437 = tpu.memref_squeeze %gather3A_436 : memref<1x16x128xf32, #tpu.memory_space<vmem>> -> memref<16x128xf32, #tpu.memory_space<vmem>>
        %gather3A_438 = arith.constant 0 : i32
        %gather3A_439 = tpu.memref_slice %gather3A_437[%scan3A_407, %gather3A_438] : memref<16x128xf32, #tpu.memory_space<vmem>> -> memref<1x128xf32, #tpu.memory_space<vmem>>
        %gather3A_440 = tpu.memref_squeeze %gather3A_439 : memref<1x128xf32, #tpu.memory_space<vmem>> -> memref<128xf32, #tpu.memory_space<vmem>>
        %gather3A_441 = tpu.vector_load_idx %gather3A_440[%add3A_433] : memref<128xf32, #tpu.memory_space<vmem>>[vector<16xi32>], vector<16xf32>,
        %add3A_442 = arith.constant 16 : i32
        %add3A_443 = vector.broadcast %add3A_442 : i32 to vector<16xi32>
        %add3A_444 = arith.addi %add3A_430, %add3A_443 : vector<16xi32>
        %gather3A_445 = arith.constant 0 : i32
        %gather3A_446 = arith.constant 0 : i32
        %gather3A_447 = tpu.memref_slice %arg17[%scan3A_283, %gather3A_445, %gather3A_446] : memref<2x16x128xf32, #tpu.memory_space<vmem>> -> memref<1x16x128xf32, #tpu.memory_space<vmem>>
        %gather3A_448 = tpu.memref_squeeze %gather3A_447 : memref<1x16x128xf32, #tpu.memory_space<vmem>> -> memref<16x128xf32, #tpu.memory_space<vmem>>
        %gather3A_449 = arith.constant 0 : i32
        %gather3A_450 = tpu.memref_slice %gather3A_448[%scan3A_407, %gather3A_449] : memref<16x128xf32, #tpu.memory_space<vmem>> -> memref<1x128xf32, #tpu.memory_space<vmem>>
        %gather3A_451 = tpu.memref_squeeze %gather3A_450 : memref<1x128xf32, #tpu.memory_space<vmem>> -> memref<128xf32, #tpu.memory_space<vmem>>
        %gather3A_452 = tpu.vector_load_idx %gather3A_451[%add3A_444] : memref<128xf32, #tpu.memory_space<vmem>>[vector<16xi32>], vector<16xf32>,
        %add3A_453 = arith.constant 32 : i32
        %add3A_454 = vector.broadcast %add3A_453 : i32 to vector<16xi32>
        %add3A_455 = arith.addi %add3A_430, %add3A_454 : vector<16xi32>
        %gather3A_456 = arith.constant 0 : i32
        %gather3A_457 = arith.constant 0 : i32
        %gather3A_458 = tpu.memref_slice %arg17[%scan3A_283, %gather3A_456, %gather3A_457] : memref<2x16x128xf32, #tpu.memory_space<vmem>> -> memref<1x16x128xf32, #tpu.memory_space<vmem>>
        %gather3A_459 = tpu.memref_squeeze %gather3A_458 : memref<1x16x128xf32, #tpu.memory_space<vmem>> -> memref<16x128xf32, #tpu.memory_space<vmem>>
        %gather3A_460 = arith.constant 0 : i32
        %gather3A_461 = tpu.memref_slice %gather3A_459[%scan3A_407, %gather3A_460] : memref<16x128xf32, #tpu.memory_space<vmem>> -> memref<1x128xf32, #tpu.memory_space<vmem>>
        %gather3A_462 = tpu.memref_squeeze %gather3A_461 : memref<1x128xf32, #tpu.memory_space<vmem>> -> memref<128xf32, #tpu.memory_space<vmem>>
        %gather3A_463 = tpu.vector_load_idx %gather3A_462[%add3A_455] : memref<128xf32, #tpu.memory_space<vmem>>[vector<16xi32>], vector<16xf32>,
        %add3A_464 = arith.constant 48 : i32
        %add3A_465 = vector.broadcast %add3A_464 : i32 to vector<16xi32>
        %add3A_466 = arith.addi %add3A_430, %add3A_465 : vector<16xi32>
        %gather3A_467 = arith.constant 0 : i32
        %gather3A_468 = arith.constant 0 : i32
        %gather3A_469 = tpu.memref_slice %arg17[%scan3A_283, %gather3A_467, %gather3A_468] : memref<2x16x128xf32, #tpu.memory_space<vmem>> -> memref<1x16x128xf32, #tpu.memory_space<vmem>>
        %gather3A_470 = tpu.memref_squeeze %gather3A_469 : memref<1x16x128xf32, #tpu.memory_space<vmem>> -> memref<16x128xf32, #tpu.memory_space<vmem>>
        %gather3A_471 = arith.constant 0 : i32
        %gather3A_472 = tpu.memref_slice %gather3A_470[%scan3A_407, %gather3A_471] : memref<16x128xf32, #tpu.memory_space<vmem>> -> memref<1x128xf32, #tpu.memory_space<vmem>>
        %gather3A_473 = tpu.memref_squeeze %gather3A_472 : memref<1x128xf32, #tpu.memory_space<vmem>> -> memref<128xf32, #tpu.memory_space<vmem>>
        %gather3A_474 = tpu.vector_load_idx %gather3A_473[%add3A_466] : memref<128xf32, #tpu.memory_space<vmem>>[vector<16xi32>], vector<16xf32>,
        %mul3A_475 = arith.constant 21 : i32
        %mul3A_476 = arith.muli %add3A_411, %mul3A_475 : i32
        %broadcast_in_dim3A_477 = vector.broadcast %scan3A_407 : i32 to vector<16xi32>
        %lt3A_478 = arith.constant 0 : i32
        %lt3A_479 = vector.broadcast %lt3A_478 : i32 to vector<16xi32>
        %lt3A_480 = arith.cmpi slt, %broadcast_in_dim3A_477, %lt3A_479 : vector<16xi32>
        %add3A_481 = arith.constant 16 : i32
        %add3A_482 = vector.broadcast %add3A_481 : i32 to vector<16xi32>
        %add3A_483 = arith.addi %broadcast_in_dim3A_477, %add3A_482 : vector<16xi32>
        %select_n3A_484 = arith.select %lt3A_480, %add3A_483, %broadcast_in_dim3A_477 : vector<16xi1>, vector<16xi32>
        %reshape3A_485 = vector.shape_cast %select_n3A_484 : vector<16xi32> to vector<16x1xi32>
        %gather3A_486 = vector.shape_cast %reshape3A_485 : vector<16x1xi32> to vector<16xi32>
        %gather3A_487 = tpu.dynamic_gather %get3A_282[%gather3A_486] in [0] : vector<16xi32>, vector<16xi32> -> vector<16xi32>
        %mul3A_488 = arith.constant 64 : i32
        %mul3A_489 = vector.broadcast %mul3A_488 : i32 to vector<16xi32>
        %mul3A_490 = arith.muli %gather3A_487, %mul3A_489 : vector<16xi32>
        %add3A_491 = arith.addi %mul3A_490, %iota3A_19 : vector<16xi32>
        %gather3A_492 = arith.constant 0 : i32
        %gather3A_493 = arith.constant 0 : i32
        %gather3A_494 = tpu.memref_slice %arg18[%scan3A_284, %gather3A_492, %gather3A_493] : memref<2x16x128xf32, #tpu.memory_space<vmem>> -> memref<1x16x128xf32, #tpu.memory_space<vmem>>
        %gather3A_495 = tpu.memref_squeeze %gather3A_494 : memref<1x16x128xf32, #tpu.memory_space<vmem>> -> memref<16x128xf32, #tpu.memory_space<vmem>>
        %gather3A_496 = arith.constant 0 : i32
        %gather3A_497 = tpu.memref_slice %gather3A_495[%scan3A_407, %gather3A_496] : memref<16x128xf32, #tpu.memory_space<vmem>> -> memref<1x128xf32, #tpu.memory_space<vmem>>
        %gather3A_498 = tpu.memref_squeeze %gather3A_497 : memref<1x128xf32, #tpu.memory_space<vmem>> -> memref<128xf32, #tpu.memory_space<vmem>>
        %gather3A_499 = tpu.vector_load_idx %gather3A_498[%add3A_491] : memref<128xf32, #tpu.memory_space<vmem>>[vector<16xi32>], vector<16xf32>,
        %mul3A_500 = arith.mulf %gather3A_499, %gather3A_441 : vector<16xf32>
        %add3A_501 = arith.constant 16 : i32
        %add3A_502 = vector.broadcast %add3A_501 : i32 to vector<16xi32>
        %add3A_503 = arith.addi %add3A_491, %add3A_502 : vector<16xi32>
        %gather3A_504 = arith.constant 0 : i32
        %gather3A_505 = arith.constant 0 : i32
        %gather3A_506 = tpu.memref_slice %arg18[%scan3A_284, %gather3A_504, %gather3A_505] : memref<2x16x128xf32, #tpu.memory_space<vmem>> -> memref<1x16x128xf32, #tpu.memory_space<vmem>>
        %gather3A_507 = tpu.memref_squeeze %gather3A_506 : memref<1x16x128xf32, #tpu.memory_space<vmem>> -> memref<16x128xf32, #tpu.memory_space<vmem>>
        %gather3A_508 = arith.constant 0 : i32
        %gather3A_509 = tpu.memref_slice %gather3A_507[%scan3A_407, %gather3A_508] : memref<16x128xf32, #tpu.memory_space<vmem>> -> memref<1x128xf32, #tpu.memory_space<vmem>>
        %gather3A_510 = tpu.memref_squeeze %gather3A_509 : memref<1x128xf32, #tpu.memory_space<vmem>> -> memref<128xf32, #tpu.memory_space<vmem>>
        %gather3A_511 = tpu.vector_load_idx %gather3A_510[%add3A_503] : memref<128xf32, #tpu.memory_space<vmem>>[vector<16xi32>], vector<16xf32>,
        %mul3A_512 = arith.mulf %gather3A_511, %gather3A_452 : vector<16xf32>
        %add3A_513 = arith.addf %mul3A_500, %mul3A_512 : vector<16xf32>
        %add3A_514 = arith.constant 32 : i32
        %add3A_515 = vector.broadcast %add3A_514 : i32 to vector<16xi32>
        %add3A_516 = arith.addi %add3A_491, %add3A_515 : vector<16xi32>
        %gather3A_517 = arith.constant 0 : i32
        %gather3A_518 = arith.constant 0 : i32
        %gather3A_519 = tpu.memref_slice %arg18[%scan3A_284, %gather3A_517, %gather3A_518] : memref<2x16x128xf32, #tpu.memory_space<vmem>> -> memref<1x16x128xf32, #tpu.memory_space<vmem>>
        %gather3A_520 = tpu.memref_squeeze %gather3A_519 : memref<1x16x128xf32, #tpu.memory_space<vmem>> -> memref<16x128xf32, #tpu.memory_space<vmem>>
        %gather3A_521 = arith.constant 0 : i32
        %gather3A_522 = tpu.memref_slice %gather3A_520[%scan3A_407, %gather3A_521] : memref<16x128xf32, #tpu.memory_space<vmem>> -> memref<1x128xf32, #tpu.memory_space<vmem>>
        %gather3A_523 = tpu.memref_squeeze %gather3A_522 : memref<1x128xf32, #tpu.memory_space<vmem>> -> memref<128xf32, #tpu.memory_space<vmem>>
        %gather3A_524 = tpu.vector_load_idx %gather3A_523[%add3A_516] : memref<128xf32, #tpu.memory_space<vmem>>[vector<16xi32>], vector<16xf32>,
        %mul3A_525 = arith.mulf %gather3A_524, %gather3A_463 : vector<16xf32>
        %add3A_526 = arith.addf %add3A_513, %mul3A_525 : vector<16xf32>
        %add3A_527 = arith.constant 48 : i32
        %add3A_528 = vector.broadcast %add3A_527 : i32 to vector<16xi32>
        %add3A_529 = arith.addi %add3A_491, %add3A_528 : vector<16xi32>
        %gather3A_530 = arith.constant 0 : i32
        %gather3A_531 = arith.constant 0 : i32
        %gather3A_532 = tpu.memref_slice %arg18[%scan3A_284, %gather3A_530, %gather3A_531] : memref<2x16x128xf32, #tpu.memory_space<vmem>> -> memref<1x16x128xf32, #tpu.memory_space<vmem>>
        %gather3A_533 = tpu.memref_squeeze %gather3A_532 : memref<1x16x128xf32, #tpu.memory_space<vmem>> -> memref<16x128xf32, #tpu.memory_space<vmem>>
        %gather3A_534 = arith.constant 0 : i32
        %gather3A_535 = tpu.memref_slice %gather3A_533[%scan3A_407, %gather3A_534] : memref<16x128xf32, #tpu.memory_space<vmem>> -> memref<1x128xf32, #tpu.memory_space<vmem>>
        %gather3A_536 = tpu.memref_squeeze %gather3A_535 : memref<1x128xf32, #tpu.memory_space<vmem>> -> memref<128xf32, #tpu.memory_space<vmem>>
        %gather3A_537 = tpu.vector_load_idx %gather3A_536[%add3A_529] : memref<128xf32, #tpu.memory_space<vmem>>[vector<16xi32>], vector<16xf32>,
        %mul3A_538 = arith.mulf %gather3A_537, %gather3A_474 : vector<16xf32>
        %add3A_539 = arith.addf %add3A_526, %mul3A_538 : vector<16xf32>
        %broadcast_in_dim3A_540 = arith.constant true
        %broadcast_in_dim3A_541 = vector.broadcast %broadcast_in_dim3A_540 : i1 to vector<16xi1>
        %masked_cumsum3A = tpu.scan <sum>, %add3A_539 masked %broadcast_in_dim3A_541 : vector<16xf32>, vector<16xi1> -> vector<16xf32>
        %broadcast_in_dim3A_542 = vector.broadcast %mul3A_476 : i32 to vector<16xi32>
        tpu.vector_store_idx %arg20[%broadcast_in_dim3A_542], %masked_cumsum3A masked %eq3A_18 : memref<10752xf32, #tpu.memory_space<vmem>>[vector<16xi32>], vector<16xf32>, vector<16xi1>
        %broadcast_in_dim3A_543 = arith.constant 0 : i32
        %broadcast_in_dim3A_544 = vector.broadcast %broadcast_in_dim3A_543 : i32 to vector<16xi32>
        %lt3A_545 = arith.constant 0 : i32
        %lt3A_546 = vector.broadcast %lt3A_545 : i32 to vector<16xi32>
        %lt3A_547 = arith.cmpi slt, %broadcast_in_dim3A_544, %lt3A_546 : vector<16xi32>
        %add3A_548 = arith.constant 16 : i32
        %add3A_549 = vector.broadcast %add3A_548 : i32 to vector<16xi32>
        %add3A_550 = arith.addi %broadcast_in_dim3A_544, %add3A_549 : vector<16xi32>
        %select_n3A_551 = arith.select %lt3A_547, %add3A_550, %broadcast_in_dim3A_544 : vector<16xi1>, vector<16xi32>
        %reshape3A_552 = vector.shape_cast %select_n3A_551 : vector<16xi32> to vector<16x1xi32>
        %gather3A_553 = vector.shape_cast %reshape3A_552 : vector<16x1xi32> to vector<16xi32>
        %gather3A_554 = tpu.dynamic_gather %get3A_415[%gather3A_553] in [0] : vector<16xi32>, vector<16xi32> -> vector<16xi32>
        %mul3A_555 = arith.constant 64 : i32
        %mul3A_556 = vector.broadcast %mul3A_555 : i32 to vector<16xi32>
        %mul3A_557 = arith.muli %gather3A_554, %mul3A_556 : vector<16xi32>
        %add3A_558 = arith.addi %mul3A_557, %iota3A_19 : vector<16xi32>
        %mul3A_559 = arith.constant 20 : i32
        %mul3A_560 = arith.muli %scan3A_407, %mul3A_559 : i32
        %add3A_561 = arith.constant 0 : i32
        %add3A_562 = arith.addi %mul3A_560, %add3A_561 : i32
        %add3A_563 = arith.constant 1 : i32
        %add3A_564 = arith.addi %mul3A_476, %add3A_563 : i32
        %add3A_565 = arith.constant 0 : i32
        %add3A_566 = arith.addi %add3A_564, %add3A_565 : i32
        %gather3A_567 = arith.constant 0 : i32
        %gather3A_568 = arith.constant 0 : i32
        %gather3A_569 = tpu.memref_slice %arg19[%scan3A_285, %gather3A_567, %gather3A_568] : memref<2x320x128xf32, #tpu.memory_space<vmem>> -> memref<1x320x128xf32, #tpu.memory_space<vmem>>
        %gather3A_570 = tpu.memref_squeeze %gather3A_569 : memref<1x320x128xf32, #tpu.memory_space<vmem>> -> memref<320x128xf32, #tpu.memory_space<vmem>>
        %gather3A_571 = arith.constant 0 : i32
        %gather3A_572 = tpu.memref_slice %gather3A_570[%add3A_562, %gather3A_571] : memref<320x128xf32, #tpu.memory_space<vmem>> -> memref<1x128xf32, #tpu.memory_space<vmem>>
        %gather3A_573 = tpu.memref_squeeze %gather3A_572 : memref<1x128xf32, #tpu.memory_space<vmem>> -> memref<128xf32, #tpu.memory_space<vmem>>
        %gather3A_574 = tpu.vector_load_idx %gather3A_573[%add3A_558] : memref<128xf32, #tpu.memory_space<vmem>>[vector<16xi32>], vector<16xf32>,
        %mul3A_575 = arith.mulf %gather3A_574, %gather3A_441 : vector<16xf32>
        %add3A_576 = arith.constant 16 : i32
        %add3A_577 = vector.broadcast %add3A_576 : i32 to vector<16xi32>
        %add3A_578 = arith.addi %add3A_558, %add3A_577 : vector<16xi32>
        %gather3A_579 = arith.constant 0 : i32
        %gather3A_580 = arith.constant 0 : i32
        %gather3A_581 = tpu.memref_slice %arg19[%scan3A_285, %gather3A_579, %gather3A_580] : memref<2x320x128xf32, #tpu.memory_space<vmem>> -> memref<1x320x128xf32, #tpu.memory_space<vmem>>
        %gather3A_582 = tpu.memref_squeeze %gather3A_581 : memref<1x320x128xf32, #tpu.memory_space<vmem>> -> memref<320x128xf32, #tpu.memory_space<vmem>>
        %gather3A_583 = arith.constant 0 : i32
        %gather3A_584 = tpu.memref_slice %gather3A_582[%add3A_562, %gather3A_583] : memref<320x128xf32, #tpu.memory_space<vmem>> -> memref<1x128xf32, #tpu.memory_space<vmem>>
        %gather3A_585 = tpu.memref_squeeze %gather3A_584 : memref<1x128xf32, #tpu.memory_space<vmem>> -> memref<128xf32, #tpu.memory_space<vmem>>
        %gather3A_586 = tpu.vector_load_idx %gather3A_585[%add3A_578] : memref<128xf32, #tpu.memory_space<vmem>>[vector<16xi32>], vector<16xf32>,
        %mul3A_587 = arith.mulf %gather3A_586, %gather3A_452 : vector<16xf32>
        %add3A_588 = arith.addf %mul3A_575, %mul3A_587 : vector<16xf32>
        %add3A_589 = arith.constant 32 : i32
        %add3A_590 = vector.broadcast %add3A_589 : i32 to vector<16xi32>
        %add3A_591 = arith.addi %add3A_558, %add3A_590 : vector<16xi32>
        %gather3A_592 = arith.constant 0 : i32
        %gather3A_593 = arith.constant 0 : i32
        %gather3A_594 = tpu.memref_slice %arg19[%scan3A_285, %gather3A_592, %gather3A_593] : memref<2x320x128xf32, #tpu.memory_space<vmem>> -> memref<1x320x128xf32, #tpu.memory_space<vmem>>
        %gather3A_595 = tpu.memref_squeeze %gather3A_594 : memref<1x320x128xf32, #tpu.memory_space<vmem>> -> memref<320x128xf32, #tpu.memory_space<vmem>>
        %gather3A_596 = arith.constant 0 : i32
        %gather3A_597 = tpu.memref_slice %gather3A_595[%add3A_562, %gather3A_596] : memref<320x128xf32, #tpu.memory_space<vmem>> -> memref<1x128xf32, #tpu.memory_space<vmem>>
        %gather3A_598 = tpu.memref_squeeze %gather3A_597 : memref<1x128xf32, #tpu.memory_space<vmem>> -> memref<128xf32, #tpu.memory_space<vmem>>
        %gather3A_599 = tpu.vector_load_idx %gather3A_598[%add3A_591] : memref<128xf32, #tpu.memory_space<vmem>>[vector<16xi32>], vector<16xf32>,
        %mul3A_600 = arith.mulf %gather3A_599, %gather3A_463 : vector<16xf32>
        %add3A_601 = arith.addf %add3A_588, %mul3A_600 : vector<16xf32>
        %add3A_602 = arith.constant 48 : i32
        %add3A_603 = vector.broadcast %add3A_602 : i32 to vector<16xi32>
        %add3A_604 = arith.addi %add3A_558, %add3A_603 : vector<16xi32>
        %gather3A_605 = arith.constant 0 : i32
        %gather3A_606 = arith.constant 0 : i32
        %gather3A_607 = tpu.memref_slice %arg19[%scan3A_285, %gather3A_605, %gather3A_606] : memref<2x320x128xf32, #tpu.memory_space<vmem>> -> memref<1x320x128xf32, #tpu.memory_space<vmem>>
        %gather3A_608 = tpu.memref_squeeze %gather3A_607 : memref<1x320x128xf32, #tpu.memory_space<vmem>> -> memref<320x128xf32, #tpu.memory_space<vmem>>
        %gather3A_609 = arith.constant 0 : i32
        %gather3A_610 = tpu.memref_slice %gather3A_608[%add3A_562, %gather3A_609] : memref<320x128xf32, #tpu.memory_space<vmem>> -> memref<1x128xf32, #tpu.memory_space<vmem>>
        %gather3A_611 = tpu.memref_squeeze %gather3A_610 : memref<1x128xf32, #tpu.memory_space<vmem>> -> memref<128xf32, #tpu.memory_space<vmem>>
        %gather3A_612 = tpu.vector_load_idx %gather3A_611[%add3A_604] : memref<128xf32, #tpu.memory_space<vmem>>[vector<16xi32>], vector<16xf32>,
        %mul3A_613 = arith.mulf %gather3A_612, %gather3A_474 : vector<16xf32>
        %add3A_614 = arith.addf %add3A_601, %mul3A_613 : vector<16xf32>
        %broadcast_in_dim3A_615 = arith.constant true
        %broadcast_in_dim3A_616 = vector.broadcast %broadcast_in_dim3A_615 : i1 to vector<16xi1>
        %masked_cumsum3A_617 = tpu.scan <sum>, %add3A_614 masked %broadcast_in_dim3A_616 : vector<16xf32>, vector<16xi1> -> vector<16xf32>
        %broadcast_in_dim3A_618 = vector.broadcast %add3A_566 : i32 to vector<16xi32>
        tpu.vector_store_idx %arg20[%broadcast_in_dim3A_618], %masked_cumsum3A_617 masked %eq3A_18 : memref<10752xf32, #tpu.memory_space<vmem>>[vector<16xi32>], vector<16xf32>, vector<16xi1>
        %broadcast_in_dim3A_619 = arith.constant 1 : i32
        %broadcast_in_dim3A_620 = vector.broadcast %broadcast_in_dim3A_619 : i32 to vector<16xi32>
        %lt3A_621 = arith.constant 0 : i32
        %lt3A_622 = vector.broadcast %lt3A_621 : i32 to vector<16xi32>
        %lt3A_623 = arith.cmpi slt, %broadcast_in_dim3A_620, %lt3A_622 : vector<16xi32>
        %add3A_624 = arith.constant 16 : i32
        %add3A_625 = vector.broadcast %add3A_624 : i32 to vector<16xi32>
        %add3A_626 = arith.addi %broadcast_in_dim3A_620, %add3A_625 : vector<16xi32>
        %select_n3A_627 = arith.select %lt3A_623, %add3A_626, %broadcast_in_dim3A_620 : vector<16xi1>, vector<16xi32>
        %reshape3A_628 = vector.shape_cast %select_n3A_627 : vector<16xi32> to vector<16x1xi32>
        %gather3A_629 = vector.shape_cast %reshape3A_628 : vector<16x1xi32> to vector<16xi32>
        %gather3A_630 = tpu.dynamic_gather %get3A_415[%gather3A_629] in [0] : vector<16xi32>, vector<16xi32> -> vector<16xi32>
        %mul3A_631 = arith.constant 64 : i32
        %mul3A_632 = vector.broadcast %mul3A_631 : i32 to vector<16xi32>
        %mul3A_633 = arith.muli %gather3A_630, %mul3A_632 : vector<16xi32>
        %add3A_634 = arith.addi %mul3A_633, %iota3A_19 : vector<16xi32>
        %mul3A_635 = arith.constant 20 : i32
        %mul3A_636 = arith.muli %scan3A_407, %mul3A_635 : i32
        %add3A_637 = arith.constant 1 : i32
        %add3A_638 = arith.addi %mul3A_636, %add3A_637 : i32
        %add3A_639 = arith.constant 1 : i32
        %add3A_640 = arith.addi %mul3A_476, %add3A_639 : i32
        %add3A_641 = arith.constant 1 : i32
        %add3A_642 = arith.addi %add3A_640, %add3A_641 : i32
        %gather3A_643 = arith.constant 0 : i32
        %gather3A_644 = arith.constant 0 : i32
        %gather3A_645 = tpu.memref_slice %arg19[%scan3A_285, %gather3A_643, %gather3A_644] : memref<2x320x128xf32, #tpu.memory_space<vmem>> -> memref<1x320x128xf32, #tpu.memory_space<vmem>>
        %gather3A_646 = tpu.memref_squeeze %gather3A_645 : memref<1x320x128xf32, #tpu.memory_space<vmem>> -> memref<320x128xf32, #tpu.memory_space<vmem>>
        %gather3A_647 = arith.constant 0 : i32
        %gather3A_648 = tpu.memref_slice %gather3A_646[%add3A_638, %gather3A_647] : memref<320x128xf32, #tpu.memory_space<vmem>> -> memref<1x128xf32, #tpu.memory_space<vmem>>
        %gather3A_649 = tpu.memref_squeeze %gather3A_648 : memref<1x128xf32, #tpu.memory_space<vmem>> -> memref<128xf32, #tpu.memory_space<vmem>>
        %gather3A_650 = tpu.vector_load_idx %gather3A_649[%add3A_634] : memref<128xf32, #tpu.memory_space<vmem>>[vector<16xi32>], vector<16xf32>,
        %mul3A_651 = arith.mulf %gather3A_650, %gather3A_441 : vector<16xf32>
        %add3A_652 = arith.constant 16 : i32
        %add3A_653 = vector.broadcast %add3A_652 : i32 to vector<16xi32>
        %add3A_654 = arith.addi %add3A_634, %add3A_653 : vector<16xi32>
        %gather3A_655 = arith.constant 0 : i32
        %gather3A_656 = arith.constant 0 : i32
        %gather3A_657 = tpu.memref_slice %arg19[%scan3A_285, %gather3A_655, %gather3A_656] : memref<2x320x128xf32, #tpu.memory_space<vmem>> -> memref<1x320x128xf32, #tpu.memory_space<vmem>>
        %gather3A_658 = tpu.memref_squeeze %gather3A_657 : memref<1x320x128xf32, #tpu.memory_space<vmem>> -> memref<320x128xf32, #tpu.memory_space<vmem>>
        %gather3A_659 = arith.constant 0 : i32
        %gather3A_660 = tpu.memref_slice %gather3A_658[%add3A_638, %gather3A_659] : memref<320x128xf32, #tpu.memory_space<vmem>> -> memref<1x128xf32, #tpu.memory_space<vmem>>
        %gather3A_661 = tpu.memref_squeeze %gather3A_660 : memref<1x128xf32, #tpu.memory_space<vmem>> -> memref<128xf32, #tpu.memory_space<vmem>>
        %gather3A_662 = tpu.vector_load_idx %gather3A_661[%add3A_654] : memref<128xf32, #tpu.memory_space<vmem>>[vector<16xi32>], vector<16xf32>,
        %mul3A_663 = arith.mulf %gather3A_662, %gather3A_452 : vector<16xf32>
        %add3A_664 = arith.addf %mul3A_651, %mul3A_663 : vector<16xf32>
        %add3A_665 = arith.constant 32 : i32
        %add3A_666 = vector.broadcast %add3A_665 : i32 to vector<16xi32>
        %add3A_667 = arith.addi %add3A_634, %add3A_666 : vector<16xi32>
        %gather3A_668 = arith.constant 0 : i32
        %gather3A_669 = arith.constant 0 : i32
        %gather3A_670 = tpu.memref_slice %arg19[%scan3A_285, %gather3A_668, %gather3A_669] : memref<2x320x128xf32, #tpu.memory_space<vmem>> -> memref<1x320x128xf32, #tpu.memory_space<vmem>>
        %gather3A_671 = tpu.memref_squeeze %gather3A_670 : memref<1x320x128xf32, #tpu.memory_space<vmem>> -> memref<320x128xf32, #tpu.memory_space<vmem>>
        %gather3A_672 = arith.constant 0 : i32
        %gather3A_673 = tpu.memref_slice %gather3A_671[%add3A_638, %gather3A_672] : memref<320x128xf32, #tpu.memory_space<vmem>> -> memref<1x128xf32, #tpu.memory_space<vmem>>
        %gather3A_674 = tpu.memref_squeeze %gather3A_673 : memref<1x128xf32, #tpu.memory_space<vmem>> -> memref<128xf32, #tpu.memory_space<vmem>>
        %gather3A_675 = tpu.vector_load_idx %gather3A_674[%add3A_667] : memref<128xf32, #tpu.memory_space<vmem>>[vector<16xi32>], vector<16xf32>,
        %mul3A_676 = arith.mulf %gather3A_675, %gather3A_463 : vector<16xf32>
        %add3A_677 = arith.addf %add3A_664, %mul3A_676 : vector<16xf32>
        %add3A_678 = arith.constant 48 : i32
        %add3A_679 = vector.broadcast %add3A_678 : i32 to vector<16xi32>
        %add3A_680 = arith.addi %add3A_634, %add3A_679 : vector<16xi32>
        %gather3A_681 = arith.constant 0 : i32
        %gather3A_682 = arith.constant 0 : i32
        %gather3A_683 = tpu.memref_slice %arg19[%scan3A_285, %gather3A_681, %gather3A_682] : memref<2x320x128xf32, #tpu.memory_space<vmem>> -> memref<1x320x128xf32, #tpu.memory_space<vmem>>
        %gather3A_684 = tpu.memref_squeeze %gather3A_683 : memref<1x320x128xf32, #tpu.memory_space<vmem>> -> memref<320x128xf32, #tpu.memory_space<vmem>>
        %gather3A_685 = arith.constant 0 : i32
        %gather3A_686 = tpu.memref_slice %gather3A_684[%add3A_638, %gather3A_685] : memref<320x128xf32, #tpu.memory_space<vmem>> -> memref<1x128xf32, #tpu.memory_space<vmem>>
        %gather3A_687 = tpu.memref_squeeze %gather3A_686 : memref<1x128xf32, #tpu.memory_space<vmem>> -> memref<128xf32, #tpu.memory_space<vmem>>
        %gather3A_688 = tpu.vector_load_idx %gather3A_687[%add3A_680] : memref<128xf32, #tpu.memory_space<vmem>>[vector<16xi32>], vector<16xf32>,
        %mul3A_689 = arith.mulf %gather3A_688, %gather3A_474 : vector<16xf32>
        %add3A_690 = arith.addf %add3A_677, %mul3A_689 : vector<16xf32>
        %broadcast_in_dim3A_691 = arith.constant true
        %broadcast_in_dim3A_692 = vector.broadcast %broadcast_in_dim3A_691 : i1 to vector<16xi1>
        %masked_cumsum3A_693 = tpu.scan <sum>, %add3A_690 masked %broadcast_in_dim3A_692 : vector<16xf32>, vector<16xi1> -> vector<16xf32>
        %broadcast_in_dim3A_694 = vector.broadcast %add3A_642 : i32 to vector<16xi32>
        tpu.vector_store_idx %arg20[%broadcast_in_dim3A_694], %masked_cumsum3A_693 masked %eq3A_18 : memref<10752xf32, #tpu.memory_space<vmem>>[vector<16xi32>], vector<16xf32>, vector<16xi1>
        %broadcast_in_dim3A_695 = arith.constant 2 : i32
        %broadcast_in_dim3A_696 = vector.broadcast %broadcast_in_dim3A_695 : i32 to vector<16xi32>
        %lt3A_697 = arith.constant 0 : i32
        %lt3A_698 = vector.broadcast %lt3A_697 : i32 to vector<16xi32>
        %lt3A_699 = arith.cmpi slt, %broadcast_in_dim3A_696, %lt3A_698 : vector<16xi32>
        %add3A_700 = arith.constant 16 : i32
        %add3A_701 = vector.broadcast %add3A_700 : i32 to vector<16xi32>
        %add3A_702 = arith.addi %broadcast_in_dim3A_696, %add3A_701 : vector<16xi32>
        %select_n3A_703 = arith.select %lt3A_699, %add3A_702, %broadcast_in_dim3A_696 : vector<16xi1>, vector<16xi32>
        %reshape3A_704 = vector.shape_cast %select_n3A_703 : vector<16xi32> to vector<16x1xi32>
        %gather3A_705 = vector.shape_cast %reshape3A_704 : vector<16x1xi32> to vector<16xi32>
        %gather3A_706 = tpu.dynamic_gather %get3A_415[%gather3A_705] in [0] : vector<16xi32>, vector<16xi32> -> vector<16xi32>
        %mul3A_707 = arith.constant 64 : i32
        %mul3A_708 = vector.broadcast %mul3A_707 : i32 to vector<16xi32>
        %mul3A_709 = arith.muli %gather3A_706, %mul3A_708 : vector<16xi32>
        %add3A_710 = arith.addi %mul3A_709, %iota3A_19 : vector<16xi32>
        %mul3A_711 = arith.constant 20 : i32
        %mul3A_712 = arith.muli %scan3A_407, %mul3A_711 : i32
        %add3A_713 = arith.constant 2 : i32
        %add3A_714 = arith.addi %mul3A_712, %add3A_713 : i32
        %add3A_715 = arith.constant 1 : i32
        %add3A_716 = arith.addi %mul3A_476, %add3A_715 : i32
        %add3A_717 = arith.constant 2 : i32
        %add3A_718 = arith.addi %add3A_716, %add3A_717 : i32
        %gather3A_719 = arith.constant 0 : i32
        %gather3A_720 = arith.constant 0 : i32
        %gather3A_721 = tpu.memref_slice %arg19[%scan3A_285, %gather3A_719, %gather3A_720] : memref<2x320x128xf32, #tpu.memory_space<vmem>> -> memref<1x320x128xf32, #tpu.memory_space<vmem>>
        %gather3A_722 = tpu.memref_squeeze %gather3A_721 : memref<1x320x128xf32, #tpu.memory_space<vmem>> -> memref<320x128xf32, #tpu.memory_space<vmem>>
        %gather3A_723 = arith.constant 0 : i32
        %gather3A_724 = tpu.memref_slice %gather3A_722[%add3A_714, %gather3A_723] : memref<320x128xf32, #tpu.memory_space<vmem>> -> memref<1x128xf32, #tpu.memory_space<vmem>>
        %gather3A_725 = tpu.memref_squeeze %gather3A_724 : memref<1x128xf32, #tpu.memory_space<vmem>> -> memref<128xf32, #tpu.memory_space<vmem>>
        %gather3A_726 = tpu.vector_load_idx %gather3A_725[%add3A_710] : memref<128xf32, #tpu.memory_space<vmem>>[vector<16xi32>], vector<16xf32>,
        %mul3A_727 = arith.mulf %gather3A_726, %gather3A_441 : vector<16xf32>
        %add3A_728 = arith.constant 16 : i32
        %add3A_729 = vector.broadcast %add3A_728 : i32 to vector<16xi32>
        %add3A_730 = arith.addi %add3A_710, %add3A_729 : vector<16xi32>
        %gather3A_731 = arith.constant 0 : i32
        %gather3A_732 = arith.constant 0 : i32
        %gather3A_733 = tpu.memref_slice %arg19[%scan3A_285, %gather3A_731, %gather3A_732] : memref<2x320x128xf32, #tpu.memory_space<vmem>> -> memref<1x320x128xf32, #tpu.memory_space<vmem>>
        %gather3A_734 = tpu.memref_squeeze %gather3A_733 : memref<1x320x128xf32, #tpu.memory_space<vmem>> -> memref<320x128xf32, #tpu.memory_space<vmem>>
        %gather3A_735 = arith.constant 0 : i32
        %gather3A_736 = tpu.memref_slice %gather3A_734[%add3A_714, %gather3A_735] : memref<320x128xf32, #tpu.memory_space<vmem>> -> memref<1x128xf32, #tpu.memory_space<vmem>>
        %gather3A_737 = tpu.memref_squeeze %gather3A_736 : memref<1x128xf32, #tpu.memory_space<vmem>> -> memref<128xf32, #tpu.memory_space<vmem>>
        %gather3A_738 = tpu.vector_load_idx %gather3A_737[%add3A_730] : memref<128xf32, #tpu.memory_space<vmem>>[vector<16xi32>], vector<16xf32>,
        %mul3A_739 = arith.mulf %gather3A_738, %gather3A_452 : vector<16xf32>
        %add3A_740 = arith.addf %mul3A_727, %mul3A_739 : vector<16xf32>
        %add3A_741 = arith.constant 32 : i32
        %add3A_742 = vector.broadcast %add3A_741 : i32 to vector<16xi32>
        %add3A_743 = arith.addi %add3A_710, %add3A_742 : vector<16xi32>
        %gather3A_744 = arith.constant 0 : i32
        %gather3A_745 = arith.constant 0 : i32
        %gather3A_746 = tpu.memref_slice %arg19[%scan3A_285, %gather3A_744, %gather3A_745] : memref<2x320x128xf32, #tpu.memory_space<vmem>> -> memref<1x320x128xf32, #tpu.memory_space<vmem>>
        %gather3A_747 = tpu.memref_squeeze %gather3A_746 : memref<1x320x128xf32, #tpu.memory_space<vmem>> -> memref<320x128xf32, #tpu.memory_space<vmem>>
        %gather3A_748 = arith.constant 0 : i32
        %gather3A_749 = tpu.memref_slice %gather3A_747[%add3A_714, %gather3A_748] : memref<320x128xf32, #tpu.memory_space<vmem>> -> memref<1x128xf32, #tpu.memory_space<vmem>>
        %gather3A_750 = tpu.memref_squeeze %gather3A_749 : memref<1x128xf32, #tpu.memory_space<vmem>> -> memref<128xf32, #tpu.memory_space<vmem>>
        %gather3A_751 = tpu.vector_load_idx %gather3A_750[%add3A_743] : memref<128xf32, #tpu.memory_space<vmem>>[vector<16xi32>], vector<16xf32>,
        %mul3A_752 = arith.mulf %gather3A_751, %gather3A_463 : vector<16xf32>
        %add3A_753 = arith.addf %add3A_740, %mul3A_752 : vector<16xf32>
        %add3A_754 = arith.constant 48 : i32
        %add3A_755 = vector.broadcast %add3A_754 : i32 to vector<16xi32>
        %add3A_756 = arith.addi %add3A_710, %add3A_755 : vector<16xi32>
        %gather3A_757 = arith.constant 0 : i32
        %gather3A_758 = arith.constant 0 : i32
        %gather3A_759 = tpu.memref_slice %arg19[%scan3A_285, %gather3A_757, %gather3A_758] : memref<2x320x128xf32, #tpu.memory_space<vmem>> -> memref<1x320x128xf32, #tpu.memory_space<vmem>>
        %gather3A_760 = tpu.memref_squeeze %gather3A_759 : memref<1x320x128xf32, #tpu.memory_space<vmem>> -> memref<320x128xf32, #tpu.memory_space<vmem>>
        %gather3A_761 = arith.constant 0 : i32
        %gather3A_762 = tpu.memref_slice %gather3A_760[%add3A_714, %gather3A_761] : memref<320x128xf32, #tpu.memory_space<vmem>> -> memref<1x128xf32, #tpu.memory_space<vmem>>
        %gather3A_763 = tpu.memref_squeeze %gather3A_762 : memref<1x128xf32, #tpu.memory_space<vmem>> -> memref<128xf32, #tpu.memory_space<vmem>>
        %gather3A_764 = tpu.vector_load_idx %gather3A_763[%add3A_756] : memref<128xf32, #tpu.memory_space<vmem>>[vector<16xi32>], vector<16xf32>,
        %mul3A_765 = arith.mulf %gather3A_764, %gather3A_474 : vector<16xf32>
        %add3A_766 = arith.addf %add3A_753, %mul3A_765 : vector<16xf32>
        %broadcast_in_dim3A_767 = arith.constant true
        %broadcast_in_dim3A_768 = vector.broadcast %broadcast_in_dim3A_767 : i1 to vector<16xi1>
        %masked_cumsum3A_769 = tpu.scan <sum>, %add3A_766 masked %broadcast_in_dim3A_768 : vector<16xf32>, vector<16xi1> -> vector<16xf32>
        %broadcast_in_dim3A_770 = vector.broadcast %add3A_718 : i32 to vector<16xi32>
        tpu.vector_store_idx %arg20[%broadcast_in_dim3A_770], %masked_cumsum3A_769 masked %eq3A_18 : memref<10752xf32, #tpu.memory_space<vmem>>[vector<16xi32>], vector<16xf32>, vector<16xi1>
        %broadcast_in_dim3A_771 = arith.constant 3 : i32
        %broadcast_in_dim3A_772 = vector.broadcast %broadcast_in_dim3A_771 : i32 to vector<16xi32>
        %lt3A_773 = arith.constant 0 : i32
        %lt3A_774 = vector.broadcast %lt3A_773 : i32 to vector<16xi32>
        %lt3A_775 = arith.cmpi slt, %broadcast_in_dim3A_772, %lt3A_774 : vector<16xi32>
        %add3A_776 = arith.constant 16 : i32
        %add3A_777 = vector.broadcast %add3A_776 : i32 to vector<16xi32>
        %add3A_778 = arith.addi %broadcast_in_dim3A_772, %add3A_777 : vector<16xi32>
        %select_n3A_779 = arith.select %lt3A_775, %add3A_778, %broadcast_in_dim3A_772 : vector<16xi1>, vector<16xi32>
        %reshape3A_780 = vector.shape_cast %select_n3A_779 : vector<16xi32> to vector<16x1xi32>
        %gather3A_781 = vector.shape_cast %reshape3A_780 : vector<16x1xi32> to vector<16xi32>
        %gather3A_782 = tpu.dynamic_gather %get3A_415[%gather3A_781] in [0] : vector<16xi32>, vector<16xi32> -> vector<16xi32>
        %mul3A_783 = arith.constant 64 : i32
        %mul3A_784 = vector.broadcast %mul3A_783 : i32 to vector<16xi32>
        %mul3A_785 = arith.muli %gather3A_782, %mul3A_784 : vector<16xi32>
        %add3A_786 = arith.addi %mul3A_785, %iota3A_19 : vector<16xi32>
        %mul3A_787 = arith.constant 20 : i32
        %mul3A_788 = arith.muli %scan3A_407, %mul3A_787 : i32
        %add3A_789 = arith.constant 3 : i32
        %add3A_790 = arith.addi %mul3A_788, %add3A_789 : i32
        %add3A_791 = arith.constant 1 : i32
        %add3A_792 = arith.addi %mul3A_476, %add3A_791 : i32
        %add3A_793 = arith.constant 3 : i32
        %add3A_794 = arith.addi %add3A_792, %add3A_793 : i32
        %gather3A_795 = arith.constant 0 : i32
        %gather3A_796 = arith.constant 0 : i32
        %gather3A_797 = tpu.memref_slice %arg19[%scan3A_285, %gather3A_795, %gather3A_796] : memref<2x320x128xf32, #tpu.memory_space<vmem>> -> memref<1x320x128xf32, #tpu.memory_space<vmem>>
        %gather3A_798 = tpu.memref_squeeze %gather3A_797 : memref<1x320x128xf32, #tpu.memory_space<vmem>> -> memref<320x128xf32, #tpu.memory_space<vmem>>
        %gather3A_799 = arith.constant 0 : i32
        %gather3A_800 = tpu.memref_slice %gather3A_798[%add3A_790, %gather3A_799] : memref<320x128xf32, #tpu.memory_space<vmem>> -> memref<1x128xf32, #tpu.memory_space<vmem>>
        %gather3A_801 = tpu.memref_squeeze %gather3A_800 : memref<1x128xf32, #tpu.memory_space<vmem>> -> memref<128xf32, #tpu.memory_space<vmem>>
        %gather3A_802 = tpu.vector_load_idx %gather3A_801[%add3A_786] : memref<128xf32, #tpu.memory_space<vmem>>[vector<16xi32>], vector<16xf32>,
        %mul3A_803 = arith.mulf %gather3A_802, %gather3A_441 : vector<16xf32>
        %add3A_804 = arith.constant 16 : i32
        %add3A_805 = vector.broadcast %add3A_804 : i32 to vector<16xi32>
        %add3A_806 = arith.addi %add3A_786, %add3A_805 : vector<16xi32>
        %gather3A_807 = arith.constant 0 : i32
        %gather3A_808 = arith.constant 0 : i32
        %gather3A_809 = tpu.memref_slice %arg19[%scan3A_285, %gather3A_807, %gather3A_808] : memref<2x320x128xf32, #tpu.memory_space<vmem>> -> memref<1x320x128xf32, #tpu.memory_space<vmem>>
        %gather3A_810 = tpu.memref_squeeze %gather3A_809 : memref<1x320x128xf32, #tpu.memory_space<vmem>> -> memref<320x128xf32, #tpu.memory_space<vmem>>
        %gather3A_811 = arith.constant 0 : i32
        %gather3A_812 = tpu.memref_slice %gather3A_810[%add3A_790, %gather3A_811] : memref<320x128xf32, #tpu.memory_space<vmem>> -> memref<1x128xf32, #tpu.memory_space<vmem>>
        %gather3A_813 = tpu.memref_squeeze %gather3A_812 : memref<1x128xf32, #tpu.memory_space<vmem>> -> memref<128xf32, #tpu.memory_space<vmem>>
        %gather3A_814 = tpu.vector_load_idx %gather3A_813[%add3A_806] : memref<128xf32, #tpu.memory_space<vmem>>[vector<16xi32>], vector<16xf32>,
        %mul3A_815 = arith.mulf %gather3A_814, %gather3A_452 : vector<16xf32>
        %add3A_816 = arith.addf %mul3A_803, %mul3A_815 : vector<16xf32>
        %add3A_817 = arith.constant 32 : i32
        %add3A_818 = vector.broadcast %add3A_817 : i32 to vector<16xi32>
        %add3A_819 = arith.addi %add3A_786, %add3A_818 : vector<16xi32>
        %gather3A_820 = arith.constant 0 : i32
        %gather3A_821 = arith.constant 0 : i32
        %gather3A_822 = tpu.memref_slice %arg19[%scan3A_285, %gather3A_820, %gather3A_821] : memref<2x320x128xf32, #tpu.memory_space<vmem>> -> memref<1x320x128xf32, #tpu.memory_space<vmem>>
        %gather3A_823 = tpu.memref_squeeze %gather3A_822 : memref<1x320x128xf32, #tpu.memory_space<vmem>> -> memref<320x128xf32, #tpu.memory_space<vmem>>
        %gather3A_824 = arith.constant 0 : i32
        %gather3A_825 = tpu.memref_slice %gather3A_823[%add3A_790, %gather3A_824] : memref<320x128xf32, #tpu.memory_space<vmem>> -> memref<1x128xf32, #tpu.memory_space<vmem>>
        %gather3A_826 = tpu.memref_squeeze %gather3A_825 : memref<1x128xf32, #tpu.memory_space<vmem>> -> memref<128xf32, #tpu.memory_space<vmem>>
        %gather3A_827 = tpu.vector_load_idx %gather3A_826[%add3A_819] : memref<128xf32, #tpu.memory_space<vmem>>[vector<16xi32>], vector<16xf32>,
        %mul3A_828 = arith.mulf %gather3A_827, %gather3A_463 : vector<16xf32>
        %add3A_829 = arith.addf %add3A_816, %mul3A_828 : vector<16xf32>
        %add3A_830 = arith.constant 48 : i32
        %add3A_831 = vector.broadcast %add3A_830 : i32 to vector<16xi32>
        %add3A_832 = arith.addi %add3A_786, %add3A_831 : vector<16xi32>
        %gather3A_833 = arith.constant 0 : i32
        %gather3A_834 = arith.constant 0 : i32
        %gather3A_835 = tpu.memref_slice %arg19[%scan3A_285, %gather3A_833, %gather3A_834] : memref<2x320x128xf32, #tpu.memory_space<vmem>> -> memref<1x320x128xf32, #tpu.memory_space<vmem>>
        %gather3A_836 = tpu.memref_squeeze %gather3A_835 : memref<1x320x128xf32, #tpu.memory_space<vmem>> -> memref<320x128xf32, #tpu.memory_space<vmem>>
        %gather3A_837 = arith.constant 0 : i32
        %gather3A_838 = tpu.memref_slice %gather3A_836[%add3A_790, %gather3A_837] : memref<320x128xf32, #tpu.memory_space<vmem>> -> memref<1x128xf32, #tpu.memory_space<vmem>>
        %gather3A_839 = tpu.memref_squeeze %gather3A_838 : memref<1x128xf32, #tpu.memory_space<vmem>> -> memref<128xf32, #tpu.memory_space<vmem>>
        %gather3A_840 = tpu.vector_load_idx %gather3A_839[%add3A_832] : memref<128xf32, #tpu.memory_space<vmem>>[vector<16xi32>], vector<16xf32>,
        %mul3A_841 = arith.mulf %gather3A_840, %gather3A_474 : vector<16xf32>
        %add3A_842 = arith.addf %add3A_829, %mul3A_841 : vector<16xf32>
        %broadcast_in_dim3A_843 = arith.constant true
        %broadcast_in_dim3A_844 = vector.broadcast %broadcast_in_dim3A_843 : i1 to vector<16xi1>
        %masked_cumsum3A_845 = tpu.scan <sum>, %add3A_842 masked %broadcast_in_dim3A_844 : vector<16xf32>, vector<16xi1> -> vector<16xf32>
        %broadcast_in_dim3A_846 = vector.broadcast %add3A_794 : i32 to vector<16xi32>
        tpu.vector_store_idx %arg20[%broadcast_in_dim3A_846], %masked_cumsum3A_845 masked %eq3A_18 : memref<10752xf32, #tpu.memory_space<vmem>>[vector<16xi32>], vector<16xf32>, vector<16xi1>
        %broadcast_in_dim3A_847 = arith.constant 4 : i32
        %broadcast_in_dim3A_848 = vector.broadcast %broadcast_in_dim3A_847 : i32 to vector<16xi32>
        %lt3A_849 = arith.constant 0 : i32
        %lt3A_850 = vector.broadcast %lt3A_849 : i32 to vector<16xi32>
        %lt3A_851 = arith.cmpi slt, %broadcast_in_dim3A_848, %lt3A_850 : vector<16xi32>
        %add3A_852 = arith.constant 16 : i32
        %add3A_853 = vector.broadcast %add3A_852 : i32 to vector<16xi32>
        %add3A_854 = arith.addi %broadcast_in_dim3A_848, %add3A_853 : vector<16xi32>
        %select_n3A_855 = arith.select %lt3A_851, %add3A_854, %broadcast_in_dim3A_848 : vector<16xi1>, vector<16xi32>
        %reshape3A_856 = vector.shape_cast %select_n3A_855 : vector<16xi32> to vector<16x1xi32>
        %gather3A_857 = vector.shape_cast %reshape3A_856 : vector<16x1xi32> to vector<16xi32>
        %gather3A_858 = tpu.dynamic_gather %get3A_415[%gather3A_857] in [0] : vector<16xi32>, vector<16xi32> -> vector<16xi32>
        %mul3A_859 = arith.constant 64 : i32
        %mul3A_860 = vector.broadcast %mul3A_859 : i32 to vector<16xi32>
        %mul3A_861 = arith.muli %gather3A_858, %mul3A_860 : vector<16xi32>
        %add3A_862 = arith.addi %mul3A_861, %iota3A_19 : vector<16xi32>
        %mul3A_863 = arith.constant 20 : i32
        %mul3A_864 = arith.muli %scan3A_407, %mul3A_863 : i32
        %add3A_865 = arith.constant 4 : i32
        %add3A_866 = arith.addi %mul3A_864, %add3A_865 : i32
        %add3A_867 = arith.constant 1 : i32
        %add3A_868 = arith.addi %mul3A_476, %add3A_867 : i32
        %add3A_869 = arith.constant 4 : i32
        %add3A_870 = arith.addi %add3A_868, %add3A_869 : i32
        %gather3A_871 = arith.constant 0 : i32
        %gather3A_872 = arith.constant 0 : i32
        %gather3A_873 = tpu.memref_slice %arg19[%scan3A_285, %gather3A_871, %gather3A_872] : memref<2x320x128xf32, #tpu.memory_space<vmem>> -> memref<1x320x128xf32, #tpu.memory_space<vmem>>
        %gather3A_874 = tpu.memref_squeeze %gather3A_873 : memref<1x320x128xf32, #tpu.memory_space<vmem>> -> memref<320x128xf32, #tpu.memory_space<vmem>>
        %gather3A_875 = arith.constant 0 : i32
        %gather3A_876 = tpu.memref_slice %gather3A_874[%add3A_866, %gather3A_875] : memref<320x128xf32, #tpu.memory_space<vmem>> -> memref<1x128xf32, #tpu.memory_space<vmem>>
        %gather3A_877 = tpu.memref_squeeze %gather3A_876 : memref<1x128xf32, #tpu.memory_space<vmem>> -> memref<128xf32, #tpu.memory_space<vmem>>
        %gather3A_878 = tpu.vector_load_idx %gather3A_877[%add3A_862] : memref<128xf32, #tpu.memory_space<vmem>>[vector<16xi32>], vector<16xf32>,
        %mul3A_879 = arith.mulf %gather3A_878, %gather3A_441 : vector<16xf32>
        %add3A_880 = arith.constant 16 : i32
        %add3A_881 = vector.broadcast %add3A_880 : i32 to vector<16xi32>
        %add3A_882 = arith.addi %add3A_862, %add3A_881 : vector<16xi32>
        %gather3A_883 = arith.constant 0 : i32
        %gather3A_884 = arith.constant 0 : i32
        %gather3A_885 = tpu.memref_slice %arg19[%scan3A_285, %gather3A_883, %gather3A_884] : memref<2x320x128xf32, #tpu.memory_space<vmem>> -> memref<1x320x128xf32, #tpu.memory_space<vmem>>
        %gather3A_886 = tpu.memref_squeeze %gather3A_885 : memref<1x320x128xf32, #tpu.memory_space<vmem>> -> memref<320x128xf32, #tpu.memory_space<vmem>>
        %gather3A_887 = arith.constant 0 : i32
        %gather3A_888 = tpu.memref_slice %gather3A_886[%add3A_866, %gather3A_887] : memref<320x128xf32, #tpu.memory_space<vmem>> -> memref<1x128xf32, #tpu.memory_space<vmem>>
        %gather3A_889 = tpu.memref_squeeze %gather3A_888 : memref<1x128xf32, #tpu.memory_space<vmem>> -> memref<128xf32, #tpu.memory_space<vmem>>
        %gather3A_890 = tpu.vector_load_idx %gather3A_889[%add3A_882] : memref<128xf32, #tpu.memory_space<vmem>>[vector<16xi32>], vector<16xf32>,
        %mul3A_891 = arith.mulf %gather3A_890, %gather3A_452 : vector<16xf32>
        %add3A_892 = arith.addf %mul3A_879, %mul3A_891 : vector<16xf32>
        %add3A_893 = arith.constant 32 : i32
        %add3A_894 = vector.broadcast %add3A_893 : i32 to vector<16xi32>
        %add3A_895 = arith.addi %add3A_862, %add3A_894 : vector<16xi32>
        %gather3A_896 = arith.constant 0 : i32
        %gather3A_897 = arith.constant 0 : i32
        %gather3A_898 = tpu.memref_slice %arg19[%scan3A_285, %gather3A_896, %gather3A_897] : memref<2x320x128xf32, #tpu.memory_space<vmem>> -> memref<1x320x128xf32, #tpu.memory_space<vmem>>
        %gather3A_899 = tpu.memref_squeeze %gather3A_898 : memref<1x320x128xf32, #tpu.memory_space<vmem>> -> memref<320x128xf32, #tpu.memory_space<vmem>>
        %gather3A_900 = arith.constant 0 : i32
        %gather3A_901 = tpu.memref_slice %gather3A_899[%add3A_866, %gather3A_900] : memref<320x128xf32, #tpu.memory_space<vmem>> -> memref<1x128xf32, #tpu.memory_space<vmem>>
        %gather3A_902 = tpu.memref_squeeze %gather3A_901 : memref<1x128xf32, #tpu.memory_space<vmem>> -> memref<128xf32, #tpu.memory_space<vmem>>
        %gather3A_903 = tpu.vector_load_idx %gather3A_902[%add3A_895] : memref<128xf32, #tpu.memory_space<vmem>>[vector<16xi32>], vector<16xf32>,
        %mul3A_904 = arith.mulf %gather3A_903, %gather3A_463 : vector<16xf32>
        %add3A_905 = arith.addf %add3A_892, %mul3A_904 : vector<16xf32>
        %add3A_906 = arith.constant 48 : i32
        %add3A_907 = vector.broadcast %add3A_906 : i32 to vector<16xi32>
        %add3A_908 = arith.addi %add3A_862, %add3A_907 : vector<16xi32>
        %gather3A_909 = arith.constant 0 : i32
        %gather3A_910 = arith.constant 0 : i32
        %gather3A_911 = tpu.memref_slice %arg19[%scan3A_285, %gather3A_909, %gather3A_910] : memref<2x320x128xf32, #tpu.memory_space<vmem>> -> memref<1x320x128xf32, #tpu.memory_space<vmem>>
        %gather3A_912 = tpu.memref_squeeze %gather3A_911 : memref<1x320x128xf32, #tpu.memory_space<vmem>> -> memref<320x128xf32, #tpu.memory_space<vmem>>
        %gather3A_913 = arith.constant 0 : i32
        %gather3A_914 = tpu.memref_slice %gather3A_912[%add3A_866, %gather3A_913] : memref<320x128xf32, #tpu.memory_space<vmem>> -> memref<1x128xf32, #tpu.memory_space<vmem>>
        %gather3A_915 = tpu.memref_squeeze %gather3A_914 : memref<1x128xf32, #tpu.memory_space<vmem>> -> memref<128xf32, #tpu.memory_space<vmem>>
        %gather3A_916 = tpu.vector_load_idx %gather3A_915[%add3A_908] : memref<128xf32, #tpu.memory_space<vmem>>[vector<16xi32>], vector<16xf32>,
        %mul3A_917 = arith.mulf %gather3A_916, %gather3A_474 : vector<16xf32>
        %add3A_918 = arith.addf %add3A_905, %mul3A_917 : vector<16xf32>
        %broadcast_in_dim3A_919 = arith.constant true
        %broadcast_in_dim3A_920 = vector.broadcast %broadcast_in_dim3A_919 : i1 to vector<16xi1>
        %masked_cumsum3A_921 = tpu.scan <sum>, %add3A_918 masked %broadcast_in_dim3A_920 : vector<16xf32>, vector<16xi1> -> vector<16xf32>
        %broadcast_in_dim3A_922 = vector.broadcast %add3A_870 : i32 to vector<16xi32>
        tpu.vector_store_idx %arg20[%broadcast_in_dim3A_922], %masked_cumsum3A_921 masked %eq3A_18 : memref<10752xf32, #tpu.memory_space<vmem>>[vector<16xi32>], vector<16xf32>, vector<16xi1>
        %broadcast_in_dim3A_923 = arith.constant 5 : i32
        %broadcast_in_dim3A_924 = vector.broadcast %broadcast_in_dim3A_923 : i32 to vector<16xi32>
        %lt3A_925 = arith.constant 0 : i32
        %lt3A_926 = vector.broadcast %lt3A_925 : i32 to vector<16xi32>
        %lt3A_927 = arith.cmpi slt, %broadcast_in_dim3A_924, %lt3A_926 : vector<16xi32>
        %add3A_928 = arith.constant 16 : i32
        %add3A_929 = vector.broadcast %add3A_928 : i32 to vector<16xi32>
        %add3A_930 = arith.addi %broadcast_in_dim3A_924, %add3A_929 : vector<16xi32>
        %select_n3A_931 = arith.select %lt3A_927, %add3A_930, %broadcast_in_dim3A_924 : vector<16xi1>, vector<16xi32>
        %reshape3A_932 = vector.shape_cast %select_n3A_931 : vector<16xi32> to vector<16x1xi32>
        %gather3A_933 = vector.shape_cast %reshape3A_932 : vector<16x1xi32> to vector<16xi32>
        %gather3A_934 = tpu.dynamic_gather %get3A_415[%gather3A_933] in [0] : vector<16xi32>, vector<16xi32> -> vector<16xi32>
        %mul3A_935 = arith.constant 64 : i32
        %mul3A_936 = vector.broadcast %mul3A_935 : i32 to vector<16xi32>
        %mul3A_937 = arith.muli %gather3A_934, %mul3A_936 : vector<16xi32>
        %add3A_938 = arith.addi %mul3A_937, %iota3A_19 : vector<16xi32>
        %mul3A_939 = arith.constant 20 : i32
        %mul3A_940 = arith.muli %scan3A_407, %mul3A_939 : i32
        %add3A_941 = arith.constant 5 : i32
        %add3A_942 = arith.addi %mul3A_940, %add3A_941 : i32
        %add3A_943 = arith.constant 1 : i32
        %add3A_944 = arith.addi %mul3A_476, %add3A_943 : i32
        %add3A_945 = arith.constant 5 : i32
        %add3A_946 = arith.addi %add3A_944, %add3A_945 : i32
        %gather3A_947 = arith.constant 0 : i32
        %gather3A_948 = arith.constant 0 : i32
        %gather3A_949 = tpu.memref_slice %arg19[%scan3A_285, %gather3A_947, %gather3A_948] : memref<2x320x128xf32, #tpu.memory_space<vmem>> -> memref<1x320x128xf32, #tpu.memory_space<vmem>>
        %gather3A_950 = tpu.memref_squeeze %gather3A_949 : memref<1x320x128xf32, #tpu.memory_space<vmem>> -> memref<320x128xf32, #tpu.memory_space<vmem>>
        %gather3A_951 = arith.constant 0 : i32
        %gather3A_952 = tpu.memref_slice %gather3A_950[%add3A_942, %gather3A_951] : memref<320x128xf32, #tpu.memory_space<vmem>> -> memref<1x128xf32, #tpu.memory_space<vmem>>
        %gather3A_953 = tpu.memref_squeeze %gather3A_952 : memref<1x128xf32, #tpu.memory_space<vmem>> -> memref<128xf32, #tpu.memory_space<vmem>>
        %gather3A_954 = tpu.vector_load_idx %gather3A_953[%add3A_938] : memref<128xf32, #tpu.memory_space<vmem>>[vector<16xi32>], vector<16xf32>,
        %mul3A_955 = arith.mulf %gather3A_954, %gather3A_441 : vector<16xf32>
        %add3A_956 = arith.constant 16 : i32
        %add3A_957 = vector.broadcast %add3A_956 : i32 to vector<16xi32>
        %add3A_958 = arith.addi %add3A_938, %add3A_957 : vector<16xi32>
        %gather3A_959 = arith.constant 0 : i32
        %gather3A_960 = arith.constant 0 : i32
        %gather3A_961 = tpu.memref_slice %arg19[%scan3A_285, %gather3A_959, %gather3A_960] : memref<2x320x128xf32, #tpu.memory_space<vmem>> -> memref<1x320x128xf32, #tpu.memory_space<vmem>>
        %gather3A_962 = tpu.memref_squeeze %gather3A_961 : memref<1x320x128xf32, #tpu.memory_space<vmem>> -> memref<320x128xf32, #tpu.memory_space<vmem>>
        %gather3A_963 = arith.constant 0 : i32
        %gather3A_964 = tpu.memref_slice %gather3A_962[%add3A_942, %gather3A_963] : memref<320x128xf32, #tpu.memory_space<vmem>> -> memref<1x128xf32, #tpu.memory_space<vmem>>
        %gather3A_965 = tpu.memref_squeeze %gather3A_964 : memref<1x128xf32, #tpu.memory_space<vmem>> -> memref<128xf32, #tpu.memory_space<vmem>>
        %gather3A_966 = tpu.vector_load_idx %gather3A_965[%add3A_958] : memref<128xf32, #tpu.memory_space<vmem>>[vector<16xi32>], vector<16xf32>,
        %mul3A_967 = arith.mulf %gather3A_966, %gather3A_452 : vector<16xf32>
        %add3A_968 = arith.addf %mul3A_955, %mul3A_967 : vector<16xf32>
        %add3A_969 = arith.constant 32 : i32
        %add3A_970 = vector.broadcast %add3A_969 : i32 to vector<16xi32>
        %add3A_971 = arith.addi %add3A_938, %add3A_970 : vector<16xi32>
        %gather3A_972 = arith.constant 0 : i32
        %gather3A_973 = arith.constant 0 : i32
        %gather3A_974 = tpu.memref_slice %arg19[%scan3A_285, %gather3A_972, %gather3A_973] : memref<2x320x128xf32, #tpu.memory_space<vmem>> -> memref<1x320x128xf32, #tpu.memory_space<vmem>>
        %gather3A_975 = tpu.memref_squeeze %gather3A_974 : memref<1x320x128xf32, #tpu.memory_space<vmem>> -> memref<320x128xf32, #tpu.memory_space<vmem>>
        %gather3A_976 = arith.constant 0 : i32
        %gather3A_977 = tpu.memref_slice %gather3A_975[%add3A_942, %gather3A_976] : memref<320x128xf32, #tpu.memory_space<vmem>> -> memref<1x128xf32, #tpu.memory_space<vmem>>
        %gather3A_978 = tpu.memref_squeeze %gather3A_977 : memref<1x128xf32, #tpu.memory_space<vmem>> -> memref<128xf32, #tpu.memory_space<vmem>>
        %gather3A_979 = tpu.vector_load_idx %gather3A_978[%add3A_971] : memref<128xf32, #tpu.memory_space<vmem>>[vector<16xi32>], vector<16xf32>,
        %mul3A_980 = arith.mulf %gather3A_979, %gather3A_463 : vector<16xf32>
        %add3A_981 = arith.addf %add3A_968, %mul3A_980 : vector<16xf32>
        %add3A_982 = arith.constant 48 : i32
        %add3A_983 = vector.broadcast %add3A_982 : i32 to vector<16xi32>
        %add3A_984 = arith.addi %add3A_938, %add3A_983 : vector<16xi32>
        %gather3A_985 = arith.constant 0 : i32
        %gather3A_986 = arith.constant 0 : i32
        %gather3A_987 = tpu.memref_slice %arg19[%scan3A_285, %gather3A_985, %gather3A_986] : memref<2x320x128xf32, #tpu.memory_space<vmem>> -> memref<1x320x128xf32, #tpu.memory_space<vmem>>
        %gather3A_988 = tpu.memref_squeeze %gather3A_987 : memref<1x320x128xf32, #tpu.memory_space<vmem>> -> memref<320x128xf32, #tpu.memory_space<vmem>>
        %gather3A_989 = arith.constant 0 : i32
        %gather3A_990 = tpu.memref_slice %gather3A_988[%add3A_942, %gather3A_989] : memref<320x128xf32, #tpu.memory_space<vmem>> -> memref<1x128xf32, #tpu.memory_space<vmem>>
        %gather3A_991 = tpu.memref_squeeze %gather3A_990 : memref<1x128xf32, #tpu.memory_space<vmem>> -> memref<128xf32, #tpu.memory_space<vmem>>
        %gather3A_992 = tpu.vector_load_idx %gather3A_991[%add3A_984] : memref<128xf32, #tpu.memory_space<vmem>>[vector<16xi32>], vector<16xf32>,
        %mul3A_993 = arith.mulf %gather3A_992, %gather3A_474 : vector<16xf32>
        %add3A_994 = arith.addf %add3A_981, %mul3A_993 : vector<16xf32>
        %broadcast_in_dim3A_995 = arith.constant true
        %broadcast_in_dim3A_996 = vector.broadcast %broadcast_in_dim3A_995 : i1 to vector<16xi1>
        %masked_cumsum3A_997 = tpu.scan <sum>, %add3A_994 masked %broadcast_in_dim3A_996 : vector<16xf32>, vector<16xi1> -> vector<16xf32>
        %broadcast_in_dim3A_998 = vector.broadcast %add3A_946 : i32 to vector<16xi32>
        tpu.vector_store_idx %arg20[%broadcast_in_dim3A_998], %masked_cumsum3A_997 masked %eq3A_18 : memref<10752xf32, #tpu.memory_space<vmem>>[vector<16xi32>], vector<16xf32>, vector<16xi1>
        %broadcast_in_dim3A_999 = arith.constant 6 : i32
        %broadcast_in_dim3A_1000 = vector.broadcast %broadcast_in_dim3A_999 : i32 to vector<16xi32>
        %lt3A_1001 = arith.constant 0 : i32
        %lt3A_1002 = vector.broadcast %lt3A_1001 : i32 to vector<16xi32>
        %lt3A_1003 = arith.cmpi slt, %broadcast_in_dim3A_1000, %lt3A_1002 : vector<16xi32>
        %add3A_1004 = arith.constant 16 : i32
        %add3A_1005 = vector.broadcast %add3A_1004 : i32 to vector<16xi32>
        %add3A_1006 = arith.addi %broadcast_in_dim3A_1000, %add3A_1005 : vector<16xi32>
        %select_n3A_1007 = arith.select %lt3A_1003, %add3A_1006, %broadcast_in_dim3A_1000 : vector<16xi1>, vector<16xi32>
        %reshape3A_1008 = vector.shape_cast %select_n3A_1007 : vector<16xi32> to vector<16x1xi32>
        %gather3A_1009 = vector.shape_cast %reshape3A_1008 : vector<16x1xi32> to vector<16xi32>
        %gather3A_1010 = tpu.dynamic_gather %get3A_415[%gather3A_1009] in [0] : vector<16xi32>, vector<16xi32> -> vector<16xi32>
        %mul3A_1011 = arith.constant 64 : i32
        %mul3A_1012 = vector.broadcast %mul3A_1011 : i32 to vector<16xi32>
        %mul3A_1013 = arith.muli %gather3A_1010, %mul3A_1012 : vector<16xi32>
        %add3A_1014 = arith.addi %mul3A_1013, %iota3A_19 : vector<16xi32>
        %mul3A_1015 = arith.constant 20 : i32
        %mul3A_1016 = arith.muli %scan3A_407, %mul3A_1015 : i32
        %add3A_1017 = arith.constant 6 : i32
        %add3A_1018 = arith.addi %mul3A_1016, %add3A_1017 : i32
        %add3A_1019 = arith.constant 1 : i32
        %add3A_1020 = arith.addi %mul3A_476, %add3A_1019 : i32
        %add3A_1021 = arith.constant 6 : i32
        %add3A_1022 = arith.addi %add3A_1020, %add3A_1021 : i32
        %gather3A_1023 = arith.constant 0 : i32
        %gather3A_1024 = arith.constant 0 : i32
        %gather3A_1025 = tpu.memref_slice %arg19[%scan3A_285, %gather3A_1023, %gather3A_1024] : memref<2x320x128xf32, #tpu.memory_space<vmem>> -> memref<1x320x128xf32, #tpu.memory_space<vmem>>
        %gather3A_1026 = tpu.memref_squeeze %gather3A_1025 : memref<1x320x128xf32, #tpu.memory_space<vmem>> -> memref<320x128xf32, #tpu.memory_space<vmem>>
        %gather3A_1027 = arith.constant 0 : i32
        %gather3A_1028 = tpu.memref_slice %gather3A_1026[%add3A_1018, %gather3A_1027] : memref<320x128xf32, #tpu.memory_space<vmem>> -> memref<1x128xf32, #tpu.memory_space<vmem>>
        %gather3A_1029 = tpu.memref_squeeze %gather3A_1028 : memref<1x128xf32, #tpu.memory_space<vmem>> -> memref<128xf32, #tpu.memory_space<vmem>>
        %gather3A_1030 = tpu.vector_load_idx %gather3A_1029[%add3A_1014] : memref<128xf32, #tpu.memory_space<vmem>>[vector<16xi32>], vector<16xf32>,
        %mul3A_1031 = arith.mulf %gather3A_1030, %gather3A_441 : vector<16xf32>
        %add3A_1032 = arith.constant 16 : i32
        %add3A_1033 = vector.broadcast %add3A_1032 : i32 to vector<16xi32>
        %add3A_1034 = arith.addi %add3A_1014, %add3A_1033 : vector<16xi32>
        %gather3A_1035 = arith.constant 0 : i32
        %gather3A_1036 = arith.constant 0 : i32
        %gather3A_1037 = tpu.memref_slice %arg19[%scan3A_285, %gather3A_1035, %gather3A_1036] : memref<2x320x128xf32, #tpu.memory_space<vmem>> -> memref<1x320x128xf32, #tpu.memory_space<vmem>>
        %gather3A_1038 = tpu.memref_squeeze %gather3A_1037 : memref<1x320x128xf32, #tpu.memory_space<vmem>> -> memref<320x128xf32, #tpu.memory_space<vmem>>
        %gather3A_1039 = arith.constant 0 : i32
        %gather3A_1040 = tpu.memref_slice %gather3A_1038[%add3A_1018, %gather3A_1039] : memref<320x128xf32, #tpu.memory_space<vmem>> -> memref<1x128xf32, #tpu.memory_space<vmem>>
        %gather3A_1041 = tpu.memref_squeeze %gather3A_1040 : memref<1x128xf32, #tpu.memory_space<vmem>> -> memref<128xf32, #tpu.memory_space<vmem>>
        %gather3A_1042 = tpu.vector_load_idx %gather3A_1041[%add3A_1034] : memref<128xf32, #tpu.memory_space<vmem>>[vector<16xi32>], vector<16xf32>,
        %mul3A_1043 = arith.mulf %gather3A_1042, %gather3A_452 : vector<16xf32>
        %add3A_1044 = arith.addf %mul3A_1031, %mul3A_1043 : vector<16xf32>
        %add3A_1045 = arith.constant 32 : i32
        %add3A_1046 = vector.broadcast %add3A_1045 : i32 to vector<16xi32>
        %add3A_1047 = arith.addi %add3A_1014, %add3A_1046 : vector<16xi32>
        %gather3A_1048 = arith.constant 0 : i32
        %gather3A_1049 = arith.constant 0 : i32
        %gather3A_1050 = tpu.memref_slice %arg19[%scan3A_285, %gather3A_1048, %gather3A_1049] : memref<2x320x128xf32, #tpu.memory_space<vmem>> -> memref<1x320x128xf32, #tpu.memory_space<vmem>>
        %gather3A_1051 = tpu.memref_squeeze %gather3A_1050 : memref<1x320x128xf32, #tpu.memory_space<vmem>> -> memref<320x128xf32, #tpu.memory_space<vmem>>
        %gather3A_1052 = arith.constant 0 : i32
        %gather3A_1053 = tpu.memref_slice %gather3A_1051[%add3A_1018, %gather3A_1052] : memref<320x128xf32, #tpu.memory_space<vmem>> -> memref<1x128xf32, #tpu.memory_space<vmem>>
        %gather3A_1054 = tpu.memref_squeeze %gather3A_1053 : memref<1x128xf32, #tpu.memory_space<vmem>> -> memref<128xf32, #tpu.memory_space<vmem>>
        %gather3A_1055 = tpu.vector_load_idx %gather3A_1054[%add3A_1047] : memref<128xf32, #tpu.memory_space<vmem>>[vector<16xi32>], vector<16xf32>,
        %mul3A_1056 = arith.mulf %gather3A_1055, %gather3A_463 : vector<16xf32>
        %add3A_1057 = arith.addf %add3A_1044, %mul3A_1056 : vector<16xf32>
        %add3A_1058 = arith.constant 48 : i32
        %add3A_1059 = vector.broadcast %add3A_1058 : i32 to vector<16xi32>
        %add3A_1060 = arith.addi %add3A_1014, %add3A_1059 : vector<16xi32>
        %gather3A_1061 = arith.constant 0 : i32
        %gather3A_1062 = arith.constant 0 : i32
        %gather3A_1063 = tpu.memref_slice %arg19[%scan3A_285, %gather3A_1061, %gather3A_1062] : memref<2x320x128xf32, #tpu.memory_space<vmem>> -> memref<1x320x128xf32, #tpu.memory_space<vmem>>
        %gather3A_1064 = tpu.memref_squeeze %gather3A_1063 : memref<1x320x128xf32, #tpu.memory_space<vmem>> -> memref<320x128xf32, #tpu.memory_space<vmem>>
        %gather3A_1065 = arith.constant 0 : i32
        %gather3A_1066 = tpu.memref_slice %gather3A_1064[%add3A_1018, %gather3A_1065] : memref<320x128xf32, #tpu.memory_space<vmem>> -> memref<1x128xf32, #tpu.memory_space<vmem>>
        %gather3A_1067 = tpu.memref_squeeze %gather3A_1066 : memref<1x128xf32, #tpu.memory_space<vmem>> -> memref<128xf32, #tpu.memory_space<vmem>>
        %gather3A_1068 = tpu.vector_load_idx %gather3A_1067[%add3A_1060] : memref<128xf32, #tpu.memory_space<vmem>>[vector<16xi32>], vector<16xf32>,
        %mul3A_1069 = arith.mulf %gather3A_1068, %gather3A_474 : vector<16xf32>
        %add3A_1070 = arith.addf %add3A_1057, %mul3A_1069 : vector<16xf32>
        %broadcast_in_dim3A_1071 = arith.constant true
        %broadcast_in_dim3A_1072 = vector.broadcast %broadcast_in_dim3A_1071 : i1 to vector<16xi1>
        %masked_cumsum3A_1073 = tpu.scan <sum>, %add3A_1070 masked %broadcast_in_dim3A_1072 : vector<16xf32>, vector<16xi1> -> vector<16xf32>
        %broadcast_in_dim3A_1074 = vector.broadcast %add3A_1022 : i32 to vector<16xi32>
        tpu.vector_store_idx %arg20[%broadcast_in_dim3A_1074], %masked_cumsum3A_1073 masked %eq3A_18 : memref<10752xf32, #tpu.memory_space<vmem>>[vector<16xi32>], vector<16xf32>, vector<16xi1>
        %broadcast_in_dim3A_1075 = arith.constant 7 : i32
        %broadcast_in_dim3A_1076 = vector.broadcast %broadcast_in_dim3A_1075 : i32 to vector<16xi32>
        %lt3A_1077 = arith.constant 0 : i32
        %lt3A_1078 = vector.broadcast %lt3A_1077 : i32 to vector<16xi32>
        %lt3A_1079 = arith.cmpi slt, %broadcast_in_dim3A_1076, %lt3A_1078 : vector<16xi32>
        %add3A_1080 = arith.constant 16 : i32
        %add3A_1081 = vector.broadcast %add3A_1080 : i32 to vector<16xi32>
        %add3A_1082 = arith.addi %broadcast_in_dim3A_1076, %add3A_1081 : vector<16xi32>
        %select_n3A_1083 = arith.select %lt3A_1079, %add3A_1082, %broadcast_in_dim3A_1076 : vector<16xi1>, vector<16xi32>
        %reshape3A_1084 = vector.shape_cast %select_n3A_1083 : vector<16xi32> to vector<16x1xi32>
        %gather3A_1085 = vector.shape_cast %reshape3A_1084 : vector<16x1xi32> to vector<16xi32>
        %gather3A_1086 = tpu.dynamic_gather %get3A_415[%gather3A_1085] in [0] : vector<16xi32>, vector<16xi32> -> vector<16xi32>
        %mul3A_1087 = arith.constant 64 : i32
        %mul3A_1088 = vector.broadcast %mul3A_1087 : i32 to vector<16xi32>
        %mul3A_1089 = arith.muli %gather3A_1086, %mul3A_1088 : vector<16xi32>
        %add3A_1090 = arith.addi %mul3A_1089, %iota3A_19 : vector<16xi32>
        %mul3A_1091 = arith.constant 20 : i32
        %mul3A_1092 = arith.muli %scan3A_407, %mul3A_1091 : i32
        %add3A_1093 = arith.constant 7 : i32
        %add3A_1094 = arith.addi %mul3A_1092, %add3A_1093 : i32
        %add3A_1095 = arith.constant 1 : i32
        %add3A_1096 = arith.addi %mul3A_476, %add3A_1095 : i32
        %add3A_1097 = arith.constant 7 : i32
        %add3A_1098 = arith.addi %add3A_1096, %add3A_1097 : i32
        %gather3A_1099 = arith.constant 0 : i32
        %gather3A_1100 = arith.constant 0 : i32
        %gather3A_1101 = tpu.memref_slice %arg19[%scan3A_285, %gather3A_1099, %gather3A_1100] : memref<2x320x128xf32, #tpu.memory_space<vmem>> -> memref<1x320x128xf32, #tpu.memory_space<vmem>>
        %gather3A_1102 = tpu.memref_squeeze %gather3A_1101 : memref<1x320x128xf32, #tpu.memory_space<vmem>> -> memref<320x128xf32, #tpu.memory_space<vmem>>
        %gather3A_1103 = arith.constant 0 : i32
        %gather3A_1104 = tpu.memref_slice %gather3A_1102[%add3A_1094, %gather3A_1103] : memref<320x128xf32, #tpu.memory_space<vmem>> -> memref<1x128xf32, #tpu.memory_space<vmem>>
        %gather3A_1105 = tpu.memref_squeeze %gather3A_1104 : memref<1x128xf32, #tpu.memory_space<vmem>> -> memref<128xf32, #tpu.memory_space<vmem>>
        %gather3A_1106 = tpu.vector_load_idx %gather3A_1105[%add3A_1090] : memref<128xf32, #tpu.memory_space<vmem>>[vector<16xi32>], vector<16xf32>,
        %mul3A_1107 = arith.mulf %gather3A_1106, %gather3A_441 : vector<16xf32>
        %add3A_1108 = arith.constant 16 : i32
        %add3A_1109 = vector.broadcast %add3A_1108 : i32 to vector<16xi32>
        %add3A_1110 = arith.addi %add3A_1090, %add3A_1109 : vector<16xi32>
        %gather3A_1111 = arith.constant 0 : i32
        %gather3A_1112 = arith.constant 0 : i32
        %gather3A_1113 = tpu.memref_slice %arg19[%scan3A_285, %gather3A_1111, %gather3A_1112] : memref<2x320x128xf32, #tpu.memory_space<vmem>> -> memref<1x320x128xf32, #tpu.memory_space<vmem>>
        %gather3A_1114 = tpu.memref_squeeze %gather3A_1113 : memref<1x320x128xf32, #tpu.memory_space<vmem>> -> memref<320x128xf32, #tpu.memory_space<vmem>>
        %gather3A_1115 = arith.constant 0 : i32
        %gather3A_1116 = tpu.memref_slice %gather3A_1114[%add3A_1094, %gather3A_1115] : memref<320x128xf32, #tpu.memory_space<vmem>> -> memref<1x128xf32, #tpu.memory_space<vmem>>
        %gather3A_1117 = tpu.memref_squeeze %gather3A_1116 : memref<1x128xf32, #tpu.memory_space<vmem>> -> memref<128xf32, #tpu.memory_space<vmem>>
        %gather3A_1118 = tpu.vector_load_idx %gather3A_1117[%add3A_1110] : memref<128xf32, #tpu.memory_space<vmem>>[vector<16xi32>], vector<16xf32>,
        %mul3A_1119 = arith.mulf %gather3A_1118, %gather3A_452 : vector<16xf32>
        %add3A_1120 = arith.addf %mul3A_1107, %mul3A_1119 : vector<16xf32>
        %add3A_1121 = arith.constant 32 : i32
        %add3A_1122 = vector.broadcast %add3A_1121 : i32 to vector<16xi32>
        %add3A_1123 = arith.addi %add3A_1090, %add3A_1122 : vector<16xi32>
        %gather3A_1124 = arith.constant 0 : i32
        %gather3A_1125 = arith.constant 0 : i32
        %gather3A_1126 = tpu.memref_slice %arg19[%scan3A_285, %gather3A_1124, %gather3A_1125] : memref<2x320x128xf32, #tpu.memory_space<vmem>> -> memref<1x320x128xf32, #tpu.memory_space<vmem>>
        %gather3A_1127 = tpu.memref_squeeze %gather3A_1126 : memref<1x320x128xf32, #tpu.memory_space<vmem>> -> memref<320x128xf32, #tpu.memory_space<vmem>>
        %gather3A_1128 = arith.constant 0 : i32
        %gather3A_1129 = tpu.memref_slice %gather3A_1127[%add3A_1094, %gather3A_1128] : memref<320x128xf32, #tpu.memory_space<vmem>> -> memref<1x128xf32, #tpu.memory_space<vmem>>
        %gather3A_1130 = tpu.memref_squeeze %gather3A_1129 : memref<1x128xf32, #tpu.memory_space<vmem>> -> memref<128xf32, #tpu.memory_space<vmem>>
        %gather3A_1131 = tpu.vector_load_idx %gather3A_1130[%add3A_1123] : memref<128xf32, #tpu.memory_space<vmem>>[vector<16xi32>], vector<16xf32>,
        %mul3A_1132 = arith.mulf %gather3A_1131, %gather3A_463 : vector<16xf32>
        %add3A_1133 = arith.addf %add3A_1120, %mul3A_1132 : vector<16xf32>
        %add3A_1134 = arith.constant 48 : i32
        %add3A_1135 = vector.broadcast %add3A_1134 : i32 to vector<16xi32>
        %add3A_1136 = arith.addi %add3A_1090, %add3A_1135 : vector<16xi32>
        %gather3A_1137 = arith.constant 0 : i32
        %gather3A_1138 = arith.constant 0 : i32
        %gather3A_1139 = tpu.memref_slice %arg19[%scan3A_285, %gather3A_1137, %gather3A_1138] : memref<2x320x128xf32, #tpu.memory_space<vmem>> -> memref<1x320x128xf32, #tpu.memory_space<vmem>>
        %gather3A_1140 = tpu.memref_squeeze %gather3A_1139 : memref<1x320x128xf32, #tpu.memory_space<vmem>> -> memref<320x128xf32, #tpu.memory_space<vmem>>
        %gather3A_1141 = arith.constant 0 : i32
        %gather3A_1142 = tpu.memref_slice %gather3A_1140[%add3A_1094, %gather3A_1141] : memref<320x128xf32, #tpu.memory_space<vmem>> -> memref<1x128xf32, #tpu.memory_space<vmem>>
        %gather3A_1143 = tpu.memref_squeeze %gather3A_1142 : memref<1x128xf32, #tpu.memory_space<vmem>> -> memref<128xf32, #tpu.memory_space<vmem>>
        %gather3A_1144 = tpu.vector_load_idx %gather3A_1143[%add3A_1136] : memref<128xf32, #tpu.memory_space<vmem>>[vector<16xi32>], vector<16xf32>,
        %mul3A_1145 = arith.mulf %gather3A_1144, %gather3A_474 : vector<16xf32>
        %add3A_1146 = arith.addf %add3A_1133, %mul3A_1145 : vector<16xf32>
        %broadcast_in_dim3A_1147 = arith.constant true
        %broadcast_in_dim3A_1148 = vector.broadcast %broadcast_in_dim3A_1147 : i1 to vector<16xi1>
        %masked_cumsum3A_1149 = tpu.scan <sum>, %add3A_1146 masked %broadcast_in_dim3A_1148 : vector<16xf32>, vector<16xi1> -> vector<16xf32>
        %broadcast_in_dim3A_1150 = vector.broadcast %add3A_1098 : i32 to vector<16xi32>
        tpu.vector_store_idx %arg20[%broadcast_in_dim3A_1150], %masked_cumsum3A_1149 masked %eq3A_18 : memref<10752xf32, #tpu.memory_space<vmem>>[vector<16xi32>], vector<16xf32>, vector<16xi1>
        %broadcast_in_dim3A_1151 = arith.constant 0 : i32
        %broadcast_in_dim3A_1152 = vector.broadcast %broadcast_in_dim3A_1151 : i32 to vector<16xi32>
        %lt3A_1153 = arith.constant 0 : i32
        %lt3A_1154 = vector.broadcast %lt3A_1153 : i32 to vector<16xi32>
        %lt3A_1155 = arith.cmpi slt, %broadcast_in_dim3A_1152, %lt3A_1154 : vector<16xi32>
        %add3A_1156 = arith.constant 16 : i32
        %add3A_1157 = vector.broadcast %add3A_1156 : i32 to vector<16xi32>
        %add3A_1158 = arith.addi %broadcast_in_dim3A_1152, %add3A_1157 : vector<16xi32>
        %select_n3A_1159 = arith.select %lt3A_1155, %add3A_1158, %broadcast_in_dim3A_1152 : vector<16xi1>, vector<16xi32>
        %reshape3A_1160 = vector.shape_cast %select_n3A_1159 : vector<16xi32> to vector<16x1xi32>
        %gather3A_1161 = vector.shape_cast %reshape3A_1160 : vector<16x1xi32> to vector<16xi32>
        %gather3A_1162 = tpu.dynamic_gather %get3A_419[%gather3A_1161] in [0] : vector<16xi32>, vector<16xi32> -> vector<16xi32>
        %mul3A_1163 = arith.constant 64 : i32
        %mul3A_1164 = vector.broadcast %mul3A_1163 : i32 to vector<16xi32>
        %mul3A_1165 = arith.muli %gather3A_1162, %mul3A_1164 : vector<16xi32>
        %add3A_1166 = arith.addi %mul3A_1165, %iota3A_19 : vector<16xi32>
        %mul3A_1167 = arith.constant 20 : i32
        %mul3A_1168 = arith.muli %scan3A_407, %mul3A_1167 : i32
        %add3A_1169 = arith.constant 8 : i32
        %add3A_1170 = arith.addi %mul3A_1168, %add3A_1169 : i32
        %add3A_1171 = arith.constant 1 : i32
        %add3A_1172 = arith.addi %mul3A_476, %add3A_1171 : i32
        %add3A_1173 = arith.constant 8 : i32
        %add3A_1174 = arith.addi %add3A_1172, %add3A_1173 : i32
        %gather3A_1175 = arith.constant 0 : i32
        %gather3A_1176 = arith.constant 0 : i32
        %gather3A_1177 = tpu.memref_slice %arg19[%scan3A_285, %gather3A_1175, %gather3A_1176] : memref<2x320x128xf32, #tpu.memory_space<vmem>> -> memref<1x320x128xf32, #tpu.memory_space<vmem>>
        %gather3A_1178 = tpu.memref_squeeze %gather3A_1177 : memref<1x320x128xf32, #tpu.memory_space<vmem>> -> memref<320x128xf32, #tpu.memory_space<vmem>>
        %gather3A_1179 = arith.constant 0 : i32
        %gather3A_1180 = tpu.memref_slice %gather3A_1178[%add3A_1170, %gather3A_1179] : memref<320x128xf32, #tpu.memory_space<vmem>> -> memref<1x128xf32, #tpu.memory_space<vmem>>
        %gather3A_1181 = tpu.memref_squeeze %gather3A_1180 : memref<1x128xf32, #tpu.memory_space<vmem>> -> memref<128xf32, #tpu.memory_space<vmem>>
        %gather3A_1182 = tpu.vector_load_idx %gather3A_1181[%add3A_1166] : memref<128xf32, #tpu.memory_space<vmem>>[vector<16xi32>], vector<16xf32>,
        %mul3A_1183 = arith.mulf %gather3A_1182, %gather3A_441 : vector<16xf32>
        %add3A_1184 = arith.constant 16 : i32
        %add3A_1185 = vector.broadcast %add3A_1184 : i32 to vector<16xi32>
        %add3A_1186 = arith.addi %add3A_1166, %add3A_1185 : vector<16xi32>
        %gather3A_1187 = arith.constant 0 : i32
        %gather3A_1188 = arith.constant 0 : i32
        %gather3A_1189 = tpu.memref_slice %arg19[%scan3A_285, %gather3A_1187, %gather3A_1188] : memref<2x320x128xf32, #tpu.memory_space<vmem>> -> memref<1x320x128xf32, #tpu.memory_space<vmem>>
        %gather3A_1190 = tpu.memref_squeeze %gather3A_1189 : memref<1x320x128xf32, #tpu.memory_space<vmem>> -> memref<320x128xf32, #tpu.memory_space<vmem>>
        %gather3A_1191 = arith.constant 0 : i32
        %gather3A_1192 = tpu.memref_slice %gather3A_1190[%add3A_1170, %gather3A_1191] : memref<320x128xf32, #tpu.memory_space<vmem>> -> memref<1x128xf32, #tpu.memory_space<vmem>>
        %gather3A_1193 = tpu.memref_squeeze %gather3A_1192 : memref<1x128xf32, #tpu.memory_space<vmem>> -> memref<128xf32, #tpu.memory_space<vmem>>
        %gather3A_1194 = tpu.vector_load_idx %gather3A_1193[%add3A_1186] : memref<128xf32, #tpu.memory_space<vmem>>[vector<16xi32>], vector<16xf32>,
        %mul3A_1195 = arith.mulf %gather3A_1194, %gather3A_452 : vector<16xf32>
        %add3A_1196 = arith.addf %mul3A_1183, %mul3A_1195 : vector<16xf32>
        %add3A_1197 = arith.constant 32 : i32
        %add3A_1198 = vector.broadcast %add3A_1197 : i32 to vector<16xi32>
        %add3A_1199 = arith.addi %add3A_1166, %add3A_1198 : vector<16xi32>
        %gather3A_1200 = arith.constant 0 : i32
        %gather3A_1201 = arith.constant 0 : i32
        %gather3A_1202 = tpu.memref_slice %arg19[%scan3A_285, %gather3A_1200, %gather3A_1201] : memref<2x320x128xf32, #tpu.memory_space<vmem>> -> memref<1x320x128xf32, #tpu.memory_space<vmem>>
        %gather3A_1203 = tpu.memref_squeeze %gather3A_1202 : memref<1x320x128xf32, #tpu.memory_space<vmem>> -> memref<320x128xf32, #tpu.memory_space<vmem>>
        %gather3A_1204 = arith.constant 0 : i32
        %gather3A_1205 = tpu.memref_slice %gather3A_1203[%add3A_1170, %gather3A_1204] : memref<320x128xf32, #tpu.memory_space<vmem>> -> memref<1x128xf32, #tpu.memory_space<vmem>>
        %gather3A_1206 = tpu.memref_squeeze %gather3A_1205 : memref<1x128xf32, #tpu.memory_space<vmem>> -> memref<128xf32, #tpu.memory_space<vmem>>
        %gather3A_1207 = tpu.vector_load_idx %gather3A_1206[%add3A_1199] : memref<128xf32, #tpu.memory_space<vmem>>[vector<16xi32>], vector<16xf32>,
        %mul3A_1208 = arith.mulf %gather3A_1207, %gather3A_463 : vector<16xf32>
        %add3A_1209 = arith.addf %add3A_1196, %mul3A_1208 : vector<16xf32>
        %add3A_1210 = arith.constant 48 : i32
        %add3A_1211 = vector.broadcast %add3A_1210 : i32 to vector<16xi32>
        %add3A_1212 = arith.addi %add3A_1166, %add3A_1211 : vector<16xi32>
        %gather3A_1213 = arith.constant 0 : i32
        %gather3A_1214 = arith.constant 0 : i32
        %gather3A_1215 = tpu.memref_slice %arg19[%scan3A_285, %gather3A_1213, %gather3A_1214] : memref<2x320x128xf32, #tpu.memory_space<vmem>> -> memref<1x320x128xf32, #tpu.memory_space<vmem>>
        %gather3A_1216 = tpu.memref_squeeze %gather3A_1215 : memref<1x320x128xf32, #tpu.memory_space<vmem>> -> memref<320x128xf32, #tpu.memory_space<vmem>>
        %gather3A_1217 = arith.constant 0 : i32
        %gather3A_1218 = tpu.memref_slice %gather3A_1216[%add3A_1170, %gather3A_1217] : memref<320x128xf32, #tpu.memory_space<vmem>> -> memref<1x128xf32, #tpu.memory_space<vmem>>
        %gather3A_1219 = tpu.memref_squeeze %gather3A_1218 : memref<1x128xf32, #tpu.memory_space<vmem>> -> memref<128xf32, #tpu.memory_space<vmem>>
        %gather3A_1220 = tpu.vector_load_idx %gather3A_1219[%add3A_1212] : memref<128xf32, #tpu.memory_space<vmem>>[vector<16xi32>], vector<16xf32>,
        %mul3A_1221 = arith.mulf %gather3A_1220, %gather3A_474 : vector<16xf32>
        %add3A_1222 = arith.addf %add3A_1209, %mul3A_1221 : vector<16xf32>
        %broadcast_in_dim3A_1223 = arith.constant true
        %broadcast_in_dim3A_1224 = vector.broadcast %broadcast_in_dim3A_1223 : i1 to vector<16xi1>
        %masked_cumsum3A_1225 = tpu.scan <sum>, %add3A_1222 masked %broadcast_in_dim3A_1224 : vector<16xf32>, vector<16xi1> -> vector<16xf32>
        %broadcast_in_dim3A_1226 = vector.broadcast %add3A_1174 : i32 to vector<16xi32>
        tpu.vector_store_idx %arg20[%broadcast_in_dim3A_1226], %masked_cumsum3A_1225 masked %eq3A_18 : memref<10752xf32, #tpu.memory_space<vmem>>[vector<16xi32>], vector<16xf32>, vector<16xi1>
        %broadcast_in_dim3A_1227 = arith.constant 1 : i32
        %broadcast_in_dim3A_1228 = vector.broadcast %broadcast_in_dim3A_1227 : i32 to vector<16xi32>
        %lt3A_1229 = arith.constant 0 : i32
        %lt3A_1230 = vector.broadcast %lt3A_1229 : i32 to vector<16xi32>
        %lt3A_1231 = arith.cmpi slt, %broadcast_in_dim3A_1228, %lt3A_1230 : vector<16xi32>
        %add3A_1232 = arith.constant 16 : i32
        %add3A_1233 = vector.broadcast %add3A_1232 : i32 to vector<16xi32>
        %add3A_1234 = arith.addi %broadcast_in_dim3A_1228, %add3A_1233 : vector<16xi32>
        %select_n3A_1235 = arith.select %lt3A_1231, %add3A_1234, %broadcast_in_dim3A_1228 : vector<16xi1>, vector<16xi32>
        %reshape3A_1236 = vector.shape_cast %select_n3A_1235 : vector<16xi32> to vector<16x1xi32>
        %gather3A_1237 = vector.shape_cast %reshape3A_1236 : vector<16x1xi32> to vector<16xi32>
        %gather3A_1238 = tpu.dynamic_gather %get3A_419[%gather3A_1237] in [0] : vector<16xi32>, vector<16xi32> -> vector<16xi32>
        %mul3A_1239 = arith.constant 64 : i32
        %mul3A_1240 = vector.broadcast %mul3A_1239 : i32 to vector<16xi32>
        %mul3A_1241 = arith.muli %gather3A_1238, %mul3A_1240 : vector<16xi32>
        %add3A_1242 = arith.addi %mul3A_1241, %iota3A_19 : vector<16xi32>
        %mul3A_1243 = arith.constant 20 : i32
        %mul3A_1244 = arith.muli %scan3A_407, %mul3A_1243 : i32
        %add3A_1245 = arith.constant 9 : i32
        %add3A_1246 = arith.addi %mul3A_1244, %add3A_1245 : i32
        %add3A_1247 = arith.constant 1 : i32
        %add3A_1248 = arith.addi %mul3A_476, %add3A_1247 : i32
        %add3A_1249 = arith.constant 9 : i32
        %add3A_1250 = arith.addi %add3A_1248, %add3A_1249 : i32
        %gather3A_1251 = arith.constant 0 : i32
        %gather3A_1252 = arith.constant 0 : i32
        %gather3A_1253 = tpu.memref_slice %arg19[%scan3A_285, %gather3A_1251, %gather3A_1252] : memref<2x320x128xf32, #tpu.memory_space<vmem>> -> memref<1x320x128xf32, #tpu.memory_space<vmem>>
        %gather3A_1254 = tpu.memref_squeeze %gather3A_1253 : memref<1x320x128xf32, #tpu.memory_space<vmem>> -> memref<320x128xf32, #tpu.memory_space<vmem>>
        %gather3A_1255 = arith.constant 0 : i32
        %gather3A_1256 = tpu.memref_slice %gather3A_1254[%add3A_1246, %gather3A_1255] : memref<320x128xf32, #tpu.memory_space<vmem>> -> memref<1x128xf32, #tpu.memory_space<vmem>>
        %gather3A_1257 = tpu.memref_squeeze %gather3A_1256 : memref<1x128xf32, #tpu.memory_space<vmem>> -> memref<128xf32, #tpu.memory_space<vmem>>
        %gather3A_1258 = tpu.vector_load_idx %gather3A_1257[%add3A_1242] : memref<128xf32, #tpu.memory_space<vmem>>[vector<16xi32>], vector<16xf32>,
        %mul3A_1259 = arith.mulf %gather3A_1258, %gather3A_441 : vector<16xf32>
        %add3A_1260 = arith.constant 16 : i32
        %add3A_1261 = vector.broadcast %add3A_1260 : i32 to vector<16xi32>
        %add3A_1262 = arith.addi %add3A_1242, %add3A_1261 : vector<16xi32>
        %gather3A_1263 = arith.constant 0 : i32
        %gather3A_1264 = arith.constant 0 : i32
        %gather3A_1265 = tpu.memref_slice %arg19[%scan3A_285, %gather3A_1263, %gather3A_1264] : memref<2x320x128xf32, #tpu.memory_space<vmem>> -> memref<1x320x128xf32, #tpu.memory_space<vmem>>
        %gather3A_1266 = tpu.memref_squeeze %gather3A_1265 : memref<1x320x128xf32, #tpu.memory_space<vmem>> -> memref<320x128xf32, #tpu.memory_space<vmem>>
        %gather3A_1267 = arith.constant 0 : i32
        %gather3A_1268 = tpu.memref_slice %gather3A_1266[%add3A_1246, %gather3A_1267] : memref<320x128xf32, #tpu.memory_space<vmem>> -> memref<1x128xf32, #tpu.memory_space<vmem>>
        %gather3A_1269 = tpu.memref_squeeze %gather3A_1268 : memref<1x128xf32, #tpu.memory_space<vmem>> -> memref<128xf32, #tpu.memory_space<vmem>>
        %gather3A_1270 = tpu.vector_load_idx %gather3A_1269[%add3A_1262] : memref<128xf32, #tpu.memory_space<vmem>>[vector<16xi32>], vector<16xf32>,
        %mul3A_1271 = arith.mulf %gather3A_1270, %gather3A_452 : vector<16xf32>
        %add3A_1272 = arith.addf %mul3A_1259, %mul3A_1271 : vector<16xf32>
        %add3A_1273 = arith.constant 32 : i32
        %add3A_1274 = vector.broadcast %add3A_1273 : i32 to vector<16xi32>
        %add3A_1275 = arith.addi %add3A_1242, %add3A_1274 : vector<16xi32>
        %gather3A_1276 = arith.constant 0 : i32
        %gather3A_1277 = arith.constant 0 : i32
        %gather3A_1278 = tpu.memref_slice %arg19[%scan3A_285, %gather3A_1276, %gather3A_1277] : memref<2x320x128xf32, #tpu.memory_space<vmem>> -> memref<1x320x128xf32, #tpu.memory_space<vmem>>
        %gather3A_1279 = tpu.memref_squeeze %gather3A_1278 : memref<1x320x128xf32, #tpu.memory_space<vmem>> -> memref<320x128xf32, #tpu.memory_space<vmem>>
        %gather3A_1280 = arith.constant 0 : i32
        %gather3A_1281 = tpu.memref_slice %gather3A_1279[%add3A_1246, %gather3A_1280] : memref<320x128xf32, #tpu.memory_space<vmem>> -> memref<1x128xf32, #tpu.memory_space<vmem>>
        %gather3A_1282 = tpu.memref_squeeze %gather3A_1281 : memref<1x128xf32, #tpu.memory_space<vmem>> -> memref<128xf32, #tpu.memory_space<vmem>>
        %gather3A_1283 = tpu.vector_load_idx %gather3A_1282[%add3A_1275] : memref<128xf32, #tpu.memory_space<vmem>>[vector<16xi32>], vector<16xf32>,
        %mul3A_1284 = arith.mulf %gather3A_1283, %gather3A_463 : vector<16xf32>
        %add3A_1285 = arith.addf %add3A_1272, %mul3A_1284 : vector<16xf32>
        %add3A_1286 = arith.constant 48 : i32
        %add3A_1287 = vector.broadcast %add3A_1286 : i32 to vector<16xi32>
        %add3A_1288 = arith.addi %add3A_1242, %add3A_1287 : vector<16xi32>
        %gather3A_1289 = arith.constant 0 : i32
        %gather3A_1290 = arith.constant 0 : i32
        %gather3A_1291 = tpu.memref_slice %arg19[%scan3A_285, %gather3A_1289, %gather3A_1290] : memref<2x320x128xf32, #tpu.memory_space<vmem>> -> memref<1x320x128xf32, #tpu.memory_space<vmem>>
        %gather3A_1292 = tpu.memref_squeeze %gather3A_1291 : memref<1x320x128xf32, #tpu.memory_space<vmem>> -> memref<320x128xf32, #tpu.memory_space<vmem>>
        %gather3A_1293 = arith.constant 0 : i32
        %gather3A_1294 = tpu.memref_slice %gather3A_1292[%add3A_1246, %gather3A_1293] : memref<320x128xf32, #tpu.memory_space<vmem>> -> memref<1x128xf32, #tpu.memory_space<vmem>>
        %gather3A_1295 = tpu.memref_squeeze %gather3A_1294 : memref<1x128xf32, #tpu.memory_space<vmem>> -> memref<128xf32, #tpu.memory_space<vmem>>
        %gather3A_1296 = tpu.vector_load_idx %gather3A_1295[%add3A_1288] : memref<128xf32, #tpu.memory_space<vmem>>[vector<16xi32>], vector<16xf32>,
        %mul3A_1297 = arith.mulf %gather3A_1296, %gather3A_474 : vector<16xf32>
        %add3A_1298 = arith.addf %add3A_1285, %mul3A_1297 : vector<16xf32>
        %broadcast_in_dim3A_1299 = arith.constant true
        %broadcast_in_dim3A_1300 = vector.broadcast %broadcast_in_dim3A_1299 : i1 to vector<16xi1>
        %masked_cumsum3A_1301 = tpu.scan <sum>, %add3A_1298 masked %broadcast_in_dim3A_1300 : vector<16xf32>, vector<16xi1> -> vector<16xf32>
        %broadcast_in_dim3A_1302 = vector.broadcast %add3A_1250 : i32 to vector<16xi32>
        tpu.vector_store_idx %arg20[%broadcast_in_dim3A_1302], %masked_cumsum3A_1301 masked %eq3A_18 : memref<10752xf32, #tpu.memory_space<vmem>>[vector<16xi32>], vector<16xf32>, vector<16xi1>
        %broadcast_in_dim3A_1303 = arith.constant 2 : i32
        %broadcast_in_dim3A_1304 = vector.broadcast %broadcast_in_dim3A_1303 : i32 to vector<16xi32>
        %lt3A_1305 = arith.constant 0 : i32
        %lt3A_1306 = vector.broadcast %lt3A_1305 : i32 to vector<16xi32>
        %lt3A_1307 = arith.cmpi slt, %broadcast_in_dim3A_1304, %lt3A_1306 : vector<16xi32>
        %add3A_1308 = arith.constant 16 : i32
        %add3A_1309 = vector.broadcast %add3A_1308 : i32 to vector<16xi32>
        %add3A_1310 = arith.addi %broadcast_in_dim3A_1304, %add3A_1309 : vector<16xi32>
        %select_n3A_1311 = arith.select %lt3A_1307, %add3A_1310, %broadcast_in_dim3A_1304 : vector<16xi1>, vector<16xi32>
        %reshape3A_1312 = vector.shape_cast %select_n3A_1311 : vector<16xi32> to vector<16x1xi32>
        %gather3A_1313 = vector.shape_cast %reshape3A_1312 : vector<16x1xi32> to vector<16xi32>
        %gather3A_1314 = tpu.dynamic_gather %get3A_419[%gather3A_1313] in [0] : vector<16xi32>, vector<16xi32> -> vector<16xi32>
        %mul3A_1315 = arith.constant 64 : i32
        %mul3A_1316 = vector.broadcast %mul3A_1315 : i32 to vector<16xi32>
        %mul3A_1317 = arith.muli %gather3A_1314, %mul3A_1316 : vector<16xi32>
        %add3A_1318 = arith.addi %mul3A_1317, %iota3A_19 : vector<16xi32>
        %mul3A_1319 = arith.constant 20 : i32
        %mul3A_1320 = arith.muli %scan3A_407, %mul3A_1319 : i32
        %add3A_1321 = arith.constant 10 : i32
        %add3A_1322 = arith.addi %mul3A_1320, %add3A_1321 : i32
        %add3A_1323 = arith.constant 1 : i32
        %add3A_1324 = arith.addi %mul3A_476, %add3A_1323 : i32
        %add3A_1325 = arith.constant 10 : i32
        %add3A_1326 = arith.addi %add3A_1324, %add3A_1325 : i32
        %gather3A_1327 = arith.constant 0 : i32
        %gather3A_1328 = arith.constant 0 : i32
        %gather3A_1329 = tpu.memref_slice %arg19[%scan3A_285, %gather3A_1327, %gather3A_1328] : memref<2x320x128xf32, #tpu.memory_space<vmem>> -> memref<1x320x128xf32, #tpu.memory_space<vmem>>
        %gather3A_1330 = tpu.memref_squeeze %gather3A_1329 : memref<1x320x128xf32, #tpu.memory_space<vmem>> -> memref<320x128xf32, #tpu.memory_space<vmem>>
        %gather3A_1331 = arith.constant 0 : i32
        %gather3A_1332 = tpu.memref_slice %gather3A_1330[%add3A_1322, %gather3A_1331] : memref<320x128xf32, #tpu.memory_space<vmem>> -> memref<1x128xf32, #tpu.memory_space<vmem>>
        %gather3A_1333 = tpu.memref_squeeze %gather3A_1332 : memref<1x128xf32, #tpu.memory_space<vmem>> -> memref<128xf32, #tpu.memory_space<vmem>>
        %gather3A_1334 = tpu.vector_load_idx %gather3A_1333[%add3A_1318] : memref<128xf32, #tpu.memory_space<vmem>>[vector<16xi32>], vector<16xf32>,
        %mul3A_1335 = arith.mulf %gather3A_1334, %gather3A_441 : vector<16xf32>
        %add3A_1336 = arith.constant 16 : i32
        %add3A_1337 = vector.broadcast %add3A_1336 : i32 to vector<16xi32>
        %add3A_1338 = arith.addi %add3A_1318, %add3A_1337 : vector<16xi32>
        %gather3A_1339 = arith.constant 0 : i32
        %gather3A_1340 = arith.constant 0 : i32
        %gather3A_1341 = tpu.memref_slice %arg19[%scan3A_285, %gather3A_1339, %gather3A_1340] : memref<2x320x128xf32, #tpu.memory_space<vmem>> -> memref<1x320x128xf32, #tpu.memory_space<vmem>>
        %gather3A_1342 = tpu.memref_squeeze %gather3A_1341 : memref<1x320x128xf32, #tpu.memory_space<vmem>> -> memref<320x128xf32, #tpu.memory_space<vmem>>
        %gather3A_1343 = arith.constant 0 : i32
        %gather3A_1344 = tpu.memref_slice %gather3A_1342[%add3A_1322, %gather3A_1343] : memref<320x128xf32, #tpu.memory_space<vmem>> -> memref<1x128xf32, #tpu.memory_space<vmem>>
        %gather3A_1345 = tpu.memref_squeeze %gather3A_1344 : memref<1x128xf32, #tpu.memory_space<vmem>> -> memref<128xf32, #tpu.memory_space<vmem>>
        %gather3A_1346 = tpu.vector_load_idx %gather3A_1345[%add3A_1338] : memref<128xf32, #tpu.memory_space<vmem>>[vector<16xi32>], vector<16xf32>,
        %mul3A_1347 = arith.mulf %gather3A_1346, %gather3A_452 : vector<16xf32>
        %add3A_1348 = arith.addf %mul3A_1335, %mul3A_1347 : vector<16xf32>
        %add3A_1349 = arith.constant 32 : i32
        %add3A_1350 = vector.broadcast %add3A_1349 : i32 to vector<16xi32>
        %add3A_1351 = arith.addi %add3A_1318, %add3A_1350 : vector<16xi32>
        %gather3A_1352 = arith.constant 0 : i32
        %gather3A_1353 = arith.constant 0 : i32
        %gather3A_1354 = tpu.memref_slice %arg19[%scan3A_285, %gather3A_1352, %gather3A_1353] : memref<2x320x128xf32, #tpu.memory_space<vmem>> -> memref<1x320x128xf32, #tpu.memory_space<vmem>>
        %gather3A_1355 = tpu.memref_squeeze %gather3A_1354 : memref<1x320x128xf32, #tpu.memory_space<vmem>> -> memref<320x128xf32, #tpu.memory_space<vmem>>
        %gather3A_1356 = arith.constant 0 : i32
        %gather3A_1357 = tpu.memref_slice %gather3A_1355[%add3A_1322, %gather3A_1356] : memref<320x128xf32, #tpu.memory_space<vmem>> -> memref<1x128xf32, #tpu.memory_space<vmem>>
        %gather3A_1358 = tpu.memref_squeeze %gather3A_1357 : memref<1x128xf32, #tpu.memory_space<vmem>> -> memref<128xf32, #tpu.memory_space<vmem>>
        %gather3A_1359 = tpu.vector_load_idx %gather3A_1358[%add3A_1351] : memref<128xf32, #tpu.memory_space<vmem>>[vector<16xi32>], vector<16xf32>,
        %mul3A_1360 = arith.mulf %gather3A_1359, %gather3A_463 : vector<16xf32>
        %add3A_1361 = arith.addf %add3A_1348, %mul3A_1360 : vector<16xf32>
        %add3A_1362 = arith.constant 48 : i32
        %add3A_1363 = vector.broadcast %add3A_1362 : i32 to vector<16xi32>
        %add3A_1364 = arith.addi %add3A_1318, %add3A_1363 : vector<16xi32>
        %gather3A_1365 = arith.constant 0 : i32
        %gather3A_1366 = arith.constant 0 : i32
        %gather3A_1367 = tpu.memref_slice %arg19[%scan3A_285, %gather3A_1365, %gather3A_1366] : memref<2x320x128xf32, #tpu.memory_space<vmem>> -> memref<1x320x128xf32, #tpu.memory_space<vmem>>
        %gather3A_1368 = tpu.memref_squeeze %gather3A_1367 : memref<1x320x128xf32, #tpu.memory_space<vmem>> -> memref<320x128xf32, #tpu.memory_space<vmem>>
        %gather3A_1369 = arith.constant 0 : i32
        %gather3A_1370 = tpu.memref_slice %gather3A_1368[%add3A_1322, %gather3A_1369] : memref<320x128xf32, #tpu.memory_space<vmem>> -> memref<1x128xf32, #tpu.memory_space<vmem>>
        %gather3A_1371 = tpu.memref_squeeze %gather3A_1370 : memref<1x128xf32, #tpu.memory_space<vmem>> -> memref<128xf32, #tpu.memory_space<vmem>>
        %gather3A_1372 = tpu.vector_load_idx %gather3A_1371[%add3A_1364] : memref<128xf32, #tpu.memory_space<vmem>>[vector<16xi32>], vector<16xf32>,
        %mul3A_1373 = arith.mulf %gather3A_1372, %gather3A_474 : vector<16xf32>
        %add3A_1374 = arith.addf %add3A_1361, %mul3A_1373 : vector<16xf32>
        %broadcast_in_dim3A_1375 = arith.constant true
        %broadcast_in_dim3A_1376 = vector.broadcast %broadcast_in_dim3A_1375 : i1 to vector<16xi1>
        %masked_cumsum3A_1377 = tpu.scan <sum>, %add3A_1374 masked %broadcast_in_dim3A_1376 : vector<16xf32>, vector<16xi1> -> vector<16xf32>
        %broadcast_in_dim3A_1378 = vector.broadcast %add3A_1326 : i32 to vector<16xi32>
        tpu.vector_store_idx %arg20[%broadcast_in_dim3A_1378], %masked_cumsum3A_1377 masked %eq3A_18 : memref<10752xf32, #tpu.memory_space<vmem>>[vector<16xi32>], vector<16xf32>, vector<16xi1>
        %broadcast_in_dim3A_1379 = arith.constant 3 : i32
        %broadcast_in_dim3A_1380 = vector.broadcast %broadcast_in_dim3A_1379 : i32 to vector<16xi32>
        %lt3A_1381 = arith.constant 0 : i32
        %lt3A_1382 = vector.broadcast %lt3A_1381 : i32 to vector<16xi32>
        %lt3A_1383 = arith.cmpi slt, %broadcast_in_dim3A_1380, %lt3A_1382 : vector<16xi32>
        %add3A_1384 = arith.constant 16 : i32
        %add3A_1385 = vector.broadcast %add3A_1384 : i32 to vector<16xi32>
        %add3A_1386 = arith.addi %broadcast_in_dim3A_1380, %add3A_1385 : vector<16xi32>
        %select_n3A_1387 = arith.select %lt3A_1383, %add3A_1386, %broadcast_in_dim3A_1380 : vector<16xi1>, vector<16xi32>
        %reshape3A_1388 = vector.shape_cast %select_n3A_1387 : vector<16xi32> to vector<16x1xi32>
        %gather3A_1389 = vector.shape_cast %reshape3A_1388 : vector<16x1xi32> to vector<16xi32>
        %gather3A_1390 = tpu.dynamic_gather %get3A_419[%gather3A_1389] in [0] : vector<16xi32>, vector<16xi32> -> vector<16xi32>
        %mul3A_1391 = arith.constant 64 : i32
        %mul3A_1392 = vector.broadcast %mul3A_1391 : i32 to vector<16xi32>
        %mul3A_1393 = arith.muli %gather3A_1390, %mul3A_1392 : vector<16xi32>
        %add3A_1394 = arith.addi %mul3A_1393, %iota3A_19 : vector<16xi32>
        %mul3A_1395 = arith.constant 20 : i32
        %mul3A_1396 = arith.muli %scan3A_407, %mul3A_1395 : i32
        %add3A_1397 = arith.constant 11 : i32
        %add3A_1398 = arith.addi %mul3A_1396, %add3A_1397 : i32
        %add3A_1399 = arith.constant 1 : i32
        %add3A_1400 = arith.addi %mul3A_476, %add3A_1399 : i32
        %add3A_1401 = arith.constant 11 : i32
        %add3A_1402 = arith.addi %add3A_1400, %add3A_1401 : i32
        %gather3A_1403 = arith.constant 0 : i32
        %gather3A_1404 = arith.constant 0 : i32
        %gather3A_1405 = tpu.memref_slice %arg19[%scan3A_285, %gather3A_1403, %gather3A_1404] : memref<2x320x128xf32, #tpu.memory_space<vmem>> -> memref<1x320x128xf32, #tpu.memory_space<vmem>>
        %gather3A_1406 = tpu.memref_squeeze %gather3A_1405 : memref<1x320x128xf32, #tpu.memory_space<vmem>> -> memref<320x128xf32, #tpu.memory_space<vmem>>
        %gather3A_1407 = arith.constant 0 : i32
        %gather3A_1408 = tpu.memref_slice %gather3A_1406[%add3A_1398, %gather3A_1407] : memref<320x128xf32, #tpu.memory_space<vmem>> -> memref<1x128xf32, #tpu.memory_space<vmem>>
        %gather3A_1409 = tpu.memref_squeeze %gather3A_1408 : memref<1x128xf32, #tpu.memory_space<vmem>> -> memref<128xf32, #tpu.memory_space<vmem>>
        %gather3A_1410 = tpu.vector_load_idx %gather3A_1409[%add3A_1394] : memref<128xf32, #tpu.memory_space<vmem>>[vector<16xi32>], vector<16xf32>,
        %mul3A_1411 = arith.mulf %gather3A_1410, %gather3A_441 : vector<16xf32>
        %add3A_1412 = arith.constant 16 : i32
        %add3A_1413 = vector.broadcast %add3A_1412 : i32 to vector<16xi32>
        %add3A_1414 = arith.addi %add3A_1394, %add3A_1413 : vector<16xi32>
        %gather3A_1415 = arith.constant 0 : i32
        %gather3A_1416 = arith.constant 0 : i32
        %gather3A_1417 = tpu.memref_slice %arg19[%scan3A_285, %gather3A_1415, %gather3A_1416] : memref<2x320x128xf32, #tpu.memory_space<vmem>> -> memref<1x320x128xf32, #tpu.memory_space<vmem>>
        %gather3A_1418 = tpu.memref_squeeze %gather3A_1417 : memref<1x320x128xf32, #tpu.memory_space<vmem>> -> memref<320x128xf32, #tpu.memory_space<vmem>>
        %gather3A_1419 = arith.constant 0 : i32
        %gather3A_1420 = tpu.memref_slice %gather3A_1418[%add3A_1398, %gather3A_1419] : memref<320x128xf32, #tpu.memory_space<vmem>> -> memref<1x128xf32, #tpu.memory_space<vmem>>
        %gather3A_1421 = tpu.memref_squeeze %gather3A_1420 : memref<1x128xf32, #tpu.memory_space<vmem>> -> memref<128xf32, #tpu.memory_space<vmem>>
        %gather3A_1422 = tpu.vector_load_idx %gather3A_1421[%add3A_1414] : memref<128xf32, #tpu.memory_space<vmem>>[vector<16xi32>], vector<16xf32>,
        %mul3A_1423 = arith.mulf %gather3A_1422, %gather3A_452 : vector<16xf32>
        %add3A_1424 = arith.addf %mul3A_1411, %mul3A_1423 : vector<16xf32>
        %add3A_1425 = arith.constant 32 : i32
        %add3A_1426 = vector.broadcast %add3A_1425 : i32 to vector<16xi32>
        %add3A_1427 = arith.addi %add3A_1394, %add3A_1426 : vector<16xi32>
        %gather3A_1428 = arith.constant 0 : i32
        %gather3A_1429 = arith.constant 0 : i32
        %gather3A_1430 = tpu.memref_slice %arg19[%scan3A_285, %gather3A_1428, %gather3A_1429] : memref<2x320x128xf32, #tpu.memory_space<vmem>> -> memref<1x320x128xf32, #tpu.memory_space<vmem>>
        %gather3A_1431 = tpu.memref_squeeze %gather3A_1430 : memref<1x320x128xf32, #tpu.memory_space<vmem>> -> memref<320x128xf32, #tpu.memory_space<vmem>>
        %gather3A_1432 = arith.constant 0 : i32
        %gather3A_1433 = tpu.memref_slice %gather3A_1431[%add3A_1398, %gather3A_1432] : memref<320x128xf32, #tpu.memory_space<vmem>> -> memref<1x128xf32, #tpu.memory_space<vmem>>
        %gather3A_1434 = tpu.memref_squeeze %gather3A_1433 : memref<1x128xf32, #tpu.memory_space<vmem>> -> memref<128xf32, #tpu.memory_space<vmem>>
        %gather3A_1435 = tpu.vector_load_idx %gather3A_1434[%add3A_1427] : memref<128xf32, #tpu.memory_space<vmem>>[vector<16xi32>], vector<16xf32>,
        %mul3A_1436 = arith.mulf %gather3A_1435, %gather3A_463 : vector<16xf32>
        %add3A_1437 = arith.addf %add3A_1424, %mul3A_1436 : vector<16xf32>
        %add3A_1438 = arith.constant 48 : i32
        %add3A_1439 = vector.broadcast %add3A_1438 : i32 to vector<16xi32>
        %add3A_1440 = arith.addi %add3A_1394, %add3A_1439 : vector<16xi32>
        %gather3A_1441 = arith.constant 0 : i32
        %gather3A_1442 = arith.constant 0 : i32
        %gather3A_1443 = tpu.memref_slice %arg19[%scan3A_285, %gather3A_1441, %gather3A_1442] : memref<2x320x128xf32, #tpu.memory_space<vmem>> -> memref<1x320x128xf32, #tpu.memory_space<vmem>>
        %gather3A_1444 = tpu.memref_squeeze %gather3A_1443 : memref<1x320x128xf32, #tpu.memory_space<vmem>> -> memref<320x128xf32, #tpu.memory_space<vmem>>
        %gather3A_1445 = arith.constant 0 : i32
        %gather3A_1446 = tpu.memref_slice %gather3A_1444[%add3A_1398, %gather3A_1445] : memref<320x128xf32, #tpu.memory_space<vmem>> -> memref<1x128xf32, #tpu.memory_space<vmem>>
        %gather3A_1447 = tpu.memref_squeeze %gather3A_1446 : memref<1x128xf32, #tpu.memory_space<vmem>> -> memref<128xf32, #tpu.memory_space<vmem>>
        %gather3A_1448 = tpu.vector_load_idx %gather3A_1447[%add3A_1440] : memref<128xf32, #tpu.memory_space<vmem>>[vector<16xi32>], vector<16xf32>,
        %mul3A_1449 = arith.mulf %gather3A_1448, %gather3A_474 : vector<16xf32>
        %add3A_1450 = arith.addf %add3A_1437, %mul3A_1449 : vector<16xf32>
        %broadcast_in_dim3A_1451 = arith.constant true
        %broadcast_in_dim3A_1452 = vector.broadcast %broadcast_in_dim3A_1451 : i1 to vector<16xi1>
        %masked_cumsum3A_1453 = tpu.scan <sum>, %add3A_1450 masked %broadcast_in_dim3A_1452 : vector<16xf32>, vector<16xi1> -> vector<16xf32>
        %broadcast_in_dim3A_1454 = vector.broadcast %add3A_1402 : i32 to vector<16xi32>
        tpu.vector_store_idx %arg20[%broadcast_in_dim3A_1454], %masked_cumsum3A_1453 masked %eq3A_18 : memref<10752xf32, #tpu.memory_space<vmem>>[vector<16xi32>], vector<16xf32>, vector<16xi1>
        %broadcast_in_dim3A_1455 = arith.constant 4 : i32
        %broadcast_in_dim3A_1456 = vector.broadcast %broadcast_in_dim3A_1455 : i32 to vector<16xi32>
        %lt3A_1457 = arith.constant 0 : i32
        %lt3A_1458 = vector.broadcast %lt3A_1457 : i32 to vector<16xi32>
        %lt3A_1459 = arith.cmpi slt, %broadcast_in_dim3A_1456, %lt3A_1458 : vector<16xi32>
        %add3A_1460 = arith.constant 16 : i32
        %add3A_1461 = vector.broadcast %add3A_1460 : i32 to vector<16xi32>
        %add3A_1462 = arith.addi %broadcast_in_dim3A_1456, %add3A_1461 : vector<16xi32>
        %select_n3A_1463 = arith.select %lt3A_1459, %add3A_1462, %broadcast_in_dim3A_1456 : vector<16xi1>, vector<16xi32>
        %reshape3A_1464 = vector.shape_cast %select_n3A_1463 : vector<16xi32> to vector<16x1xi32>
        %gather3A_1465 = vector.shape_cast %reshape3A_1464 : vector<16x1xi32> to vector<16xi32>
        %gather3A_1466 = tpu.dynamic_gather %get3A_419[%gather3A_1465] in [0] : vector<16xi32>, vector<16xi32> -> vector<16xi32>
        %mul3A_1467 = arith.constant 64 : i32
        %mul3A_1468 = vector.broadcast %mul3A_1467 : i32 to vector<16xi32>
        %mul3A_1469 = arith.muli %gather3A_1466, %mul3A_1468 : vector<16xi32>
        %add3A_1470 = arith.addi %mul3A_1469, %iota3A_19 : vector<16xi32>
        %mul3A_1471 = arith.constant 20 : i32
        %mul3A_1472 = arith.muli %scan3A_407, %mul3A_1471 : i32
        %add3A_1473 = arith.constant 12 : i32
        %add3A_1474 = arith.addi %mul3A_1472, %add3A_1473 : i32
        %add3A_1475 = arith.constant 1 : i32
        %add3A_1476 = arith.addi %mul3A_476, %add3A_1475 : i32
        %add3A_1477 = arith.constant 12 : i32
        %add3A_1478 = arith.addi %add3A_1476, %add3A_1477 : i32
        %gather3A_1479 = arith.constant 0 : i32
        %gather3A_1480 = arith.constant 0 : i32
        %gather3A_1481 = tpu.memref_slice %arg19[%scan3A_285, %gather3A_1479, %gather3A_1480] : memref<2x320x128xf32, #tpu.memory_space<vmem>> -> memref<1x320x128xf32, #tpu.memory_space<vmem>>
        %gather3A_1482 = tpu.memref_squeeze %gather3A_1481 : memref<1x320x128xf32, #tpu.memory_space<vmem>> -> memref<320x128xf32, #tpu.memory_space<vmem>>
        %gather3A_1483 = arith.constant 0 : i32
        %gather3A_1484 = tpu.memref_slice %gather3A_1482[%add3A_1474, %gather3A_1483] : memref<320x128xf32, #tpu.memory_space<vmem>> -> memref<1x128xf32, #tpu.memory_space<vmem>>
        %gather3A_1485 = tpu.memref_squeeze %gather3A_1484 : memref<1x128xf32, #tpu.memory_space<vmem>> -> memref<128xf32, #tpu.memory_space<vmem>>
        %gather3A_1486 = tpu.vector_load_idx %gather3A_1485[%add3A_1470] : memref<128xf32, #tpu.memory_space<vmem>>[vector<16xi32>], vector<16xf32>,
        %mul3A_1487 = arith.mulf %gather3A_1486, %gather3A_441 : vector<16xf32>
        %add3A_1488 = arith.constant 16 : i32
        %add3A_1489 = vector.broadcast %add3A_1488 : i32 to vector<16xi32>
        %add3A_1490 = arith.addi %add3A_1470, %add3A_1489 : vector<16xi32>
        %gather3A_1491 = arith.constant 0 : i32
        %gather3A_1492 = arith.constant 0 : i32
        %gather3A_1493 = tpu.memref_slice %arg19[%scan3A_285, %gather3A_1491, %gather3A_1492] : memref<2x320x128xf32, #tpu.memory_space<vmem>> -> memref<1x320x128xf32, #tpu.memory_space<vmem>>
        %gather3A_1494 = tpu.memref_squeeze %gather3A_1493 : memref<1x320x128xf32, #tpu.memory_space<vmem>> -> memref<320x128xf32, #tpu.memory_space<vmem>>
        %gather3A_1495 = arith.constant 0 : i32
        %gather3A_1496 = tpu.memref_slice %gather3A_1494[%add3A_1474, %gather3A_1495] : memref<320x128xf32, #tpu.memory_space<vmem>> -> memref<1x128xf32, #tpu.memory_space<vmem>>
        %gather3A_1497 = tpu.memref_squeeze %gather3A_1496 : memref<1x128xf32, #tpu.memory_space<vmem>> -> memref<128xf32, #tpu.memory_space<vmem>>
        %gather3A_1498 = tpu.vector_load_idx %gather3A_1497[%add3A_1490] : memref<128xf32, #tpu.memory_space<vmem>>[vector<16xi32>], vector<16xf32>,
        %mul3A_1499 = arith.mulf %gather3A_1498, %gather3A_452 : vector<16xf32>
        %add3A_1500 = arith.addf %mul3A_1487, %mul3A_1499 : vector<16xf32>
        %add3A_1501 = arith.constant 32 : i32
        %add3A_1502 = vector.broadcast %add3A_1501 : i32 to vector<16xi32>
        %add3A_1503 = arith.addi %add3A_1470, %add3A_1502 : vector<16xi32>
        %gather3A_1504 = arith.constant 0 : i32
        %gather3A_1505 = arith.constant 0 : i32
        %gather3A_1506 = tpu.memref_slice %arg19[%scan3A_285, %gather3A_1504, %gather3A_1505] : memref<2x320x128xf32, #tpu.memory_space<vmem>> -> memref<1x320x128xf32, #tpu.memory_space<vmem>>
        %gather3A_1507 = tpu.memref_squeeze %gather3A_1506 : memref<1x320x128xf32, #tpu.memory_space<vmem>> -> memref<320x128xf32, #tpu.memory_space<vmem>>
        %gather3A_1508 = arith.constant 0 : i32
        %gather3A_1509 = tpu.memref_slice %gather3A_1507[%add3A_1474, %gather3A_1508] : memref<320x128xf32, #tpu.memory_space<vmem>> -> memref<1x128xf32, #tpu.memory_space<vmem>>
        %gather3A_1510 = tpu.memref_squeeze %gather3A_1509 : memref<1x128xf32, #tpu.memory_space<vmem>> -> memref<128xf32, #tpu.memory_space<vmem>>
        %gather3A_1511 = tpu.vector_load_idx %gather3A_1510[%add3A_1503] : memref<128xf32, #tpu.memory_space<vmem>>[vector<16xi32>], vector<16xf32>,
        %mul3A_1512 = arith.mulf %gather3A_1511, %gather3A_463 : vector<16xf32>
        %add3A_1513 = arith.addf %add3A_1500, %mul3A_1512 : vector<16xf32>
        %add3A_1514 = arith.constant 48 : i32
        %add3A_1515 = vector.broadcast %add3A_1514 : i32 to vector<16xi32>
        %add3A_1516 = arith.addi %add3A_1470, %add3A_1515 : vector<16xi32>
        %gather3A_1517 = arith.constant 0 : i32
        %gather3A_1518 = arith.constant 0 : i32
        %gather3A_1519 = tpu.memref_slice %arg19[%scan3A_285, %gather3A_1517, %gather3A_1518] : memref<2x320x128xf32, #tpu.memory_space<vmem>> -> memref<1x320x128xf32, #tpu.memory_space<vmem>>
        %gather3A_1520 = tpu.memref_squeeze %gather3A_1519 : memref<1x320x128xf32, #tpu.memory_space<vmem>> -> memref<320x128xf32, #tpu.memory_space<vmem>>
        %gather3A_1521 = arith.constant 0 : i32
        %gather3A_1522 = tpu.memref_slice %gather3A_1520[%add3A_1474, %gather3A_1521] : memref<320x128xf32, #tpu.memory_space<vmem>> -> memref<1x128xf32, #tpu.memory_space<vmem>>
        %gather3A_1523 = tpu.memref_squeeze %gather3A_1522 : memref<1x128xf32, #tpu.memory_space<vmem>> -> memref<128xf32, #tpu.memory_space<vmem>>
        %gather3A_1524 = tpu.vector_load_idx %gather3A_1523[%add3A_1516] : memref<128xf32, #tpu.memory_space<vmem>>[vector<16xi32>], vector<16xf32>,
        %mul3A_1525 = arith.mulf %gather3A_1524, %gather3A_474 : vector<16xf32>
        %add3A_1526 = arith.addf %add3A_1513, %mul3A_1525 : vector<16xf32>
        %broadcast_in_dim3A_1527 = arith.constant true
        %broadcast_in_dim3A_1528 = vector.broadcast %broadcast_in_dim3A_1527 : i1 to vector<16xi1>
        %masked_cumsum3A_1529 = tpu.scan <sum>, %add3A_1526 masked %broadcast_in_dim3A_1528 : vector<16xf32>, vector<16xi1> -> vector<16xf32>
        %broadcast_in_dim3A_1530 = vector.broadcast %add3A_1478 : i32 to vector<16xi32>
        tpu.vector_store_idx %arg20[%broadcast_in_dim3A_1530], %masked_cumsum3A_1529 masked %eq3A_18 : memref<10752xf32, #tpu.memory_space<vmem>>[vector<16xi32>], vector<16xf32>, vector<16xi1>
        %broadcast_in_dim3A_1531 = arith.constant 5 : i32
        %broadcast_in_dim3A_1532 = vector.broadcast %broadcast_in_dim3A_1531 : i32 to vector<16xi32>
        %lt3A_1533 = arith.constant 0 : i32
        %lt3A_1534 = vector.broadcast %lt3A_1533 : i32 to vector<16xi32>
        %lt3A_1535 = arith.cmpi slt, %broadcast_in_dim3A_1532, %lt3A_1534 : vector<16xi32>
        %add3A_1536 = arith.constant 16 : i32
        %add3A_1537 = vector.broadcast %add3A_1536 : i32 to vector<16xi32>
        %add3A_1538 = arith.addi %broadcast_in_dim3A_1532, %add3A_1537 : vector<16xi32>
        %select_n3A_1539 = arith.select %lt3A_1535, %add3A_1538, %broadcast_in_dim3A_1532 : vector<16xi1>, vector<16xi32>
        %reshape3A_1540 = vector.shape_cast %select_n3A_1539 : vector<16xi32> to vector<16x1xi32>
        %gather3A_1541 = vector.shape_cast %reshape3A_1540 : vector<16x1xi32> to vector<16xi32>
        %gather3A_1542 = tpu.dynamic_gather %get3A_419[%gather3A_1541] in [0] : vector<16xi32>, vector<16xi32> -> vector<16xi32>
        %mul3A_1543 = arith.constant 64 : i32
        %mul3A_1544 = vector.broadcast %mul3A_1543 : i32 to vector<16xi32>
        %mul3A_1545 = arith.muli %gather3A_1542, %mul3A_1544 : vector<16xi32>
        %add3A_1546 = arith.addi %mul3A_1545, %iota3A_19 : vector<16xi32>
        %mul3A_1547 = arith.constant 20 : i32
        %mul3A_1548 = arith.muli %scan3A_407, %mul3A_1547 : i32
        %add3A_1549 = arith.constant 13 : i32
        %add3A_1550 = arith.addi %mul3A_1548, %add3A_1549 : i32
        %add3A_1551 = arith.constant 1 : i32
        %add3A_1552 = arith.addi %mul3A_476, %add3A_1551 : i32
        %add3A_1553 = arith.constant 13 : i32
        %add3A_1554 = arith.addi %add3A_1552, %add3A_1553 : i32
        %gather3A_1555 = arith.constant 0 : i32
        %gather3A_1556 = arith.constant 0 : i32
        %gather3A_1557 = tpu.memref_slice %arg19[%scan3A_285, %gather3A_1555, %gather3A_1556] : memref<2x320x128xf32, #tpu.memory_space<vmem>> -> memref<1x320x128xf32, #tpu.memory_space<vmem>>
        %gather3A_1558 = tpu.memref_squeeze %gather3A_1557 : memref<1x320x128xf32, #tpu.memory_space<vmem>> -> memref<320x128xf32, #tpu.memory_space<vmem>>
        %gather3A_1559 = arith.constant 0 : i32
        %gather3A_1560 = tpu.memref_slice %gather3A_1558[%add3A_1550, %gather3A_1559] : memref<320x128xf32, #tpu.memory_space<vmem>> -> memref<1x128xf32, #tpu.memory_space<vmem>>
        %gather3A_1561 = tpu.memref_squeeze %gather3A_1560 : memref<1x128xf32, #tpu.memory_space<vmem>> -> memref<128xf32, #tpu.memory_space<vmem>>
        %gather3A_1562 = tpu.vector_load_idx %gather3A_1561[%add3A_1546] : memref<128xf32, #tpu.memory_space<vmem>>[vector<16xi32>], vector<16xf32>,
        %mul3A_1563 = arith.mulf %gather3A_1562, %gather3A_441 : vector<16xf32>
        %add3A_1564 = arith.constant 16 : i32
        %add3A_1565 = vector.broadcast %add3A_1564 : i32 to vector<16xi32>
        %add3A_1566 = arith.addi %add3A_1546, %add3A_1565 : vector<16xi32>
        %gather3A_1567 = arith.constant 0 : i32
        %gather3A_1568 = arith.constant 0 : i32
        %gather3A_1569 = tpu.memref_slice %arg19[%scan3A_285, %gather3A_1567, %gather3A_1568] : memref<2x320x128xf32, #tpu.memory_space<vmem>> -> memref<1x320x128xf32, #tpu.memory_space<vmem>>
        %gather3A_1570 = tpu.memref_squeeze %gather3A_1569 : memref<1x320x128xf32, #tpu.memory_space<vmem>> -> memref<320x128xf32, #tpu.memory_space<vmem>>
        %gather3A_1571 = arith.constant 0 : i32
        %gather3A_1572 = tpu.memref_slice %gather3A_1570[%add3A_1550, %gather3A_1571] : memref<320x128xf32, #tpu.memory_space<vmem>> -> memref<1x128xf32, #tpu.memory_space<vmem>>
        %gather3A_1573 = tpu.memref_squeeze %gather3A_1572 : memref<1x128xf32, #tpu.memory_space<vmem>> -> memref<128xf32, #tpu.memory_space<vmem>>
        %gather3A_1574 = tpu.vector_load_idx %gather3A_1573[%add3A_1566] : memref<128xf32, #tpu.memory_space<vmem>>[vector<16xi32>], vector<16xf32>,
        %mul3A_1575 = arith.mulf %gather3A_1574, %gather3A_452 : vector<16xf32>
        %add3A_1576 = arith.addf %mul3A_1563, %mul3A_1575 : vector<16xf32>
        %add3A_1577 = arith.constant 32 : i32
        %add3A_1578 = vector.broadcast %add3A_1577 : i32 to vector<16xi32>
        %add3A_1579 = arith.addi %add3A_1546, %add3A_1578 : vector<16xi32>
        %gather3A_1580 = arith.constant 0 : i32
        %gather3A_1581 = arith.constant 0 : i32
        %gather3A_1582 = tpu.memref_slice %arg19[%scan3A_285, %gather3A_1580, %gather3A_1581] : memref<2x320x128xf32, #tpu.memory_space<vmem>> -> memref<1x320x128xf32, #tpu.memory_space<vmem>>
        %gather3A_1583 = tpu.memref_squeeze %gather3A_1582 : memref<1x320x128xf32, #tpu.memory_space<vmem>> -> memref<320x128xf32, #tpu.memory_space<vmem>>
        %gather3A_1584 = arith.constant 0 : i32
        %gather3A_1585 = tpu.memref_slice %gather3A_1583[%add3A_1550, %gather3A_1584] : memref<320x128xf32, #tpu.memory_space<vmem>> -> memref<1x128xf32, #tpu.memory_space<vmem>>
        %gather3A_1586 = tpu.memref_squeeze %gather3A_1585 : memref<1x128xf32, #tpu.memory_space<vmem>> -> memref<128xf32, #tpu.memory_space<vmem>>
        %gather3A_1587 = tpu.vector_load_idx %gather3A_1586[%add3A_1579] : memref<128xf32, #tpu.memory_space<vmem>>[vector<16xi32>], vector<16xf32>,
        %mul3A_1588 = arith.mulf %gather3A_1587, %gather3A_463 : vector<16xf32>
        %add3A_1589 = arith.addf %add3A_1576, %mul3A_1588 : vector<16xf32>
        %add3A_1590 = arith.constant 48 : i32
        %add3A_1591 = vector.broadcast %add3A_1590 : i32 to vector<16xi32>
        %add3A_1592 = arith.addi %add3A_1546, %add3A_1591 : vector<16xi32>
        %gather3A_1593 = arith.constant 0 : i32
        %gather3A_1594 = arith.constant 0 : i32
        %gather3A_1595 = tpu.memref_slice %arg19[%scan3A_285, %gather3A_1593, %gather3A_1594] : memref<2x320x128xf32, #tpu.memory_space<vmem>> -> memref<1x320x128xf32, #tpu.memory_space<vmem>>
        %gather3A_1596 = tpu.memref_squeeze %gather3A_1595 : memref<1x320x128xf32, #tpu.memory_space<vmem>> -> memref<320x128xf32, #tpu.memory_space<vmem>>
        %gather3A_1597 = arith.constant 0 : i32
        %gather3A_1598 = tpu.memref_slice %gather3A_1596[%add3A_1550, %gather3A_1597] : memref<320x128xf32, #tpu.memory_space<vmem>> -> memref<1x128xf32, #tpu.memory_space<vmem>>
        %gather3A_1599 = tpu.memref_squeeze %gather3A_1598 : memref<1x128xf32, #tpu.memory_space<vmem>> -> memref<128xf32, #tpu.memory_space<vmem>>
        %gather3A_1600 = tpu.vector_load_idx %gather3A_1599[%add3A_1592] : memref<128xf32, #tpu.memory_space<vmem>>[vector<16xi32>], vector<16xf32>,
        %mul3A_1601 = arith.mulf %gather3A_1600, %gather3A_474 : vector<16xf32>
        %add3A_1602 = arith.addf %add3A_1589, %mul3A_1601 : vector<16xf32>
        %broadcast_in_dim3A_1603 = arith.constant true
        %broadcast_in_dim3A_1604 = vector.broadcast %broadcast_in_dim3A_1603 : i1 to vector<16xi1>
        %masked_cumsum3A_1605 = tpu.scan <sum>, %add3A_1602 masked %broadcast_in_dim3A_1604 : vector<16xf32>, vector<16xi1> -> vector<16xf32>
        %broadcast_in_dim3A_1606 = vector.broadcast %add3A_1554 : i32 to vector<16xi32>
        tpu.vector_store_idx %arg20[%broadcast_in_dim3A_1606], %masked_cumsum3A_1605 masked %eq3A_18 : memref<10752xf32, #tpu.memory_space<vmem>>[vector<16xi32>], vector<16xf32>, vector<16xi1>
        %broadcast_in_dim3A_1607 = arith.constant 6 : i32
        %broadcast_in_dim3A_1608 = vector.broadcast %broadcast_in_dim3A_1607 : i32 to vector<16xi32>
        %lt3A_1609 = arith.constant 0 : i32
        %lt3A_1610 = vector.broadcast %lt3A_1609 : i32 to vector<16xi32>
        %lt3A_1611 = arith.cmpi slt, %broadcast_in_dim3A_1608, %lt3A_1610 : vector<16xi32>
        %add3A_1612 = arith.constant 16 : i32
        %add3A_1613 = vector.broadcast %add3A_1612 : i32 to vector<16xi32>
        %add3A_1614 = arith.addi %broadcast_in_dim3A_1608, %add3A_1613 : vector<16xi32>
        %select_n3A_1615 = arith.select %lt3A_1611, %add3A_1614, %broadcast_in_dim3A_1608 : vector<16xi1>, vector<16xi32>
        %reshape3A_1616 = vector.shape_cast %select_n3A_1615 : vector<16xi32> to vector<16x1xi32>
        %gather3A_1617 = vector.shape_cast %reshape3A_1616 : vector<16x1xi32> to vector<16xi32>
        %gather3A_1618 = tpu.dynamic_gather %get3A_419[%gather3A_1617] in [0] : vector<16xi32>, vector<16xi32> -> vector<16xi32>
        %mul3A_1619 = arith.constant 64 : i32
        %mul3A_1620 = vector.broadcast %mul3A_1619 : i32 to vector<16xi32>
        %mul3A_1621 = arith.muli %gather3A_1618, %mul3A_1620 : vector<16xi32>
        %add3A_1622 = arith.addi %mul3A_1621, %iota3A_19 : vector<16xi32>
        %mul3A_1623 = arith.constant 20 : i32
        %mul3A_1624 = arith.muli %scan3A_407, %mul3A_1623 : i32
        %add3A_1625 = arith.constant 14 : i32
        %add3A_1626 = arith.addi %mul3A_1624, %add3A_1625 : i32
        %add3A_1627 = arith.constant 1 : i32
        %add3A_1628 = arith.addi %mul3A_476, %add3A_1627 : i32
        %add3A_1629 = arith.constant 14 : i32
        %add3A_1630 = arith.addi %add3A_1628, %add3A_1629 : i32
        %gather3A_1631 = arith.constant 0 : i32
        %gather3A_1632 = arith.constant 0 : i32
        %gather3A_1633 = tpu.memref_slice %arg19[%scan3A_285, %gather3A_1631, %gather3A_1632] : memref<2x320x128xf32, #tpu.memory_space<vmem>> -> memref<1x320x128xf32, #tpu.memory_space<vmem>>
        %gather3A_1634 = tpu.memref_squeeze %gather3A_1633 : memref<1x320x128xf32, #tpu.memory_space<vmem>> -> memref<320x128xf32, #tpu.memory_space<vmem>>
        %gather3A_1635 = arith.constant 0 : i32
        %gather3A_1636 = tpu.memref_slice %gather3A_1634[%add3A_1626, %gather3A_1635] : memref<320x128xf32, #tpu.memory_space<vmem>> -> memref<1x128xf32, #tpu.memory_space<vmem>>
        %gather3A_1637 = tpu.memref_squeeze %gather3A_1636 : memref<1x128xf32, #tpu.memory_space<vmem>> -> memref<128xf32, #tpu.memory_space<vmem>>
        %gather3A_1638 = tpu.vector_load_idx %gather3A_1637[%add3A_1622] : memref<128xf32, #tpu.memory_space<vmem>>[vector<16xi32>], vector<16xf32>,
        %mul3A_1639 = arith.mulf %gather3A_1638, %gather3A_441 : vector<16xf32>
        %add3A_1640 = arith.constant 16 : i32
        %add3A_1641 = vector.broadcast %add3A_1640 : i32 to vector<16xi32>
        %add3A_1642 = arith.addi %add3A_1622, %add3A_1641 : vector<16xi32>
        %gather3A_1643 = arith.constant 0 : i32
        %gather3A_1644 = arith.constant 0 : i32
        %gather3A_1645 = tpu.memref_slice %arg19[%scan3A_285, %gather3A_1643, %gather3A_1644] : memref<2x320x128xf32, #tpu.memory_space<vmem>> -> memref<1x320x128xf32, #tpu.memory_space<vmem>>
        %gather3A_1646 = tpu.memref_squeeze %gather3A_1645 : memref<1x320x128xf32, #tpu.memory_space<vmem>> -> memref<320x128xf32, #tpu.memory_space<vmem>>
        %gather3A_1647 = arith.constant 0 : i32
        %gather3A_1648 = tpu.memref_slice %gather3A_1646[%add3A_1626, %gather3A_1647] : memref<320x128xf32, #tpu.memory_space<vmem>> -> memref<1x128xf32, #tpu.memory_space<vmem>>
        %gather3A_1649 = tpu.memref_squeeze %gather3A_1648 : memref<1x128xf32, #tpu.memory_space<vmem>> -> memref<128xf32, #tpu.memory_space<vmem>>
        %gather3A_1650 = tpu.vector_load_idx %gather3A_1649[%add3A_1642] : memref<128xf32, #tpu.memory_space<vmem>>[vector<16xi32>], vector<16xf32>,
        %mul3A_1651 = arith.mulf %gather3A_1650, %gather3A_452 : vector<16xf32>
        %add3A_1652 = arith.addf %mul3A_1639, %mul3A_1651 : vector<16xf32>
        %add3A_1653 = arith.constant 32 : i32
        %add3A_1654 = vector.broadcast %add3A_1653 : i32 to vector<16xi32>
        %add3A_1655 = arith.addi %add3A_1622, %add3A_1654 : vector<16xi32>
        %gather3A_1656 = arith.constant 0 : i32
        %gather3A_1657 = arith.constant 0 : i32
        %gather3A_1658 = tpu.memref_slice %arg19[%scan3A_285, %gather3A_1656, %gather3A_1657] : memref<2x320x128xf32, #tpu.memory_space<vmem>> -> memref<1x320x128xf32, #tpu.memory_space<vmem>>
        %gather3A_1659 = tpu.memref_squeeze %gather3A_1658 : memref<1x320x128xf32, #tpu.memory_space<vmem>> -> memref<320x128xf32, #tpu.memory_space<vmem>>
        %gather3A_1660 = arith.constant 0 : i32
        %gather3A_1661 = tpu.memref_slice %gather3A_1659[%add3A_1626, %gather3A_1660] : memref<320x128xf32, #tpu.memory_space<vmem>> -> memref<1x128xf32, #tpu.memory_space<vmem>>
        %gather3A_1662 = tpu.memref_squeeze %gather3A_1661 : memref<1x128xf32, #tpu.memory_space<vmem>> -> memref<128xf32, #tpu.memory_space<vmem>>
        %gather3A_1663 = tpu.vector_load_idx %gather3A_1662[%add3A_1655] : memref<128xf32, #tpu.memory_space<vmem>>[vector<16xi32>], vector<16xf32>,
        %mul3A_1664 = arith.mulf %gather3A_1663, %gather3A_463 : vector<16xf32>
        %add3A_1665 = arith.addf %add3A_1652, %mul3A_1664 : vector<16xf32>
        %add3A_1666 = arith.constant 48 : i32
        %add3A_1667 = vector.broadcast %add3A_1666 : i32 to vector<16xi32>
        %add3A_1668 = arith.addi %add3A_1622, %add3A_1667 : vector<16xi32>
        %gather3A_1669 = arith.constant 0 : i32
        %gather3A_1670 = arith.constant 0 : i32
        %gather3A_1671 = tpu.memref_slice %arg19[%scan3A_285, %gather3A_1669, %gather3A_1670] : memref<2x320x128xf32, #tpu.memory_space<vmem>> -> memref<1x320x128xf32, #tpu.memory_space<vmem>>
        %gather3A_1672 = tpu.memref_squeeze %gather3A_1671 : memref<1x320x128xf32, #tpu.memory_space<vmem>> -> memref<320x128xf32, #tpu.memory_space<vmem>>
        %gather3A_1673 = arith.constant 0 : i32
        %gather3A_1674 = tpu.memref_slice %gather3A_1672[%add3A_1626, %gather3A_1673] : memref<320x128xf32, #tpu.memory_space<vmem>> -> memref<1x128xf32, #tpu.memory_space<vmem>>
        %gather3A_1675 = tpu.memref_squeeze %gather3A_1674 : memref<1x128xf32, #tpu.memory_space<vmem>> -> memref<128xf32, #tpu.memory_space<vmem>>
        %gather3A_1676 = tpu.vector_load_idx %gather3A_1675[%add3A_1668] : memref<128xf32, #tpu.memory_space<vmem>>[vector<16xi32>], vector<16xf32>,
        %mul3A_1677 = arith.mulf %gather3A_1676, %gather3A_474 : vector<16xf32>
        %add3A_1678 = arith.addf %add3A_1665, %mul3A_1677 : vector<16xf32>
        %broadcast_in_dim3A_1679 = arith.constant true
        %broadcast_in_dim3A_1680 = vector.broadcast %broadcast_in_dim3A_1679 : i1 to vector<16xi1>
        %masked_cumsum3A_1681 = tpu.scan <sum>, %add3A_1678 masked %broadcast_in_dim3A_1680 : vector<16xf32>, vector<16xi1> -> vector<16xf32>
        %broadcast_in_dim3A_1682 = vector.broadcast %add3A_1630 : i32 to vector<16xi32>
        tpu.vector_store_idx %arg20[%broadcast_in_dim3A_1682], %masked_cumsum3A_1681 masked %eq3A_18 : memref<10752xf32, #tpu.memory_space<vmem>>[vector<16xi32>], vector<16xf32>, vector<16xi1>
        %broadcast_in_dim3A_1683 = arith.constant 7 : i32
        %broadcast_in_dim3A_1684 = vector.broadcast %broadcast_in_dim3A_1683 : i32 to vector<16xi32>
        %lt3A_1685 = arith.constant 0 : i32
        %lt3A_1686 = vector.broadcast %lt3A_1685 : i32 to vector<16xi32>
        %lt3A_1687 = arith.cmpi slt, %broadcast_in_dim3A_1684, %lt3A_1686 : vector<16xi32>
        %add3A_1688 = arith.constant 16 : i32
        %add3A_1689 = vector.broadcast %add3A_1688 : i32 to vector<16xi32>
        %add3A_1690 = arith.addi %broadcast_in_dim3A_1684, %add3A_1689 : vector<16xi32>
        %select_n3A_1691 = arith.select %lt3A_1687, %add3A_1690, %broadcast_in_dim3A_1684 : vector<16xi1>, vector<16xi32>
        %reshape3A_1692 = vector.shape_cast %select_n3A_1691 : vector<16xi32> to vector<16x1xi32>
        %gather3A_1693 = vector.shape_cast %reshape3A_1692 : vector<16x1xi32> to vector<16xi32>
        %gather3A_1694 = tpu.dynamic_gather %get3A_419[%gather3A_1693] in [0] : vector<16xi32>, vector<16xi32> -> vector<16xi32>
        %mul3A_1695 = arith.constant 64 : i32
        %mul3A_1696 = vector.broadcast %mul3A_1695 : i32 to vector<16xi32>
        %mul3A_1697 = arith.muli %gather3A_1694, %mul3A_1696 : vector<16xi32>
        %add3A_1698 = arith.addi %mul3A_1697, %iota3A_19 : vector<16xi32>
        %mul3A_1699 = arith.constant 20 : i32
        %mul3A_1700 = arith.muli %scan3A_407, %mul3A_1699 : i32
        %add3A_1701 = arith.constant 15 : i32
        %add3A_1702 = arith.addi %mul3A_1700, %add3A_1701 : i32
        %add3A_1703 = arith.constant 1 : i32
        %add3A_1704 = arith.addi %mul3A_476, %add3A_1703 : i32
        %add3A_1705 = arith.constant 15 : i32
        %add3A_1706 = arith.addi %add3A_1704, %add3A_1705 : i32
        %gather3A_1707 = arith.constant 0 : i32
        %gather3A_1708 = arith.constant 0 : i32
        %gather3A_1709 = tpu.memref_slice %arg19[%scan3A_285, %gather3A_1707, %gather3A_1708] : memref<2x320x128xf32, #tpu.memory_space<vmem>> -> memref<1x320x128xf32, #tpu.memory_space<vmem>>
        %gather3A_1710 = tpu.memref_squeeze %gather3A_1709 : memref<1x320x128xf32, #tpu.memory_space<vmem>> -> memref<320x128xf32, #tpu.memory_space<vmem>>
        %gather3A_1711 = arith.constant 0 : i32
        %gather3A_1712 = tpu.memref_slice %gather3A_1710[%add3A_1702, %gather3A_1711] : memref<320x128xf32, #tpu.memory_space<vmem>> -> memref<1x128xf32, #tpu.memory_space<vmem>>
        %gather3A_1713 = tpu.memref_squeeze %gather3A_1712 : memref<1x128xf32, #tpu.memory_space<vmem>> -> memref<128xf32, #tpu.memory_space<vmem>>
        %gather3A_1714 = tpu.vector_load_idx %gather3A_1713[%add3A_1698] : memref<128xf32, #tpu.memory_space<vmem>>[vector<16xi32>], vector<16xf32>,
        %mul3A_1715 = arith.mulf %gather3A_1714, %gather3A_441 : vector<16xf32>
        %add3A_1716 = arith.constant 16 : i32
        %add3A_1717 = vector.broadcast %add3A_1716 : i32 to vector<16xi32>
        %add3A_1718 = arith.addi %add3A_1698, %add3A_1717 : vector<16xi32>
        %gather3A_1719 = arith.constant 0 : i32
        %gather3A_1720 = arith.constant 0 : i32
        %gather3A_1721 = tpu.memref_slice %arg19[%scan3A_285, %gather3A_1719, %gather3A_1720] : memref<2x320x128xf32, #tpu.memory_space<vmem>> -> memref<1x320x128xf32, #tpu.memory_space<vmem>>
        %gather3A_1722 = tpu.memref_squeeze %gather3A_1721 : memref<1x320x128xf32, #tpu.memory_space<vmem>> -> memref<320x128xf32, #tpu.memory_space<vmem>>
        %gather3A_1723 = arith.constant 0 : i32
        %gather3A_1724 = tpu.memref_slice %gather3A_1722[%add3A_1702, %gather3A_1723] : memref<320x128xf32, #tpu.memory_space<vmem>> -> memref<1x128xf32, #tpu.memory_space<vmem>>
        %gather3A_1725 = tpu.memref_squeeze %gather3A_1724 : memref<1x128xf32, #tpu.memory_space<vmem>> -> memref<128xf32, #tpu.memory_space<vmem>>
        %gather3A_1726 = tpu.vector_load_idx %gather3A_1725[%add3A_1718] : memref<128xf32, #tpu.memory_space<vmem>>[vector<16xi32>], vector<16xf32>,
        %mul3A_1727 = arith.mulf %gather3A_1726, %gather3A_452 : vector<16xf32>
        %add3A_1728 = arith.addf %mul3A_1715, %mul3A_1727 : vector<16xf32>
        %add3A_1729 = arith.constant 32 : i32
        %add3A_1730 = vector.broadcast %add3A_1729 : i32 to vector<16xi32>
        %add3A_1731 = arith.addi %add3A_1698, %add3A_1730 : vector<16xi32>
        %gather3A_1732 = arith.constant 0 : i32
        %gather3A_1733 = arith.constant 0 : i32
        %gather3A_1734 = tpu.memref_slice %arg19[%scan3A_285, %gather3A_1732, %gather3A_1733] : memref<2x320x128xf32, #tpu.memory_space<vmem>> -> memref<1x320x128xf32, #tpu.memory_space<vmem>>
        %gather3A_1735 = tpu.memref_squeeze %gather3A_1734 : memref<1x320x128xf32, #tpu.memory_space<vmem>> -> memref<320x128xf32, #tpu.memory_space<vmem>>
        %gather3A_1736 = arith.constant 0 : i32
        %gather3A_1737 = tpu.memref_slice %gather3A_1735[%add3A_1702, %gather3A_1736] : memref<320x128xf32, #tpu.memory_space<vmem>> -> memref<1x128xf32, #tpu.memory_space<vmem>>
        %gather3A_1738 = tpu.memref_squeeze %gather3A_1737 : memref<1x128xf32, #tpu.memory_space<vmem>> -> memref<128xf32, #tpu.memory_space<vmem>>
        %gather3A_1739 = tpu.vector_load_idx %gather3A_1738[%add3A_1731] : memref<128xf32, #tpu.memory_space<vmem>>[vector<16xi32>], vector<16xf32>,
        %mul3A_1740 = arith.mulf %gather3A_1739, %gather3A_463 : vector<16xf32>
        %add3A_1741 = arith.addf %add3A_1728, %mul3A_1740 : vector<16xf32>
        %add3A_1742 = arith.constant 48 : i32
        %add3A_1743 = vector.broadcast %add3A_1742 : i32 to vector<16xi32>
        %add3A_1744 = arith.addi %add3A_1698, %add3A_1743 : vector<16xi32>
        %gather3A_1745 = arith.constant 0 : i32
        %gather3A_1746 = arith.constant 0 : i32
        %gather3A_1747 = tpu.memref_slice %arg19[%scan3A_285, %gather3A_1745, %gather3A_1746] : memref<2x320x128xf32, #tpu.memory_space<vmem>> -> memref<1x320x128xf32, #tpu.memory_space<vmem>>
        %gather3A_1748 = tpu.memref_squeeze %gather3A_1747 : memref<1x320x128xf32, #tpu.memory_space<vmem>> -> memref<320x128xf32, #tpu.memory_space<vmem>>
        %gather3A_1749 = arith.constant 0 : i32
        %gather3A_1750 = tpu.memref_slice %gather3A_1748[%add3A_1702, %gather3A_1749] : memref<320x128xf32, #tpu.memory_space<vmem>> -> memref<1x128xf32, #tpu.memory_space<vmem>>
        %gather3A_1751 = tpu.memref_squeeze %gather3A_1750 : memref<1x128xf32, #tpu.memory_space<vmem>> -> memref<128xf32, #tpu.memory_space<vmem>>
        %gather3A_1752 = tpu.vector_load_idx %gather3A_1751[%add3A_1744] : memref<128xf32, #tpu.memory_space<vmem>>[vector<16xi32>], vector<16xf32>,
        %mul3A_1753 = arith.mulf %gather3A_1752, %gather3A_474 : vector<16xf32>
        %add3A_1754 = arith.addf %add3A_1741, %mul3A_1753 : vector<16xf32>
        %broadcast_in_dim3A_1755 = arith.constant true
        %broadcast_in_dim3A_1756 = vector.broadcast %broadcast_in_dim3A_1755 : i1 to vector<16xi1>
        %masked_cumsum3A_1757 = tpu.scan <sum>, %add3A_1754 masked %broadcast_in_dim3A_1756 : vector<16xf32>, vector<16xi1> -> vector<16xf32>
        %broadcast_in_dim3A_1758 = vector.broadcast %add3A_1706 : i32 to vector<16xi32>
        tpu.vector_store_idx %arg20[%broadcast_in_dim3A_1758], %masked_cumsum3A_1757 masked %eq3A_18 : memref<10752xf32, #tpu.memory_space<vmem>>[vector<16xi32>], vector<16xf32>, vector<16xi1>
        %broadcast_in_dim3A_1759 = arith.constant 8 : i32
        %broadcast_in_dim3A_1760 = vector.broadcast %broadcast_in_dim3A_1759 : i32 to vector<16xi32>
        %lt3A_1761 = arith.constant 0 : i32
        %lt3A_1762 = vector.broadcast %lt3A_1761 : i32 to vector<16xi32>
        %lt3A_1763 = arith.cmpi slt, %broadcast_in_dim3A_1760, %lt3A_1762 : vector<16xi32>
        %add3A_1764 = arith.constant 16 : i32
        %add3A_1765 = vector.broadcast %add3A_1764 : i32 to vector<16xi32>
        %add3A_1766 = arith.addi %broadcast_in_dim3A_1760, %add3A_1765 : vector<16xi32>
        %select_n3A_1767 = arith.select %lt3A_1763, %add3A_1766, %broadcast_in_dim3A_1760 : vector<16xi1>, vector<16xi32>
        %reshape3A_1768 = vector.shape_cast %select_n3A_1767 : vector<16xi32> to vector<16x1xi32>
        %gather3A_1769 = vector.shape_cast %reshape3A_1768 : vector<16x1xi32> to vector<16xi32>
        %gather3A_1770 = tpu.dynamic_gather %get3A_419[%gather3A_1769] in [0] : vector<16xi32>, vector<16xi32> -> vector<16xi32>
        %mul3A_1771 = arith.constant 64 : i32
        %mul3A_1772 = vector.broadcast %mul3A_1771 : i32 to vector<16xi32>
        %mul3A_1773 = arith.muli %gather3A_1770, %mul3A_1772 : vector<16xi32>
        %add3A_1774 = arith.addi %mul3A_1773, %iota3A_19 : vector<16xi32>
        %mul3A_1775 = arith.constant 20 : i32
        %mul3A_1776 = arith.muli %scan3A_407, %mul3A_1775 : i32
        %add3A_1777 = arith.constant 16 : i32
        %add3A_1778 = arith.addi %mul3A_1776, %add3A_1777 : i32
        %add3A_1779 = arith.constant 1 : i32
        %add3A_1780 = arith.addi %mul3A_476, %add3A_1779 : i32
        %add3A_1781 = arith.constant 16 : i32
        %add3A_1782 = arith.addi %add3A_1780, %add3A_1781 : i32
        %gather3A_1783 = arith.constant 0 : i32
        %gather3A_1784 = arith.constant 0 : i32
        %gather3A_1785 = tpu.memref_slice %arg19[%scan3A_285, %gather3A_1783, %gather3A_1784] : memref<2x320x128xf32, #tpu.memory_space<vmem>> -> memref<1x320x128xf32, #tpu.memory_space<vmem>>
        %gather3A_1786 = tpu.memref_squeeze %gather3A_1785 : memref<1x320x128xf32, #tpu.memory_space<vmem>> -> memref<320x128xf32, #tpu.memory_space<vmem>>
        %gather3A_1787 = arith.constant 0 : i32
        %gather3A_1788 = tpu.memref_slice %gather3A_1786[%add3A_1778, %gather3A_1787] : memref<320x128xf32, #tpu.memory_space<vmem>> -> memref<1x128xf32, #tpu.memory_space<vmem>>
        %gather3A_1789 = tpu.memref_squeeze %gather3A_1788 : memref<1x128xf32, #tpu.memory_space<vmem>> -> memref<128xf32, #tpu.memory_space<vmem>>
        %gather3A_1790 = tpu.vector_load_idx %gather3A_1789[%add3A_1774] : memref<128xf32, #tpu.memory_space<vmem>>[vector<16xi32>], vector<16xf32>,
        %mul3A_1791 = arith.mulf %gather3A_1790, %gather3A_441 : vector<16xf32>
        %add3A_1792 = arith.constant 16 : i32
        %add3A_1793 = vector.broadcast %add3A_1792 : i32 to vector<16xi32>
        %add3A_1794 = arith.addi %add3A_1774, %add3A_1793 : vector<16xi32>
        %gather3A_1795 = arith.constant 0 : i32
        %gather3A_1796 = arith.constant 0 : i32
        %gather3A_1797 = tpu.memref_slice %arg19[%scan3A_285, %gather3A_1795, %gather3A_1796] : memref<2x320x128xf32, #tpu.memory_space<vmem>> -> memref<1x320x128xf32, #tpu.memory_space<vmem>>
        %gather3A_1798 = tpu.memref_squeeze %gather3A_1797 : memref<1x320x128xf32, #tpu.memory_space<vmem>> -> memref<320x128xf32, #tpu.memory_space<vmem>>
        %gather3A_1799 = arith.constant 0 : i32
        %gather3A_1800 = tpu.memref_slice %gather3A_1798[%add3A_1778, %gather3A_1799] : memref<320x128xf32, #tpu.memory_space<vmem>> -> memref<1x128xf32, #tpu.memory_space<vmem>>
        %gather3A_1801 = tpu.memref_squeeze %gather3A_1800 : memref<1x128xf32, #tpu.memory_space<vmem>> -> memref<128xf32, #tpu.memory_space<vmem>>
        %gather3A_1802 = tpu.vector_load_idx %gather3A_1801[%add3A_1794] : memref<128xf32, #tpu.memory_space<vmem>>[vector<16xi32>], vector<16xf32>,
        %mul3A_1803 = arith.mulf %gather3A_1802, %gather3A_452 : vector<16xf32>
        %add3A_1804 = arith.addf %mul3A_1791, %mul3A_1803 : vector<16xf32>
        %add3A_1805 = arith.constant 32 : i32
        %add3A_1806 = vector.broadcast %add3A_1805 : i32 to vector<16xi32>
        %add3A_1807 = arith.addi %add3A_1774, %add3A_1806 : vector<16xi32>
        %gather3A_1808 = arith.constant 0 : i32
        %gather3A_1809 = arith.constant 0 : i32
        %gather3A_1810 = tpu.memref_slice %arg19[%scan3A_285, %gather3A_1808, %gather3A_1809] : memref<2x320x128xf32, #tpu.memory_space<vmem>> -> memref<1x320x128xf32, #tpu.memory_space<vmem>>
        %gather3A_1811 = tpu.memref_squeeze %gather3A_1810 : memref<1x320x128xf32, #tpu.memory_space<vmem>> -> memref<320x128xf32, #tpu.memory_space<vmem>>
        %gather3A_1812 = arith.constant 0 : i32
        %gather3A_1813 = tpu.memref_slice %gather3A_1811[%add3A_1778, %gather3A_1812] : memref<320x128xf32, #tpu.memory_space<vmem>> -> memref<1x128xf32, #tpu.memory_space<vmem>>
        %gather3A_1814 = tpu.memref_squeeze %gather3A_1813 : memref<1x128xf32, #tpu.memory_space<vmem>> -> memref<128xf32, #tpu.memory_space<vmem>>
        %gather3A_1815 = tpu.vector_load_idx %gather3A_1814[%add3A_1807] : memref<128xf32, #tpu.memory_space<vmem>>[vector<16xi32>], vector<16xf32>,
        %mul3A_1816 = arith.mulf %gather3A_1815, %gather3A_463 : vector<16xf32>
        %add3A_1817 = arith.addf %add3A_1804, %mul3A_1816 : vector<16xf32>
        %add3A_1818 = arith.constant 48 : i32
        %add3A_1819 = vector.broadcast %add3A_1818 : i32 to vector<16xi32>
        %add3A_1820 = arith.addi %add3A_1774, %add3A_1819 : vector<16xi32>
        %gather3A_1821 = arith.constant 0 : i32
        %gather3A_1822 = arith.constant 0 : i32
        %gather3A_1823 = tpu.memref_slice %arg19[%scan3A_285, %gather3A_1821, %gather3A_1822] : memref<2x320x128xf32, #tpu.memory_space<vmem>> -> memref<1x320x128xf32, #tpu.memory_space<vmem>>
        %gather3A_1824 = tpu.memref_squeeze %gather3A_1823 : memref<1x320x128xf32, #tpu.memory_space<vmem>> -> memref<320x128xf32, #tpu.memory_space<vmem>>
        %gather3A_1825 = arith.constant 0 : i32
        %gather3A_1826 = tpu.memref_slice %gather3A_1824[%add3A_1778, %gather3A_1825] : memref<320x128xf32, #tpu.memory_space<vmem>> -> memref<1x128xf32, #tpu.memory_space<vmem>>
        %gather3A_1827 = tpu.memref_squeeze %gather3A_1826 : memref<1x128xf32, #tpu.memory_space<vmem>> -> memref<128xf32, #tpu.memory_space<vmem>>
        %gather3A_1828 = tpu.vector_load_idx %gather3A_1827[%add3A_1820] : memref<128xf32, #tpu.memory_space<vmem>>[vector<16xi32>], vector<16xf32>,
        %mul3A_1829 = arith.mulf %gather3A_1828, %gather3A_474 : vector<16xf32>
        %add3A_1830 = arith.addf %add3A_1817, %mul3A_1829 : vector<16xf32>
        %broadcast_in_dim3A_1831 = arith.constant true
        %broadcast_in_dim3A_1832 = vector.broadcast %broadcast_in_dim3A_1831 : i1 to vector<16xi1>
        %masked_cumsum3A_1833 = tpu.scan <sum>, %add3A_1830 masked %broadcast_in_dim3A_1832 : vector<16xf32>, vector<16xi1> -> vector<16xf32>
        %broadcast_in_dim3A_1834 = vector.broadcast %add3A_1782 : i32 to vector<16xi32>
        tpu.vector_store_idx %arg20[%broadcast_in_dim3A_1834], %masked_cumsum3A_1833 masked %eq3A_18 : memref<10752xf32, #tpu.memory_space<vmem>>[vector<16xi32>], vector<16xf32>, vector<16xi1>
        %broadcast_in_dim3A_1835 = arith.constant 9 : i32
        %broadcast_in_dim3A_1836 = vector.broadcast %broadcast_in_dim3A_1835 : i32 to vector<16xi32>
        %lt3A_1837 = arith.constant 0 : i32
        %lt3A_1838 = vector.broadcast %lt3A_1837 : i32 to vector<16xi32>
        %lt3A_1839 = arith.cmpi slt, %broadcast_in_dim3A_1836, %lt3A_1838 : vector<16xi32>
        %add3A_1840 = arith.constant 16 : i32
        %add3A_1841 = vector.broadcast %add3A_1840 : i32 to vector<16xi32>
        %add3A_1842 = arith.addi %broadcast_in_dim3A_1836, %add3A_1841 : vector<16xi32>
        %select_n3A_1843 = arith.select %lt3A_1839, %add3A_1842, %broadcast_in_dim3A_1836 : vector<16xi1>, vector<16xi32>
        %reshape3A_1844 = vector.shape_cast %select_n3A_1843 : vector<16xi32> to vector<16x1xi32>
        %gather3A_1845 = vector.shape_cast %reshape3A_1844 : vector<16x1xi32> to vector<16xi32>
        %gather3A_1846 = tpu.dynamic_gather %get3A_419[%gather3A_1845] in [0] : vector<16xi32>, vector<16xi32> -> vector<16xi32>
        %mul3A_1847 = arith.constant 64 : i32
        %mul3A_1848 = vector.broadcast %mul3A_1847 : i32 to vector<16xi32>
        %mul3A_1849 = arith.muli %gather3A_1846, %mul3A_1848 : vector<16xi32>
        %add3A_1850 = arith.addi %mul3A_1849, %iota3A_19 : vector<16xi32>
        %mul3A_1851 = arith.constant 20 : i32
        %mul3A_1852 = arith.muli %scan3A_407, %mul3A_1851 : i32
        %add3A_1853 = arith.constant 17 : i32
        %add3A_1854 = arith.addi %mul3A_1852, %add3A_1853 : i32
        %add3A_1855 = arith.constant 1 : i32
        %add3A_1856 = arith.addi %mul3A_476, %add3A_1855 : i32
        %add3A_1857 = arith.constant 17 : i32
        %add3A_1858 = arith.addi %add3A_1856, %add3A_1857 : i32
        %gather3A_1859 = arith.constant 0 : i32
        %gather3A_1860 = arith.constant 0 : i32
        %gather3A_1861 = tpu.memref_slice %arg19[%scan3A_285, %gather3A_1859, %gather3A_1860] : memref<2x320x128xf32, #tpu.memory_space<vmem>> -> memref<1x320x128xf32, #tpu.memory_space<vmem>>
        %gather3A_1862 = tpu.memref_squeeze %gather3A_1861 : memref<1x320x128xf32, #tpu.memory_space<vmem>> -> memref<320x128xf32, #tpu.memory_space<vmem>>
        %gather3A_1863 = arith.constant 0 : i32
        %gather3A_1864 = tpu.memref_slice %gather3A_1862[%add3A_1854, %gather3A_1863] : memref<320x128xf32, #tpu.memory_space<vmem>> -> memref<1x128xf32, #tpu.memory_space<vmem>>
        %gather3A_1865 = tpu.memref_squeeze %gather3A_1864 : memref<1x128xf32, #tpu.memory_space<vmem>> -> memref<128xf32, #tpu.memory_space<vmem>>
        %gather3A_1866 = tpu.vector_load_idx %gather3A_1865[%add3A_1850] : memref<128xf32, #tpu.memory_space<vmem>>[vector<16xi32>], vector<16xf32>,
        %mul3A_1867 = arith.mulf %gather3A_1866, %gather3A_441 : vector<16xf32>
        %add3A_1868 = arith.constant 16 : i32
        %add3A_1869 = vector.broadcast %add3A_1868 : i32 to vector<16xi32>
        %add3A_1870 = arith.addi %add3A_1850, %add3A_1869 : vector<16xi32>
        %gather3A_1871 = arith.constant 0 : i32
        %gather3A_1872 = arith.constant 0 : i32
        %gather3A_1873 = tpu.memref_slice %arg19[%scan3A_285, %gather3A_1871, %gather3A_1872] : memref<2x320x128xf32, #tpu.memory_space<vmem>> -> memref<1x320x128xf32, #tpu.memory_space<vmem>>
        %gather3A_1874 = tpu.memref_squeeze %gather3A_1873 : memref<1x320x128xf32, #tpu.memory_space<vmem>> -> memref<320x128xf32, #tpu.memory_space<vmem>>
        %gather3A_1875 = arith.constant 0 : i32
        %gather3A_1876 = tpu.memref_slice %gather3A_1874[%add3A_1854, %gather3A_1875] : memref<320x128xf32, #tpu.memory_space<vmem>> -> memref<1x128xf32, #tpu.memory_space<vmem>>
        %gather3A_1877 = tpu.memref_squeeze %gather3A_1876 : memref<1x128xf32, #tpu.memory_space<vmem>> -> memref<128xf32, #tpu.memory_space<vmem>>
        %gather3A_1878 = tpu.vector_load_idx %gather3A_1877[%add3A_1870] : memref<128xf32, #tpu.memory_space<vmem>>[vector<16xi32>], vector<16xf32>,
        %mul3A_1879 = arith.mulf %gather3A_1878, %gather3A_452 : vector<16xf32>
        %add3A_1880 = arith.addf %mul3A_1867, %mul3A_1879 : vector<16xf32>
        %add3A_1881 = arith.constant 32 : i32
        %add3A_1882 = vector.broadcast %add3A_1881 : i32 to vector<16xi32>
        %add3A_1883 = arith.addi %add3A_1850, %add3A_1882 : vector<16xi32>
        %gather3A_1884 = arith.constant 0 : i32
        %gather3A_1885 = arith.constant 0 : i32
        %gather3A_1886 = tpu.memref_slice %arg19[%scan3A_285, %gather3A_1884, %gather3A_1885] : memref<2x320x128xf32, #tpu.memory_space<vmem>> -> memref<1x320x128xf32, #tpu.memory_space<vmem>>
        %gather3A_1887 = tpu.memref_squeeze %gather3A_1886 : memref<1x320x128xf32, #tpu.memory_space<vmem>> -> memref<320x128xf32, #tpu.memory_space<vmem>>
        %gather3A_1888 = arith.constant 0 : i32
        %gather3A_1889 = tpu.memref_slice %gather3A_1887[%add3A_1854, %gather3A_1888] : memref<320x128xf32, #tpu.memory_space<vmem>> -> memref<1x128xf32, #tpu.memory_space<vmem>>
        %gather3A_1890 = tpu.memref_squeeze %gather3A_1889 : memref<1x128xf32, #tpu.memory_space<vmem>> -> memref<128xf32, #tpu.memory_space<vmem>>
        %gather3A_1891 = tpu.vector_load_idx %gather3A_1890[%add3A_1883] : memref<128xf32, #tpu.memory_space<vmem>>[vector<16xi32>], vector<16xf32>,
        %mul3A_1892 = arith.mulf %gather3A_1891, %gather3A_463 : vector<16xf32>
        %add3A_1893 = arith.addf %add3A_1880, %mul3A_1892 : vector<16xf32>
        %add3A_1894 = arith.constant 48 : i32
        %add3A_1895 = vector.broadcast %add3A_1894 : i32 to vector<16xi32>
        %add3A_1896 = arith.addi %add3A_1850, %add3A_1895 : vector<16xi32>
        %gather3A_1897 = arith.constant 0 : i32
        %gather3A_1898 = arith.constant 0 : i32
        %gather3A_1899 = tpu.memref_slice %arg19[%scan3A_285, %gather3A_1897, %gather3A_1898] : memref<2x320x128xf32, #tpu.memory_space<vmem>> -> memref<1x320x128xf32, #tpu.memory_space<vmem>>
        %gather3A_1900 = tpu.memref_squeeze %gather3A_1899 : memref<1x320x128xf32, #tpu.memory_space<vmem>> -> memref<320x128xf32, #tpu.memory_space<vmem>>
        %gather3A_1901 = arith.constant 0 : i32
        %gather3A_1902 = tpu.memref_slice %gather3A_1900[%add3A_1854, %gather3A_1901] : memref<320x128xf32, #tpu.memory_space<vmem>> -> memref<1x128xf32, #tpu.memory_space<vmem>>
        %gather3A_1903 = tpu.memref_squeeze %gather3A_1902 : memref<1x128xf32, #tpu.memory_space<vmem>> -> memref<128xf32, #tpu.memory_space<vmem>>
        %gather3A_1904 = tpu.vector_load_idx %gather3A_1903[%add3A_1896] : memref<128xf32, #tpu.memory_space<vmem>>[vector<16xi32>], vector<16xf32>,
        %mul3A_1905 = arith.mulf %gather3A_1904, %gather3A_474 : vector<16xf32>
        %add3A_1906 = arith.addf %add3A_1893, %mul3A_1905 : vector<16xf32>
        %broadcast_in_dim3A_1907 = arith.constant true
        %broadcast_in_dim3A_1908 = vector.broadcast %broadcast_in_dim3A_1907 : i1 to vector<16xi1>
        %masked_cumsum3A_1909 = tpu.scan <sum>, %add3A_1906 masked %broadcast_in_dim3A_1908 : vector<16xf32>, vector<16xi1> -> vector<16xf32>
        %broadcast_in_dim3A_1910 = vector.broadcast %add3A_1858 : i32 to vector<16xi32>
        tpu.vector_store_idx %arg20[%broadcast_in_dim3A_1910], %masked_cumsum3A_1909 masked %eq3A_18 : memref<10752xf32, #tpu.memory_space<vmem>>[vector<16xi32>], vector<16xf32>, vector<16xi1>
        %broadcast_in_dim3A_1911 = arith.constant 10 : i32
        %broadcast_in_dim3A_1912 = vector.broadcast %broadcast_in_dim3A_1911 : i32 to vector<16xi32>
        %lt3A_1913 = arith.constant 0 : i32
        %lt3A_1914 = vector.broadcast %lt3A_1913 : i32 to vector<16xi32>
        %lt3A_1915 = arith.cmpi slt, %broadcast_in_dim3A_1912, %lt3A_1914 : vector<16xi32>
        %add3A_1916 = arith.constant 16 : i32
        %add3A_1917 = vector.broadcast %add3A_1916 : i32 to vector<16xi32>
        %add3A_1918 = arith.addi %broadcast_in_dim3A_1912, %add3A_1917 : vector<16xi32>
        %select_n3A_1919 = arith.select %lt3A_1915, %add3A_1918, %broadcast_in_dim3A_1912 : vector<16xi1>, vector<16xi32>
        %reshape3A_1920 = vector.shape_cast %select_n3A_1919 : vector<16xi32> to vector<16x1xi32>
        %gather3A_1921 = vector.shape_cast %reshape3A_1920 : vector<16x1xi32> to vector<16xi32>
        %gather3A_1922 = tpu.dynamic_gather %get3A_419[%gather3A_1921] in [0] : vector<16xi32>, vector<16xi32> -> vector<16xi32>
        %mul3A_1923 = arith.constant 64 : i32
        %mul3A_1924 = vector.broadcast %mul3A_1923 : i32 to vector<16xi32>
        %mul3A_1925 = arith.muli %gather3A_1922, %mul3A_1924 : vector<16xi32>
        %add3A_1926 = arith.addi %mul3A_1925, %iota3A_19 : vector<16xi32>
        %mul3A_1927 = arith.constant 20 : i32
        %mul3A_1928 = arith.muli %scan3A_407, %mul3A_1927 : i32
        %add3A_1929 = arith.constant 18 : i32
        %add3A_1930 = arith.addi %mul3A_1928, %add3A_1929 : i32
        %add3A_1931 = arith.constant 1 : i32
        %add3A_1932 = arith.addi %mul3A_476, %add3A_1931 : i32
        %add3A_1933 = arith.constant 18 : i32
        %add3A_1934 = arith.addi %add3A_1932, %add3A_1933 : i32
        %gather3A_1935 = arith.constant 0 : i32
        %gather3A_1936 = arith.constant 0 : i32
        %gather3A_1937 = tpu.memref_slice %arg19[%scan3A_285, %gather3A_1935, %gather3A_1936] : memref<2x320x128xf32, #tpu.memory_space<vmem>> -> memref<1x320x128xf32, #tpu.memory_space<vmem>>
        %gather3A_1938 = tpu.memref_squeeze %gather3A_1937 : memref<1x320x128xf32, #tpu.memory_space<vmem>> -> memref<320x128xf32, #tpu.memory_space<vmem>>
        %gather3A_1939 = arith.constant 0 : i32
        %gather3A_1940 = tpu.memref_slice %gather3A_1938[%add3A_1930, %gather3A_1939] : memref<320x128xf32, #tpu.memory_space<vmem>> -> memref<1x128xf32, #tpu.memory_space<vmem>>
        %gather3A_1941 = tpu.memref_squeeze %gather3A_1940 : memref<1x128xf32, #tpu.memory_space<vmem>> -> memref<128xf32, #tpu.memory_space<vmem>>
        %gather3A_1942 = tpu.vector_load_idx %gather3A_1941[%add3A_1926] : memref<128xf32, #tpu.memory_space<vmem>>[vector<16xi32>], vector<16xf32>,
        %mul3A_1943 = arith.mulf %gather3A_1942, %gather3A_441 : vector<16xf32>
        %add3A_1944 = arith.constant 16 : i32
        %add3A_1945 = vector.broadcast %add3A_1944 : i32 to vector<16xi32>
        %add3A_1946 = arith.addi %add3A_1926, %add3A_1945 : vector<16xi32>
        %gather3A_1947 = arith.constant 0 : i32
        %gather3A_1948 = arith.constant 0 : i32
        %gather3A_1949 = tpu.memref_slice %arg19[%scan3A_285, %gather3A_1947, %gather3A_1948] : memref<2x320x128xf32, #tpu.memory_space<vmem>> -> memref<1x320x128xf32, #tpu.memory_space<vmem>>
        %gather3A_1950 = tpu.memref_squeeze %gather3A_1949 : memref<1x320x128xf32, #tpu.memory_space<vmem>> -> memref<320x128xf32, #tpu.memory_space<vmem>>
        %gather3A_1951 = arith.constant 0 : i32
        %gather3A_1952 = tpu.memref_slice %gather3A_1950[%add3A_1930, %gather3A_1951] : memref<320x128xf32, #tpu.memory_space<vmem>> -> memref<1x128xf32, #tpu.memory_space<vmem>>
        %gather3A_1953 = tpu.memref_squeeze %gather3A_1952 : memref<1x128xf32, #tpu.memory_space<vmem>> -> memref<128xf32, #tpu.memory_space<vmem>>
        %gather3A_1954 = tpu.vector_load_idx %gather3A_1953[%add3A_1946] : memref<128xf32, #tpu.memory_space<vmem>>[vector<16xi32>], vector<16xf32>,
        %mul3A_1955 = arith.mulf %gather3A_1954, %gather3A_452 : vector<16xf32>
        %add3A_1956 = arith.addf %mul3A_1943, %mul3A_1955 : vector<16xf32>
        %add3A_1957 = arith.constant 32 : i32
        %add3A_1958 = vector.broadcast %add3A_1957 : i32 to vector<16xi32>
        %add3A_1959 = arith.addi %add3A_1926, %add3A_1958 : vector<16xi32>
        %gather3A_1960 = arith.constant 0 : i32
        %gather3A_1961 = arith.constant 0 : i32
        %gather3A_1962 = tpu.memref_slice %arg19[%scan3A_285, %gather3A_1960, %gather3A_1961] : memref<2x320x128xf32, #tpu.memory_space<vmem>> -> memref<1x320x128xf32, #tpu.memory_space<vmem>>
        %gather3A_1963 = tpu.memref_squeeze %gather3A_1962 : memref<1x320x128xf32, #tpu.memory_space<vmem>> -> memref<320x128xf32, #tpu.memory_space<vmem>>
        %gather3A_1964 = arith.constant 0 : i32
        %gather3A_1965 = tpu.memref_slice %gather3A_1963[%add3A_1930, %gather3A_1964] : memref<320x128xf32, #tpu.memory_space<vmem>> -> memref<1x128xf32, #tpu.memory_space<vmem>>
        %gather3A_1966 = tpu.memref_squeeze %gather3A_1965 : memref<1x128xf32, #tpu.memory_space<vmem>> -> memref<128xf32, #tpu.memory_space<vmem>>
        %gather3A_1967 = tpu.vector_load_idx %gather3A_1966[%add3A_1959] : memref<128xf32, #tpu.memory_space<vmem>>[vector<16xi32>], vector<16xf32>,
        %mul3A_1968 = arith.mulf %gather3A_1967, %gather3A_463 : vector<16xf32>
        %add3A_1969 = arith.addf %add3A_1956, %mul3A_1968 : vector<16xf32>
        %add3A_1970 = arith.constant 48 : i32
        %add3A_1971 = vector.broadcast %add3A_1970 : i32 to vector<16xi32>
        %add3A_1972 = arith.addi %add3A_1926, %add3A_1971 : vector<16xi32>
        %gather3A_1973 = arith.constant 0 : i32
        %gather3A_1974 = arith.constant 0 : i32
        %gather3A_1975 = tpu.memref_slice %arg19[%scan3A_285, %gather3A_1973, %gather3A_1974] : memref<2x320x128xf32, #tpu.memory_space<vmem>> -> memref<1x320x128xf32, #tpu.memory_space<vmem>>
        %gather3A_1976 = tpu.memref_squeeze %gather3A_1975 : memref<1x320x128xf32, #tpu.memory_space<vmem>> -> memref<320x128xf32, #tpu.memory_space<vmem>>
        %gather3A_1977 = arith.constant 0 : i32
        %gather3A_1978 = tpu.memref_slice %gather3A_1976[%add3A_1930, %gather3A_1977] : memref<320x128xf32, #tpu.memory_space<vmem>> -> memref<1x128xf32, #tpu.memory_space<vmem>>
        %gather3A_1979 = tpu.memref_squeeze %gather3A_1978 : memref<1x128xf32, #tpu.memory_space<vmem>> -> memref<128xf32, #tpu.memory_space<vmem>>
        %gather3A_1980 = tpu.vector_load_idx %gather3A_1979[%add3A_1972] : memref<128xf32, #tpu.memory_space<vmem>>[vector<16xi32>], vector<16xf32>,
        %mul3A_1981 = arith.mulf %gather3A_1980, %gather3A_474 : vector<16xf32>
        %add3A_1982 = arith.addf %add3A_1969, %mul3A_1981 : vector<16xf32>
        %broadcast_in_dim3A_1983 = arith.constant true
        %broadcast_in_dim3A_1984 = vector.broadcast %broadcast_in_dim3A_1983 : i1 to vector<16xi1>
        %masked_cumsum3A_1985 = tpu.scan <sum>, %add3A_1982 masked %broadcast_in_dim3A_1984 : vector<16xf32>, vector<16xi1> -> vector<16xf32>
        %broadcast_in_dim3A_1986 = vector.broadcast %add3A_1934 : i32 to vector<16xi32>
        tpu.vector_store_idx %arg20[%broadcast_in_dim3A_1986], %masked_cumsum3A_1985 masked %eq3A_18 : memref<10752xf32, #tpu.memory_space<vmem>>[vector<16xi32>], vector<16xf32>, vector<16xi1>
        %broadcast_in_dim3A_1987 = arith.constant 11 : i32
        %broadcast_in_dim3A_1988 = vector.broadcast %broadcast_in_dim3A_1987 : i32 to vector<16xi32>
        %lt3A_1989 = arith.constant 0 : i32
        %lt3A_1990 = vector.broadcast %lt3A_1989 : i32 to vector<16xi32>
        %lt3A_1991 = arith.cmpi slt, %broadcast_in_dim3A_1988, %lt3A_1990 : vector<16xi32>
        %add3A_1992 = arith.constant 16 : i32
        %add3A_1993 = vector.broadcast %add3A_1992 : i32 to vector<16xi32>
        %add3A_1994 = arith.addi %broadcast_in_dim3A_1988, %add3A_1993 : vector<16xi32>
        %select_n3A_1995 = arith.select %lt3A_1991, %add3A_1994, %broadcast_in_dim3A_1988 : vector<16xi1>, vector<16xi32>
        %reshape3A_1996 = vector.shape_cast %select_n3A_1995 : vector<16xi32> to vector<16x1xi32>
        %gather3A_1997 = vector.shape_cast %reshape3A_1996 : vector<16x1xi32> to vector<16xi32>
        %gather3A_1998 = tpu.dynamic_gather %get3A_419[%gather3A_1997] in [0] : vector<16xi32>, vector<16xi32> -> vector<16xi32>
        %mul3A_1999 = arith.constant 64 : i32
        %mul3A_2000 = vector.broadcast %mul3A_1999 : i32 to vector<16xi32>
        %mul3A_2001 = arith.muli %gather3A_1998, %mul3A_2000 : vector<16xi32>
        %add3A_2002 = arith.addi %mul3A_2001, %iota3A_19 : vector<16xi32>
        %mul3A_2003 = arith.constant 20 : i32
        %mul3A_2004 = arith.muli %scan3A_407, %mul3A_2003 : i32
        %add3A_2005 = arith.constant 19 : i32
        %add3A_2006 = arith.addi %mul3A_2004, %add3A_2005 : i32
        %add3A_2007 = arith.constant 1 : i32
        %add3A_2008 = arith.addi %mul3A_476, %add3A_2007 : i32
        %add3A_2009 = arith.constant 19 : i32
        %add3A_2010 = arith.addi %add3A_2008, %add3A_2009 : i32
        %gather3A_2011 = arith.constant 0 : i32
        %gather3A_2012 = arith.constant 0 : i32
        %gather3A_2013 = tpu.memref_slice %arg19[%scan3A_285, %gather3A_2011, %gather3A_2012] : memref<2x320x128xf32, #tpu.memory_space<vmem>> -> memref<1x320x128xf32, #tpu.memory_space<vmem>>
        %gather3A_2014 = tpu.memref_squeeze %gather3A_2013 : memref<1x320x128xf32, #tpu.memory_space<vmem>> -> memref<320x128xf32, #tpu.memory_space<vmem>>
        %gather3A_2015 = arith.constant 0 : i32
        %gather3A_2016 = tpu.memref_slice %gather3A_2014[%add3A_2006, %gather3A_2015] : memref<320x128xf32, #tpu.memory_space<vmem>> -> memref<1x128xf32, #tpu.memory_space<vmem>>
        %gather3A_2017 = tpu.memref_squeeze %gather3A_2016 : memref<1x128xf32, #tpu.memory_space<vmem>> -> memref<128xf32, #tpu.memory_space<vmem>>
        %gather3A_2018 = tpu.vector_load_idx %gather3A_2017[%add3A_2002] : memref<128xf32, #tpu.memory_space<vmem>>[vector<16xi32>], vector<16xf32>,
        %mul3A_2019 = arith.mulf %gather3A_2018, %gather3A_441 : vector<16xf32>
        %add3A_2020 = arith.constant 16 : i32
        %add3A_2021 = vector.broadcast %add3A_2020 : i32 to vector<16xi32>
        %add3A_2022 = arith.addi %add3A_2002, %add3A_2021 : vector<16xi32>
        %gather3A_2023 = arith.constant 0 : i32
        %gather3A_2024 = arith.constant 0 : i32
        %gather3A_2025 = tpu.memref_slice %arg19[%scan3A_285, %gather3A_2023, %gather3A_2024] : memref<2x320x128xf32, #tpu.memory_space<vmem>> -> memref<1x320x128xf32, #tpu.memory_space<vmem>>
        %gather3A_2026 = tpu.memref_squeeze %gather3A_2025 : memref<1x320x128xf32, #tpu.memory_space<vmem>> -> memref<320x128xf32, #tpu.memory_space<vmem>>
        %gather3A_2027 = arith.constant 0 : i32
        %gather3A_2028 = tpu.memref_slice %gather3A_2026[%add3A_2006, %gather3A_2027] : memref<320x128xf32, #tpu.memory_space<vmem>> -> memref<1x128xf32, #tpu.memory_space<vmem>>
        %gather3A_2029 = tpu.memref_squeeze %gather3A_2028 : memref<1x128xf32, #tpu.memory_space<vmem>> -> memref<128xf32, #tpu.memory_space<vmem>>
        %gather3A_2030 = tpu.vector_load_idx %gather3A_2029[%add3A_2022] : memref<128xf32, #tpu.memory_space<vmem>>[vector<16xi32>], vector<16xf32>,
        %mul3A_2031 = arith.mulf %gather3A_2030, %gather3A_452 : vector<16xf32>
        %add3A_2032 = arith.addf %mul3A_2019, %mul3A_2031 : vector<16xf32>
        %add3A_2033 = arith.constant 32 : i32
        %add3A_2034 = vector.broadcast %add3A_2033 : i32 to vector<16xi32>
        %add3A_2035 = arith.addi %add3A_2002, %add3A_2034 : vector<16xi32>
        %gather3A_2036 = arith.constant 0 : i32
        %gather3A_2037 = arith.constant 0 : i32
        %gather3A_2038 = tpu.memref_slice %arg19[%scan3A_285, %gather3A_2036, %gather3A_2037] : memref<2x320x128xf32, #tpu.memory_space<vmem>> -> memref<1x320x128xf32, #tpu.memory_space<vmem>>
        %gather3A_2039 = tpu.memref_squeeze %gather3A_2038 : memref<1x320x128xf32, #tpu.memory_space<vmem>> -> memref<320x128xf32, #tpu.memory_space<vmem>>
        %gather3A_2040 = arith.constant 0 : i32
        %gather3A_2041 = tpu.memref_slice %gather3A_2039[%add3A_2006, %gather3A_2040] : memref<320x128xf32, #tpu.memory_space<vmem>> -> memref<1x128xf32, #tpu.memory_space<vmem>>
        %gather3A_2042 = tpu.memref_squeeze %gather3A_2041 : memref<1x128xf32, #tpu.memory_space<vmem>> -> memref<128xf32, #tpu.memory_space<vmem>>
        %gather3A_2043 = tpu.vector_load_idx %gather3A_2042[%add3A_2035] : memref<128xf32, #tpu.memory_space<vmem>>[vector<16xi32>], vector<16xf32>,
        %mul3A_2044 = arith.mulf %gather3A_2043, %gather3A_463 : vector<16xf32>
        %add3A_2045 = arith.addf %add3A_2032, %mul3A_2044 : vector<16xf32>
        %add3A_2046 = arith.constant 48 : i32
        %add3A_2047 = vector.broadcast %add3A_2046 : i32 to vector<16xi32>
        %add3A_2048 = arith.addi %add3A_2002, %add3A_2047 : vector<16xi32>
        %gather3A_2049 = arith.constant 0 : i32
        %gather3A_2050 = arith.constant 0 : i32
        %gather3A_2051 = tpu.memref_slice %arg19[%scan3A_285, %gather3A_2049, %gather3A_2050] : memref<2x320x128xf32, #tpu.memory_space<vmem>> -> memref<1x320x128xf32, #tpu.memory_space<vmem>>
        %gather3A_2052 = tpu.memref_squeeze %gather3A_2051 : memref<1x320x128xf32, #tpu.memory_space<vmem>> -> memref<320x128xf32, #tpu.memory_space<vmem>>
        %gather3A_2053 = arith.constant 0 : i32
        %gather3A_2054 = tpu.memref_slice %gather3A_2052[%add3A_2006, %gather3A_2053] : memref<320x128xf32, #tpu.memory_space<vmem>> -> memref<1x128xf32, #tpu.memory_space<vmem>>
        %gather3A_2055 = tpu.memref_squeeze %gather3A_2054 : memref<1x128xf32, #tpu.memory_space<vmem>> -> memref<128xf32, #tpu.memory_space<vmem>>
        %gather3A_2056 = tpu.vector_load_idx %gather3A_2055[%add3A_2048] : memref<128xf32, #tpu.memory_space<vmem>>[vector<16xi32>], vector<16xf32>,
        %mul3A_2057 = arith.mulf %gather3A_2056, %gather3A_474 : vector<16xf32>
        %add3A_2058 = arith.addf %add3A_2045, %mul3A_2057 : vector<16xf32>
        %broadcast_in_dim3A_2059 = arith.constant true
        %broadcast_in_dim3A_2060 = vector.broadcast %broadcast_in_dim3A_2059 : i1 to vector<16xi1>
        %masked_cumsum3A_2061 = tpu.scan <sum>, %add3A_2058 masked %broadcast_in_dim3A_2060 : vector<16xf32>, vector<16xi1> -> vector<16xf32>
        %broadcast_in_dim3A_2062 = vector.broadcast %add3A_2010 : i32 to vector<16xi32>
        tpu.vector_store_idx %arg20[%broadcast_in_dim3A_2062], %masked_cumsum3A_2061 masked %eq3A_18 : memref<10752xf32, #tpu.memory_space<vmem>>[vector<16xi32>], vector<16xf32>, vector<16xi1>
        %scan3A_2063 = arith.constant 0 : i32
        scf.yield %scan3A_2063 : i32
      }
      %scan3A_292 = arith.constant 16 : i32
      %add3A_293 = arith.constant 2 : i32
      %add3A_294 = arith.addi %mul3A_100, %add3A_293 : i32
      %lt3A = arith.constant 32 : i32
      %lt3A_295 = arith.cmpi slt, %add3A_294, %lt3A : i32
      %convert_element_type3A = arith.extui %lt3A_295 : i1 to i32
      %cond3A = arith.constant 0 : i32
      %cond3A_296 = arith.cmpi ne, %convert_element_type3A, %cond3A : i32
      scf.if %cond3A_296 {
        %add3A_407 = arith.constant 2 : i32
        %add3A_408 = arith.addi %mul3A_100, %add3A_407 : i32
        %mul3A_409 = arith.constant 16 : i32
        %mul3A_410 = arith.muli %add3A_408, %mul3A_409 : i32
        %dma_start3A_411 = arith.constant 0 : i32
        %dma_start3A_412 = arith.constant 0 : i32
        %dma_start3A_413 = arith.constant 0 : i32
        %dma_start3A_414 = tpu.memref_slice %arg17[%dma_start3A_411, %dma_start3A_412, %dma_start3A_413] : memref<2x16x128xf32, #tpu.memory_space<vmem>> -> memref<1x16x128xf32, #tpu.memory_space<vmem>>
        %dma_start3A_415 = tpu.memref_squeeze %dma_start3A_414 : memref<1x16x128xf32, #tpu.memory_space<vmem>> -> memref<16x128xf32, #tpu.memory_space<vmem>>
        %dma_start3A_416 = tpu.memref_slice %arg11[%mul3A_410] : memref<512xi32, #tpu.memory_space<vmem>> -> memref<16xi32, #tpu.memory_space<vmem>>
        %dma_start3A_417 = arith.constant 0 : i32
        %dma_start3A_418 = arith.constant 0 : i32
        %dma_start3A_419 = tpu.memref_slice %arg2[%dma_start3A_417, %dma_start3A_418] : memref<500000x128xf32, #tpu.memory_space<hbm>> -> memref<500000x128xf32, #tpu.memory_space<hbm>>
        tpu.enqueue_indirect_dma source(%dma_start3A_419 : memref<500000x128xf32, #tpu.memory_space<hbm>>) target(%dma_start3A_415 : memref<16x128xf32, #tpu.memory_space<vmem>>) offsets(%dma_start3A_416 : memref<16xi32, #tpu.memory_space<vmem>>) semaphore(%arg21 : memref<!tpu.dma_semaphore, #tpu.memory_space<semaphore_mem>>)
        %mul3A_420 = arith.constant 16 : i32
        %mul3A_421 = arith.muli %add3A_408, %mul3A_420 : i32
        %dma_start3A_422 = arith.constant 0 : i32
        %dma_start3A_423 = arith.constant 0 : i32
        %dma_start3A_424 = arith.constant 0 : i32
        %dma_start3A_425 = tpu.memref_slice %arg18[%dma_start3A_422, %dma_start3A_423, %dma_start3A_424] : memref<2x16x128xf32, #tpu.memory_space<vmem>> -> memref<1x16x128xf32, #tpu.memory_space<vmem>>
        %dma_start3A_426 = tpu.memref_squeeze %dma_start3A_425 : memref<1x16x128xf32, #tpu.memory_space<vmem>> -> memref<16x128xf32, #tpu.memory_space<vmem>>
        %dma_start3A_427 = tpu.memref_slice %arg12[%mul3A_421] : memref<512xi32, #tpu.memory_space<vmem>> -> memref<16xi32, #tpu.memory_space<vmem>>
        %dma_start3A_428 = arith.constant 0 : i32
        %dma_start3A_429 = arith.constant 0 : i32
        %dma_start3A_430 = tpu.memref_slice %arg3[%dma_start3A_428, %dma_start3A_429] : memref<500000x128xf32, #tpu.memory_space<hbm>> -> memref<500000x128xf32, #tpu.memory_space<hbm>>
        tpu.enqueue_indirect_dma source(%dma_start3A_430 : memref<500000x128xf32, #tpu.memory_space<hbm>>) target(%dma_start3A_426 : memref<16x128xf32, #tpu.memory_space<vmem>>) offsets(%dma_start3A_427 : memref<16xi32, #tpu.memory_space<vmem>>) semaphore(%arg21 : memref<!tpu.dma_semaphore, #tpu.memory_space<semaphore_mem>>)
        %mul3A_431 = arith.constant 320 : i32
        %mul3A_432 = arith.muli %add3A_408, %mul3A_431 : i32
        %add3A_433 = arith.constant 0 : i32
        %add3A_434 = arith.addi %mul3A_432, %add3A_433 : i32
        %dma_start3A_435 = arith.constant 0 : i32
        %dma_start3A_436 = arith.constant 0 : i32
        %dma_start3A_437 = arith.constant 0 : i32
        %dma_start3A_438 = tpu.memref_slice %arg19[%dma_start3A_435, %dma_start3A_436, %dma_start3A_437] : memref<2x320x128xf32, #tpu.memory_space<vmem>> -> memref<1x64x128xf32, #tpu.memory_space<vmem>>
        %dma_start3A_439 = tpu.memref_squeeze %dma_start3A_438 : memref<1x64x128xf32, #tpu.memory_space<vmem>> -> memref<64x128xf32, #tpu.memory_space<vmem>>
        %dma_start3A_440 = tpu.memref_slice %arg13[%add3A_434] : memref<10240xi32, #tpu.memory_space<vmem>> -> memref<64xi32, #tpu.memory_space<vmem>>
        %dma_start3A_441 = arith.constant 0 : i32
        %dma_start3A_442 = arith.constant 0 : i32
        %dma_start3A_443 = tpu.memref_slice %arg3[%dma_start3A_441, %dma_start3A_442] : memref<500000x128xf32, #tpu.memory_space<hbm>> -> memref<500000x128xf32, #tpu.memory_space<hbm>>
        tpu.enqueue_indirect_dma source(%dma_start3A_443 : memref<500000x128xf32, #tpu.memory_space<hbm>>) target(%dma_start3A_439 : memref<64x128xf32, #tpu.memory_space<vmem>>) offsets(%dma_start3A_440 : memref<64xi32, #tpu.memory_space<vmem>>) semaphore(%arg21 : memref<!tpu.dma_semaphore, #tpu.memory_space<semaphore_mem>>)
        %mul3A_444 = arith.constant 320 : i32
        %mul3A_445 = arith.muli %add3A_408, %mul3A_444 : i32
        %add3A_446 = arith.constant 64 : i32
        %add3A_447 = arith.addi %mul3A_445, %add3A_446 : i32
        %dma_start3A_448 = arith.constant 0 : i32
        %dma_start3A_449 = arith.constant 64 : i32
        %dma_start3A_450 = arith.constant 0 : i32
        %dma_start3A_451 = tpu.memref_slice %arg19[%dma_start3A_448, %dma_start3A_449, %dma_start3A_450] : memref<2x320x128xf32, #tpu.memory_space<vmem>> -> memref<1x64x128xf32, #tpu.memory_space<vmem>>
        %dma_start3A_452 = tpu.memref_squeeze %dma_start3A_451 : memref<1x64x128xf32, #tpu.memory_space<vmem>> -> memref<64x128xf32, #tpu.memory_space<vmem>>
        %dma_start3A_453 = tpu.memref_slice %arg13[%add3A_447] : memref<10240xi32, #tpu.memory_space<vmem>> -> memref<64xi32, #tpu.memory_space<vmem>>
        %dma_start3A_454 = arith.constant 0 : i32
        %dma_start3A_455 = arith.constant 0 : i32
        %dma_start3A_456 = tpu.memref_slice %arg3[%dma_start3A_454, %dma_start3A_455] : memref<500000x128xf32, #tpu.memory_space<hbm>> -> memref<500000x128xf32, #tpu.memory_space<hbm>>
        tpu.enqueue_indirect_dma source(%dma_start3A_456 : memref<500000x128xf32, #tpu.memory_space<hbm>>) target(%dma_start3A_452 : memref<64x128xf32, #tpu.memory_space<vmem>>) offsets(%dma_start3A_453 : memref<64xi32, #tpu.memory_space<vmem>>) semaphore(%arg21 : memref<!tpu.dma_semaphore, #tpu.memory_space<semaphore_mem>>)
        %mul3A_457 = arith.constant 320 : i32
        %mul3A_458 = arith.muli %add3A_408, %mul3A_457 : i32
        %add3A_459 = arith.constant 128 : i32
        %add3A_460 = arith.addi %mul3A_458, %add3A_459 : i32
        %dma_start3A_461 = arith.constant 0 : i32
        %dma_start3A_462 = arith.constant 128 : i32
        %dma_start3A_463 = arith.constant 0 : i32
        %dma_start3A_464 = tpu.memref_slice %arg19[%dma_start3A_461, %dma_start3A_462, %dma_start3A_463] : memref<2x320x128xf32, #tpu.memory_space<vmem>> -> memref<1x64x128xf32, #tpu.memory_space<vmem>>
        %dma_start3A_465 = tpu.memref_squeeze %dma_start3A_464 : memref<1x64x128xf32, #tpu.memory_space<vmem>> -> memref<64x128xf32, #tpu.memory_space<vmem>>
        %dma_start3A_466 = tpu.memref_slice %arg13[%add3A_460] : memref<10240xi32, #tpu.memory_space<vmem>> -> memref<64xi32, #tpu.memory_space<vmem>>
        %dma_start3A_467 = arith.constant 0 : i32
        %dma_start3A_468 = arith.constant 0 : i32
        %dma_start3A_469 = tpu.memref_slice %arg3[%dma_start3A_467, %dma_start3A_468] : memref<500000x128xf32, #tpu.memory_space<hbm>> -> memref<500000x128xf32, #tpu.memory_space<hbm>>
        tpu.enqueue_indirect_dma source(%dma_start3A_469 : memref<500000x128xf32, #tpu.memory_space<hbm>>) target(%dma_start3A_465 : memref<64x128xf32, #tpu.memory_space<vmem>>) offsets(%dma_start3A_466 : memref<64xi32, #tpu.memory_space<vmem>>) semaphore(%arg21 : memref<!tpu.dma_semaphore, #tpu.memory_space<semaphore_mem>>)
        %mul3A_470 = arith.constant 320 : i32
        %mul3A_471 = arith.muli %add3A_408, %mul3A_470 : i32
        %add3A_472 = arith.constant 192 : i32
        %add3A_473 = arith.addi %mul3A_471, %add3A_472 : i32
        %dma_start3A_474 = arith.constant 0 : i32
        %dma_start3A_475 = arith.constant 192 : i32
        %dma_start3A_476 = arith.constant 0 : i32
        %dma_start3A_477 = tpu.memref_slice %arg19[%dma_start3A_474, %dma_start3A_475, %dma_start3A_476] : memref<2x320x128xf32, #tpu.memory_space<vmem>> -> memref<1x64x128xf32, #tpu.memory_space<vmem>>
        %dma_start3A_478 = tpu.memref_squeeze %dma_start3A_477 : memref<1x64x128xf32, #tpu.memory_space<vmem>> -> memref<64x128xf32, #tpu.memory_space<vmem>>
        %dma_start3A_479 = tpu.memref_slice %arg13[%add3A_473] : memref<10240xi32, #tpu.memory_space<vmem>> -> memref<64xi32, #tpu.memory_space<vmem>>
        %dma_start3A_480 = arith.constant 0 : i32
        %dma_start3A_481 = arith.constant 0 : i32
        %dma_start3A_482 = tpu.memref_slice %arg3[%dma_start3A_480, %dma_start3A_481] : memref<500000x128xf32, #tpu.memory_space<hbm>> -> memref<500000x128xf32, #tpu.memory_space<hbm>>
        tpu.enqueue_indirect_dma source(%dma_start3A_482 : memref<500000x128xf32, #tpu.memory_space<hbm>>) target(%dma_start3A_478 : memref<64x128xf32, #tpu.memory_space<vmem>>) offsets(%dma_start3A_479 : memref<64xi32, #tpu.memory_space<vmem>>) semaphore(%arg21 : memref<!tpu.dma_semaphore, #tpu.memory_space<semaphore_mem>>)
        %mul3A_483 = arith.constant 320 : i32
        %mul3A_484 = arith.muli %add3A_408, %mul3A_483 : i32
        %add3A_485 = arith.constant 256 : i32
        %add3A_486 = arith.addi %mul3A_484, %add3A_485 : i32
        %dma_start3A_487 = arith.constant 0 : i32
        %dma_start3A_488 = arith.constant 256 : i32
        %dma_start3A_489 = arith.constant 0 : i32
        %dma_start3A_490 = tpu.memref_slice %arg19[%dma_start3A_487, %dma_start3A_488, %dma_start3A_489] : memref<2x320x128xf32, #tpu.memory_space<vmem>> -> memref<1x64x128xf32, #tpu.memory_space<vmem>>
        %dma_start3A_491 = tpu.memref_squeeze %dma_start3A_490 : memref<1x64x128xf32, #tpu.memory_space<vmem>> -> memref<64x128xf32, #tpu.memory_space<vmem>>
        %dma_start3A_492 = tpu.memref_slice %arg13[%add3A_486] : memref<10240xi32, #tpu.memory_space<vmem>> -> memref<64xi32, #tpu.memory_space<vmem>>
        %dma_start3A_493 = arith.constant 0 : i32
        %dma_start3A_494 = arith.constant 0 : i32
        %dma_start3A_495 = tpu.memref_slice %arg3[%dma_start3A_493, %dma_start3A_494] : memref<500000x128xf32, #tpu.memory_space<hbm>> -> memref<500000x128xf32, #tpu.memory_space<hbm>>
        tpu.enqueue_indirect_dma source(%dma_start3A_495 : memref<500000x128xf32, #tpu.memory_space<hbm>>) target(%dma_start3A_491 : memref<64x128xf32, #tpu.memory_space<vmem>>) offsets(%dma_start3A_492 : memref<64xi32, #tpu.memory_space<vmem>>) semaphore(%arg21 : memref<!tpu.dma_semaphore, #tpu.memory_space<semaphore_mem>>)
      } else {
      }
      %add3A_297 = arith.constant 1 : i32
      %add3A_298 = arith.addi %mul3A_100, %add3A_297 : i32
      %mul3A_299 = arith.constant 16 : i32
      %mul3A_300 = arith.muli %add3A_298, %mul3A_299 : i32
      %dma_wait3A_301 = arith.constant 1 : i32
      %dma_wait3A_302 = arith.constant 0 : i32
      %dma_wait3A_303 = arith.constant 0 : i32
      %dma_wait3A_304 = tpu.memref_slice %arg17[%dma_wait3A_301, %dma_wait3A_302, %dma_wait3A_303] : memref<2x16x128xf32, #tpu.memory_space<vmem>> -> memref<1x16x128xf32, #tpu.memory_space<vmem>>
      %dma_wait3A_305 = tpu.memref_squeeze %dma_wait3A_304 : memref<1x16x128xf32, #tpu.memory_space<vmem>> -> memref<16x128xf32, #tpu.memory_space<vmem>>
      %dma_wait3A_306 = tpu.memref_slice %arg11[%mul3A_300] : memref<512xi32, #tpu.memory_space<vmem>> -> memref<16xi32, #tpu.memory_space<vmem>>
      %dma_wait3A_307 = arith.constant 0 : i32
      %dma_wait3A_308 = arith.constant 0 : i32
      %dma_wait3A_309 = tpu.memref_slice %arg2[%dma_wait3A_307, %dma_wait3A_308] : memref<500000x128xf32, #tpu.memory_space<hbm>> -> memref<500000x128xf32, #tpu.memory_space<hbm>>
      tpu.wait_indirect_dma semaphore(%arg22 : memref<!tpu.dma_semaphore, #tpu.memory_space<semaphore_mem>>) src(%dma_wait3A_309 : memref<500000x128xf32, #tpu.memory_space<hbm>>) dst(%dma_wait3A_305 : memref<16x128xf32, #tpu.memory_space<vmem>>)
      %mul3A_310 = arith.constant 16 : i32
      %mul3A_311 = arith.muli %add3A_298, %mul3A_310 : i32
      %dma_wait3A_312 = arith.constant 1 : i32
      %dma_wait3A_313 = arith.constant 0 : i32
      %dma_wait3A_314 = arith.constant 0 : i32
      %dma_wait3A_315 = tpu.memref_slice %arg18[%dma_wait3A_312, %dma_wait3A_313, %dma_wait3A_314] : memref<2x16x128xf32, #tpu.memory_space<vmem>> -> memref<1x16x128xf32, #tpu.memory_space<vmem>>
      %dma_wait3A_316 = tpu.memref_squeeze %dma_wait3A_315 : memref<1x16x128xf32, #tpu.memory_space<vmem>> -> memref<16x128xf32, #tpu.memory_space<vmem>>
      %dma_wait3A_317 = tpu.memref_slice %arg12[%mul3A_311] : memref<512xi32, #tpu.memory_space<vmem>> -> memref<16xi32, #tpu.memory_space<vmem>>
      %dma_wait3A_318 = arith.constant 0 : i32
      %dma_wait3A_319 = arith.constant 0 : i32
      %dma_wait3A_320 = tpu.memref_slice %arg3[%dma_wait3A_318, %dma_wait3A_319] : memref<500000x128xf32, #tpu.memory_space<hbm>> -> memref<500000x128xf32, #tpu.memory_space<hbm>>
      tpu.wait_indirect_dma semaphore(%arg22 : memref<!tpu.dma_semaphore, #tpu.memory_space<semaphore_mem>>) src(%dma_wait3A_320 : memref<500000x128xf32, #tpu.memory_space<hbm>>) dst(%dma_wait3A_316 : memref<16x128xf32, #tpu.memory_space<vmem>>)
      %mul3A_321 = arith.constant 320 : i32
      %mul3A_322 = arith.muli %add3A_298, %mul3A_321 : i32
      %add3A_323 = arith.constant 0 : i32
      %add3A_324 = arith.addi %mul3A_322, %add3A_323 : i32
      %dma_wait3A_325 = arith.constant 1 : i32
      %dma_wait3A_326 = arith.constant 0 : i32
      %dma_wait3A_327 = arith.constant 0 : i32
      %dma_wait3A_328 = tpu.memref_slice %arg19[%dma_wait3A_325, %dma_wait3A_326, %dma_wait3A_327] : memref<2x320x128xf32, #tpu.memory_space<vmem>> -> memref<1x64x128xf32, #tpu.memory_space<vmem>>
      %dma_wait3A_329 = tpu.memref_squeeze %dma_wait3A_328 : memref<1x64x128xf32, #tpu.memory_space<vmem>> -> memref<64x128xf32, #tpu.memory_space<vmem>>
      %dma_wait3A_330 = tpu.memref_slice %arg13[%add3A_324] : memref<10240xi32, #tpu.memory_space<vmem>> -> memref<64xi32, #tpu.memory_space<vmem>>
      %dma_wait3A_331 = arith.constant 0 : i32
      %dma_wait3A_332 = arith.constant 0 : i32
      %dma_wait3A_333 = tpu.memref_slice %arg3[%dma_wait3A_331, %dma_wait3A_332] : memref<500000x128xf32, #tpu.memory_space<hbm>> -> memref<500000x128xf32, #tpu.memory_space<hbm>>
      tpu.wait_indirect_dma semaphore(%arg22 : memref<!tpu.dma_semaphore, #tpu.memory_space<semaphore_mem>>) src(%dma_wait3A_333 : memref<500000x128xf32, #tpu.memory_space<hbm>>) dst(%dma_wait3A_329 : memref<64x128xf32, #tpu.memory_space<vmem>>)
      %mul3A_334 = arith.constant 320 : i32
      %mul3A_335 = arith.muli %add3A_298, %mul3A_334 : i32
      %add3A_336 = arith.constant 64 : i32
      %add3A_337 = arith.addi %mul3A_335, %add3A_336 : i32
      %dma_wait3A_338 = arith.constant 1 : i32
      %dma_wait3A_339 = arith.constant 64 : i32
      %dma_wait3A_340 = arith.constant 0 : i32
      %dma_wait3A_341 = tpu.memref_slice %arg19[%dma_wait3A_338, %dma_wait3A_339, %dma_wait3A_340] : memref<2x320x128xf32, #tpu.memory_space<vmem>> -> memref<1x64x128xf32, #tpu.memory_space<vmem>>
      %dma_wait3A_342 = tpu.memref_squeeze %dma_wait3A_341 : memref<1x64x128xf32, #tpu.memory_space<vmem>> -> memref<64x128xf32, #tpu.memory_space<vmem>>
      %dma_wait3A_343 = tpu.memref_slice %arg13[%add3A_337] : memref<10240xi32, #tpu.memory_space<vmem>> -> memref<64xi32, #tpu.memory_space<vmem>>
      %dma_wait3A_344 = arith.constant 0 : i32
      %dma_wait3A_345 = arith.constant 0 : i32
      %dma_wait3A_346 = tpu.memref_slice %arg3[%dma_wait3A_344, %dma_wait3A_345] : memref<500000x128xf32, #tpu.memory_space<hbm>> -> memref<500000x128xf32, #tpu.memory_space<hbm>>
      tpu.wait_indirect_dma semaphore(%arg22 : memref<!tpu.dma_semaphore, #tpu.memory_space<semaphore_mem>>) src(%dma_wait3A_346 : memref<500000x128xf32, #tpu.memory_space<hbm>>) dst(%dma_wait3A_342 : memref<64x128xf32, #tpu.memory_space<vmem>>)
      %mul3A_347 = arith.constant 320 : i32
      %mul3A_348 = arith.muli %add3A_298, %mul3A_347 : i32
      %add3A_349 = arith.constant 128 : i32
      %add3A_350 = arith.addi %mul3A_348, %add3A_349 : i32
      %dma_wait3A_351 = arith.constant 1 : i32
      %dma_wait3A_352 = arith.constant 128 : i32
      %dma_wait3A_353 = arith.constant 0 : i32
      %dma_wait3A_354 = tpu.memref_slice %arg19[%dma_wait3A_351, %dma_wait3A_352, %dma_wait3A_353] : memref<2x320x128xf32, #tpu.memory_space<vmem>> -> memref<1x64x128xf32, #tpu.memory_space<vmem>>
      %dma_wait3A_355 = tpu.memref_squeeze %dma_wait3A_354 : memref<1x64x128xf32, #tpu.memory_space<vmem>> -> memref<64x128xf32, #tpu.memory_space<vmem>>
      %dma_wait3A_356 = tpu.memref_slice %arg13[%add3A_350] : memref<10240xi32, #tpu.memory_space<vmem>> -> memref<64xi32, #tpu.memory_space<vmem>>
      %dma_wait3A_357 = arith.constant 0 : i32
      %dma_wait3A_358 = arith.constant 0 : i32
      %dma_wait3A_359 = tpu.memref_slice %arg3[%dma_wait3A_357, %dma_wait3A_358] : memref<500000x128xf32, #tpu.memory_space<hbm>> -> memref<500000x128xf32, #tpu.memory_space<hbm>>
      tpu.wait_indirect_dma semaphore(%arg22 : memref<!tpu.dma_semaphore, #tpu.memory_space<semaphore_mem>>) src(%dma_wait3A_359 : memref<500000x128xf32, #tpu.memory_space<hbm>>) dst(%dma_wait3A_355 : memref<64x128xf32, #tpu.memory_space<vmem>>)
      %mul3A_360 = arith.constant 320 : i32
      %mul3A_361 = arith.muli %add3A_298, %mul3A_360 : i32
      %add3A_362 = arith.constant 192 : i32
      %add3A_363 = arith.addi %mul3A_361, %add3A_362 : i32
      %dma_wait3A_364 = arith.constant 1 : i32
      %dma_wait3A_365 = arith.constant 192 : i32
      %dma_wait3A_366 = arith.constant 0 : i32
      %dma_wait3A_367 = tpu.memref_slice %arg19[%dma_wait3A_364, %dma_wait3A_365, %dma_wait3A_366] : memref<2x320x128xf32, #tpu.memory_space<vmem>> -> memref<1x64x128xf32, #tpu.memory_space<vmem>>
      %dma_wait3A_368 = tpu.memref_squeeze %dma_wait3A_367 : memref<1x64x128xf32, #tpu.memory_space<vmem>> -> memref<64x128xf32, #tpu.memory_space<vmem>>
      %dma_wait3A_369 = tpu.memref_slice %arg13[%add3A_363] : memref<10240xi32, #tpu.memory_space<vmem>> -> memref<64xi32, #tpu.memory_space<vmem>>
      %dma_wait3A_370 = arith.constant 0 : i32
      %dma_wait3A_371 = arith.constant 0 : i32
      %dma_wait3A_372 = tpu.memref_slice %arg3[%dma_wait3A_370, %dma_wait3A_371] : memref<500000x128xf32, #tpu.memory_space<hbm>> -> memref<500000x128xf32, #tpu.memory_space<hbm>>
      tpu.wait_indirect_dma semaphore(%arg22 : memref<!tpu.dma_semaphore, #tpu.memory_space<semaphore_mem>>) src(%dma_wait3A_372 : memref<500000x128xf32, #tpu.memory_space<hbm>>) dst(%dma_wait3A_368 : memref<64x128xf32, #tpu.memory_space<vmem>>)
      %mul3A_373 = arith.constant 320 : i32
      %mul3A_374 = arith.muli %add3A_298, %mul3A_373 : i32
      %add3A_375 = arith.constant 256 : i32
      %add3A_376 = arith.addi %mul3A_374, %add3A_375 : i32
      %dma_wait3A_377 = arith.constant 1 : i32
      %dma_wait3A_378 = arith.constant 256 : i32
      %dma_wait3A_379 = arith.constant 0 : i32
      %dma_wait3A_380 = tpu.memref_slice %arg19[%dma_wait3A_377, %dma_wait3A_378, %dma_wait3A_379] : memref<2x320x128xf32, #tpu.memory_space<vmem>> -> memref<1x64x128xf32, #tpu.memory_space<vmem>>
      %dma_wait3A_381 = tpu.memref_squeeze %dma_wait3A_380 : memref<1x64x128xf32, #tpu.memory_space<vmem>> -> memref<64x128xf32, #tpu.memory_space<vmem>>
      %dma_wait3A_382 = tpu.memref_slice %arg13[%add3A_376] : memref<10240xi32, #tpu.memory_space<vmem>> -> memref<64xi32, #tpu.memory_space<vmem>>
      %dma_wait3A_383 = arith.constant 0 : i32
      %dma_wait3A_384 = arith.constant 0 : i32
      %dma_wait3A_385 = tpu.memref_slice %arg3[%dma_wait3A_383, %dma_wait3A_384] : memref<500000x128xf32, #tpu.memory_space<hbm>> -> memref<500000x128xf32, #tpu.memory_space<hbm>>
      tpu.wait_indirect_dma semaphore(%arg22 : memref<!tpu.dma_semaphore, #tpu.memory_space<semaphore_mem>>) src(%dma_wait3A_385 : memref<500000x128xf32, #tpu.memory_space<hbm>>) dst(%dma_wait3A_381 : memref<64x128xf32, #tpu.memory_space<vmem>>)
      %add3A_386 = arith.constant 1 : i32
      %add3A_387 = arith.addi %mul3A_100, %add3A_386 : i32
      %mul3A_388 = arith.constant 16 : i32
      %mul3A_389 = arith.muli %add3A_387, %mul3A_388 : i32
      %get3A_390 = arith.index_cast %mul3A_389 : i32 to index
      %get3A_391 = tpu.vector_load %arg14[%get3A_390] {strides = array<i32>} : memref<512xi32, #tpu.memory_space<vmem>>, vector<16xi32>,
      %mul3A_392 = arith.constant 16 : i32
      %mul3A_393 = arith.muli %add3A_387, %mul3A_392 : i32
      %get3A_394 = arith.index_cast %mul3A_393 : i32 to index
      %get3A_395 = tpu.vector_load %arg15[%get3A_394] {strides = array<i32>} : memref<512xi32, #tpu.memory_space<vmem>>, vector<16xi32>,
      %scan3A_396 = arith.constant 1 : i32
      %scan3A_397 = arith.constant 1 : i32
      %scan3A_398 = arith.constant 1 : i32
      %scan3A_399 = arith.constant 0 : i32
      %scan3A_400 = arith.constant 0 : i32
      %scan3A_401 = arith.constant 16 : i32
      %scan3A_402 = arith.addi %scan3A_400, %scan3A_401 : i32
      %scan3A_403 = arith.constant 1 : i32
      %scan3A_404 = scf.for %scan3A_407 = %scan3A_400 to %scan3A_402 step %scan3A_403 iter_args(%scan3A_408 = %scan3A_399) -> (i32)  : i32 {
        %mul3A_409 = arith.constant 16 : i32
        %mul3A_410 = arith.muli %add3A_387, %mul3A_409 : i32
        %add3A_411 = arith.addi %mul3A_410, %scan3A_407 : i32
        %mul3A_412 = arith.constant 24 : i32
        %mul3A_413 = arith.muli %add3A_411, %mul3A_412 : i32
        %get3A_414 = arith.index_cast %mul3A_413 : i32 to index
        %get3A_415 = tpu.vector_load %arg16[%get3A_414] {strides = array<i32>} : memref<12288xi32, #tpu.memory_space<vmem>>, vector<16xi32>,
        %add3A_416 = arith.constant 8 : i32
        %add3A_417 = arith.addi %mul3A_413, %add3A_416 : i32
        %get3A_418 = arith.index_cast %add3A_417 : i32 to index
        %get3A_419 = tpu.vector_load %arg16[%get3A_418] {strides = array<i32>} : memref<12288xi32, #tpu.memory_space<vmem>>, vector<16xi32>,
        %broadcast_in_dim3A = vector.broadcast %scan3A_407 : i32 to vector<16xi32>
        %lt3A_420 = arith.constant 0 : i32
        %lt3A_421 = vector.broadcast %lt3A_420 : i32 to vector<16xi32>
        %lt3A_422 = arith.cmpi slt, %broadcast_in_dim3A, %lt3A_421 : vector<16xi32>
        %add3A_423 = arith.constant 16 : i32
        %add3A_424 = vector.broadcast %add3A_423 : i32 to vector<16xi32>
        %add3A_425 = arith.addi %broadcast_in_dim3A, %add3A_424 : vector<16xi32>
        %select_n3A = arith.select %lt3A_422, %add3A_425, %broadcast_in_dim3A : vector<16xi1>, vector<16xi32>
        %reshape3A = vector.shape_cast %select_n3A : vector<16xi32> to vector<16x1xi32>
        %gather3A = vector.shape_cast %reshape3A : vector<16x1xi32> to vector<16xi32>
        %gather3A_426 = tpu.dynamic_gather %get3A_391[%gather3A] in [0] : vector<16xi32>, vector<16xi32> -> vector<16xi32>
        %mul3A_427 = arith.constant 64 : i32
        %mul3A_428 = vector.broadcast %mul3A_427 : i32 to vector<16xi32>
        %mul3A_429 = arith.muli %gather3A_426, %mul3A_428 : vector<16xi32>
        %add3A_430 = arith.addi %mul3A_429, %iota3A_19 : vector<16xi32>
        %add3A_431 = arith.constant 0 : i32
        %add3A_432 = vector.broadcast %add3A_431 : i32 to vector<16xi32>
        %add3A_433 = arith.addi %add3A_430, %add3A_432 : vector<16xi32>
        %gather3A_434 = arith.constant 0 : i32
        %gather3A_435 = arith.constant 0 : i32
        %gather3A_436 = tpu.memref_slice %arg17[%scan3A_396, %gather3A_434, %gather3A_435] : memref<2x16x128xf32, #tpu.memory_space<vmem>> -> memref<1x16x128xf32, #tpu.memory_space<vmem>>
        %gather3A_437 = tpu.memref_squeeze %gather3A_436 : memref<1x16x128xf32, #tpu.memory_space<vmem>> -> memref<16x128xf32, #tpu.memory_space<vmem>>
        %gather3A_438 = arith.constant 0 : i32
        %gather3A_439 = tpu.memref_slice %gather3A_437[%scan3A_407, %gather3A_438] : memref<16x128xf32, #tpu.memory_space<vmem>> -> memref<1x128xf32, #tpu.memory_space<vmem>>
        %gather3A_440 = tpu.memref_squeeze %gather3A_439 : memref<1x128xf32, #tpu.memory_space<vmem>> -> memref<128xf32, #tpu.memory_space<vmem>>
        %gather3A_441 = tpu.vector_load_idx %gather3A_440[%add3A_433] : memref<128xf32, #tpu.memory_space<vmem>>[vector<16xi32>], vector<16xf32>,
        %add3A_442 = arith.constant 16 : i32
        %add3A_443 = vector.broadcast %add3A_442 : i32 to vector<16xi32>
        %add3A_444 = arith.addi %add3A_430, %add3A_443 : vector<16xi32>
        %gather3A_445 = arith.constant 0 : i32
        %gather3A_446 = arith.constant 0 : i32
        %gather3A_447 = tpu.memref_slice %arg17[%scan3A_396, %gather3A_445, %gather3A_446] : memref<2x16x128xf32, #tpu.memory_space<vmem>> -> memref<1x16x128xf32, #tpu.memory_space<vmem>>
        %gather3A_448 = tpu.memref_squeeze %gather3A_447 : memref<1x16x128xf32, #tpu.memory_space<vmem>> -> memref<16x128xf32, #tpu.memory_space<vmem>>
        %gather3A_449 = arith.constant 0 : i32
        %gather3A_450 = tpu.memref_slice %gather3A_448[%scan3A_407, %gather3A_449] : memref<16x128xf32, #tpu.memory_space<vmem>> -> memref<1x128xf32, #tpu.memory_space<vmem>>
        %gather3A_451 = tpu.memref_squeeze %gather3A_450 : memref<1x128xf32, #tpu.memory_space<vmem>> -> memref<128xf32, #tpu.memory_space<vmem>>
        %gather3A_452 = tpu.vector_load_idx %gather3A_451[%add3A_444] : memref<128xf32, #tpu.memory_space<vmem>>[vector<16xi32>], vector<16xf32>,
        %add3A_453 = arith.constant 32 : i32
        %add3A_454 = vector.broadcast %add3A_453 : i32 to vector<16xi32>
        %add3A_455 = arith.addi %add3A_430, %add3A_454 : vector<16xi32>
        %gather3A_456 = arith.constant 0 : i32
        %gather3A_457 = arith.constant 0 : i32
        %gather3A_458 = tpu.memref_slice %arg17[%scan3A_396, %gather3A_456, %gather3A_457] : memref<2x16x128xf32, #tpu.memory_space<vmem>> -> memref<1x16x128xf32, #tpu.memory_space<vmem>>
        %gather3A_459 = tpu.memref_squeeze %gather3A_458 : memref<1x16x128xf32, #tpu.memory_space<vmem>> -> memref<16x128xf32, #tpu.memory_space<vmem>>
        %gather3A_460 = arith.constant 0 : i32
        %gather3A_461 = tpu.memref_slice %gather3A_459[%scan3A_407, %gather3A_460] : memref<16x128xf32, #tpu.memory_space<vmem>> -> memref<1x128xf32, #tpu.memory_space<vmem>>
        %gather3A_462 = tpu.memref_squeeze %gather3A_461 : memref<1x128xf32, #tpu.memory_space<vmem>> -> memref<128xf32, #tpu.memory_space<vmem>>
        %gather3A_463 = tpu.vector_load_idx %gather3A_462[%add3A_455] : memref<128xf32, #tpu.memory_space<vmem>>[vector<16xi32>], vector<16xf32>,
        %add3A_464 = arith.constant 48 : i32
        %add3A_465 = vector.broadcast %add3A_464 : i32 to vector<16xi32>
        %add3A_466 = arith.addi %add3A_430, %add3A_465 : vector<16xi32>
        %gather3A_467 = arith.constant 0 : i32
        %gather3A_468 = arith.constant 0 : i32
        %gather3A_469 = tpu.memref_slice %arg17[%scan3A_396, %gather3A_467, %gather3A_468] : memref<2x16x128xf32, #tpu.memory_space<vmem>> -> memref<1x16x128xf32, #tpu.memory_space<vmem>>
        %gather3A_470 = tpu.memref_squeeze %gather3A_469 : memref<1x16x128xf32, #tpu.memory_space<vmem>> -> memref<16x128xf32, #tpu.memory_space<vmem>>
        %gather3A_471 = arith.constant 0 : i32
        %gather3A_472 = tpu.memref_slice %gather3A_470[%scan3A_407, %gather3A_471] : memref<16x128xf32, #tpu.memory_space<vmem>> -> memref<1x128xf32, #tpu.memory_space<vmem>>
        %gather3A_473 = tpu.memref_squeeze %gather3A_472 : memref<1x128xf32, #tpu.memory_space<vmem>> -> memref<128xf32, #tpu.memory_space<vmem>>
        %gather3A_474 = tpu.vector_load_idx %gather3A_473[%add3A_466] : memref<128xf32, #tpu.memory_space<vmem>>[vector<16xi32>], vector<16xf32>,
        %mul3A_475 = arith.constant 21 : i32
        %mul3A_476 = arith.muli %add3A_411, %mul3A_475 : i32
        %broadcast_in_dim3A_477 = vector.broadcast %scan3A_407 : i32 to vector<16xi32>
        %lt3A_478 = arith.constant 0 : i32
        %lt3A_479 = vector.broadcast %lt3A_478 : i32 to vector<16xi32>
        %lt3A_480 = arith.cmpi slt, %broadcast_in_dim3A_477, %lt3A_479 : vector<16xi32>
        %add3A_481 = arith.constant 16 : i32
        %add3A_482 = vector.broadcast %add3A_481 : i32 to vector<16xi32>
        %add3A_483 = arith.addi %broadcast_in_dim3A_477, %add3A_482 : vector<16xi32>
        %select_n3A_484 = arith.select %lt3A_480, %add3A_483, %broadcast_in_dim3A_477 : vector<16xi1>, vector<16xi32>
        %reshape3A_485 = vector.shape_cast %select_n3A_484 : vector<16xi32> to vector<16x1xi32>
        %gather3A_486 = vector.shape_cast %reshape3A_485 : vector<16x1xi32> to vector<16xi32>
        %gather3A_487 = tpu.dynamic_gather %get3A_395[%gather3A_486] in [0] : vector<16xi32>, vector<16xi32> -> vector<16xi32>
        %mul3A_488 = arith.constant 64 : i32
        %mul3A_489 = vector.broadcast %mul3A_488 : i32 to vector<16xi32>
        %mul3A_490 = arith.muli %gather3A_487, %mul3A_489 : vector<16xi32>
        %add3A_491 = arith.addi %mul3A_490, %iota3A_19 : vector<16xi32>
        %gather3A_492 = arith.constant 0 : i32
        %gather3A_493 = arith.constant 0 : i32
        %gather3A_494 = tpu.memref_slice %arg18[%scan3A_397, %gather3A_492, %gather3A_493] : memref<2x16x128xf32, #tpu.memory_space<vmem>> -> memref<1x16x128xf32, #tpu.memory_space<vmem>>
        %gather3A_495 = tpu.memref_squeeze %gather3A_494 : memref<1x16x128xf32, #tpu.memory_space<vmem>> -> memref<16x128xf32, #tpu.memory_space<vmem>>
        %gather3A_496 = arith.constant 0 : i32
        %gather3A_497 = tpu.memref_slice %gather3A_495[%scan3A_407, %gather3A_496] : memref<16x128xf32, #tpu.memory_space<vmem>> -> memref<1x128xf32, #tpu.memory_space<vmem>>
        %gather3A_498 = tpu.memref_squeeze %gather3A_497 : memref<1x128xf32, #tpu.memory_space<vmem>> -> memref<128xf32, #tpu.memory_space<vmem>>
        %gather3A_499 = tpu.vector_load_idx %gather3A_498[%add3A_491] : memref<128xf32, #tpu.memory_space<vmem>>[vector<16xi32>], vector<16xf32>,
        %mul3A_500 = arith.mulf %gather3A_499, %gather3A_441 : vector<16xf32>
        %add3A_501 = arith.constant 16 : i32
        %add3A_502 = vector.broadcast %add3A_501 : i32 to vector<16xi32>
        %add3A_503 = arith.addi %add3A_491, %add3A_502 : vector<16xi32>
        %gather3A_504 = arith.constant 0 : i32
        %gather3A_505 = arith.constant 0 : i32
        %gather3A_506 = tpu.memref_slice %arg18[%scan3A_397, %gather3A_504, %gather3A_505] : memref<2x16x128xf32, #tpu.memory_space<vmem>> -> memref<1x16x128xf32, #tpu.memory_space<vmem>>
        %gather3A_507 = tpu.memref_squeeze %gather3A_506 : memref<1x16x128xf32, #tpu.memory_space<vmem>> -> memref<16x128xf32, #tpu.memory_space<vmem>>
        %gather3A_508 = arith.constant 0 : i32
        %gather3A_509 = tpu.memref_slice %gather3A_507[%scan3A_407, %gather3A_508] : memref<16x128xf32, #tpu.memory_space<vmem>> -> memref<1x128xf32, #tpu.memory_space<vmem>>
        %gather3A_510 = tpu.memref_squeeze %gather3A_509 : memref<1x128xf32, #tpu.memory_space<vmem>> -> memref<128xf32, #tpu.memory_space<vmem>>
        %gather3A_511 = tpu.vector_load_idx %gather3A_510[%add3A_503] : memref<128xf32, #tpu.memory_space<vmem>>[vector<16xi32>], vector<16xf32>,
        %mul3A_512 = arith.mulf %gather3A_511, %gather3A_452 : vector<16xf32>
        %add3A_513 = arith.addf %mul3A_500, %mul3A_512 : vector<16xf32>
        %add3A_514 = arith.constant 32 : i32
        %add3A_515 = vector.broadcast %add3A_514 : i32 to vector<16xi32>
        %add3A_516 = arith.addi %add3A_491, %add3A_515 : vector<16xi32>
        %gather3A_517 = arith.constant 0 : i32
        %gather3A_518 = arith.constant 0 : i32
        %gather3A_519 = tpu.memref_slice %arg18[%scan3A_397, %gather3A_517, %gather3A_518] : memref<2x16x128xf32, #tpu.memory_space<vmem>> -> memref<1x16x128xf32, #tpu.memory_space<vmem>>
        %gather3A_520 = tpu.memref_squeeze %gather3A_519 : memref<1x16x128xf32, #tpu.memory_space<vmem>> -> memref<16x128xf32, #tpu.memory_space<vmem>>
        %gather3A_521 = arith.constant 0 : i32
        %gather3A_522 = tpu.memref_slice %gather3A_520[%scan3A_407, %gather3A_521] : memref<16x128xf32, #tpu.memory_space<vmem>> -> memref<1x128xf32, #tpu.memory_space<vmem>>
        %gather3A_523 = tpu.memref_squeeze %gather3A_522 : memref<1x128xf32, #tpu.memory_space<vmem>> -> memref<128xf32, #tpu.memory_space<vmem>>
        %gather3A_524 = tpu.vector_load_idx %gather3A_523[%add3A_516] : memref<128xf32, #tpu.memory_space<vmem>>[vector<16xi32>], vector<16xf32>,
        %mul3A_525 = arith.mulf %gather3A_524, %gather3A_463 : vector<16xf32>
        %add3A_526 = arith.addf %add3A_513, %mul3A_525 : vector<16xf32>
        %add3A_527 = arith.constant 48 : i32
        %add3A_528 = vector.broadcast %add3A_527 : i32 to vector<16xi32>
        %add3A_529 = arith.addi %add3A_491, %add3A_528 : vector<16xi32>
        %gather3A_530 = arith.constant 0 : i32
        %gather3A_531 = arith.constant 0 : i32
        %gather3A_532 = tpu.memref_slice %arg18[%scan3A_397, %gather3A_530, %gather3A_531] : memref<2x16x128xf32, #tpu.memory_space<vmem>> -> memref<1x16x128xf32, #tpu.memory_space<vmem>>
        %gather3A_533 = tpu.memref_squeeze %gather3A_532 : memref<1x16x128xf32, #tpu.memory_space<vmem>> -> memref<16x128xf32, #tpu.memory_space<vmem>>
        %gather3A_534 = arith.constant 0 : i32
        %gather3A_535 = tpu.memref_slice %gather3A_533[%scan3A_407, %gather3A_534] : memref<16x128xf32, #tpu.memory_space<vmem>> -> memref<1x128xf32, #tpu.memory_space<vmem>>
        %gather3A_536 = tpu.memref_squeeze %gather3A_535 : memref<1x128xf32, #tpu.memory_space<vmem>> -> memref<128xf32, #tpu.memory_space<vmem>>
        %gather3A_537 = tpu.vector_load_idx %gather3A_536[%add3A_529] : memref<128xf32, #tpu.memory_space<vmem>>[vector<16xi32>], vector<16xf32>,
        %mul3A_538 = arith.mulf %gather3A_537, %gather3A_474 : vector<16xf32>
        %add3A_539 = arith.addf %add3A_526, %mul3A_538 : vector<16xf32>
        %broadcast_in_dim3A_540 = arith.constant true
        %broadcast_in_dim3A_541 = vector.broadcast %broadcast_in_dim3A_540 : i1 to vector<16xi1>
        %masked_cumsum3A = tpu.scan <sum>, %add3A_539 masked %broadcast_in_dim3A_541 : vector<16xf32>, vector<16xi1> -> vector<16xf32>
        %broadcast_in_dim3A_542 = vector.broadcast %mul3A_476 : i32 to vector<16xi32>
        tpu.vector_store_idx %arg20[%broadcast_in_dim3A_542], %masked_cumsum3A masked %eq3A_18 : memref<10752xf32, #tpu.memory_space<vmem>>[vector<16xi32>], vector<16xf32>, vector<16xi1>
        %broadcast_in_dim3A_543 = arith.constant 0 : i32
        %broadcast_in_dim3A_544 = vector.broadcast %broadcast_in_dim3A_543 : i32 to vector<16xi32>
        %lt3A_545 = arith.constant 0 : i32
        %lt3A_546 = vector.broadcast %lt3A_545 : i32 to vector<16xi32>
        %lt3A_547 = arith.cmpi slt, %broadcast_in_dim3A_544, %lt3A_546 : vector<16xi32>
        %add3A_548 = arith.constant 16 : i32
        %add3A_549 = vector.broadcast %add3A_548 : i32 to vector<16xi32>
        %add3A_550 = arith.addi %broadcast_in_dim3A_544, %add3A_549 : vector<16xi32>
        %select_n3A_551 = arith.select %lt3A_547, %add3A_550, %broadcast_in_dim3A_544 : vector<16xi1>, vector<16xi32>
        %reshape3A_552 = vector.shape_cast %select_n3A_551 : vector<16xi32> to vector<16x1xi32>
        %gather3A_553 = vector.shape_cast %reshape3A_552 : vector<16x1xi32> to vector<16xi32>
        %gather3A_554 = tpu.dynamic_gather %get3A_415[%gather3A_553] in [0] : vector<16xi32>, vector<16xi32> -> vector<16xi32>
        %mul3A_555 = arith.constant 64 : i32
        %mul3A_556 = vector.broadcast %mul3A_555 : i32 to vector<16xi32>
        %mul3A_557 = arith.muli %gather3A_554, %mul3A_556 : vector<16xi32>
        %add3A_558 = arith.addi %mul3A_557, %iota3A_19 : vector<16xi32>
        %mul3A_559 = arith.constant 20 : i32
        %mul3A_560 = arith.muli %scan3A_407, %mul3A_559 : i32
        %add3A_561 = arith.constant 0 : i32
        %add3A_562 = arith.addi %mul3A_560, %add3A_561 : i32
        %add3A_563 = arith.constant 1 : i32
        %add3A_564 = arith.addi %mul3A_476, %add3A_563 : i32
        %add3A_565 = arith.constant 0 : i32
        %add3A_566 = arith.addi %add3A_564, %add3A_565 : i32
        %gather3A_567 = arith.constant 0 : i32
        %gather3A_568 = arith.constant 0 : i32
        %gather3A_569 = tpu.memref_slice %arg19[%scan3A_398, %gather3A_567, %gather3A_568] : memref<2x320x128xf32, #tpu.memory_space<vmem>> -> memref<1x320x128xf32, #tpu.memory_space<vmem>>
        %gather3A_570 = tpu.memref_squeeze %gather3A_569 : memref<1x320x128xf32, #tpu.memory_space<vmem>> -> memref<320x128xf32, #tpu.memory_space<vmem>>
        %gather3A_571 = arith.constant 0 : i32
        %gather3A_572 = tpu.memref_slice %gather3A_570[%add3A_562, %gather3A_571] : memref<320x128xf32, #tpu.memory_space<vmem>> -> memref<1x128xf32, #tpu.memory_space<vmem>>
        %gather3A_573 = tpu.memref_squeeze %gather3A_572 : memref<1x128xf32, #tpu.memory_space<vmem>> -> memref<128xf32, #tpu.memory_space<vmem>>
        %gather3A_574 = tpu.vector_load_idx %gather3A_573[%add3A_558] : memref<128xf32, #tpu.memory_space<vmem>>[vector<16xi32>], vector<16xf32>,
        %mul3A_575 = arith.mulf %gather3A_574, %gather3A_441 : vector<16xf32>
        %add3A_576 = arith.constant 16 : i32
        %add3A_577 = vector.broadcast %add3A_576 : i32 to vector<16xi32>
        %add3A_578 = arith.addi %add3A_558, %add3A_577 : vector<16xi32>
        %gather3A_579 = arith.constant 0 : i32
        %gather3A_580 = arith.constant 0 : i32
        %gather3A_581 = tpu.memref_slice %arg19[%scan3A_398, %gather3A_579, %gather3A_580] : memref<2x320x128xf32, #tpu.memory_space<vmem>> -> memref<1x320x128xf32, #tpu.memory_space<vmem>>
        %gather3A_582 = tpu.memref_squeeze %gather3A_581 : memref<1x320x128xf32, #tpu.memory_space<vmem>> -> memref<320x128xf32, #tpu.memory_space<vmem>>
        %gather3A_583 = arith.constant 0 : i32
        %gather3A_584 = tpu.memref_slice %gather3A_582[%add3A_562, %gather3A_583] : memref<320x128xf32, #tpu.memory_space<vmem>> -> memref<1x128xf32, #tpu.memory_space<vmem>>
        %gather3A_585 = tpu.memref_squeeze %gather3A_584 : memref<1x128xf32, #tpu.memory_space<vmem>> -> memref<128xf32, #tpu.memory_space<vmem>>
        %gather3A_586 = tpu.vector_load_idx %gather3A_585[%add3A_578] : memref<128xf32, #tpu.memory_space<vmem>>[vector<16xi32>], vector<16xf32>,
        %mul3A_587 = arith.mulf %gather3A_586, %gather3A_452 : vector<16xf32>
        %add3A_588 = arith.addf %mul3A_575, %mul3A_587 : vector<16xf32>
        %add3A_589 = arith.constant 32 : i32
        %add3A_590 = vector.broadcast %add3A_589 : i32 to vector<16xi32>
        %add3A_591 = arith.addi %add3A_558, %add3A_590 : vector<16xi32>
        %gather3A_592 = arith.constant 0 : i32
        %gather3A_593 = arith.constant 0 : i32
        %gather3A_594 = tpu.memref_slice %arg19[%scan3A_398, %gather3A_592, %gather3A_593] : memref<2x320x128xf32, #tpu.memory_space<vmem>> -> memref<1x320x128xf32, #tpu.memory_space<vmem>>
        %gather3A_595 = tpu.memref_squeeze %gather3A_594 : memref<1x320x128xf32, #tpu.memory_space<vmem>> -> memref<320x128xf32, #tpu.memory_space<vmem>>
        %gather3A_596 = arith.constant 0 : i32
        %gather3A_597 = tpu.memref_slice %gather3A_595[%add3A_562, %gather3A_596] : memref<320x128xf32, #tpu.memory_space<vmem>> -> memref<1x128xf32, #tpu.memory_space<vmem>>
        %gather3A_598 = tpu.memref_squeeze %gather3A_597 : memref<1x128xf32, #tpu.memory_space<vmem>> -> memref<128xf32, #tpu.memory_space<vmem>>
        %gather3A_599 = tpu.vector_load_idx %gather3A_598[%add3A_591] : memref<128xf32, #tpu.memory_space<vmem>>[vector<16xi32>], vector<16xf32>,
        %mul3A_600 = arith.mulf %gather3A_599, %gather3A_463 : vector<16xf32>
        %add3A_601 = arith.addf %add3A_588, %mul3A_600 : vector<16xf32>
        %add3A_602 = arith.constant 48 : i32
        %add3A_603 = vector.broadcast %add3A_602 : i32 to vector<16xi32>
        %add3A_604 = arith.addi %add3A_558, %add3A_603 : vector<16xi32>
        %gather3A_605 = arith.constant 0 : i32
        %gather3A_606 = arith.constant 0 : i32
        %gather3A_607 = tpu.memref_slice %arg19[%scan3A_398, %gather3A_605, %gather3A_606] : memref<2x320x128xf32, #tpu.memory_space<vmem>> -> memref<1x320x128xf32, #tpu.memory_space<vmem>>
        %gather3A_608 = tpu.memref_squeeze %gather3A_607 : memref<1x320x128xf32, #tpu.memory_space<vmem>> -> memref<320x128xf32, #tpu.memory_space<vmem>>
        %gather3A_609 = arith.constant 0 : i32
        %gather3A_610 = tpu.memref_slice %gather3A_608[%add3A_562, %gather3A_609] : memref<320x128xf32, #tpu.memory_space<vmem>> -> memref<1x128xf32, #tpu.memory_space<vmem>>
        %gather3A_611 = tpu.memref_squeeze %gather3A_610 : memref<1x128xf32, #tpu.memory_space<vmem>> -> memref<128xf32, #tpu.memory_space<vmem>>
        %gather3A_612 = tpu.vector_load_idx %gather3A_611[%add3A_604] : memref<128xf32, #tpu.memory_space<vmem>>[vector<16xi32>], vector<16xf32>,
        %mul3A_613 = arith.mulf %gather3A_612, %gather3A_474 : vector<16xf32>
        %add3A_614 = arith.addf %add3A_601, %mul3A_613 : vector<16xf32>
        %broadcast_in_dim3A_615 = arith.constant true
        %broadcast_in_dim3A_616 = vector.broadcast %broadcast_in_dim3A_615 : i1 to vector<16xi1>
        %masked_cumsum3A_617 = tpu.scan <sum>, %add3A_614 masked %broadcast_in_dim3A_616 : vector<16xf32>, vector<16xi1> -> vector<16xf32>
        %broadcast_in_dim3A_618 = vector.broadcast %add3A_566 : i32 to vector<16xi32>
        tpu.vector_store_idx %arg20[%broadcast_in_dim3A_618], %masked_cumsum3A_617 masked %eq3A_18 : memref<10752xf32, #tpu.memory_space<vmem>>[vector<16xi32>], vector<16xf32>, vector<16xi1>
        %broadcast_in_dim3A_619 = arith.constant 1 : i32
        %broadcast_in_dim3A_620 = vector.broadcast %broadcast_in_dim3A_619 : i32 to vector<16xi32>
        %lt3A_621 = arith.constant 0 : i32
        %lt3A_622 = vector.broadcast %lt3A_621 : i32 to vector<16xi32>
        %lt3A_623 = arith.cmpi slt, %broadcast_in_dim3A_620, %lt3A_622 : vector<16xi32>
        %add3A_624 = arith.constant 16 : i32
        %add3A_625 = vector.broadcast %add3A_624 : i32 to vector<16xi32>
        %add3A_626 = arith.addi %broadcast_in_dim3A_620, %add3A_625 : vector<16xi32>
        %select_n3A_627 = arith.select %lt3A_623, %add3A_626, %broadcast_in_dim3A_620 : vector<16xi1>, vector<16xi32>
        %reshape3A_628 = vector.shape_cast %select_n3A_627 : vector<16xi32> to vector<16x1xi32>
        %gather3A_629 = vector.shape_cast %reshape3A_628 : vector<16x1xi32> to vector<16xi32>
        %gather3A_630 = tpu.dynamic_gather %get3A_415[%gather3A_629] in [0] : vector<16xi32>, vector<16xi32> -> vector<16xi32>
        %mul3A_631 = arith.constant 64 : i32
        %mul3A_632 = vector.broadcast %mul3A_631 : i32 to vector<16xi32>
        %mul3A_633 = arith.muli %gather3A_630, %mul3A_632 : vector<16xi32>
        %add3A_634 = arith.addi %mul3A_633, %iota3A_19 : vector<16xi32>
        %mul3A_635 = arith.constant 20 : i32
        %mul3A_636 = arith.muli %scan3A_407, %mul3A_635 : i32
        %add3A_637 = arith.constant 1 : i32
        %add3A_638 = arith.addi %mul3A_636, %add3A_637 : i32
        %add3A_639 = arith.constant 1 : i32
        %add3A_640 = arith.addi %mul3A_476, %add3A_639 : i32
        %add3A_641 = arith.constant 1 : i32
        %add3A_642 = arith.addi %add3A_640, %add3A_641 : i32
        %gather3A_643 = arith.constant 0 : i32
        %gather3A_644 = arith.constant 0 : i32
        %gather3A_645 = tpu.memref_slice %arg19[%scan3A_398, %gather3A_643, %gather3A_644] : memref<2x320x128xf32, #tpu.memory_space<vmem>> -> memref<1x320x128xf32, #tpu.memory_space<vmem>>
        %gather3A_646 = tpu.memref_squeeze %gather3A_645 : memref<1x320x128xf32, #tpu.memory_space<vmem>> -> memref<320x128xf32, #tpu.memory_space<vmem>>
        %gather3A_647 = arith.constant 0 : i32
        %gather3A_648 = tpu.memref_slice %gather3A_646[%add3A_638, %gather3A_647] : memref<320x128xf32, #tpu.memory_space<vmem>> -> memref<1x128xf32, #tpu.memory_space<vmem>>
        %gather3A_649 = tpu.memref_squeeze %gather3A_648 : memref<1x128xf32, #tpu.memory_space<vmem>> -> memref<128xf32, #tpu.memory_space<vmem>>
        %gather3A_650 = tpu.vector_load_idx %gather3A_649[%add3A_634] : memref<128xf32, #tpu.memory_space<vmem>>[vector<16xi32>], vector<16xf32>,
        %mul3A_651 = arith.mulf %gather3A_650, %gather3A_441 : vector<16xf32>
        %add3A_652 = arith.constant 16 : i32
        %add3A_653 = vector.broadcast %add3A_652 : i32 to vector<16xi32>
        %add3A_654 = arith.addi %add3A_634, %add3A_653 : vector<16xi32>
        %gather3A_655 = arith.constant 0 : i32
        %gather3A_656 = arith.constant 0 : i32
        %gather3A_657 = tpu.memref_slice %arg19[%scan3A_398, %gather3A_655, %gather3A_656] : memref<2x320x128xf32, #tpu.memory_space<vmem>> -> memref<1x320x128xf32, #tpu.memory_space<vmem>>
        %gather3A_658 = tpu.memref_squeeze %gather3A_657 : memref<1x320x128xf32, #tpu.memory_space<vmem>> -> memref<320x128xf32, #tpu.memory_space<vmem>>
        %gather3A_659 = arith.constant 0 : i32
        %gather3A_660 = tpu.memref_slice %gather3A_658[%add3A_638, %gather3A_659] : memref<320x128xf32, #tpu.memory_space<vmem>> -> memref<1x128xf32, #tpu.memory_space<vmem>>
        %gather3A_661 = tpu.memref_squeeze %gather3A_660 : memref<1x128xf32, #tpu.memory_space<vmem>> -> memref<128xf32, #tpu.memory_space<vmem>>
        %gather3A_662 = tpu.vector_load_idx %gather3A_661[%add3A_654] : memref<128xf32, #tpu.memory_space<vmem>>[vector<16xi32>], vector<16xf32>,
        %mul3A_663 = arith.mulf %gather3A_662, %gather3A_452 : vector<16xf32>
        %add3A_664 = arith.addf %mul3A_651, %mul3A_663 : vector<16xf32>
        %add3A_665 = arith.constant 32 : i32
        %add3A_666 = vector.broadcast %add3A_665 : i32 to vector<16xi32>
        %add3A_667 = arith.addi %add3A_634, %add3A_666 : vector<16xi32>
        %gather3A_668 = arith.constant 0 : i32
        %gather3A_669 = arith.constant 0 : i32
        %gather3A_670 = tpu.memref_slice %arg19[%scan3A_398, %gather3A_668, %gather3A_669] : memref<2x320x128xf32, #tpu.memory_space<vmem>> -> memref<1x320x128xf32, #tpu.memory_space<vmem>>
        %gather3A_671 = tpu.memref_squeeze %gather3A_670 : memref<1x320x128xf32, #tpu.memory_space<vmem>> -> memref<320x128xf32, #tpu.memory_space<vmem>>
        %gather3A_672 = arith.constant 0 : i32
        %gather3A_673 = tpu.memref_slice %gather3A_671[%add3A_638, %gather3A_672] : memref<320x128xf32, #tpu.memory_space<vmem>> -> memref<1x128xf32, #tpu.memory_space<vmem>>
        %gather3A_674 = tpu.memref_squeeze %gather3A_673 : memref<1x128xf32, #tpu.memory_space<vmem>> -> memref<128xf32, #tpu.memory_space<vmem>>
        %gather3A_675 = tpu.vector_load_idx %gather3A_674[%add3A_667] : memref<128xf32, #tpu.memory_space<vmem>>[vector<16xi32>], vector<16xf32>,
        %mul3A_676 = arith.mulf %gather3A_675, %gather3A_463 : vector<16xf32>
        %add3A_677 = arith.addf %add3A_664, %mul3A_676 : vector<16xf32>
        %add3A_678 = arith.constant 48 : i32
        %add3A_679 = vector.broadcast %add3A_678 : i32 to vector<16xi32>
        %add3A_680 = arith.addi %add3A_634, %add3A_679 : vector<16xi32>
        %gather3A_681 = arith.constant 0 : i32
        %gather3A_682 = arith.constant 0 : i32
        %gather3A_683 = tpu.memref_slice %arg19[%scan3A_398, %gather3A_681, %gather3A_682] : memref<2x320x128xf32, #tpu.memory_space<vmem>> -> memref<1x320x128xf32, #tpu.memory_space<vmem>>
        %gather3A_684 = tpu.memref_squeeze %gather3A_683 : memref<1x320x128xf32, #tpu.memory_space<vmem>> -> memref<320x128xf32, #tpu.memory_space<vmem>>
        %gather3A_685 = arith.constant 0 : i32
        %gather3A_686 = tpu.memref_slice %gather3A_684[%add3A_638, %gather3A_685] : memref<320x128xf32, #tpu.memory_space<vmem>> -> memref<1x128xf32, #tpu.memory_space<vmem>>
        %gather3A_687 = tpu.memref_squeeze %gather3A_686 : memref<1x128xf32, #tpu.memory_space<vmem>> -> memref<128xf32, #tpu.memory_space<vmem>>
        %gather3A_688 = tpu.vector_load_idx %gather3A_687[%add3A_680] : memref<128xf32, #tpu.memory_space<vmem>>[vector<16xi32>], vector<16xf32>,
        %mul3A_689 = arith.mulf %gather3A_688, %gather3A_474 : vector<16xf32>
        %add3A_690 = arith.addf %add3A_677, %mul3A_689 : vector<16xf32>
        %broadcast_in_dim3A_691 = arith.constant true
        %broadcast_in_dim3A_692 = vector.broadcast %broadcast_in_dim3A_691 : i1 to vector<16xi1>
        %masked_cumsum3A_693 = tpu.scan <sum>, %add3A_690 masked %broadcast_in_dim3A_692 : vector<16xf32>, vector<16xi1> -> vector<16xf32>
        %broadcast_in_dim3A_694 = vector.broadcast %add3A_642 : i32 to vector<16xi32>
        tpu.vector_store_idx %arg20[%broadcast_in_dim3A_694], %masked_cumsum3A_693 masked %eq3A_18 : memref<10752xf32, #tpu.memory_space<vmem>>[vector<16xi32>], vector<16xf32>, vector<16xi1>
        %broadcast_in_dim3A_695 = arith.constant 2 : i32
        %broadcast_in_dim3A_696 = vector.broadcast %broadcast_in_dim3A_695 : i32 to vector<16xi32>
        %lt3A_697 = arith.constant 0 : i32
        %lt3A_698 = vector.broadcast %lt3A_697 : i32 to vector<16xi32>
        %lt3A_699 = arith.cmpi slt, %broadcast_in_dim3A_696, %lt3A_698 : vector<16xi32>
        %add3A_700 = arith.constant 16 : i32
        %add3A_701 = vector.broadcast %add3A_700 : i32 to vector<16xi32>
        %add3A_702 = arith.addi %broadcast_in_dim3A_696, %add3A_701 : vector<16xi32>
        %select_n3A_703 = arith.select %lt3A_699, %add3A_702, %broadcast_in_dim3A_696 : vector<16xi1>, vector<16xi32>
        %reshape3A_704 = vector.shape_cast %select_n3A_703 : vector<16xi32> to vector<16x1xi32>
        %gather3A_705 = vector.shape_cast %reshape3A_704 : vector<16x1xi32> to vector<16xi32>
        %gather3A_706 = tpu.dynamic_gather %get3A_415[%gather3A_705] in [0] : vector<16xi32>, vector<16xi32> -> vector<16xi32>
        %mul3A_707 = arith.constant 64 : i32
        %mul3A_708 = vector.broadcast %mul3A_707 : i32 to vector<16xi32>
        %mul3A_709 = arith.muli %gather3A_706, %mul3A_708 : vector<16xi32>
        %add3A_710 = arith.addi %mul3A_709, %iota3A_19 : vector<16xi32>
        %mul3A_711 = arith.constant 20 : i32
        %mul3A_712 = arith.muli %scan3A_407, %mul3A_711 : i32
        %add3A_713 = arith.constant 2 : i32
        %add3A_714 = arith.addi %mul3A_712, %add3A_713 : i32
        %add3A_715 = arith.constant 1 : i32
        %add3A_716 = arith.addi %mul3A_476, %add3A_715 : i32
        %add3A_717 = arith.constant 2 : i32
        %add3A_718 = arith.addi %add3A_716, %add3A_717 : i32
        %gather3A_719 = arith.constant 0 : i32
        %gather3A_720 = arith.constant 0 : i32
        %gather3A_721 = tpu.memref_slice %arg19[%scan3A_398, %gather3A_719, %gather3A_720] : memref<2x320x128xf32, #tpu.memory_space<vmem>> -> memref<1x320x128xf32, #tpu.memory_space<vmem>>
        %gather3A_722 = tpu.memref_squeeze %gather3A_721 : memref<1x320x128xf32, #tpu.memory_space<vmem>> -> memref<320x128xf32, #tpu.memory_space<vmem>>
        %gather3A_723 = arith.constant 0 : i32
        %gather3A_724 = tpu.memref_slice %gather3A_722[%add3A_714, %gather3A_723] : memref<320x128xf32, #tpu.memory_space<vmem>> -> memref<1x128xf32, #tpu.memory_space<vmem>>
        %gather3A_725 = tpu.memref_squeeze %gather3A_724 : memref<1x128xf32, #tpu.memory_space<vmem>> -> memref<128xf32, #tpu.memory_space<vmem>>
        %gather3A_726 = tpu.vector_load_idx %gather3A_725[%add3A_710] : memref<128xf32, #tpu.memory_space<vmem>>[vector<16xi32>], vector<16xf32>,
        %mul3A_727 = arith.mulf %gather3A_726, %gather3A_441 : vector<16xf32>
        %add3A_728 = arith.constant 16 : i32
        %add3A_729 = vector.broadcast %add3A_728 : i32 to vector<16xi32>
        %add3A_730 = arith.addi %add3A_710, %add3A_729 : vector<16xi32>
        %gather3A_731 = arith.constant 0 : i32
        %gather3A_732 = arith.constant 0 : i32
        %gather3A_733 = tpu.memref_slice %arg19[%scan3A_398, %gather3A_731, %gather3A_732] : memref<2x320x128xf32, #tpu.memory_space<vmem>> -> memref<1x320x128xf32, #tpu.memory_space<vmem>>
        %gather3A_734 = tpu.memref_squeeze %gather3A_733 : memref<1x320x128xf32, #tpu.memory_space<vmem>> -> memref<320x128xf32, #tpu.memory_space<vmem>>
        %gather3A_735 = arith.constant 0 : i32
        %gather3A_736 = tpu.memref_slice %gather3A_734[%add3A_714, %gather3A_735] : memref<320x128xf32, #tpu.memory_space<vmem>> -> memref<1x128xf32, #tpu.memory_space<vmem>>
        %gather3A_737 = tpu.memref_squeeze %gather3A_736 : memref<1x128xf32, #tpu.memory_space<vmem>> -> memref<128xf32, #tpu.memory_space<vmem>>
        %gather3A_738 = tpu.vector_load_idx %gather3A_737[%add3A_730] : memref<128xf32, #tpu.memory_space<vmem>>[vector<16xi32>], vector<16xf32>,
        %mul3A_739 = arith.mulf %gather3A_738, %gather3A_452 : vector<16xf32>
        %add3A_740 = arith.addf %mul3A_727, %mul3A_739 : vector<16xf32>
        %add3A_741 = arith.constant 32 : i32
        %add3A_742 = vector.broadcast %add3A_741 : i32 to vector<16xi32>
        %add3A_743 = arith.addi %add3A_710, %add3A_742 : vector<16xi32>
        %gather3A_744 = arith.constant 0 : i32
        %gather3A_745 = arith.constant 0 : i32
        %gather3A_746 = tpu.memref_slice %arg19[%scan3A_398, %gather3A_744, %gather3A_745] : memref<2x320x128xf32, #tpu.memory_space<vmem>> -> memref<1x320x128xf32, #tpu.memory_space<vmem>>
        %gather3A_747 = tpu.memref_squeeze %gather3A_746 : memref<1x320x128xf32, #tpu.memory_space<vmem>> -> memref<320x128xf32, #tpu.memory_space<vmem>>
        %gather3A_748 = arith.constant 0 : i32
        %gather3A_749 = tpu.memref_slice %gather3A_747[%add3A_714, %gather3A_748] : memref<320x128xf32, #tpu.memory_space<vmem>> -> memref<1x128xf32, #tpu.memory_space<vmem>>
        %gather3A_750 = tpu.memref_squeeze %gather3A_749 : memref<1x128xf32, #tpu.memory_space<vmem>> -> memref<128xf32, #tpu.memory_space<vmem>>
        %gather3A_751 = tpu.vector_load_idx %gather3A_750[%add3A_743] : memref<128xf32, #tpu.memory_space<vmem>>[vector<16xi32>], vector<16xf32>,
        %mul3A_752 = arith.mulf %gather3A_751, %gather3A_463 : vector<16xf32>
        %add3A_753 = arith.addf %add3A_740, %mul3A_752 : vector<16xf32>
        %add3A_754 = arith.constant 48 : i32
        %add3A_755 = vector.broadcast %add3A_754 : i32 to vector<16xi32>
        %add3A_756 = arith.addi %add3A_710, %add3A_755 : vector<16xi32>
        %gather3A_757 = arith.constant 0 : i32
        %gather3A_758 = arith.constant 0 : i32
        %gather3A_759 = tpu.memref_slice %arg19[%scan3A_398, %gather3A_757, %gather3A_758] : memref<2x320x128xf32, #tpu.memory_space<vmem>> -> memref<1x320x128xf32, #tpu.memory_space<vmem>>
        %gather3A_760 = tpu.memref_squeeze %gather3A_759 : memref<1x320x128xf32, #tpu.memory_space<vmem>> -> memref<320x128xf32, #tpu.memory_space<vmem>>
        %gather3A_761 = arith.constant 0 : i32
        %gather3A_762 = tpu.memref_slice %gather3A_760[%add3A_714, %gather3A_761] : memref<320x128xf32, #tpu.memory_space<vmem>> -> memref<1x128xf32, #tpu.memory_space<vmem>>
        %gather3A_763 = tpu.memref_squeeze %gather3A_762 : memref<1x128xf32, #tpu.memory_space<vmem>> -> memref<128xf32, #tpu.memory_space<vmem>>
        %gather3A_764 = tpu.vector_load_idx %gather3A_763[%add3A_756] : memref<128xf32, #tpu.memory_space<vmem>>[vector<16xi32>], vector<16xf32>,
        %mul3A_765 = arith.mulf %gather3A_764, %gather3A_474 : vector<16xf32>
        %add3A_766 = arith.addf %add3A_753, %mul3A_765 : vector<16xf32>
        %broadcast_in_dim3A_767 = arith.constant true
        %broadcast_in_dim3A_768 = vector.broadcast %broadcast_in_dim3A_767 : i1 to vector<16xi1>
        %masked_cumsum3A_769 = tpu.scan <sum>, %add3A_766 masked %broadcast_in_dim3A_768 : vector<16xf32>, vector<16xi1> -> vector<16xf32>
        %broadcast_in_dim3A_770 = vector.broadcast %add3A_718 : i32 to vector<16xi32>
        tpu.vector_store_idx %arg20[%broadcast_in_dim3A_770], %masked_cumsum3A_769 masked %eq3A_18 : memref<10752xf32, #tpu.memory_space<vmem>>[vector<16xi32>], vector<16xf32>, vector<16xi1>
        %broadcast_in_dim3A_771 = arith.constant 3 : i32
        %broadcast_in_dim3A_772 = vector.broadcast %broadcast_in_dim3A_771 : i32 to vector<16xi32>
        %lt3A_773 = arith.constant 0 : i32
        %lt3A_774 = vector.broadcast %lt3A_773 : i32 to vector<16xi32>
        %lt3A_775 = arith.cmpi slt, %broadcast_in_dim3A_772, %lt3A_774 : vector<16xi32>
        %add3A_776 = arith.constant 16 : i32
        %add3A_777 = vector.broadcast %add3A_776 : i32 to vector<16xi32>
        %add3A_778 = arith.addi %broadcast_in_dim3A_772, %add3A_777 : vector<16xi32>
        %select_n3A_779 = arith.select %lt3A_775, %add3A_778, %broadcast_in_dim3A_772 : vector<16xi1>, vector<16xi32>
        %reshape3A_780 = vector.shape_cast %select_n3A_779 : vector<16xi32> to vector<16x1xi32>
        %gather3A_781 = vector.shape_cast %reshape3A_780 : vector<16x1xi32> to vector<16xi32>
        %gather3A_782 = tpu.dynamic_gather %get3A_415[%gather3A_781] in [0] : vector<16xi32>, vector<16xi32> -> vector<16xi32>
        %mul3A_783 = arith.constant 64 : i32
        %mul3A_784 = vector.broadcast %mul3A_783 : i32 to vector<16xi32>
        %mul3A_785 = arith.muli %gather3A_782, %mul3A_784 : vector<16xi32>
        %add3A_786 = arith.addi %mul3A_785, %iota3A_19 : vector<16xi32>
        %mul3A_787 = arith.constant 20 : i32
        %mul3A_788 = arith.muli %scan3A_407, %mul3A_787 : i32
        %add3A_789 = arith.constant 3 : i32
        %add3A_790 = arith.addi %mul3A_788, %add3A_789 : i32
        %add3A_791 = arith.constant 1 : i32
        %add3A_792 = arith.addi %mul3A_476, %add3A_791 : i32
        %add3A_793 = arith.constant 3 : i32
        %add3A_794 = arith.addi %add3A_792, %add3A_793 : i32
        %gather3A_795 = arith.constant 0 : i32
        %gather3A_796 = arith.constant 0 : i32
        %gather3A_797 = tpu.memref_slice %arg19[%scan3A_398, %gather3A_795, %gather3A_796] : memref<2x320x128xf32, #tpu.memory_space<vmem>> -> memref<1x320x128xf32, #tpu.memory_space<vmem>>
        %gather3A_798 = tpu.memref_squeeze %gather3A_797 : memref<1x320x128xf32, #tpu.memory_space<vmem>> -> memref<320x128xf32, #tpu.memory_space<vmem>>
        %gather3A_799 = arith.constant 0 : i32
        %gather3A_800 = tpu.memref_slice %gather3A_798[%add3A_790, %gather3A_799] : memref<320x128xf32, #tpu.memory_space<vmem>> -> memref<1x128xf32, #tpu.memory_space<vmem>>
        %gather3A_801 = tpu.memref_squeeze %gather3A_800 : memref<1x128xf32, #tpu.memory_space<vmem>> -> memref<128xf32, #tpu.memory_space<vmem>>
        %gather3A_802 = tpu.vector_load_idx %gather3A_801[%add3A_786] : memref<128xf32, #tpu.memory_space<vmem>>[vector<16xi32>], vector<16xf32>,
        %mul3A_803 = arith.mulf %gather3A_802, %gather3A_441 : vector<16xf32>
        %add3A_804 = arith.constant 16 : i32
        %add3A_805 = vector.broadcast %add3A_804 : i32 to vector<16xi32>
        %add3A_806 = arith.addi %add3A_786, %add3A_805 : vector<16xi32>
        %gather3A_807 = arith.constant 0 : i32
        %gather3A_808 = arith.constant 0 : i32
        %gather3A_809 = tpu.memref_slice %arg19[%scan3A_398, %gather3A_807, %gather3A_808] : memref<2x320x128xf32, #tpu.memory_space<vmem>> -> memref<1x320x128xf32, #tpu.memory_space<vmem>>
        %gather3A_810 = tpu.memref_squeeze %gather3A_809 : memref<1x320x128xf32, #tpu.memory_space<vmem>> -> memref<320x128xf32, #tpu.memory_space<vmem>>
        %gather3A_811 = arith.constant 0 : i32
        %gather3A_812 = tpu.memref_slice %gather3A_810[%add3A_790, %gather3A_811] : memref<320x128xf32, #tpu.memory_space<vmem>> -> memref<1x128xf32, #tpu.memory_space<vmem>>
        %gather3A_813 = tpu.memref_squeeze %gather3A_812 : memref<1x128xf32, #tpu.memory_space<vmem>> -> memref<128xf32, #tpu.memory_space<vmem>>
        %gather3A_814 = tpu.vector_load_idx %gather3A_813[%add3A_806] : memref<128xf32, #tpu.memory_space<vmem>>[vector<16xi32>], vector<16xf32>,
        %mul3A_815 = arith.mulf %gather3A_814, %gather3A_452 : vector<16xf32>
        %add3A_816 = arith.addf %mul3A_803, %mul3A_815 : vector<16xf32>
        %add3A_817 = arith.constant 32 : i32
        %add3A_818 = vector.broadcast %add3A_817 : i32 to vector<16xi32>
        %add3A_819 = arith.addi %add3A_786, %add3A_818 : vector<16xi32>
        %gather3A_820 = arith.constant 0 : i32
        %gather3A_821 = arith.constant 0 : i32
        %gather3A_822 = tpu.memref_slice %arg19[%scan3A_398, %gather3A_820, %gather3A_821] : memref<2x320x128xf32, #tpu.memory_space<vmem>> -> memref<1x320x128xf32, #tpu.memory_space<vmem>>
        %gather3A_823 = tpu.memref_squeeze %gather3A_822 : memref<1x320x128xf32, #tpu.memory_space<vmem>> -> memref<320x128xf32, #tpu.memory_space<vmem>>
        %gather3A_824 = arith.constant 0 : i32
        %gather3A_825 = tpu.memref_slice %gather3A_823[%add3A_790, %gather3A_824] : memref<320x128xf32, #tpu.memory_space<vmem>> -> memref<1x128xf32, #tpu.memory_space<vmem>>
        %gather3A_826 = tpu.memref_squeeze %gather3A_825 : memref<1x128xf32, #tpu.memory_space<vmem>> -> memref<128xf32, #tpu.memory_space<vmem>>
        %gather3A_827 = tpu.vector_load_idx %gather3A_826[%add3A_819] : memref<128xf32, #tpu.memory_space<vmem>>[vector<16xi32>], vector<16xf32>,
        %mul3A_828 = arith.mulf %gather3A_827, %gather3A_463 : vector<16xf32>
        %add3A_829 = arith.addf %add3A_816, %mul3A_828 : vector<16xf32>
        %add3A_830 = arith.constant 48 : i32
        %add3A_831 = vector.broadcast %add3A_830 : i32 to vector<16xi32>
        %add3A_832 = arith.addi %add3A_786, %add3A_831 : vector<16xi32>
        %gather3A_833 = arith.constant 0 : i32
        %gather3A_834 = arith.constant 0 : i32
        %gather3A_835 = tpu.memref_slice %arg19[%scan3A_398, %gather3A_833, %gather3A_834] : memref<2x320x128xf32, #tpu.memory_space<vmem>> -> memref<1x320x128xf32, #tpu.memory_space<vmem>>
        %gather3A_836 = tpu.memref_squeeze %gather3A_835 : memref<1x320x128xf32, #tpu.memory_space<vmem>> -> memref<320x128xf32, #tpu.memory_space<vmem>>
        %gather3A_837 = arith.constant 0 : i32
        %gather3A_838 = tpu.memref_slice %gather3A_836[%add3A_790, %gather3A_837] : memref<320x128xf32, #tpu.memory_space<vmem>> -> memref<1x128xf32, #tpu.memory_space<vmem>>
        %gather3A_839 = tpu.memref_squeeze %gather3A_838 : memref<1x128xf32, #tpu.memory_space<vmem>> -> memref<128xf32, #tpu.memory_space<vmem>>
        %gather3A_840 = tpu.vector_load_idx %gather3A_839[%add3A_832] : memref<128xf32, #tpu.memory_space<vmem>>[vector<16xi32>], vector<16xf32>,
        %mul3A_841 = arith.mulf %gather3A_840, %gather3A_474 : vector<16xf32>
        %add3A_842 = arith.addf %add3A_829, %mul3A_841 : vector<16xf32>
        %broadcast_in_dim3A_843 = arith.constant true
        %broadcast_in_dim3A_844 = vector.broadcast %broadcast_in_dim3A_843 : i1 to vector<16xi1>
        %masked_cumsum3A_845 = tpu.scan <sum>, %add3A_842 masked %broadcast_in_dim3A_844 : vector<16xf32>, vector<16xi1> -> vector<16xf32>
        %broadcast_in_dim3A_846 = vector.broadcast %add3A_794 : i32 to vector<16xi32>
        tpu.vector_store_idx %arg20[%broadcast_in_dim3A_846], %masked_cumsum3A_845 masked %eq3A_18 : memref<10752xf32, #tpu.memory_space<vmem>>[vector<16xi32>], vector<16xf32>, vector<16xi1>
        %broadcast_in_dim3A_847 = arith.constant 4 : i32
        %broadcast_in_dim3A_848 = vector.broadcast %broadcast_in_dim3A_847 : i32 to vector<16xi32>
        %lt3A_849 = arith.constant 0 : i32
        %lt3A_850 = vector.broadcast %lt3A_849 : i32 to vector<16xi32>
        %lt3A_851 = arith.cmpi slt, %broadcast_in_dim3A_848, %lt3A_850 : vector<16xi32>
        %add3A_852 = arith.constant 16 : i32
        %add3A_853 = vector.broadcast %add3A_852 : i32 to vector<16xi32>
        %add3A_854 = arith.addi %broadcast_in_dim3A_848, %add3A_853 : vector<16xi32>
        %select_n3A_855 = arith.select %lt3A_851, %add3A_854, %broadcast_in_dim3A_848 : vector<16xi1>, vector<16xi32>
        %reshape3A_856 = vector.shape_cast %select_n3A_855 : vector<16xi32> to vector<16x1xi32>
        %gather3A_857 = vector.shape_cast %reshape3A_856 : vector<16x1xi32> to vector<16xi32>
        %gather3A_858 = tpu.dynamic_gather %get3A_415[%gather3A_857] in [0] : vector<16xi32>, vector<16xi32> -> vector<16xi32>
        %mul3A_859 = arith.constant 64 : i32
        %mul3A_860 = vector.broadcast %mul3A_859 : i32 to vector<16xi32>
        %mul3A_861 = arith.muli %gather3A_858, %mul3A_860 : vector<16xi32>
        %add3A_862 = arith.addi %mul3A_861, %iota3A_19 : vector<16xi32>
        %mul3A_863 = arith.constant 20 : i32
        %mul3A_864 = arith.muli %scan3A_407, %mul3A_863 : i32
        %add3A_865 = arith.constant 4 : i32
        %add3A_866 = arith.addi %mul3A_864, %add3A_865 : i32
        %add3A_867 = arith.constant 1 : i32
        %add3A_868 = arith.addi %mul3A_476, %add3A_867 : i32
        %add3A_869 = arith.constant 4 : i32
        %add3A_870 = arith.addi %add3A_868, %add3A_869 : i32
        %gather3A_871 = arith.constant 0 : i32
        %gather3A_872 = arith.constant 0 : i32
        %gather3A_873 = tpu.memref_slice %arg19[%scan3A_398, %gather3A_871, %gather3A_872] : memref<2x320x128xf32, #tpu.memory_space<vmem>> -> memref<1x320x128xf32, #tpu.memory_space<vmem>>
        %gather3A_874 = tpu.memref_squeeze %gather3A_873 : memref<1x320x128xf32, #tpu.memory_space<vmem>> -> memref<320x128xf32, #tpu.memory_space<vmem>>
        %gather3A_875 = arith.constant 0 : i32
        %gather3A_876 = tpu.memref_slice %gather3A_874[%add3A_866, %gather3A_875] : memref<320x128xf32, #tpu.memory_space<vmem>> -> memref<1x128xf32, #tpu.memory_space<vmem>>
        %gather3A_877 = tpu.memref_squeeze %gather3A_876 : memref<1x128xf32, #tpu.memory_space<vmem>> -> memref<128xf32, #tpu.memory_space<vmem>>
        %gather3A_878 = tpu.vector_load_idx %gather3A_877[%add3A_862] : memref<128xf32, #tpu.memory_space<vmem>>[vector<16xi32>], vector<16xf32>,
        %mul3A_879 = arith.mulf %gather3A_878, %gather3A_441 : vector<16xf32>
        %add3A_880 = arith.constant 16 : i32
        %add3A_881 = vector.broadcast %add3A_880 : i32 to vector<16xi32>
        %add3A_882 = arith.addi %add3A_862, %add3A_881 : vector<16xi32>
        %gather3A_883 = arith.constant 0 : i32
        %gather3A_884 = arith.constant 0 : i32
        %gather3A_885 = tpu.memref_slice %arg19[%scan3A_398, %gather3A_883, %gather3A_884] : memref<2x320x128xf32, #tpu.memory_space<vmem>> -> memref<1x320x128xf32, #tpu.memory_space<vmem>>
        %gather3A_886 = tpu.memref_squeeze %gather3A_885 : memref<1x320x128xf32, #tpu.memory_space<vmem>> -> memref<320x128xf32, #tpu.memory_space<vmem>>
        %gather3A_887 = arith.constant 0 : i32
        %gather3A_888 = tpu.memref_slice %gather3A_886[%add3A_866, %gather3A_887] : memref<320x128xf32, #tpu.memory_space<vmem>> -> memref<1x128xf32, #tpu.memory_space<vmem>>
        %gather3A_889 = tpu.memref_squeeze %gather3A_888 : memref<1x128xf32, #tpu.memory_space<vmem>> -> memref<128xf32, #tpu.memory_space<vmem>>
        %gather3A_890 = tpu.vector_load_idx %gather3A_889[%add3A_882] : memref<128xf32, #tpu.memory_space<vmem>>[vector<16xi32>], vector<16xf32>,
        %mul3A_891 = arith.mulf %gather3A_890, %gather3A_452 : vector<16xf32>
        %add3A_892 = arith.addf %mul3A_879, %mul3A_891 : vector<16xf32>
        %add3A_893 = arith.constant 32 : i32
        %add3A_894 = vector.broadcast %add3A_893 : i32 to vector<16xi32>
        %add3A_895 = arith.addi %add3A_862, %add3A_894 : vector<16xi32>
        %gather3A_896 = arith.constant 0 : i32
        %gather3A_897 = arith.constant 0 : i32
        %gather3A_898 = tpu.memref_slice %arg19[%scan3A_398, %gather3A_896, %gather3A_897] : memref<2x320x128xf32, #tpu.memory_space<vmem>> -> memref<1x320x128xf32, #tpu.memory_space<vmem>>
        %gather3A_899 = tpu.memref_squeeze %gather3A_898 : memref<1x320x128xf32, #tpu.memory_space<vmem>> -> memref<320x128xf32, #tpu.memory_space<vmem>>
        %gather3A_900 = arith.constant 0 : i32
        %gather3A_901 = tpu.memref_slice %gather3A_899[%add3A_866, %gather3A_900] : memref<320x128xf32, #tpu.memory_space<vmem>> -> memref<1x128xf32, #tpu.memory_space<vmem>>
        %gather3A_902 = tpu.memref_squeeze %gather3A_901 : memref<1x128xf32, #tpu.memory_space<vmem>> -> memref<128xf32, #tpu.memory_space<vmem>>
        %gather3A_903 = tpu.vector_load_idx %gather3A_902[%add3A_895] : memref<128xf32, #tpu.memory_space<vmem>>[vector<16xi32>], vector<16xf32>,
        %mul3A_904 = arith.mulf %gather3A_903, %gather3A_463 : vector<16xf32>
        %add3A_905 = arith.addf %add3A_892, %mul3A_904 : vector<16xf32>
        %add3A_906 = arith.constant 48 : i32
        %add3A_907 = vector.broadcast %add3A_906 : i32 to vector<16xi32>
        %add3A_908 = arith.addi %add3A_862, %add3A_907 : vector<16xi32>
        %gather3A_909 = arith.constant 0 : i32
        %gather3A_910 = arith.constant 0 : i32
        %gather3A_911 = tpu.memref_slice %arg19[%scan3A_398, %gather3A_909, %gather3A_910] : memref<2x320x128xf32, #tpu.memory_space<vmem>> -> memref<1x320x128xf32, #tpu.memory_space<vmem>>
        %gather3A_912 = tpu.memref_squeeze %gather3A_911 : memref<1x320x128xf32, #tpu.memory_space<vmem>> -> memref<320x128xf32, #tpu.memory_space<vmem>>
        %gather3A_913 = arith.constant 0 : i32
        %gather3A_914 = tpu.memref_slice %gather3A_912[%add3A_866, %gather3A_913] : memref<320x128xf32, #tpu.memory_space<vmem>> -> memref<1x128xf32, #tpu.memory_space<vmem>>
        %gather3A_915 = tpu.memref_squeeze %gather3A_914 : memref<1x128xf32, #tpu.memory_space<vmem>> -> memref<128xf32, #tpu.memory_space<vmem>>
        %gather3A_916 = tpu.vector_load_idx %gather3A_915[%add3A_908] : memref<128xf32, #tpu.memory_space<vmem>>[vector<16xi32>], vector<16xf32>,
        %mul3A_917 = arith.mulf %gather3A_916, %gather3A_474 : vector<16xf32>
        %add3A_918 = arith.addf %add3A_905, %mul3A_917 : vector<16xf32>
        %broadcast_in_dim3A_919 = arith.constant true
        %broadcast_in_dim3A_920 = vector.broadcast %broadcast_in_dim3A_919 : i1 to vector<16xi1>
        %masked_cumsum3A_921 = tpu.scan <sum>, %add3A_918 masked %broadcast_in_dim3A_920 : vector<16xf32>, vector<16xi1> -> vector<16xf32>
        %broadcast_in_dim3A_922 = vector.broadcast %add3A_870 : i32 to vector<16xi32>
        tpu.vector_store_idx %arg20[%broadcast_in_dim3A_922], %masked_cumsum3A_921 masked %eq3A_18 : memref<10752xf32, #tpu.memory_space<vmem>>[vector<16xi32>], vector<16xf32>, vector<16xi1>
        %broadcast_in_dim3A_923 = arith.constant 5 : i32
        %broadcast_in_dim3A_924 = vector.broadcast %broadcast_in_dim3A_923 : i32 to vector<16xi32>
        %lt3A_925 = arith.constant 0 : i32
        %lt3A_926 = vector.broadcast %lt3A_925 : i32 to vector<16xi32>
        %lt3A_927 = arith.cmpi slt, %broadcast_in_dim3A_924, %lt3A_926 : vector<16xi32>
        %add3A_928 = arith.constant 16 : i32
        %add3A_929 = vector.broadcast %add3A_928 : i32 to vector<16xi32>
        %add3A_930 = arith.addi %broadcast_in_dim3A_924, %add3A_929 : vector<16xi32>
        %select_n3A_931 = arith.select %lt3A_927, %add3A_930, %broadcast_in_dim3A_924 : vector<16xi1>, vector<16xi32>
        %reshape3A_932 = vector.shape_cast %select_n3A_931 : vector<16xi32> to vector<16x1xi32>
        %gather3A_933 = vector.shape_cast %reshape3A_932 : vector<16x1xi32> to vector<16xi32>
        %gather3A_934 = tpu.dynamic_gather %get3A_415[%gather3A_933] in [0] : vector<16xi32>, vector<16xi32> -> vector<16xi32>
        %mul3A_935 = arith.constant 64 : i32
        %mul3A_936 = vector.broadcast %mul3A_935 : i32 to vector<16xi32>
        %mul3A_937 = arith.muli %gather3A_934, %mul3A_936 : vector<16xi32>
        %add3A_938 = arith.addi %mul3A_937, %iota3A_19 : vector<16xi32>
        %mul3A_939 = arith.constant 20 : i32
        %mul3A_940 = arith.muli %scan3A_407, %mul3A_939 : i32
        %add3A_941 = arith.constant 5 : i32
        %add3A_942 = arith.addi %mul3A_940, %add3A_941 : i32
        %add3A_943 = arith.constant 1 : i32
        %add3A_944 = arith.addi %mul3A_476, %add3A_943 : i32
        %add3A_945 = arith.constant 5 : i32
        %add3A_946 = arith.addi %add3A_944, %add3A_945 : i32
        %gather3A_947 = arith.constant 0 : i32
        %gather3A_948 = arith.constant 0 : i32
        %gather3A_949 = tpu.memref_slice %arg19[%scan3A_398, %gather3A_947, %gather3A_948] : memref<2x320x128xf32, #tpu.memory_space<vmem>> -> memref<1x320x128xf32, #tpu.memory_space<vmem>>
        %gather3A_950 = tpu.memref_squeeze %gather3A_949 : memref<1x320x128xf32, #tpu.memory_space<vmem>> -> memref<320x128xf32, #tpu.memory_space<vmem>>
        %gather3A_951 = arith.constant 0 : i32
        %gather3A_952 = tpu.memref_slice %gather3A_950[%add3A_942, %gather3A_951] : memref<320x128xf32, #tpu.memory_space<vmem>> -> memref<1x128xf32, #tpu.memory_space<vmem>>
        %gather3A_953 = tpu.memref_squeeze %gather3A_952 : memref<1x128xf32, #tpu.memory_space<vmem>> -> memref<128xf32, #tpu.memory_space<vmem>>
        %gather3A_954 = tpu.vector_load_idx %gather3A_953[%add3A_938] : memref<128xf32, #tpu.memory_space<vmem>>[vector<16xi32>], vector<16xf32>,
        %mul3A_955 = arith.mulf %gather3A_954, %gather3A_441 : vector<16xf32>
        %add3A_956 = arith.constant 16 : i32
        %add3A_957 = vector.broadcast %add3A_956 : i32 to vector<16xi32>
        %add3A_958 = arith.addi %add3A_938, %add3A_957 : vector<16xi32>
        %gather3A_959 = arith.constant 0 : i32
        %gather3A_960 = arith.constant 0 : i32
        %gather3A_961 = tpu.memref_slice %arg19[%scan3A_398, %gather3A_959, %gather3A_960] : memref<2x320x128xf32, #tpu.memory_space<vmem>> -> memref<1x320x128xf32, #tpu.memory_space<vmem>>
        %gather3A_962 = tpu.memref_squeeze %gather3A_961 : memref<1x320x128xf32, #tpu.memory_space<vmem>> -> memref<320x128xf32, #tpu.memory_space<vmem>>
        %gather3A_963 = arith.constant 0 : i32
        %gather3A_964 = tpu.memref_slice %gather3A_962[%add3A_942, %gather3A_963] : memref<320x128xf32, #tpu.memory_space<vmem>> -> memref<1x128xf32, #tpu.memory_space<vmem>>
        %gather3A_965 = tpu.memref_squeeze %gather3A_964 : memref<1x128xf32, #tpu.memory_space<vmem>> -> memref<128xf32, #tpu.memory_space<vmem>>
        %gather3A_966 = tpu.vector_load_idx %gather3A_965[%add3A_958] : memref<128xf32, #tpu.memory_space<vmem>>[vector<16xi32>], vector<16xf32>,
        %mul3A_967 = arith.mulf %gather3A_966, %gather3A_452 : vector<16xf32>
        %add3A_968 = arith.addf %mul3A_955, %mul3A_967 : vector<16xf32>
        %add3A_969 = arith.constant 32 : i32
        %add3A_970 = vector.broadcast %add3A_969 : i32 to vector<16xi32>
        %add3A_971 = arith.addi %add3A_938, %add3A_970 : vector<16xi32>
        %gather3A_972 = arith.constant 0 : i32
        %gather3A_973 = arith.constant 0 : i32
        %gather3A_974 = tpu.memref_slice %arg19[%scan3A_398, %gather3A_972, %gather3A_973] : memref<2x320x128xf32, #tpu.memory_space<vmem>> -> memref<1x320x128xf32, #tpu.memory_space<vmem>>
        %gather3A_975 = tpu.memref_squeeze %gather3A_974 : memref<1x320x128xf32, #tpu.memory_space<vmem>> -> memref<320x128xf32, #tpu.memory_space<vmem>>
        %gather3A_976 = arith.constant 0 : i32
        %gather3A_977 = tpu.memref_slice %gather3A_975[%add3A_942, %gather3A_976] : memref<320x128xf32, #tpu.memory_space<vmem>> -> memref<1x128xf32, #tpu.memory_space<vmem>>
        %gather3A_978 = tpu.memref_squeeze %gather3A_977 : memref<1x128xf32, #tpu.memory_space<vmem>> -> memref<128xf32, #tpu.memory_space<vmem>>
        %gather3A_979 = tpu.vector_load_idx %gather3A_978[%add3A_971] : memref<128xf32, #tpu.memory_space<vmem>>[vector<16xi32>], vector<16xf32>,
        %mul3A_980 = arith.mulf %gather3A_979, %gather3A_463 : vector<16xf32>
        %add3A_981 = arith.addf %add3A_968, %mul3A_980 : vector<16xf32>
        %add3A_982 = arith.constant 48 : i32
        %add3A_983 = vector.broadcast %add3A_982 : i32 to vector<16xi32>
        %add3A_984 = arith.addi %add3A_938, %add3A_983 : vector<16xi32>
        %gather3A_985 = arith.constant 0 : i32
        %gather3A_986 = arith.constant 0 : i32
        %gather3A_987 = tpu.memref_slice %arg19[%scan3A_398, %gather3A_985, %gather3A_986] : memref<2x320x128xf32, #tpu.memory_space<vmem>> -> memref<1x320x128xf32, #tpu.memory_space<vmem>>
        %gather3A_988 = tpu.memref_squeeze %gather3A_987 : memref<1x320x128xf32, #tpu.memory_space<vmem>> -> memref<320x128xf32, #tpu.memory_space<vmem>>
        %gather3A_989 = arith.constant 0 : i32
        %gather3A_990 = tpu.memref_slice %gather3A_988[%add3A_942, %gather3A_989] : memref<320x128xf32, #tpu.memory_space<vmem>> -> memref<1x128xf32, #tpu.memory_space<vmem>>
        %gather3A_991 = tpu.memref_squeeze %gather3A_990 : memref<1x128xf32, #tpu.memory_space<vmem>> -> memref<128xf32, #tpu.memory_space<vmem>>
        %gather3A_992 = tpu.vector_load_idx %gather3A_991[%add3A_984] : memref<128xf32, #tpu.memory_space<vmem>>[vector<16xi32>], vector<16xf32>,
        %mul3A_993 = arith.mulf %gather3A_992, %gather3A_474 : vector<16xf32>
        %add3A_994 = arith.addf %add3A_981, %mul3A_993 : vector<16xf32>
        %broadcast_in_dim3A_995 = arith.constant true
        %broadcast_in_dim3A_996 = vector.broadcast %broadcast_in_dim3A_995 : i1 to vector<16xi1>
        %masked_cumsum3A_997 = tpu.scan <sum>, %add3A_994 masked %broadcast_in_dim3A_996 : vector<16xf32>, vector<16xi1> -> vector<16xf32>
        %broadcast_in_dim3A_998 = vector.broadcast %add3A_946 : i32 to vector<16xi32>
        tpu.vector_store_idx %arg20[%broadcast_in_dim3A_998], %masked_cumsum3A_997 masked %eq3A_18 : memref<10752xf32, #tpu.memory_space<vmem>>[vector<16xi32>], vector<16xf32>, vector<16xi1>
        %broadcast_in_dim3A_999 = arith.constant 6 : i32
        %broadcast_in_dim3A_1000 = vector.broadcast %broadcast_in_dim3A_999 : i32 to vector<16xi32>
        %lt3A_1001 = arith.constant 0 : i32
        %lt3A_1002 = vector.broadcast %lt3A_1001 : i32 to vector<16xi32>
        %lt3A_1003 = arith.cmpi slt, %broadcast_in_dim3A_1000, %lt3A_1002 : vector<16xi32>
        %add3A_1004 = arith.constant 16 : i32
        %add3A_1005 = vector.broadcast %add3A_1004 : i32 to vector<16xi32>
        %add3A_1006 = arith.addi %broadcast_in_dim3A_1000, %add3A_1005 : vector<16xi32>
        %select_n3A_1007 = arith.select %lt3A_1003, %add3A_1006, %broadcast_in_dim3A_1000 : vector<16xi1>, vector<16xi32>
        %reshape3A_1008 = vector.shape_cast %select_n3A_1007 : vector<16xi32> to vector<16x1xi32>
        %gather3A_1009 = vector.shape_cast %reshape3A_1008 : vector<16x1xi32> to vector<16xi32>
        %gather3A_1010 = tpu.dynamic_gather %get3A_415[%gather3A_1009] in [0] : vector<16xi32>, vector<16xi32> -> vector<16xi32>
        %mul3A_1011 = arith.constant 64 : i32
        %mul3A_1012 = vector.broadcast %mul3A_1011 : i32 to vector<16xi32>
        %mul3A_1013 = arith.muli %gather3A_1010, %mul3A_1012 : vector<16xi32>
        %add3A_1014 = arith.addi %mul3A_1013, %iota3A_19 : vector<16xi32>
        %mul3A_1015 = arith.constant 20 : i32
        %mul3A_1016 = arith.muli %scan3A_407, %mul3A_1015 : i32
        %add3A_1017 = arith.constant 6 : i32
        %add3A_1018 = arith.addi %mul3A_1016, %add3A_1017 : i32
        %add3A_1019 = arith.constant 1 : i32
        %add3A_1020 = arith.addi %mul3A_476, %add3A_1019 : i32
        %add3A_1021 = arith.constant 6 : i32
        %add3A_1022 = arith.addi %add3A_1020, %add3A_1021 : i32
        %gather3A_1023 = arith.constant 0 : i32
        %gather3A_1024 = arith.constant 0 : i32
        %gather3A_1025 = tpu.memref_slice %arg19[%scan3A_398, %gather3A_1023, %gather3A_1024] : memref<2x320x128xf32, #tpu.memory_space<vmem>> -> memref<1x320x128xf32, #tpu.memory_space<vmem>>
        %gather3A_1026 = tpu.memref_squeeze %gather3A_1025 : memref<1x320x128xf32, #tpu.memory_space<vmem>> -> memref<320x128xf32, #tpu.memory_space<vmem>>
        %gather3A_1027 = arith.constant 0 : i32
        %gather3A_1028 = tpu.memref_slice %gather3A_1026[%add3A_1018, %gather3A_1027] : memref<320x128xf32, #tpu.memory_space<vmem>> -> memref<1x128xf32, #tpu.memory_space<vmem>>
        %gather3A_1029 = tpu.memref_squeeze %gather3A_1028 : memref<1x128xf32, #tpu.memory_space<vmem>> -> memref<128xf32, #tpu.memory_space<vmem>>
        %gather3A_1030 = tpu.vector_load_idx %gather3A_1029[%add3A_1014] : memref<128xf32, #tpu.memory_space<vmem>>[vector<16xi32>], vector<16xf32>,
        %mul3A_1031 = arith.mulf %gather3A_1030, %gather3A_441 : vector<16xf32>
        %add3A_1032 = arith.constant 16 : i32
        %add3A_1033 = vector.broadcast %add3A_1032 : i32 to vector<16xi32>
        %add3A_1034 = arith.addi %add3A_1014, %add3A_1033 : vector<16xi32>
        %gather3A_1035 = arith.constant 0 : i32
        %gather3A_1036 = arith.constant 0 : i32
        %gather3A_1037 = tpu.memref_slice %arg19[%scan3A_398, %gather3A_1035, %gather3A_1036] : memref<2x320x128xf32, #tpu.memory_space<vmem>> -> memref<1x320x128xf32, #tpu.memory_space<vmem>>
        %gather3A_1038 = tpu.memref_squeeze %gather3A_1037 : memref<1x320x128xf32, #tpu.memory_space<vmem>> -> memref<320x128xf32, #tpu.memory_space<vmem>>
        %gather3A_1039 = arith.constant 0 : i32
        %gather3A_1040 = tpu.memref_slice %gather3A_1038[%add3A_1018, %gather3A_1039] : memref<320x128xf32, #tpu.memory_space<vmem>> -> memref<1x128xf32, #tpu.memory_space<vmem>>
        %gather3A_1041 = tpu.memref_squeeze %gather3A_1040 : memref<1x128xf32, #tpu.memory_space<vmem>> -> memref<128xf32, #tpu.memory_space<vmem>>
        %gather3A_1042 = tpu.vector_load_idx %gather3A_1041[%add3A_1034] : memref<128xf32, #tpu.memory_space<vmem>>[vector<16xi32>], vector<16xf32>,
        %mul3A_1043 = arith.mulf %gather3A_1042, %gather3A_452 : vector<16xf32>
        %add3A_1044 = arith.addf %mul3A_1031, %mul3A_1043 : vector<16xf32>
        %add3A_1045 = arith.constant 32 : i32
        %add3A_1046 = vector.broadcast %add3A_1045 : i32 to vector<16xi32>
        %add3A_1047 = arith.addi %add3A_1014, %add3A_1046 : vector<16xi32>
        %gather3A_1048 = arith.constant 0 : i32
        %gather3A_1049 = arith.constant 0 : i32
        %gather3A_1050 = tpu.memref_slice %arg19[%scan3A_398, %gather3A_1048, %gather3A_1049] : memref<2x320x128xf32, #tpu.memory_space<vmem>> -> memref<1x320x128xf32, #tpu.memory_space<vmem>>
        %gather3A_1051 = tpu.memref_squeeze %gather3A_1050 : memref<1x320x128xf32, #tpu.memory_space<vmem>> -> memref<320x128xf32, #tpu.memory_space<vmem>>
        %gather3A_1052 = arith.constant 0 : i32
        %gather3A_1053 = tpu.memref_slice %gather3A_1051[%add3A_1018, %gather3A_1052] : memref<320x128xf32, #tpu.memory_space<vmem>> -> memref<1x128xf32, #tpu.memory_space<vmem>>
        %gather3A_1054 = tpu.memref_squeeze %gather3A_1053 : memref<1x128xf32, #tpu.memory_space<vmem>> -> memref<128xf32, #tpu.memory_space<vmem>>
        %gather3A_1055 = tpu.vector_load_idx %gather3A_1054[%add3A_1047] : memref<128xf32, #tpu.memory_space<vmem>>[vector<16xi32>], vector<16xf32>,
        %mul3A_1056 = arith.mulf %gather3A_1055, %gather3A_463 : vector<16xf32>
        %add3A_1057 = arith.addf %add3A_1044, %mul3A_1056 : vector<16xf32>
        %add3A_1058 = arith.constant 48 : i32
        %add3A_1059 = vector.broadcast %add3A_1058 : i32 to vector<16xi32>
        %add3A_1060 = arith.addi %add3A_1014, %add3A_1059 : vector<16xi32>
        %gather3A_1061 = arith.constant 0 : i32
        %gather3A_1062 = arith.constant 0 : i32
        %gather3A_1063 = tpu.memref_slice %arg19[%scan3A_398, %gather3A_1061, %gather3A_1062] : memref<2x320x128xf32, #tpu.memory_space<vmem>> -> memref<1x320x128xf32, #tpu.memory_space<vmem>>
        %gather3A_1064 = tpu.memref_squeeze %gather3A_1063 : memref<1x320x128xf32, #tpu.memory_space<vmem>> -> memref<320x128xf32, #tpu.memory_space<vmem>>
        %gather3A_1065 = arith.constant 0 : i32
        %gather3A_1066 = tpu.memref_slice %gather3A_1064[%add3A_1018, %gather3A_1065] : memref<320x128xf32, #tpu.memory_space<vmem>> -> memref<1x128xf32, #tpu.memory_space<vmem>>
        %gather3A_1067 = tpu.memref_squeeze %gather3A_1066 : memref<1x128xf32, #tpu.memory_space<vmem>> -> memref<128xf32, #tpu.memory_space<vmem>>
        %gather3A_1068 = tpu.vector_load_idx %gather3A_1067[%add3A_1060] : memref<128xf32, #tpu.memory_space<vmem>>[vector<16xi32>], vector<16xf32>,
        %mul3A_1069 = arith.mulf %gather3A_1068, %gather3A_474 : vector<16xf32>
        %add3A_1070 = arith.addf %add3A_1057, %mul3A_1069 : vector<16xf32>
        %broadcast_in_dim3A_1071 = arith.constant true
        %broadcast_in_dim3A_1072 = vector.broadcast %broadcast_in_dim3A_1071 : i1 to vector<16xi1>
        %masked_cumsum3A_1073 = tpu.scan <sum>, %add3A_1070 masked %broadcast_in_dim3A_1072 : vector<16xf32>, vector<16xi1> -> vector<16xf32>
        %broadcast_in_dim3A_1074 = vector.broadcast %add3A_1022 : i32 to vector<16xi32>
        tpu.vector_store_idx %arg20[%broadcast_in_dim3A_1074], %masked_cumsum3A_1073 masked %eq3A_18 : memref<10752xf32, #tpu.memory_space<vmem>>[vector<16xi32>], vector<16xf32>, vector<16xi1>
        %broadcast_in_dim3A_1075 = arith.constant 7 : i32
        %broadcast_in_dim3A_1076 = vector.broadcast %broadcast_in_dim3A_1075 : i32 to vector<16xi32>
        %lt3A_1077 = arith.constant 0 : i32
        %lt3A_1078 = vector.broadcast %lt3A_1077 : i32 to vector<16xi32>
        %lt3A_1079 = arith.cmpi slt, %broadcast_in_dim3A_1076, %lt3A_1078 : vector<16xi32>
        %add3A_1080 = arith.constant 16 : i32
        %add3A_1081 = vector.broadcast %add3A_1080 : i32 to vector<16xi32>
        %add3A_1082 = arith.addi %broadcast_in_dim3A_1076, %add3A_1081 : vector<16xi32>
        %select_n3A_1083 = arith.select %lt3A_1079, %add3A_1082, %broadcast_in_dim3A_1076 : vector<16xi1>, vector<16xi32>
        %reshape3A_1084 = vector.shape_cast %select_n3A_1083 : vector<16xi32> to vector<16x1xi32>
        %gather3A_1085 = vector.shape_cast %reshape3A_1084 : vector<16x1xi32> to vector<16xi32>
        %gather3A_1086 = tpu.dynamic_gather %get3A_415[%gather3A_1085] in [0] : vector<16xi32>, vector<16xi32> -> vector<16xi32>
        %mul3A_1087 = arith.constant 64 : i32
        %mul3A_1088 = vector.broadcast %mul3A_1087 : i32 to vector<16xi32>
        %mul3A_1089 = arith.muli %gather3A_1086, %mul3A_1088 : vector<16xi32>
        %add3A_1090 = arith.addi %mul3A_1089, %iota3A_19 : vector<16xi32>
        %mul3A_1091 = arith.constant 20 : i32
        %mul3A_1092 = arith.muli %scan3A_407, %mul3A_1091 : i32
        %add3A_1093 = arith.constant 7 : i32
        %add3A_1094 = arith.addi %mul3A_1092, %add3A_1093 : i32
        %add3A_1095 = arith.constant 1 : i32
        %add3A_1096 = arith.addi %mul3A_476, %add3A_1095 : i32
        %add3A_1097 = arith.constant 7 : i32
        %add3A_1098 = arith.addi %add3A_1096, %add3A_1097 : i32
        %gather3A_1099 = arith.constant 0 : i32
        %gather3A_1100 = arith.constant 0 : i32
        %gather3A_1101 = tpu.memref_slice %arg19[%scan3A_398, %gather3A_1099, %gather3A_1100] : memref<2x320x128xf32, #tpu.memory_space<vmem>> -> memref<1x320x128xf32, #tpu.memory_space<vmem>>
        %gather3A_1102 = tpu.memref_squeeze %gather3A_1101 : memref<1x320x128xf32, #tpu.memory_space<vmem>> -> memref<320x128xf32, #tpu.memory_space<vmem>>
        %gather3A_1103 = arith.constant 0 : i32
        %gather3A_1104 = tpu.memref_slice %gather3A_1102[%add3A_1094, %gather3A_1103] : memref<320x128xf32, #tpu.memory_space<vmem>> -> memref<1x128xf32, #tpu.memory_space<vmem>>
        %gather3A_1105 = tpu.memref_squeeze %gather3A_1104 : memref<1x128xf32, #tpu.memory_space<vmem>> -> memref<128xf32, #tpu.memory_space<vmem>>
        %gather3A_1106 = tpu.vector_load_idx %gather3A_1105[%add3A_1090] : memref<128xf32, #tpu.memory_space<vmem>>[vector<16xi32>], vector<16xf32>,
        %mul3A_1107 = arith.mulf %gather3A_1106, %gather3A_441 : vector<16xf32>
        %add3A_1108 = arith.constant 16 : i32
        %add3A_1109 = vector.broadcast %add3A_1108 : i32 to vector<16xi32>
        %add3A_1110 = arith.addi %add3A_1090, %add3A_1109 : vector<16xi32>
        %gather3A_1111 = arith.constant 0 : i32
        %gather3A_1112 = arith.constant 0 : i32
        %gather3A_1113 = tpu.memref_slice %arg19[%scan3A_398, %gather3A_1111, %gather3A_1112] : memref<2x320x128xf32, #tpu.memory_space<vmem>> -> memref<1x320x128xf32, #tpu.memory_space<vmem>>
        %gather3A_1114 = tpu.memref_squeeze %gather3A_1113 : memref<1x320x128xf32, #tpu.memory_space<vmem>> -> memref<320x128xf32, #tpu.memory_space<vmem>>
        %gather3A_1115 = arith.constant 0 : i32
        %gather3A_1116 = tpu.memref_slice %gather3A_1114[%add3A_1094, %gather3A_1115] : memref<320x128xf32, #tpu.memory_space<vmem>> -> memref<1x128xf32, #tpu.memory_space<vmem>>
        %gather3A_1117 = tpu.memref_squeeze %gather3A_1116 : memref<1x128xf32, #tpu.memory_space<vmem>> -> memref<128xf32, #tpu.memory_space<vmem>>
        %gather3A_1118 = tpu.vector_load_idx %gather3A_1117[%add3A_1110] : memref<128xf32, #tpu.memory_space<vmem>>[vector<16xi32>], vector<16xf32>,
        %mul3A_1119 = arith.mulf %gather3A_1118, %gather3A_452 : vector<16xf32>
        %add3A_1120 = arith.addf %mul3A_1107, %mul3A_1119 : vector<16xf32>
        %add3A_1121 = arith.constant 32 : i32
        %add3A_1122 = vector.broadcast %add3A_1121 : i32 to vector<16xi32>
        %add3A_1123 = arith.addi %add3A_1090, %add3A_1122 : vector<16xi32>
        %gather3A_1124 = arith.constant 0 : i32
        %gather3A_1125 = arith.constant 0 : i32
        %gather3A_1126 = tpu.memref_slice %arg19[%scan3A_398, %gather3A_1124, %gather3A_1125] : memref<2x320x128xf32, #tpu.memory_space<vmem>> -> memref<1x320x128xf32, #tpu.memory_space<vmem>>
        %gather3A_1127 = tpu.memref_squeeze %gather3A_1126 : memref<1x320x128xf32, #tpu.memory_space<vmem>> -> memref<320x128xf32, #tpu.memory_space<vmem>>
        %gather3A_1128 = arith.constant 0 : i32
        %gather3A_1129 = tpu.memref_slice %gather3A_1127[%add3A_1094, %gather3A_1128] : memref<320x128xf32, #tpu.memory_space<vmem>> -> memref<1x128xf32, #tpu.memory_space<vmem>>
        %gather3A_1130 = tpu.memref_squeeze %gather3A_1129 : memref<1x128xf32, #tpu.memory_space<vmem>> -> memref<128xf32, #tpu.memory_space<vmem>>
        %gather3A_1131 = tpu.vector_load_idx %gather3A_1130[%add3A_1123] : memref<128xf32, #tpu.memory_space<vmem>>[vector<16xi32>], vector<16xf32>,
        %mul3A_1132 = arith.mulf %gather3A_1131, %gather3A_463 : vector<16xf32>
        %add3A_1133 = arith.addf %add3A_1120, %mul3A_1132 : vector<16xf32>
        %add3A_1134 = arith.constant 48 : i32
        %add3A_1135 = vector.broadcast %add3A_1134 : i32 to vector<16xi32>
        %add3A_1136 = arith.addi %add3A_1090, %add3A_1135 : vector<16xi32>
        %gather3A_1137 = arith.constant 0 : i32
        %gather3A_1138 = arith.constant 0 : i32
        %gather3A_1139 = tpu.memref_slice %arg19[%scan3A_398, %gather3A_1137, %gather3A_1138] : memref<2x320x128xf32, #tpu.memory_space<vmem>> -> memref<1x320x128xf32, #tpu.memory_space<vmem>>
        %gather3A_1140 = tpu.memref_squeeze %gather3A_1139 : memref<1x320x128xf32, #tpu.memory_space<vmem>> -> memref<320x128xf32, #tpu.memory_space<vmem>>
        %gather3A_1141 = arith.constant 0 : i32
        %gather3A_1142 = tpu.memref_slice %gather3A_1140[%add3A_1094, %gather3A_1141] : memref<320x128xf32, #tpu.memory_space<vmem>> -> memref<1x128xf32, #tpu.memory_space<vmem>>
        %gather3A_1143 = tpu.memref_squeeze %gather3A_1142 : memref<1x128xf32, #tpu.memory_space<vmem>> -> memref<128xf32, #tpu.memory_space<vmem>>
        %gather3A_1144 = tpu.vector_load_idx %gather3A_1143[%add3A_1136] : memref<128xf32, #tpu.memory_space<vmem>>[vector<16xi32>], vector<16xf32>,
        %mul3A_1145 = arith.mulf %gather3A_1144, %gather3A_474 : vector<16xf32>
        %add3A_1146 = arith.addf %add3A_1133, %mul3A_1145 : vector<16xf32>
        %broadcast_in_dim3A_1147 = arith.constant true
        %broadcast_in_dim3A_1148 = vector.broadcast %broadcast_in_dim3A_1147 : i1 to vector<16xi1>
        %masked_cumsum3A_1149 = tpu.scan <sum>, %add3A_1146 masked %broadcast_in_dim3A_1148 : vector<16xf32>, vector<16xi1> -> vector<16xf32>
        %broadcast_in_dim3A_1150 = vector.broadcast %add3A_1098 : i32 to vector<16xi32>
        tpu.vector_store_idx %arg20[%broadcast_in_dim3A_1150], %masked_cumsum3A_1149 masked %eq3A_18 : memref<10752xf32, #tpu.memory_space<vmem>>[vector<16xi32>], vector<16xf32>, vector<16xi1>
        %broadcast_in_dim3A_1151 = arith.constant 0 : i32
        %broadcast_in_dim3A_1152 = vector.broadcast %broadcast_in_dim3A_1151 : i32 to vector<16xi32>
        %lt3A_1153 = arith.constant 0 : i32
        %lt3A_1154 = vector.broadcast %lt3A_1153 : i32 to vector<16xi32>
        %lt3A_1155 = arith.cmpi slt, %broadcast_in_dim3A_1152, %lt3A_1154 : vector<16xi32>
        %add3A_1156 = arith.constant 16 : i32
        %add3A_1157 = vector.broadcast %add3A_1156 : i32 to vector<16xi32>
        %add3A_1158 = arith.addi %broadcast_in_dim3A_1152, %add3A_1157 : vector<16xi32>
        %select_n3A_1159 = arith.select %lt3A_1155, %add3A_1158, %broadcast_in_dim3A_1152 : vector<16xi1>, vector<16xi32>
        %reshape3A_1160 = vector.shape_cast %select_n3A_1159 : vector<16xi32> to vector<16x1xi32>
        %gather3A_1161 = vector.shape_cast %reshape3A_1160 : vector<16x1xi32> to vector<16xi32>
        %gather3A_1162 = tpu.dynamic_gather %get3A_419[%gather3A_1161] in [0] : vector<16xi32>, vector<16xi32> -> vector<16xi32>
        %mul3A_1163 = arith.constant 64 : i32
        %mul3A_1164 = vector.broadcast %mul3A_1163 : i32 to vector<16xi32>
        %mul3A_1165 = arith.muli %gather3A_1162, %mul3A_1164 : vector<16xi32>
        %add3A_1166 = arith.addi %mul3A_1165, %iota3A_19 : vector<16xi32>
        %mul3A_1167 = arith.constant 20 : i32
        %mul3A_1168 = arith.muli %scan3A_407, %mul3A_1167 : i32
        %add3A_1169 = arith.constant 8 : i32
        %add3A_1170 = arith.addi %mul3A_1168, %add3A_1169 : i32
        %add3A_1171 = arith.constant 1 : i32
        %add3A_1172 = arith.addi %mul3A_476, %add3A_1171 : i32
        %add3A_1173 = arith.constant 8 : i32
        %add3A_1174 = arith.addi %add3A_1172, %add3A_1173 : i32
        %gather3A_1175 = arith.constant 0 : i32
        %gather3A_1176 = arith.constant 0 : i32
        %gather3A_1177 = tpu.memref_slice %arg19[%scan3A_398, %gather3A_1175, %gather3A_1176] : memref<2x320x128xf32, #tpu.memory_space<vmem>> -> memref<1x320x128xf32, #tpu.memory_space<vmem>>
        %gather3A_1178 = tpu.memref_squeeze %gather3A_1177 : memref<1x320x128xf32, #tpu.memory_space<vmem>> -> memref<320x128xf32, #tpu.memory_space<vmem>>
        %gather3A_1179 = arith.constant 0 : i32
        %gather3A_1180 = tpu.memref_slice %gather3A_1178[%add3A_1170, %gather3A_1179] : memref<320x128xf32, #tpu.memory_space<vmem>> -> memref<1x128xf32, #tpu.memory_space<vmem>>
        %gather3A_1181 = tpu.memref_squeeze %gather3A_1180 : memref<1x128xf32, #tpu.memory_space<vmem>> -> memref<128xf32, #tpu.memory_space<vmem>>
        %gather3A_1182 = tpu.vector_load_idx %gather3A_1181[%add3A_1166] : memref<128xf32, #tpu.memory_space<vmem>>[vector<16xi32>], vector<16xf32>,
        %mul3A_1183 = arith.mulf %gather3A_1182, %gather3A_441 : vector<16xf32>
        %add3A_1184 = arith.constant 16 : i32
        %add3A_1185 = vector.broadcast %add3A_1184 : i32 to vector<16xi32>
        %add3A_1186 = arith.addi %add3A_1166, %add3A_1185 : vector<16xi32>
        %gather3A_1187 = arith.constant 0 : i32
        %gather3A_1188 = arith.constant 0 : i32
        %gather3A_1189 = tpu.memref_slice %arg19[%scan3A_398, %gather3A_1187, %gather3A_1188] : memref<2x320x128xf32, #tpu.memory_space<vmem>> -> memref<1x320x128xf32, #tpu.memory_space<vmem>>
        %gather3A_1190 = tpu.memref_squeeze %gather3A_1189 : memref<1x320x128xf32, #tpu.memory_space<vmem>> -> memref<320x128xf32, #tpu.memory_space<vmem>>
        %gather3A_1191 = arith.constant 0 : i32
        %gather3A_1192 = tpu.memref_slice %gather3A_1190[%add3A_1170, %gather3A_1191] : memref<320x128xf32, #tpu.memory_space<vmem>> -> memref<1x128xf32, #tpu.memory_space<vmem>>
        %gather3A_1193 = tpu.memref_squeeze %gather3A_1192 : memref<1x128xf32, #tpu.memory_space<vmem>> -> memref<128xf32, #tpu.memory_space<vmem>>
        %gather3A_1194 = tpu.vector_load_idx %gather3A_1193[%add3A_1186] : memref<128xf32, #tpu.memory_space<vmem>>[vector<16xi32>], vector<16xf32>,
        %mul3A_1195 = arith.mulf %gather3A_1194, %gather3A_452 : vector<16xf32>
        %add3A_1196 = arith.addf %mul3A_1183, %mul3A_1195 : vector<16xf32>
        %add3A_1197 = arith.constant 32 : i32
        %add3A_1198 = vector.broadcast %add3A_1197 : i32 to vector<16xi32>
        %add3A_1199 = arith.addi %add3A_1166, %add3A_1198 : vector<16xi32>
        %gather3A_1200 = arith.constant 0 : i32
        %gather3A_1201 = arith.constant 0 : i32
        %gather3A_1202 = tpu.memref_slice %arg19[%scan3A_398, %gather3A_1200, %gather3A_1201] : memref<2x320x128xf32, #tpu.memory_space<vmem>> -> memref<1x320x128xf32, #tpu.memory_space<vmem>>
        %gather3A_1203 = tpu.memref_squeeze %gather3A_1202 : memref<1x320x128xf32, #tpu.memory_space<vmem>> -> memref<320x128xf32, #tpu.memory_space<vmem>>
        %gather3A_1204 = arith.constant 0 : i32
        %gather3A_1205 = tpu.memref_slice %gather3A_1203[%add3A_1170, %gather3A_1204] : memref<320x128xf32, #tpu.memory_space<vmem>> -> memref<1x128xf32, #tpu.memory_space<vmem>>
        %gather3A_1206 = tpu.memref_squeeze %gather3A_1205 : memref<1x128xf32, #tpu.memory_space<vmem>> -> memref<128xf32, #tpu.memory_space<vmem>>
        %gather3A_1207 = tpu.vector_load_idx %gather3A_1206[%add3A_1199] : memref<128xf32, #tpu.memory_space<vmem>>[vector<16xi32>], vector<16xf32>,
        %mul3A_1208 = arith.mulf %gather3A_1207, %gather3A_463 : vector<16xf32>
        %add3A_1209 = arith.addf %add3A_1196, %mul3A_1208 : vector<16xf32>
        %add3A_1210 = arith.constant 48 : i32
        %add3A_1211 = vector.broadcast %add3A_1210 : i32 to vector<16xi32>
        %add3A_1212 = arith.addi %add3A_1166, %add3A_1211 : vector<16xi32>
        %gather3A_1213 = arith.constant 0 : i32
        %gather3A_1214 = arith.constant 0 : i32
        %gather3A_1215 = tpu.memref_slice %arg19[%scan3A_398, %gather3A_1213, %gather3A_1214] : memref<2x320x128xf32, #tpu.memory_space<vmem>> -> memref<1x320x128xf32, #tpu.memory_space<vmem>>
        %gather3A_1216 = tpu.memref_squeeze %gather3A_1215 : memref<1x320x128xf32, #tpu.memory_space<vmem>> -> memref<320x128xf32, #tpu.memory_space<vmem>>
        %gather3A_1217 = arith.constant 0 : i32
        %gather3A_1218 = tpu.memref_slice %gather3A_1216[%add3A_1170, %gather3A_1217] : memref<320x128xf32, #tpu.memory_space<vmem>> -> memref<1x128xf32, #tpu.memory_space<vmem>>
        %gather3A_1219 = tpu.memref_squeeze %gather3A_1218 : memref<1x128xf32, #tpu.memory_space<vmem>> -> memref<128xf32, #tpu.memory_space<vmem>>
        %gather3A_1220 = tpu.vector_load_idx %gather3A_1219[%add3A_1212] : memref<128xf32, #tpu.memory_space<vmem>>[vector<16xi32>], vector<16xf32>,
        %mul3A_1221 = arith.mulf %gather3A_1220, %gather3A_474 : vector<16xf32>
        %add3A_1222 = arith.addf %add3A_1209, %mul3A_1221 : vector<16xf32>
        %broadcast_in_dim3A_1223 = arith.constant true
        %broadcast_in_dim3A_1224 = vector.broadcast %broadcast_in_dim3A_1223 : i1 to vector<16xi1>
        %masked_cumsum3A_1225 = tpu.scan <sum>, %add3A_1222 masked %broadcast_in_dim3A_1224 : vector<16xf32>, vector<16xi1> -> vector<16xf32>
        %broadcast_in_dim3A_1226 = vector.broadcast %add3A_1174 : i32 to vector<16xi32>
        tpu.vector_store_idx %arg20[%broadcast_in_dim3A_1226], %masked_cumsum3A_1225 masked %eq3A_18 : memref<10752xf32, #tpu.memory_space<vmem>>[vector<16xi32>], vector<16xf32>, vector<16xi1>
        %broadcast_in_dim3A_1227 = arith.constant 1 : i32
        %broadcast_in_dim3A_1228 = vector.broadcast %broadcast_in_dim3A_1227 : i32 to vector<16xi32>
        %lt3A_1229 = arith.constant 0 : i32
        %lt3A_1230 = vector.broadcast %lt3A_1229 : i32 to vector<16xi32>
        %lt3A_1231 = arith.cmpi slt, %broadcast_in_dim3A_1228, %lt3A_1230 : vector<16xi32>
        %add3A_1232 = arith.constant 16 : i32
        %add3A_1233 = vector.broadcast %add3A_1232 : i32 to vector<16xi32>
        %add3A_1234 = arith.addi %broadcast_in_dim3A_1228, %add3A_1233 : vector<16xi32>
        %select_n3A_1235 = arith.select %lt3A_1231, %add3A_1234, %broadcast_in_dim3A_1228 : vector<16xi1>, vector<16xi32>
        %reshape3A_1236 = vector.shape_cast %select_n3A_1235 : vector<16xi32> to vector<16x1xi32>
        %gather3A_1237 = vector.shape_cast %reshape3A_1236 : vector<16x1xi32> to vector<16xi32>
        %gather3A_1238 = tpu.dynamic_gather %get3A_419[%gather3A_1237] in [0] : vector<16xi32>, vector<16xi32> -> vector<16xi32>
        %mul3A_1239 = arith.constant 64 : i32
        %mul3A_1240 = vector.broadcast %mul3A_1239 : i32 to vector<16xi32>
        %mul3A_1241 = arith.muli %gather3A_1238, %mul3A_1240 : vector<16xi32>
        %add3A_1242 = arith.addi %mul3A_1241, %iota3A_19 : vector<16xi32>
        %mul3A_1243 = arith.constant 20 : i32
        %mul3A_1244 = arith.muli %scan3A_407, %mul3A_1243 : i32
        %add3A_1245 = arith.constant 9 : i32
        %add3A_1246 = arith.addi %mul3A_1244, %add3A_1245 : i32
        %add3A_1247 = arith.constant 1 : i32
        %add3A_1248 = arith.addi %mul3A_476, %add3A_1247 : i32
        %add3A_1249 = arith.constant 9 : i32
        %add3A_1250 = arith.addi %add3A_1248, %add3A_1249 : i32
        %gather3A_1251 = arith.constant 0 : i32
        %gather3A_1252 = arith.constant 0 : i32
        %gather3A_1253 = tpu.memref_slice %arg19[%scan3A_398, %gather3A_1251, %gather3A_1252] : memref<2x320x128xf32, #tpu.memory_space<vmem>> -> memref<1x320x128xf32, #tpu.memory_space<vmem>>
        %gather3A_1254 = tpu.memref_squeeze %gather3A_1253 : memref<1x320x128xf32, #tpu.memory_space<vmem>> -> memref<320x128xf32, #tpu.memory_space<vmem>>
        %gather3A_1255 = arith.constant 0 : i32
        %gather3A_1256 = tpu.memref_slice %gather3A_1254[%add3A_1246, %gather3A_1255] : memref<320x128xf32, #tpu.memory_space<vmem>> -> memref<1x128xf32, #tpu.memory_space<vmem>>
        %gather3A_1257 = tpu.memref_squeeze %gather3A_1256 : memref<1x128xf32, #tpu.memory_space<vmem>> -> memref<128xf32, #tpu.memory_space<vmem>>
        %gather3A_1258 = tpu.vector_load_idx %gather3A_1257[%add3A_1242] : memref<128xf32, #tpu.memory_space<vmem>>[vector<16xi32>], vector<16xf32>,
        %mul3A_1259 = arith.mulf %gather3A_1258, %gather3A_441 : vector<16xf32>
        %add3A_1260 = arith.constant 16 : i32
        %add3A_1261 = vector.broadcast %add3A_1260 : i32 to vector<16xi32>
        %add3A_1262 = arith.addi %add3A_1242, %add3A_1261 : vector<16xi32>
        %gather3A_1263 = arith.constant 0 : i32
        %gather3A_1264 = arith.constant 0 : i32
        %gather3A_1265 = tpu.memref_slice %arg19[%scan3A_398, %gather3A_1263, %gather3A_1264] : memref<2x320x128xf32, #tpu.memory_space<vmem>> -> memref<1x320x128xf32, #tpu.memory_space<vmem>>
        %gather3A_1266 = tpu.memref_squeeze %gather3A_1265 : memref<1x320x128xf32, #tpu.memory_space<vmem>> -> memref<320x128xf32, #tpu.memory_space<vmem>>
        %gather3A_1267 = arith.constant 0 : i32
        %gather3A_1268 = tpu.memref_slice %gather3A_1266[%add3A_1246, %gather3A_1267] : memref<320x128xf32, #tpu.memory_space<vmem>> -> memref<1x128xf32, #tpu.memory_space<vmem>>
        %gather3A_1269 = tpu.memref_squeeze %gather3A_1268 : memref<1x128xf32, #tpu.memory_space<vmem>> -> memref<128xf32, #tpu.memory_space<vmem>>
        %gather3A_1270 = tpu.vector_load_idx %gather3A_1269[%add3A_1262] : memref<128xf32, #tpu.memory_space<vmem>>[vector<16xi32>], vector<16xf32>,
        %mul3A_1271 = arith.mulf %gather3A_1270, %gather3A_452 : vector<16xf32>
        %add3A_1272 = arith.addf %mul3A_1259, %mul3A_1271 : vector<16xf32>
        %add3A_1273 = arith.constant 32 : i32
        %add3A_1274 = vector.broadcast %add3A_1273 : i32 to vector<16xi32>
        %add3A_1275 = arith.addi %add3A_1242, %add3A_1274 : vector<16xi32>
        %gather3A_1276 = arith.constant 0 : i32
        %gather3A_1277 = arith.constant 0 : i32
        %gather3A_1278 = tpu.memref_slice %arg19[%scan3A_398, %gather3A_1276, %gather3A_1277] : memref<2x320x128xf32, #tpu.memory_space<vmem>> -> memref<1x320x128xf32, #tpu.memory_space<vmem>>
        %gather3A_1279 = tpu.memref_squeeze %gather3A_1278 : memref<1x320x128xf32, #tpu.memory_space<vmem>> -> memref<320x128xf32, #tpu.memory_space<vmem>>
        %gather3A_1280 = arith.constant 0 : i32
        %gather3A_1281 = tpu.memref_slice %gather3A_1279[%add3A_1246, %gather3A_1280] : memref<320x128xf32, #tpu.memory_space<vmem>> -> memref<1x128xf32, #tpu.memory_space<vmem>>
        %gather3A_1282 = tpu.memref_squeeze %gather3A_1281 : memref<1x128xf32, #tpu.memory_space<vmem>> -> memref<128xf32, #tpu.memory_space<vmem>>
        %gather3A_1283 = tpu.vector_load_idx %gather3A_1282[%add3A_1275] : memref<128xf32, #tpu.memory_space<vmem>>[vector<16xi32>], vector<16xf32>,
        %mul3A_1284 = arith.mulf %gather3A_1283, %gather3A_463 : vector<16xf32>
        %add3A_1285 = arith.addf %add3A_1272, %mul3A_1284 : vector<16xf32>
        %add3A_1286 = arith.constant 48 : i32
        %add3A_1287 = vector.broadcast %add3A_1286 : i32 to vector<16xi32>
        %add3A_1288 = arith.addi %add3A_1242, %add3A_1287 : vector<16xi32>
        %gather3A_1289 = arith.constant 0 : i32
        %gather3A_1290 = arith.constant 0 : i32
        %gather3A_1291 = tpu.memref_slice %arg19[%scan3A_398, %gather3A_1289, %gather3A_1290] : memref<2x320x128xf32, #tpu.memory_space<vmem>> -> memref<1x320x128xf32, #tpu.memory_space<vmem>>
        %gather3A_1292 = tpu.memref_squeeze %gather3A_1291 : memref<1x320x128xf32, #tpu.memory_space<vmem>> -> memref<320x128xf32, #tpu.memory_space<vmem>>
        %gather3A_1293 = arith.constant 0 : i32
        %gather3A_1294 = tpu.memref_slice %gather3A_1292[%add3A_1246, %gather3A_1293] : memref<320x128xf32, #tpu.memory_space<vmem>> -> memref<1x128xf32, #tpu.memory_space<vmem>>
        %gather3A_1295 = tpu.memref_squeeze %gather3A_1294 : memref<1x128xf32, #tpu.memory_space<vmem>> -> memref<128xf32, #tpu.memory_space<vmem>>
        %gather3A_1296 = tpu.vector_load_idx %gather3A_1295[%add3A_1288] : memref<128xf32, #tpu.memory_space<vmem>>[vector<16xi32>], vector<16xf32>,
        %mul3A_1297 = arith.mulf %gather3A_1296, %gather3A_474 : vector<16xf32>
        %add3A_1298 = arith.addf %add3A_1285, %mul3A_1297 : vector<16xf32>
        %broadcast_in_dim3A_1299 = arith.constant true
        %broadcast_in_dim3A_1300 = vector.broadcast %broadcast_in_dim3A_1299 : i1 to vector<16xi1>
        %masked_cumsum3A_1301 = tpu.scan <sum>, %add3A_1298 masked %broadcast_in_dim3A_1300 : vector<16xf32>, vector<16xi1> -> vector<16xf32>
        %broadcast_in_dim3A_1302 = vector.broadcast %add3A_1250 : i32 to vector<16xi32>
        tpu.vector_store_idx %arg20[%broadcast_in_dim3A_1302], %masked_cumsum3A_1301 masked %eq3A_18 : memref<10752xf32, #tpu.memory_space<vmem>>[vector<16xi32>], vector<16xf32>, vector<16xi1>
        %broadcast_in_dim3A_1303 = arith.constant 2 : i32
        %broadcast_in_dim3A_1304 = vector.broadcast %broadcast_in_dim3A_1303 : i32 to vector<16xi32>
        %lt3A_1305 = arith.constant 0 : i32
        %lt3A_1306 = vector.broadcast %lt3A_1305 : i32 to vector<16xi32>
        %lt3A_1307 = arith.cmpi slt, %broadcast_in_dim3A_1304, %lt3A_1306 : vector<16xi32>
        %add3A_1308 = arith.constant 16 : i32
        %add3A_1309 = vector.broadcast %add3A_1308 : i32 to vector<16xi32>
        %add3A_1310 = arith.addi %broadcast_in_dim3A_1304, %add3A_1309 : vector<16xi32>
        %select_n3A_1311 = arith.select %lt3A_1307, %add3A_1310, %broadcast_in_dim3A_1304 : vector<16xi1>, vector<16xi32>
        %reshape3A_1312 = vector.shape_cast %select_n3A_1311 : vector<16xi32> to vector<16x1xi32>
        %gather3A_1313 = vector.shape_cast %reshape3A_1312 : vector<16x1xi32> to vector<16xi32>
        %gather3A_1314 = tpu.dynamic_gather %get3A_419[%gather3A_1313] in [0] : vector<16xi32>, vector<16xi32> -> vector<16xi32>
        %mul3A_1315 = arith.constant 64 : i32
        %mul3A_1316 = vector.broadcast %mul3A_1315 : i32 to vector<16xi32>
        %mul3A_1317 = arith.muli %gather3A_1314, %mul3A_1316 : vector<16xi32>
        %add3A_1318 = arith.addi %mul3A_1317, %iota3A_19 : vector<16xi32>
        %mul3A_1319 = arith.constant 20 : i32
        %mul3A_1320 = arith.muli %scan3A_407, %mul3A_1319 : i32
        %add3A_1321 = arith.constant 10 : i32
        %add3A_1322 = arith.addi %mul3A_1320, %add3A_1321 : i32
        %add3A_1323 = arith.constant 1 : i32
        %add3A_1324 = arith.addi %mul3A_476, %add3A_1323 : i32
        %add3A_1325 = arith.constant 10 : i32
        %add3A_1326 = arith.addi %add3A_1324, %add3A_1325 : i32
        %gather3A_1327 = arith.constant 0 : i32
        %gather3A_1328 = arith.constant 0 : i32
        %gather3A_1329 = tpu.memref_slice %arg19[%scan3A_398, %gather3A_1327, %gather3A_1328] : memref<2x320x128xf32, #tpu.memory_space<vmem>> -> memref<1x320x128xf32, #tpu.memory_space<vmem>>
        %gather3A_1330 = tpu.memref_squeeze %gather3A_1329 : memref<1x320x128xf32, #tpu.memory_space<vmem>> -> memref<320x128xf32, #tpu.memory_space<vmem>>
        %gather3A_1331 = arith.constant 0 : i32
        %gather3A_1332 = tpu.memref_slice %gather3A_1330[%add3A_1322, %gather3A_1331] : memref<320x128xf32, #tpu.memory_space<vmem>> -> memref<1x128xf32, #tpu.memory_space<vmem>>
        %gather3A_1333 = tpu.memref_squeeze %gather3A_1332 : memref<1x128xf32, #tpu.memory_space<vmem>> -> memref<128xf32, #tpu.memory_space<vmem>>
        %gather3A_1334 = tpu.vector_load_idx %gather3A_1333[%add3A_1318] : memref<128xf32, #tpu.memory_space<vmem>>[vector<16xi32>], vector<16xf32>,
        %mul3A_1335 = arith.mulf %gather3A_1334, %gather3A_441 : vector<16xf32>
        %add3A_1336 = arith.constant 16 : i32
        %add3A_1337 = vector.broadcast %add3A_1336 : i32 to vector<16xi32>
        %add3A_1338 = arith.addi %add3A_1318, %add3A_1337 : vector<16xi32>
        %gather3A_1339 = arith.constant 0 : i32
        %gather3A_1340 = arith.constant 0 : i32
        %gather3A_1341 = tpu.memref_slice %arg19[%scan3A_398, %gather3A_1339, %gather3A_1340] : memref<2x320x128xf32, #tpu.memory_space<vmem>> -> memref<1x320x128xf32, #tpu.memory_space<vmem>>
        %gather3A_1342 = tpu.memref_squeeze %gather3A_1341 : memref<1x320x128xf32, #tpu.memory_space<vmem>> -> memref<320x128xf32, #tpu.memory_space<vmem>>
        %gather3A_1343 = arith.constant 0 : i32
        %gather3A_1344 = tpu.memref_slice %gather3A_1342[%add3A_1322, %gather3A_1343] : memref<320x128xf32, #tpu.memory_space<vmem>> -> memref<1x128xf32, #tpu.memory_space<vmem>>
        %gather3A_1345 = tpu.memref_squeeze %gather3A_1344 : memref<1x128xf32, #tpu.memory_space<vmem>> -> memref<128xf32, #tpu.memory_space<vmem>>
        %gather3A_1346 = tpu.vector_load_idx %gather3A_1345[%add3A_1338] : memref<128xf32, #tpu.memory_space<vmem>>[vector<16xi32>], vector<16xf32>,
        %mul3A_1347 = arith.mulf %gather3A_1346, %gather3A_452 : vector<16xf32>
        %add3A_1348 = arith.addf %mul3A_1335, %mul3A_1347 : vector<16xf32>
        %add3A_1349 = arith.constant 32 : i32
        %add3A_1350 = vector.broadcast %add3A_1349 : i32 to vector<16xi32>
        %add3A_1351 = arith.addi %add3A_1318, %add3A_1350 : vector<16xi32>
        %gather3A_1352 = arith.constant 0 : i32
        %gather3A_1353 = arith.constant 0 : i32
        %gather3A_1354 = tpu.memref_slice %arg19[%scan3A_398, %gather3A_1352, %gather3A_1353] : memref<2x320x128xf32, #tpu.memory_space<vmem>> -> memref<1x320x128xf32, #tpu.memory_space<vmem>>
        %gather3A_1355 = tpu.memref_squeeze %gather3A_1354 : memref<1x320x128xf32, #tpu.memory_space<vmem>> -> memref<320x128xf32, #tpu.memory_space<vmem>>
        %gather3A_1356 = arith.constant 0 : i32
        %gather3A_1357 = tpu.memref_slice %gather3A_1355[%add3A_1322, %gather3A_1356] : memref<320x128xf32, #tpu.memory_space<vmem>> -> memref<1x128xf32, #tpu.memory_space<vmem>>
        %gather3A_1358 = tpu.memref_squeeze %gather3A_1357 : memref<1x128xf32, #tpu.memory_space<vmem>> -> memref<128xf32, #tpu.memory_space<vmem>>
        %gather3A_1359 = tpu.vector_load_idx %gather3A_1358[%add3A_1351] : memref<128xf32, #tpu.memory_space<vmem>>[vector<16xi32>], vector<16xf32>,
        %mul3A_1360 = arith.mulf %gather3A_1359, %gather3A_463 : vector<16xf32>
        %add3A_1361 = arith.addf %add3A_1348, %mul3A_1360 : vector<16xf32>
        %add3A_1362 = arith.constant 48 : i32
        %add3A_1363 = vector.broadcast %add3A_1362 : i32 to vector<16xi32>
        %add3A_1364 = arith.addi %add3A_1318, %add3A_1363 : vector<16xi32>
        %gather3A_1365 = arith.constant 0 : i32
        %gather3A_1366 = arith.constant 0 : i32
        %gather3A_1367 = tpu.memref_slice %arg19[%scan3A_398, %gather3A_1365, %gather3A_1366] : memref<2x320x128xf32, #tpu.memory_space<vmem>> -> memref<1x320x128xf32, #tpu.memory_space<vmem>>
        %gather3A_1368 = tpu.memref_squeeze %gather3A_1367 : memref<1x320x128xf32, #tpu.memory_space<vmem>> -> memref<320x128xf32, #tpu.memory_space<vmem>>
        %gather3A_1369 = arith.constant 0 : i32
        %gather3A_1370 = tpu.memref_slice %gather3A_1368[%add3A_1322, %gather3A_1369] : memref<320x128xf32, #tpu.memory_space<vmem>> -> memref<1x128xf32, #tpu.memory_space<vmem>>
        %gather3A_1371 = tpu.memref_squeeze %gather3A_1370 : memref<1x128xf32, #tpu.memory_space<vmem>> -> memref<128xf32, #tpu.memory_space<vmem>>
        %gather3A_1372 = tpu.vector_load_idx %gather3A_1371[%add3A_1364] : memref<128xf32, #tpu.memory_space<vmem>>[vector<16xi32>], vector<16xf32>,
        %mul3A_1373 = arith.mulf %gather3A_1372, %gather3A_474 : vector<16xf32>
        %add3A_1374 = arith.addf %add3A_1361, %mul3A_1373 : vector<16xf32>
        %broadcast_in_dim3A_1375 = arith.constant true
        %broadcast_in_dim3A_1376 = vector.broadcast %broadcast_in_dim3A_1375 : i1 to vector<16xi1>
        %masked_cumsum3A_1377 = tpu.scan <sum>, %add3A_1374 masked %broadcast_in_dim3A_1376 : vector<16xf32>, vector<16xi1> -> vector<16xf32>
        %broadcast_in_dim3A_1378 = vector.broadcast %add3A_1326 : i32 to vector<16xi32>
        tpu.vector_store_idx %arg20[%broadcast_in_dim3A_1378], %masked_cumsum3A_1377 masked %eq3A_18 : memref<10752xf32, #tpu.memory_space<vmem>>[vector<16xi32>], vector<16xf32>, vector<16xi1>
        %broadcast_in_dim3A_1379 = arith.constant 3 : i32
        %broadcast_in_dim3A_1380 = vector.broadcast %broadcast_in_dim3A_1379 : i32 to vector<16xi32>
        %lt3A_1381 = arith.constant 0 : i32
        %lt3A_1382 = vector.broadcast %lt3A_1381 : i32 to vector<16xi32>
        %lt3A_1383 = arith.cmpi slt, %broadcast_in_dim3A_1380, %lt3A_1382 : vector<16xi32>
        %add3A_1384 = arith.constant 16 : i32
        %add3A_1385 = vector.broadcast %add3A_1384 : i32 to vector<16xi32>
        %add3A_1386 = arith.addi %broadcast_in_dim3A_1380, %add3A_1385 : vector<16xi32>
        %select_n3A_1387 = arith.select %lt3A_1383, %add3A_1386, %broadcast_in_dim3A_1380 : vector<16xi1>, vector<16xi32>
        %reshape3A_1388 = vector.shape_cast %select_n3A_1387 : vector<16xi32> to vector<16x1xi32>
        %gather3A_1389 = vector.shape_cast %reshape3A_1388 : vector<16x1xi32> to vector<16xi32>
        %gather3A_1390 = tpu.dynamic_gather %get3A_419[%gather3A_1389] in [0] : vector<16xi32>, vector<16xi32> -> vector<16xi32>
        %mul3A_1391 = arith.constant 64 : i32
        %mul3A_1392 = vector.broadcast %mul3A_1391 : i32 to vector<16xi32>
        %mul3A_1393 = arith.muli %gather3A_1390, %mul3A_1392 : vector<16xi32>
        %add3A_1394 = arith.addi %mul3A_1393, %iota3A_19 : vector<16xi32>
        %mul3A_1395 = arith.constant 20 : i32
        %mul3A_1396 = arith.muli %scan3A_407, %mul3A_1395 : i32
        %add3A_1397 = arith.constant 11 : i32
        %add3A_1398 = arith.addi %mul3A_1396, %add3A_1397 : i32
        %add3A_1399 = arith.constant 1 : i32
        %add3A_1400 = arith.addi %mul3A_476, %add3A_1399 : i32
        %add3A_1401 = arith.constant 11 : i32
        %add3A_1402 = arith.addi %add3A_1400, %add3A_1401 : i32
        %gather3A_1403 = arith.constant 0 : i32
        %gather3A_1404 = arith.constant 0 : i32
        %gather3A_1405 = tpu.memref_slice %arg19[%scan3A_398, %gather3A_1403, %gather3A_1404] : memref<2x320x128xf32, #tpu.memory_space<vmem>> -> memref<1x320x128xf32, #tpu.memory_space<vmem>>
        %gather3A_1406 = tpu.memref_squeeze %gather3A_1405 : memref<1x320x128xf32, #tpu.memory_space<vmem>> -> memref<320x128xf32, #tpu.memory_space<vmem>>
        %gather3A_1407 = arith.constant 0 : i32
        %gather3A_1408 = tpu.memref_slice %gather3A_1406[%add3A_1398, %gather3A_1407] : memref<320x128xf32, #tpu.memory_space<vmem>> -> memref<1x128xf32, #tpu.memory_space<vmem>>
        %gather3A_1409 = tpu.memref_squeeze %gather3A_1408 : memref<1x128xf32, #tpu.memory_space<vmem>> -> memref<128xf32, #tpu.memory_space<vmem>>
        %gather3A_1410 = tpu.vector_load_idx %gather3A_1409[%add3A_1394] : memref<128xf32, #tpu.memory_space<vmem>>[vector<16xi32>], vector<16xf32>,
        %mul3A_1411 = arith.mulf %gather3A_1410, %gather3A_441 : vector<16xf32>
        %add3A_1412 = arith.constant 16 : i32
        %add3A_1413 = vector.broadcast %add3A_1412 : i32 to vector<16xi32>
        %add3A_1414 = arith.addi %add3A_1394, %add3A_1413 : vector<16xi32>
        %gather3A_1415 = arith.constant 0 : i32
        %gather3A_1416 = arith.constant 0 : i32
        %gather3A_1417 = tpu.memref_slice %arg19[%scan3A_398, %gather3A_1415, %gather3A_1416] : memref<2x320x128xf32, #tpu.memory_space<vmem>> -> memref<1x320x128xf32, #tpu.memory_space<vmem>>
        %gather3A_1418 = tpu.memref_squeeze %gather3A_1417 : memref<1x320x128xf32, #tpu.memory_space<vmem>> -> memref<320x128xf32, #tpu.memory_space<vmem>>
        %gather3A_1419 = arith.constant 0 : i32
        %gather3A_1420 = tpu.memref_slice %gather3A_1418[%add3A_1398, %gather3A_1419] : memref<320x128xf32, #tpu.memory_space<vmem>> -> memref<1x128xf32, #tpu.memory_space<vmem>>
        %gather3A_1421 = tpu.memref_squeeze %gather3A_1420 : memref<1x128xf32, #tpu.memory_space<vmem>> -> memref<128xf32, #tpu.memory_space<vmem>>
        %gather3A_1422 = tpu.vector_load_idx %gather3A_1421[%add3A_1414] : memref<128xf32, #tpu.memory_space<vmem>>[vector<16xi32>], vector<16xf32>,
        %mul3A_1423 = arith.mulf %gather3A_1422, %gather3A_452 : vector<16xf32>
        %add3A_1424 = arith.addf %mul3A_1411, %mul3A_1423 : vector<16xf32>
        %add3A_1425 = arith.constant 32 : i32
        %add3A_1426 = vector.broadcast %add3A_1425 : i32 to vector<16xi32>
        %add3A_1427 = arith.addi %add3A_1394, %add3A_1426 : vector<16xi32>
        %gather3A_1428 = arith.constant 0 : i32
        %gather3A_1429 = arith.constant 0 : i32
        %gather3A_1430 = tpu.memref_slice %arg19[%scan3A_398, %gather3A_1428, %gather3A_1429] : memref<2x320x128xf32, #tpu.memory_space<vmem>> -> memref<1x320x128xf32, #tpu.memory_space<vmem>>
        %gather3A_1431 = tpu.memref_squeeze %gather3A_1430 : memref<1x320x128xf32, #tpu.memory_space<vmem>> -> memref<320x128xf32, #tpu.memory_space<vmem>>
        %gather3A_1432 = arith.constant 0 : i32
        %gather3A_1433 = tpu.memref_slice %gather3A_1431[%add3A_1398, %gather3A_1432] : memref<320x128xf32, #tpu.memory_space<vmem>> -> memref<1x128xf32, #tpu.memory_space<vmem>>
        %gather3A_1434 = tpu.memref_squeeze %gather3A_1433 : memref<1x128xf32, #tpu.memory_space<vmem>> -> memref<128xf32, #tpu.memory_space<vmem>>
        %gather3A_1435 = tpu.vector_load_idx %gather3A_1434[%add3A_1427] : memref<128xf32, #tpu.memory_space<vmem>>[vector<16xi32>], vector<16xf32>,
        %mul3A_1436 = arith.mulf %gather3A_1435, %gather3A_463 : vector<16xf32>
        %add3A_1437 = arith.addf %add3A_1424, %mul3A_1436 : vector<16xf32>
        %add3A_1438 = arith.constant 48 : i32
        %add3A_1439 = vector.broadcast %add3A_1438 : i32 to vector<16xi32>
        %add3A_1440 = arith.addi %add3A_1394, %add3A_1439 : vector<16xi32>
        %gather3A_1441 = arith.constant 0 : i32
        %gather3A_1442 = arith.constant 0 : i32
        %gather3A_1443 = tpu.memref_slice %arg19[%scan3A_398, %gather3A_1441, %gather3A_1442] : memref<2x320x128xf32, #tpu.memory_space<vmem>> -> memref<1x320x128xf32, #tpu.memory_space<vmem>>
        %gather3A_1444 = tpu.memref_squeeze %gather3A_1443 : memref<1x320x128xf32, #tpu.memory_space<vmem>> -> memref<320x128xf32, #tpu.memory_space<vmem>>
        %gather3A_1445 = arith.constant 0 : i32
        %gather3A_1446 = tpu.memref_slice %gather3A_1444[%add3A_1398, %gather3A_1445] : memref<320x128xf32, #tpu.memory_space<vmem>> -> memref<1x128xf32, #tpu.memory_space<vmem>>
        %gather3A_1447 = tpu.memref_squeeze %gather3A_1446 : memref<1x128xf32, #tpu.memory_space<vmem>> -> memref<128xf32, #tpu.memory_space<vmem>>
        %gather3A_1448 = tpu.vector_load_idx %gather3A_1447[%add3A_1440] : memref<128xf32, #tpu.memory_space<vmem>>[vector<16xi32>], vector<16xf32>,
        %mul3A_1449 = arith.mulf %gather3A_1448, %gather3A_474 : vector<16xf32>
        %add3A_1450 = arith.addf %add3A_1437, %mul3A_1449 : vector<16xf32>
        %broadcast_in_dim3A_1451 = arith.constant true
        %broadcast_in_dim3A_1452 = vector.broadcast %broadcast_in_dim3A_1451 : i1 to vector<16xi1>
        %masked_cumsum3A_1453 = tpu.scan <sum>, %add3A_1450 masked %broadcast_in_dim3A_1452 : vector<16xf32>, vector<16xi1> -> vector<16xf32>
        %broadcast_in_dim3A_1454 = vector.broadcast %add3A_1402 : i32 to vector<16xi32>
        tpu.vector_store_idx %arg20[%broadcast_in_dim3A_1454], %masked_cumsum3A_1453 masked %eq3A_18 : memref<10752xf32, #tpu.memory_space<vmem>>[vector<16xi32>], vector<16xf32>, vector<16xi1>
        %broadcast_in_dim3A_1455 = arith.constant 4 : i32
        %broadcast_in_dim3A_1456 = vector.broadcast %broadcast_in_dim3A_1455 : i32 to vector<16xi32>
        %lt3A_1457 = arith.constant 0 : i32
        %lt3A_1458 = vector.broadcast %lt3A_1457 : i32 to vector<16xi32>
        %lt3A_1459 = arith.cmpi slt, %broadcast_in_dim3A_1456, %lt3A_1458 : vector<16xi32>
        %add3A_1460 = arith.constant 16 : i32
        %add3A_1461 = vector.broadcast %add3A_1460 : i32 to vector<16xi32>
        %add3A_1462 = arith.addi %broadcast_in_dim3A_1456, %add3A_1461 : vector<16xi32>
        %select_n3A_1463 = arith.select %lt3A_1459, %add3A_1462, %broadcast_in_dim3A_1456 : vector<16xi1>, vector<16xi32>
        %reshape3A_1464 = vector.shape_cast %select_n3A_1463 : vector<16xi32> to vector<16x1xi32>
        %gather3A_1465 = vector.shape_cast %reshape3A_1464 : vector<16x1xi32> to vector<16xi32>
        %gather3A_1466 = tpu.dynamic_gather %get3A_419[%gather3A_1465] in [0] : vector<16xi32>, vector<16xi32> -> vector<16xi32>
        %mul3A_1467 = arith.constant 64 : i32
        %mul3A_1468 = vector.broadcast %mul3A_1467 : i32 to vector<16xi32>
        %mul3A_1469 = arith.muli %gather3A_1466, %mul3A_1468 : vector<16xi32>
        %add3A_1470 = arith.addi %mul3A_1469, %iota3A_19 : vector<16xi32>
        %mul3A_1471 = arith.constant 20 : i32
        %mul3A_1472 = arith.muli %scan3A_407, %mul3A_1471 : i32
        %add3A_1473 = arith.constant 12 : i32
        %add3A_1474 = arith.addi %mul3A_1472, %add3A_1473 : i32
        %add3A_1475 = arith.constant 1 : i32
        %add3A_1476 = arith.addi %mul3A_476, %add3A_1475 : i32
        %add3A_1477 = arith.constant 12 : i32
        %add3A_1478 = arith.addi %add3A_1476, %add3A_1477 : i32
        %gather3A_1479 = arith.constant 0 : i32
        %gather3A_1480 = arith.constant 0 : i32
        %gather3A_1481 = tpu.memref_slice %arg19[%scan3A_398, %gather3A_1479, %gather3A_1480] : memref<2x320x128xf32, #tpu.memory_space<vmem>> -> memref<1x320x128xf32, #tpu.memory_space<vmem>>
        %gather3A_1482 = tpu.memref_squeeze %gather3A_1481 : memref<1x320x128xf32, #tpu.memory_space<vmem>> -> memref<320x128xf32, #tpu.memory_space<vmem>>
        %gather3A_1483 = arith.constant 0 : i32
        %gather3A_1484 = tpu.memref_slice %gather3A_1482[%add3A_1474, %gather3A_1483] : memref<320x128xf32, #tpu.memory_space<vmem>> -> memref<1x128xf32, #tpu.memory_space<vmem>>
        %gather3A_1485 = tpu.memref_squeeze %gather3A_1484 : memref<1x128xf32, #tpu.memory_space<vmem>> -> memref<128xf32, #tpu.memory_space<vmem>>
        %gather3A_1486 = tpu.vector_load_idx %gather3A_1485[%add3A_1470] : memref<128xf32, #tpu.memory_space<vmem>>[vector<16xi32>], vector<16xf32>,
        %mul3A_1487 = arith.mulf %gather3A_1486, %gather3A_441 : vector<16xf32>
        %add3A_1488 = arith.constant 16 : i32
        %add3A_1489 = vector.broadcast %add3A_1488 : i32 to vector<16xi32>
        %add3A_1490 = arith.addi %add3A_1470, %add3A_1489 : vector<16xi32>
        %gather3A_1491 = arith.constant 0 : i32
        %gather3A_1492 = arith.constant 0 : i32
        %gather3A_1493 = tpu.memref_slice %arg19[%scan3A_398, %gather3A_1491, %gather3A_1492] : memref<2x320x128xf32, #tpu.memory_space<vmem>> -> memref<1x320x128xf32, #tpu.memory_space<vmem>>
        %gather3A_1494 = tpu.memref_squeeze %gather3A_1493 : memref<1x320x128xf32, #tpu.memory_space<vmem>> -> memref<320x128xf32, #tpu.memory_space<vmem>>
        %gather3A_1495 = arith.constant 0 : i32
        %gather3A_1496 = tpu.memref_slice %gather3A_1494[%add3A_1474, %gather3A_1495] : memref<320x128xf32, #tpu.memory_space<vmem>> -> memref<1x128xf32, #tpu.memory_space<vmem>>
        %gather3A_1497 = tpu.memref_squeeze %gather3A_1496 : memref<1x128xf32, #tpu.memory_space<vmem>> -> memref<128xf32, #tpu.memory_space<vmem>>
        %gather3A_1498 = tpu.vector_load_idx %gather3A_1497[%add3A_1490] : memref<128xf32, #tpu.memory_space<vmem>>[vector<16xi32>], vector<16xf32>,
        %mul3A_1499 = arith.mulf %gather3A_1498, %gather3A_452 : vector<16xf32>
        %add3A_1500 = arith.addf %mul3A_1487, %mul3A_1499 : vector<16xf32>
        %add3A_1501 = arith.constant 32 : i32
        %add3A_1502 = vector.broadcast %add3A_1501 : i32 to vector<16xi32>
        %add3A_1503 = arith.addi %add3A_1470, %add3A_1502 : vector<16xi32>
        %gather3A_1504 = arith.constant 0 : i32
        %gather3A_1505 = arith.constant 0 : i32
        %gather3A_1506 = tpu.memref_slice %arg19[%scan3A_398, %gather3A_1504, %gather3A_1505] : memref<2x320x128xf32, #tpu.memory_space<vmem>> -> memref<1x320x128xf32, #tpu.memory_space<vmem>>
        %gather3A_1507 = tpu.memref_squeeze %gather3A_1506 : memref<1x320x128xf32, #tpu.memory_space<vmem>> -> memref<320x128xf32, #tpu.memory_space<vmem>>
        %gather3A_1508 = arith.constant 0 : i32
        %gather3A_1509 = tpu.memref_slice %gather3A_1507[%add3A_1474, %gather3A_1508] : memref<320x128xf32, #tpu.memory_space<vmem>> -> memref<1x128xf32, #tpu.memory_space<vmem>>
        %gather3A_1510 = tpu.memref_squeeze %gather3A_1509 : memref<1x128xf32, #tpu.memory_space<vmem>> -> memref<128xf32, #tpu.memory_space<vmem>>
        %gather3A_1511 = tpu.vector_load_idx %gather3A_1510[%add3A_1503] : memref<128xf32, #tpu.memory_space<vmem>>[vector<16xi32>], vector<16xf32>,
        %mul3A_1512 = arith.mulf %gather3A_1511, %gather3A_463 : vector<16xf32>
        %add3A_1513 = arith.addf %add3A_1500, %mul3A_1512 : vector<16xf32>
        %add3A_1514 = arith.constant 48 : i32
        %add3A_1515 = vector.broadcast %add3A_1514 : i32 to vector<16xi32>
        %add3A_1516 = arith.addi %add3A_1470, %add3A_1515 : vector<16xi32>
        %gather3A_1517 = arith.constant 0 : i32
        %gather3A_1518 = arith.constant 0 : i32
        %gather3A_1519 = tpu.memref_slice %arg19[%scan3A_398, %gather3A_1517, %gather3A_1518] : memref<2x320x128xf32, #tpu.memory_space<vmem>> -> memref<1x320x128xf32, #tpu.memory_space<vmem>>
        %gather3A_1520 = tpu.memref_squeeze %gather3A_1519 : memref<1x320x128xf32, #tpu.memory_space<vmem>> -> memref<320x128xf32, #tpu.memory_space<vmem>>
        %gather3A_1521 = arith.constant 0 : i32
        %gather3A_1522 = tpu.memref_slice %gather3A_1520[%add3A_1474, %gather3A_1521] : memref<320x128xf32, #tpu.memory_space<vmem>> -> memref<1x128xf32, #tpu.memory_space<vmem>>
        %gather3A_1523 = tpu.memref_squeeze %gather3A_1522 : memref<1x128xf32, #tpu.memory_space<vmem>> -> memref<128xf32, #tpu.memory_space<vmem>>
        %gather3A_1524 = tpu.vector_load_idx %gather3A_1523[%add3A_1516] : memref<128xf32, #tpu.memory_space<vmem>>[vector<16xi32>], vector<16xf32>,
        %mul3A_1525 = arith.mulf %gather3A_1524, %gather3A_474 : vector<16xf32>
        %add3A_1526 = arith.addf %add3A_1513, %mul3A_1525 : vector<16xf32>
        %broadcast_in_dim3A_1527 = arith.constant true
        %broadcast_in_dim3A_1528 = vector.broadcast %broadcast_in_dim3A_1527 : i1 to vector<16xi1>
        %masked_cumsum3A_1529 = tpu.scan <sum>, %add3A_1526 masked %broadcast_in_dim3A_1528 : vector<16xf32>, vector<16xi1> -> vector<16xf32>
        %broadcast_in_dim3A_1530 = vector.broadcast %add3A_1478 : i32 to vector<16xi32>
        tpu.vector_store_idx %arg20[%broadcast_in_dim3A_1530], %masked_cumsum3A_1529 masked %eq3A_18 : memref<10752xf32, #tpu.memory_space<vmem>>[vector<16xi32>], vector<16xf32>, vector<16xi1>
        %broadcast_in_dim3A_1531 = arith.constant 5 : i32
        %broadcast_in_dim3A_1532 = vector.broadcast %broadcast_in_dim3A_1531 : i32 to vector<16xi32>
        %lt3A_1533 = arith.constant 0 : i32
        %lt3A_1534 = vector.broadcast %lt3A_1533 : i32 to vector<16xi32>
        %lt3A_1535 = arith.cmpi slt, %broadcast_in_dim3A_1532, %lt3A_1534 : vector<16xi32>
        %add3A_1536 = arith.constant 16 : i32
        %add3A_1537 = vector.broadcast %add3A_1536 : i32 to vector<16xi32>
        %add3A_1538 = arith.addi %broadcast_in_dim3A_1532, %add3A_1537 : vector<16xi32>
        %select_n3A_1539 = arith.select %lt3A_1535, %add3A_1538, %broadcast_in_dim3A_1532 : vector<16xi1>, vector<16xi32>
        %reshape3A_1540 = vector.shape_cast %select_n3A_1539 : vector<16xi32> to vector<16x1xi32>
        %gather3A_1541 = vector.shape_cast %reshape3A_1540 : vector<16x1xi32> to vector<16xi32>
        %gather3A_1542 = tpu.dynamic_gather %get3A_419[%gather3A_1541] in [0] : vector<16xi32>, vector<16xi32> -> vector<16xi32>
        %mul3A_1543 = arith.constant 64 : i32
        %mul3A_1544 = vector.broadcast %mul3A_1543 : i32 to vector<16xi32>
        %mul3A_1545 = arith.muli %gather3A_1542, %mul3A_1544 : vector<16xi32>
        %add3A_1546 = arith.addi %mul3A_1545, %iota3A_19 : vector<16xi32>
        %mul3A_1547 = arith.constant 20 : i32
        %mul3A_1548 = arith.muli %scan3A_407, %mul3A_1547 : i32
        %add3A_1549 = arith.constant 13 : i32
        %add3A_1550 = arith.addi %mul3A_1548, %add3A_1549 : i32
        %add3A_1551 = arith.constant 1 : i32
        %add3A_1552 = arith.addi %mul3A_476, %add3A_1551 : i32
        %add3A_1553 = arith.constant 13 : i32
        %add3A_1554 = arith.addi %add3A_1552, %add3A_1553 : i32
        %gather3A_1555 = arith.constant 0 : i32
        %gather3A_1556 = arith.constant 0 : i32
        %gather3A_1557 = tpu.memref_slice %arg19[%scan3A_398, %gather3A_1555, %gather3A_1556] : memref<2x320x128xf32, #tpu.memory_space<vmem>> -> memref<1x320x128xf32, #tpu.memory_space<vmem>>
        %gather3A_1558 = tpu.memref_squeeze %gather3A_1557 : memref<1x320x128xf32, #tpu.memory_space<vmem>> -> memref<320x128xf32, #tpu.memory_space<vmem>>
        %gather3A_1559 = arith.constant 0 : i32
        %gather3A_1560 = tpu.memref_slice %gather3A_1558[%add3A_1550, %gather3A_1559] : memref<320x128xf32, #tpu.memory_space<vmem>> -> memref<1x128xf32, #tpu.memory_space<vmem>>
        %gather3A_1561 = tpu.memref_squeeze %gather3A_1560 : memref<1x128xf32, #tpu.memory_space<vmem>> -> memref<128xf32, #tpu.memory_space<vmem>>
        %gather3A_1562 = tpu.vector_load_idx %gather3A_1561[%add3A_1546] : memref<128xf32, #tpu.memory_space<vmem>>[vector<16xi32>], vector<16xf32>,
        %mul3A_1563 = arith.mulf %gather3A_1562, %gather3A_441 : vector<16xf32>
        %add3A_1564 = arith.constant 16 : i32
        %add3A_1565 = vector.broadcast %add3A_1564 : i32 to vector<16xi32>
        %add3A_1566 = arith.addi %add3A_1546, %add3A_1565 : vector<16xi32>
        %gather3A_1567 = arith.constant 0 : i32
        %gather3A_1568 = arith.constant 0 : i32
        %gather3A_1569 = tpu.memref_slice %arg19[%scan3A_398, %gather3A_1567, %gather3A_1568] : memref<2x320x128xf32, #tpu.memory_space<vmem>> -> memref<1x320x128xf32, #tpu.memory_space<vmem>>
        %gather3A_1570 = tpu.memref_squeeze %gather3A_1569 : memref<1x320x128xf32, #tpu.memory_space<vmem>> -> memref<320x128xf32, #tpu.memory_space<vmem>>
        %gather3A_1571 = arith.constant 0 : i32
        %gather3A_1572 = tpu.memref_slice %gather3A_1570[%add3A_1550, %gather3A_1571] : memref<320x128xf32, #tpu.memory_space<vmem>> -> memref<1x128xf32, #tpu.memory_space<vmem>>
        %gather3A_1573 = tpu.memref_squeeze %gather3A_1572 : memref<1x128xf32, #tpu.memory_space<vmem>> -> memref<128xf32, #tpu.memory_space<vmem>>
        %gather3A_1574 = tpu.vector_load_idx %gather3A_1573[%add3A_1566] : memref<128xf32, #tpu.memory_space<vmem>>[vector<16xi32>], vector<16xf32>,
        %mul3A_1575 = arith.mulf %gather3A_1574, %gather3A_452 : vector<16xf32>
        %add3A_1576 = arith.addf %mul3A_1563, %mul3A_1575 : vector<16xf32>
        %add3A_1577 = arith.constant 32 : i32
        %add3A_1578 = vector.broadcast %add3A_1577 : i32 to vector<16xi32>
        %add3A_1579 = arith.addi %add3A_1546, %add3A_1578 : vector<16xi32>
        %gather3A_1580 = arith.constant 0 : i32
        %gather3A_1581 = arith.constant 0 : i32
        %gather3A_1582 = tpu.memref_slice %arg19[%scan3A_398, %gather3A_1580, %gather3A_1581] : memref<2x320x128xf32, #tpu.memory_space<vmem>> -> memref<1x320x128xf32, #tpu.memory_space<vmem>>
        %gather3A_1583 = tpu.memref_squeeze %gather3A_1582 : memref<1x320x128xf32, #tpu.memory_space<vmem>> -> memref<320x128xf32, #tpu.memory_space<vmem>>
        %gather3A_1584 = arith.constant 0 : i32
        %gather3A_1585 = tpu.memref_slice %gather3A_1583[%add3A_1550, %gather3A_1584] : memref<320x128xf32, #tpu.memory_space<vmem>> -> memref<1x128xf32, #tpu.memory_space<vmem>>
        %gather3A_1586 = tpu.memref_squeeze %gather3A_1585 : memref<1x128xf32, #tpu.memory_space<vmem>> -> memref<128xf32, #tpu.memory_space<vmem>>
        %gather3A_1587 = tpu.vector_load_idx %gather3A_1586[%add3A_1579] : memref<128xf32, #tpu.memory_space<vmem>>[vector<16xi32>], vector<16xf32>,
        %mul3A_1588 = arith.mulf %gather3A_1587, %gather3A_463 : vector<16xf32>
        %add3A_1589 = arith.addf %add3A_1576, %mul3A_1588 : vector<16xf32>
        %add3A_1590 = arith.constant 48 : i32
        %add3A_1591 = vector.broadcast %add3A_1590 : i32 to vector<16xi32>
        %add3A_1592 = arith.addi %add3A_1546, %add3A_1591 : vector<16xi32>
        %gather3A_1593 = arith.constant 0 : i32
        %gather3A_1594 = arith.constant 0 : i32
        %gather3A_1595 = tpu.memref_slice %arg19[%scan3A_398, %gather3A_1593, %gather3A_1594] : memref<2x320x128xf32, #tpu.memory_space<vmem>> -> memref<1x320x128xf32, #tpu.memory_space<vmem>>
        %gather3A_1596 = tpu.memref_squeeze %gather3A_1595 : memref<1x320x128xf32, #tpu.memory_space<vmem>> -> memref<320x128xf32, #tpu.memory_space<vmem>>
        %gather3A_1597 = arith.constant 0 : i32
        %gather3A_1598 = tpu.memref_slice %gather3A_1596[%add3A_1550, %gather3A_1597] : memref<320x128xf32, #tpu.memory_space<vmem>> -> memref<1x128xf32, #tpu.memory_space<vmem>>
        %gather3A_1599 = tpu.memref_squeeze %gather3A_1598 : memref<1x128xf32, #tpu.memory_space<vmem>> -> memref<128xf32, #tpu.memory_space<vmem>>
        %gather3A_1600 = tpu.vector_load_idx %gather3A_1599[%add3A_1592] : memref<128xf32, #tpu.memory_space<vmem>>[vector<16xi32>], vector<16xf32>,
        %mul3A_1601 = arith.mulf %gather3A_1600, %gather3A_474 : vector<16xf32>
        %add3A_1602 = arith.addf %add3A_1589, %mul3A_1601 : vector<16xf32>
        %broadcast_in_dim3A_1603 = arith.constant true
        %broadcast_in_dim3A_1604 = vector.broadcast %broadcast_in_dim3A_1603 : i1 to vector<16xi1>
        %masked_cumsum3A_1605 = tpu.scan <sum>, %add3A_1602 masked %broadcast_in_dim3A_1604 : vector<16xf32>, vector<16xi1> -> vector<16xf32>
        %broadcast_in_dim3A_1606 = vector.broadcast %add3A_1554 : i32 to vector<16xi32>
        tpu.vector_store_idx %arg20[%broadcast_in_dim3A_1606], %masked_cumsum3A_1605 masked %eq3A_18 : memref<10752xf32, #tpu.memory_space<vmem>>[vector<16xi32>], vector<16xf32>, vector<16xi1>
        %broadcast_in_dim3A_1607 = arith.constant 6 : i32
        %broadcast_in_dim3A_1608 = vector.broadcast %broadcast_in_dim3A_1607 : i32 to vector<16xi32>
        %lt3A_1609 = arith.constant 0 : i32
        %lt3A_1610 = vector.broadcast %lt3A_1609 : i32 to vector<16xi32>
        %lt3A_1611 = arith.cmpi slt, %broadcast_in_dim3A_1608, %lt3A_1610 : vector<16xi32>
        %add3A_1612 = arith.constant 16 : i32
        %add3A_1613 = vector.broadcast %add3A_1612 : i32 to vector<16xi32>
        %add3A_1614 = arith.addi %broadcast_in_dim3A_1608, %add3A_1613 : vector<16xi32>
        %select_n3A_1615 = arith.select %lt3A_1611, %add3A_1614, %broadcast_in_dim3A_1608 : vector<16xi1>, vector<16xi32>
        %reshape3A_1616 = vector.shape_cast %select_n3A_1615 : vector<16xi32> to vector<16x1xi32>
        %gather3A_1617 = vector.shape_cast %reshape3A_1616 : vector<16x1xi32> to vector<16xi32>
        %gather3A_1618 = tpu.dynamic_gather %get3A_419[%gather3A_1617] in [0] : vector<16xi32>, vector<16xi32> -> vector<16xi32>
        %mul3A_1619 = arith.constant 64 : i32
        %mul3A_1620 = vector.broadcast %mul3A_1619 : i32 to vector<16xi32>
        %mul3A_1621 = arith.muli %gather3A_1618, %mul3A_1620 : vector<16xi32>
        %add3A_1622 = arith.addi %mul3A_1621, %iota3A_19 : vector<16xi32>
        %mul3A_1623 = arith.constant 20 : i32
        %mul3A_1624 = arith.muli %scan3A_407, %mul3A_1623 : i32
        %add3A_1625 = arith.constant 14 : i32
        %add3A_1626 = arith.addi %mul3A_1624, %add3A_1625 : i32
        %add3A_1627 = arith.constant 1 : i32
        %add3A_1628 = arith.addi %mul3A_476, %add3A_1627 : i32
        %add3A_1629 = arith.constant 14 : i32
        %add3A_1630 = arith.addi %add3A_1628, %add3A_1629 : i32
        %gather3A_1631 = arith.constant 0 : i32
        %gather3A_1632 = arith.constant 0 : i32
        %gather3A_1633 = tpu.memref_slice %arg19[%scan3A_398, %gather3A_1631, %gather3A_1632] : memref<2x320x128xf32, #tpu.memory_space<vmem>> -> memref<1x320x128xf32, #tpu.memory_space<vmem>>
        %gather3A_1634 = tpu.memref_squeeze %gather3A_1633 : memref<1x320x128xf32, #tpu.memory_space<vmem>> -> memref<320x128xf32, #tpu.memory_space<vmem>>
        %gather3A_1635 = arith.constant 0 : i32
        %gather3A_1636 = tpu.memref_slice %gather3A_1634[%add3A_1626, %gather3A_1635] : memref<320x128xf32, #tpu.memory_space<vmem>> -> memref<1x128xf32, #tpu.memory_space<vmem>>
        %gather3A_1637 = tpu.memref_squeeze %gather3A_1636 : memref<1x128xf32, #tpu.memory_space<vmem>> -> memref<128xf32, #tpu.memory_space<vmem>>
        %gather3A_1638 = tpu.vector_load_idx %gather3A_1637[%add3A_1622] : memref<128xf32, #tpu.memory_space<vmem>>[vector<16xi32>], vector<16xf32>,
        %mul3A_1639 = arith.mulf %gather3A_1638, %gather3A_441 : vector<16xf32>
        %add3A_1640 = arith.constant 16 : i32
        %add3A_1641 = vector.broadcast %add3A_1640 : i32 to vector<16xi32>
        %add3A_1642 = arith.addi %add3A_1622, %add3A_1641 : vector<16xi32>
        %gather3A_1643 = arith.constant 0 : i32
        %gather3A_1644 = arith.constant 0 : i32
        %gather3A_1645 = tpu.memref_slice %arg19[%scan3A_398, %gather3A_1643, %gather3A_1644] : memref<2x320x128xf32, #tpu.memory_space<vmem>> -> memref<1x320x128xf32, #tpu.memory_space<vmem>>
        %gather3A_1646 = tpu.memref_squeeze %gather3A_1645 : memref<1x320x128xf32, #tpu.memory_space<vmem>> -> memref<320x128xf32, #tpu.memory_space<vmem>>
        %gather3A_1647 = arith.constant 0 : i32
        %gather3A_1648 = tpu.memref_slice %gather3A_1646[%add3A_1626, %gather3A_1647] : memref<320x128xf32, #tpu.memory_space<vmem>> -> memref<1x128xf32, #tpu.memory_space<vmem>>
        %gather3A_1649 = tpu.memref_squeeze %gather3A_1648 : memref<1x128xf32, #tpu.memory_space<vmem>> -> memref<128xf32, #tpu.memory_space<vmem>>
        %gather3A_1650 = tpu.vector_load_idx %gather3A_1649[%add3A_1642] : memref<128xf32, #tpu.memory_space<vmem>>[vector<16xi32>], vector<16xf32>,
        %mul3A_1651 = arith.mulf %gather3A_1650, %gather3A_452 : vector<16xf32>
        %add3A_1652 = arith.addf %mul3A_1639, %mul3A_1651 : vector<16xf32>
        %add3A_1653 = arith.constant 32 : i32
        %add3A_1654 = vector.broadcast %add3A_1653 : i32 to vector<16xi32>
        %add3A_1655 = arith.addi %add3A_1622, %add3A_1654 : vector<16xi32>
        %gather3A_1656 = arith.constant 0 : i32
        %gather3A_1657 = arith.constant 0 : i32
        %gather3A_1658 = tpu.memref_slice %arg19[%scan3A_398, %gather3A_1656, %gather3A_1657] : memref<2x320x128xf32, #tpu.memory_space<vmem>> -> memref<1x320x128xf32, #tpu.memory_space<vmem>>
        %gather3A_1659 = tpu.memref_squeeze %gather3A_1658 : memref<1x320x128xf32, #tpu.memory_space<vmem>> -> memref<320x128xf32, #tpu.memory_space<vmem>>
        %gather3A_1660 = arith.constant 0 : i32
        %gather3A_1661 = tpu.memref_slice %gather3A_1659[%add3A_1626, %gather3A_1660] : memref<320x128xf32, #tpu.memory_space<vmem>> -> memref<1x128xf32, #tpu.memory_space<vmem>>
        %gather3A_1662 = tpu.memref_squeeze %gather3A_1661 : memref<1x128xf32, #tpu.memory_space<vmem>> -> memref<128xf32, #tpu.memory_space<vmem>>
        %gather3A_1663 = tpu.vector_load_idx %gather3A_1662[%add3A_1655] : memref<128xf32, #tpu.memory_space<vmem>>[vector<16xi32>], vector<16xf32>,
        %mul3A_1664 = arith.mulf %gather3A_1663, %gather3A_463 : vector<16xf32>
        %add3A_1665 = arith.addf %add3A_1652, %mul3A_1664 : vector<16xf32>
        %add3A_1666 = arith.constant 48 : i32
        %add3A_1667 = vector.broadcast %add3A_1666 : i32 to vector<16xi32>
        %add3A_1668 = arith.addi %add3A_1622, %add3A_1667 : vector<16xi32>
        %gather3A_1669 = arith.constant 0 : i32
        %gather3A_1670 = arith.constant 0 : i32
        %gather3A_1671 = tpu.memref_slice %arg19[%scan3A_398, %gather3A_1669, %gather3A_1670] : memref<2x320x128xf32, #tpu.memory_space<vmem>> -> memref<1x320x128xf32, #tpu.memory_space<vmem>>
        %gather3A_1672 = tpu.memref_squeeze %gather3A_1671 : memref<1x320x128xf32, #tpu.memory_space<vmem>> -> memref<320x128xf32, #tpu.memory_space<vmem>>
        %gather3A_1673 = arith.constant 0 : i32
        %gather3A_1674 = tpu.memref_slice %gather3A_1672[%add3A_1626, %gather3A_1673] : memref<320x128xf32, #tpu.memory_space<vmem>> -> memref<1x128xf32, #tpu.memory_space<vmem>>
        %gather3A_1675 = tpu.memref_squeeze %gather3A_1674 : memref<1x128xf32, #tpu.memory_space<vmem>> -> memref<128xf32, #tpu.memory_space<vmem>>
        %gather3A_1676 = tpu.vector_load_idx %gather3A_1675[%add3A_1668] : memref<128xf32, #tpu.memory_space<vmem>>[vector<16xi32>], vector<16xf32>,
        %mul3A_1677 = arith.mulf %gather3A_1676, %gather3A_474 : vector<16xf32>
        %add3A_1678 = arith.addf %add3A_1665, %mul3A_1677 : vector<16xf32>
        %broadcast_in_dim3A_1679 = arith.constant true
        %broadcast_in_dim3A_1680 = vector.broadcast %broadcast_in_dim3A_1679 : i1 to vector<16xi1>
        %masked_cumsum3A_1681 = tpu.scan <sum>, %add3A_1678 masked %broadcast_in_dim3A_1680 : vector<16xf32>, vector<16xi1> -> vector<16xf32>
        %broadcast_in_dim3A_1682 = vector.broadcast %add3A_1630 : i32 to vector<16xi32>
        tpu.vector_store_idx %arg20[%broadcast_in_dim3A_1682], %masked_cumsum3A_1681 masked %eq3A_18 : memref<10752xf32, #tpu.memory_space<vmem>>[vector<16xi32>], vector<16xf32>, vector<16xi1>
        %broadcast_in_dim3A_1683 = arith.constant 7 : i32
        %broadcast_in_dim3A_1684 = vector.broadcast %broadcast_in_dim3A_1683 : i32 to vector<16xi32>
        %lt3A_1685 = arith.constant 0 : i32
        %lt3A_1686 = vector.broadcast %lt3A_1685 : i32 to vector<16xi32>
        %lt3A_1687 = arith.cmpi slt, %broadcast_in_dim3A_1684, %lt3A_1686 : vector<16xi32>
        %add3A_1688 = arith.constant 16 : i32
        %add3A_1689 = vector.broadcast %add3A_1688 : i32 to vector<16xi32>
        %add3A_1690 = arith.addi %broadcast_in_dim3A_1684, %add3A_1689 : vector<16xi32>
        %select_n3A_1691 = arith.select %lt3A_1687, %add3A_1690, %broadcast_in_dim3A_1684 : vector<16xi1>, vector<16xi32>
        %reshape3A_1692 = vector.shape_cast %select_n3A_1691 : vector<16xi32> to vector<16x1xi32>
        %gather3A_1693 = vector.shape_cast %reshape3A_1692 : vector<16x1xi32> to vector<16xi32>
        %gather3A_1694 = tpu.dynamic_gather %get3A_419[%gather3A_1693] in [0] : vector<16xi32>, vector<16xi32> -> vector<16xi32>
        %mul3A_1695 = arith.constant 64 : i32
        %mul3A_1696 = vector.broadcast %mul3A_1695 : i32 to vector<16xi32>
        %mul3A_1697 = arith.muli %gather3A_1694, %mul3A_1696 : vector<16xi32>
        %add3A_1698 = arith.addi %mul3A_1697, %iota3A_19 : vector<16xi32>
        %mul3A_1699 = arith.constant 20 : i32
        %mul3A_1700 = arith.muli %scan3A_407, %mul3A_1699 : i32
        %add3A_1701 = arith.constant 15 : i32
        %add3A_1702 = arith.addi %mul3A_1700, %add3A_1701 : i32
        %add3A_1703 = arith.constant 1 : i32
        %add3A_1704 = arith.addi %mul3A_476, %add3A_1703 : i32
        %add3A_1705 = arith.constant 15 : i32
        %add3A_1706 = arith.addi %add3A_1704, %add3A_1705 : i32
        %gather3A_1707 = arith.constant 0 : i32
        %gather3A_1708 = arith.constant 0 : i32
        %gather3A_1709 = tpu.memref_slice %arg19[%scan3A_398, %gather3A_1707, %gather3A_1708] : memref<2x320x128xf32, #tpu.memory_space<vmem>> -> memref<1x320x128xf32, #tpu.memory_space<vmem>>
        %gather3A_1710 = tpu.memref_squeeze %gather3A_1709 : memref<1x320x128xf32, #tpu.memory_space<vmem>> -> memref<320x128xf32, #tpu.memory_space<vmem>>
        %gather3A_1711 = arith.constant 0 : i32
        %gather3A_1712 = tpu.memref_slice %gather3A_1710[%add3A_1702, %gather3A_1711] : memref<320x128xf32, #tpu.memory_space<vmem>> -> memref<1x128xf32, #tpu.memory_space<vmem>>
        %gather3A_1713 = tpu.memref_squeeze %gather3A_1712 : memref<1x128xf32, #tpu.memory_space<vmem>> -> memref<128xf32, #tpu.memory_space<vmem>>
        %gather3A_1714 = tpu.vector_load_idx %gather3A_1713[%add3A_1698] : memref<128xf32, #tpu.memory_space<vmem>>[vector<16xi32>], vector<16xf32>,
        %mul3A_1715 = arith.mulf %gather3A_1714, %gather3A_441 : vector<16xf32>
        %add3A_1716 = arith.constant 16 : i32
        %add3A_1717 = vector.broadcast %add3A_1716 : i32 to vector<16xi32>
        %add3A_1718 = arith.addi %add3A_1698, %add3A_1717 : vector<16xi32>
        %gather3A_1719 = arith.constant 0 : i32
        %gather3A_1720 = arith.constant 0 : i32
        %gather3A_1721 = tpu.memref_slice %arg19[%scan3A_398, %gather3A_1719, %gather3A_1720] : memref<2x320x128xf32, #tpu.memory_space<vmem>> -> memref<1x320x128xf32, #tpu.memory_space<vmem>>
        %gather3A_1722 = tpu.memref_squeeze %gather3A_1721 : memref<1x320x128xf32, #tpu.memory_space<vmem>> -> memref<320x128xf32, #tpu.memory_space<vmem>>
        %gather3A_1723 = arith.constant 0 : i32
        %gather3A_1724 = tpu.memref_slice %gather3A_1722[%add3A_1702, %gather3A_1723] : memref<320x128xf32, #tpu.memory_space<vmem>> -> memref<1x128xf32, #tpu.memory_space<vmem>>
        %gather3A_1725 = tpu.memref_squeeze %gather3A_1724 : memref<1x128xf32, #tpu.memory_space<vmem>> -> memref<128xf32, #tpu.memory_space<vmem>>
        %gather3A_1726 = tpu.vector_load_idx %gather3A_1725[%add3A_1718] : memref<128xf32, #tpu.memory_space<vmem>>[vector<16xi32>], vector<16xf32>,
        %mul3A_1727 = arith.mulf %gather3A_1726, %gather3A_452 : vector<16xf32>
        %add3A_1728 = arith.addf %mul3A_1715, %mul3A_1727 : vector<16xf32>
        %add3A_1729 = arith.constant 32 : i32
        %add3A_1730 = vector.broadcast %add3A_1729 : i32 to vector<16xi32>
        %add3A_1731 = arith.addi %add3A_1698, %add3A_1730 : vector<16xi32>
        %gather3A_1732 = arith.constant 0 : i32
        %gather3A_1733 = arith.constant 0 : i32
        %gather3A_1734 = tpu.memref_slice %arg19[%scan3A_398, %gather3A_1732, %gather3A_1733] : memref<2x320x128xf32, #tpu.memory_space<vmem>> -> memref<1x320x128xf32, #tpu.memory_space<vmem>>
        %gather3A_1735 = tpu.memref_squeeze %gather3A_1734 : memref<1x320x128xf32, #tpu.memory_space<vmem>> -> memref<320x128xf32, #tpu.memory_space<vmem>>
        %gather3A_1736 = arith.constant 0 : i32
        %gather3A_1737 = tpu.memref_slice %gather3A_1735[%add3A_1702, %gather3A_1736] : memref<320x128xf32, #tpu.memory_space<vmem>> -> memref<1x128xf32, #tpu.memory_space<vmem>>
        %gather3A_1738 = tpu.memref_squeeze %gather3A_1737 : memref<1x128xf32, #tpu.memory_space<vmem>> -> memref<128xf32, #tpu.memory_space<vmem>>
        %gather3A_1739 = tpu.vector_load_idx %gather3A_1738[%add3A_1731] : memref<128xf32, #tpu.memory_space<vmem>>[vector<16xi32>], vector<16xf32>,
        %mul3A_1740 = arith.mulf %gather3A_1739, %gather3A_463 : vector<16xf32>
        %add3A_1741 = arith.addf %add3A_1728, %mul3A_1740 : vector<16xf32>
        %add3A_1742 = arith.constant 48 : i32
        %add3A_1743 = vector.broadcast %add3A_1742 : i32 to vector<16xi32>
        %add3A_1744 = arith.addi %add3A_1698, %add3A_1743 : vector<16xi32>
        %gather3A_1745 = arith.constant 0 : i32
        %gather3A_1746 = arith.constant 0 : i32
        %gather3A_1747 = tpu.memref_slice %arg19[%scan3A_398, %gather3A_1745, %gather3A_1746] : memref<2x320x128xf32, #tpu.memory_space<vmem>> -> memref<1x320x128xf32, #tpu.memory_space<vmem>>
        %gather3A_1748 = tpu.memref_squeeze %gather3A_1747 : memref<1x320x128xf32, #tpu.memory_space<vmem>> -> memref<320x128xf32, #tpu.memory_space<vmem>>
        %gather3A_1749 = arith.constant 0 : i32
        %gather3A_1750 = tpu.memref_slice %gather3A_1748[%add3A_1702, %gather3A_1749] : memref<320x128xf32, #tpu.memory_space<vmem>> -> memref<1x128xf32, #tpu.memory_space<vmem>>
        %gather3A_1751 = tpu.memref_squeeze %gather3A_1750 : memref<1x128xf32, #tpu.memory_space<vmem>> -> memref<128xf32, #tpu.memory_space<vmem>>
        %gather3A_1752 = tpu.vector_load_idx %gather3A_1751[%add3A_1744] : memref<128xf32, #tpu.memory_space<vmem>>[vector<16xi32>], vector<16xf32>,
        %mul3A_1753 = arith.mulf %gather3A_1752, %gather3A_474 : vector<16xf32>
        %add3A_1754 = arith.addf %add3A_1741, %mul3A_1753 : vector<16xf32>
        %broadcast_in_dim3A_1755 = arith.constant true
        %broadcast_in_dim3A_1756 = vector.broadcast %broadcast_in_dim3A_1755 : i1 to vector<16xi1>
        %masked_cumsum3A_1757 = tpu.scan <sum>, %add3A_1754 masked %broadcast_in_dim3A_1756 : vector<16xf32>, vector<16xi1> -> vector<16xf32>
        %broadcast_in_dim3A_1758 = vector.broadcast %add3A_1706 : i32 to vector<16xi32>
        tpu.vector_store_idx %arg20[%broadcast_in_dim3A_1758], %masked_cumsum3A_1757 masked %eq3A_18 : memref<10752xf32, #tpu.memory_space<vmem>>[vector<16xi32>], vector<16xf32>, vector<16xi1>
        %broadcast_in_dim3A_1759 = arith.constant 8 : i32
        %broadcast_in_dim3A_1760 = vector.broadcast %broadcast_in_dim3A_1759 : i32 to vector<16xi32>
        %lt3A_1761 = arith.constant 0 : i32
        %lt3A_1762 = vector.broadcast %lt3A_1761 : i32 to vector<16xi32>
        %lt3A_1763 = arith.cmpi slt, %broadcast_in_dim3A_1760, %lt3A_1762 : vector<16xi32>
        %add3A_1764 = arith.constant 16 : i32
        %add3A_1765 = vector.broadcast %add3A_1764 : i32 to vector<16xi32>
        %add3A_1766 = arith.addi %broadcast_in_dim3A_1760, %add3A_1765 : vector<16xi32>
        %select_n3A_1767 = arith.select %lt3A_1763, %add3A_1766, %broadcast_in_dim3A_1760 : vector<16xi1>, vector<16xi32>
        %reshape3A_1768 = vector.shape_cast %select_n3A_1767 : vector<16xi32> to vector<16x1xi32>
        %gather3A_1769 = vector.shape_cast %reshape3A_1768 : vector<16x1xi32> to vector<16xi32>
        %gather3A_1770 = tpu.dynamic_gather %get3A_419[%gather3A_1769] in [0] : vector<16xi32>, vector<16xi32> -> vector<16xi32>
        %mul3A_1771 = arith.constant 64 : i32
        %mul3A_1772 = vector.broadcast %mul3A_1771 : i32 to vector<16xi32>
        %mul3A_1773 = arith.muli %gather3A_1770, %mul3A_1772 : vector<16xi32>
        %add3A_1774 = arith.addi %mul3A_1773, %iota3A_19 : vector<16xi32>
        %mul3A_1775 = arith.constant 20 : i32
        %mul3A_1776 = arith.muli %scan3A_407, %mul3A_1775 : i32
        %add3A_1777 = arith.constant 16 : i32
        %add3A_1778 = arith.addi %mul3A_1776, %add3A_1777 : i32
        %add3A_1779 = arith.constant 1 : i32
        %add3A_1780 = arith.addi %mul3A_476, %add3A_1779 : i32
        %add3A_1781 = arith.constant 16 : i32
        %add3A_1782 = arith.addi %add3A_1780, %add3A_1781 : i32
        %gather3A_1783 = arith.constant 0 : i32
        %gather3A_1784 = arith.constant 0 : i32
        %gather3A_1785 = tpu.memref_slice %arg19[%scan3A_398, %gather3A_1783, %gather3A_1784] : memref<2x320x128xf32, #tpu.memory_space<vmem>> -> memref<1x320x128xf32, #tpu.memory_space<vmem>>
        %gather3A_1786 = tpu.memref_squeeze %gather3A_1785 : memref<1x320x128xf32, #tpu.memory_space<vmem>> -> memref<320x128xf32, #tpu.memory_space<vmem>>
        %gather3A_1787 = arith.constant 0 : i32
        %gather3A_1788 = tpu.memref_slice %gather3A_1786[%add3A_1778, %gather3A_1787] : memref<320x128xf32, #tpu.memory_space<vmem>> -> memref<1x128xf32, #tpu.memory_space<vmem>>
        %gather3A_1789 = tpu.memref_squeeze %gather3A_1788 : memref<1x128xf32, #tpu.memory_space<vmem>> -> memref<128xf32, #tpu.memory_space<vmem>>
        %gather3A_1790 = tpu.vector_load_idx %gather3A_1789[%add3A_1774] : memref<128xf32, #tpu.memory_space<vmem>>[vector<16xi32>], vector<16xf32>,
        %mul3A_1791 = arith.mulf %gather3A_1790, %gather3A_441 : vector<16xf32>
        %add3A_1792 = arith.constant 16 : i32
        %add3A_1793 = vector.broadcast %add3A_1792 : i32 to vector<16xi32>
        %add3A_1794 = arith.addi %add3A_1774, %add3A_1793 : vector<16xi32>
        %gather3A_1795 = arith.constant 0 : i32
        %gather3A_1796 = arith.constant 0 : i32
        %gather3A_1797 = tpu.memref_slice %arg19[%scan3A_398, %gather3A_1795, %gather3A_1796] : memref<2x320x128xf32, #tpu.memory_space<vmem>> -> memref<1x320x128xf32, #tpu.memory_space<vmem>>
        %gather3A_1798 = tpu.memref_squeeze %gather3A_1797 : memref<1x320x128xf32, #tpu.memory_space<vmem>> -> memref<320x128xf32, #tpu.memory_space<vmem>>
        %gather3A_1799 = arith.constant 0 : i32
        %gather3A_1800 = tpu.memref_slice %gather3A_1798[%add3A_1778, %gather3A_1799] : memref<320x128xf32, #tpu.memory_space<vmem>> -> memref<1x128xf32, #tpu.memory_space<vmem>>
        %gather3A_1801 = tpu.memref_squeeze %gather3A_1800 : memref<1x128xf32, #tpu.memory_space<vmem>> -> memref<128xf32, #tpu.memory_space<vmem>>
        %gather3A_1802 = tpu.vector_load_idx %gather3A_1801[%add3A_1794] : memref<128xf32, #tpu.memory_space<vmem>>[vector<16xi32>], vector<16xf32>,
        %mul3A_1803 = arith.mulf %gather3A_1802, %gather3A_452 : vector<16xf32>
        %add3A_1804 = arith.addf %mul3A_1791, %mul3A_1803 : vector<16xf32>
        %add3A_1805 = arith.constant 32 : i32
        %add3A_1806 = vector.broadcast %add3A_1805 : i32 to vector<16xi32>
        %add3A_1807 = arith.addi %add3A_1774, %add3A_1806 : vector<16xi32>
        %gather3A_1808 = arith.constant 0 : i32
        %gather3A_1809 = arith.constant 0 : i32
        %gather3A_1810 = tpu.memref_slice %arg19[%scan3A_398, %gather3A_1808, %gather3A_1809] : memref<2x320x128xf32, #tpu.memory_space<vmem>> -> memref<1x320x128xf32, #tpu.memory_space<vmem>>
        %gather3A_1811 = tpu.memref_squeeze %gather3A_1810 : memref<1x320x128xf32, #tpu.memory_space<vmem>> -> memref<320x128xf32, #tpu.memory_space<vmem>>
        %gather3A_1812 = arith.constant 0 : i32
        %gather3A_1813 = tpu.memref_slice %gather3A_1811[%add3A_1778, %gather3A_1812] : memref<320x128xf32, #tpu.memory_space<vmem>> -> memref<1x128xf32, #tpu.memory_space<vmem>>
        %gather3A_1814 = tpu.memref_squeeze %gather3A_1813 : memref<1x128xf32, #tpu.memory_space<vmem>> -> memref<128xf32, #tpu.memory_space<vmem>>
        %gather3A_1815 = tpu.vector_load_idx %gather3A_1814[%add3A_1807] : memref<128xf32, #tpu.memory_space<vmem>>[vector<16xi32>], vector<16xf32>,
        %mul3A_1816 = arith.mulf %gather3A_1815, %gather3A_463 : vector<16xf32>
        %add3A_1817 = arith.addf %add3A_1804, %mul3A_1816 : vector<16xf32>
        %add3A_1818 = arith.constant 48 : i32
        %add3A_1819 = vector.broadcast %add3A_1818 : i32 to vector<16xi32>
        %add3A_1820 = arith.addi %add3A_1774, %add3A_1819 : vector<16xi32>
        %gather3A_1821 = arith.constant 0 : i32
        %gather3A_1822 = arith.constant 0 : i32
        %gather3A_1823 = tpu.memref_slice %arg19[%scan3A_398, %gather3A_1821, %gather3A_1822] : memref<2x320x128xf32, #tpu.memory_space<vmem>> -> memref<1x320x128xf32, #tpu.memory_space<vmem>>
        %gather3A_1824 = tpu.memref_squeeze %gather3A_1823 : memref<1x320x128xf32, #tpu.memory_space<vmem>> -> memref<320x128xf32, #tpu.memory_space<vmem>>
        %gather3A_1825 = arith.constant 0 : i32
        %gather3A_1826 = tpu.memref_slice %gather3A_1824[%add3A_1778, %gather3A_1825] : memref<320x128xf32, #tpu.memory_space<vmem>> -> memref<1x128xf32, #tpu.memory_space<vmem>>
        %gather3A_1827 = tpu.memref_squeeze %gather3A_1826 : memref<1x128xf32, #tpu.memory_space<vmem>> -> memref<128xf32, #tpu.memory_space<vmem>>
        %gather3A_1828 = tpu.vector_load_idx %gather3A_1827[%add3A_1820] : memref<128xf32, #tpu.memory_space<vmem>>[vector<16xi32>], vector<16xf32>,
        %mul3A_1829 = arith.mulf %gather3A_1828, %gather3A_474 : vector<16xf32>
        %add3A_1830 = arith.addf %add3A_1817, %mul3A_1829 : vector<16xf32>
        %broadcast_in_dim3A_1831 = arith.constant true
        %broadcast_in_dim3A_1832 = vector.broadcast %broadcast_in_dim3A_1831 : i1 to vector<16xi1>
        %masked_cumsum3A_1833 = tpu.scan <sum>, %add3A_1830 masked %broadcast_in_dim3A_1832 : vector<16xf32>, vector<16xi1> -> vector<16xf32>
        %broadcast_in_dim3A_1834 = vector.broadcast %add3A_1782 : i32 to vector<16xi32>
        tpu.vector_store_idx %arg20[%broadcast_in_dim3A_1834], %masked_cumsum3A_1833 masked %eq3A_18 : memref<10752xf32, #tpu.memory_space<vmem>>[vector<16xi32>], vector<16xf32>, vector<16xi1>
        %broadcast_in_dim3A_1835 = arith.constant 9 : i32
        %broadcast_in_dim3A_1836 = vector.broadcast %broadcast_in_dim3A_1835 : i32 to vector<16xi32>
        %lt3A_1837 = arith.constant 0 : i32
        %lt3A_1838 = vector.broadcast %lt3A_1837 : i32 to vector<16xi32>
        %lt3A_1839 = arith.cmpi slt, %broadcast_in_dim3A_1836, %lt3A_1838 : vector<16xi32>
        %add3A_1840 = arith.constant 16 : i32
        %add3A_1841 = vector.broadcast %add3A_1840 : i32 to vector<16xi32>
        %add3A_1842 = arith.addi %broadcast_in_dim3A_1836, %add3A_1841 : vector<16xi32>
        %select_n3A_1843 = arith.select %lt3A_1839, %add3A_1842, %broadcast_in_dim3A_1836 : vector<16xi1>, vector<16xi32>
        %reshape3A_1844 = vector.shape_cast %select_n3A_1843 : vector<16xi32> to vector<16x1xi32>
        %gather3A_1845 = vector.shape_cast %reshape3A_1844 : vector<16x1xi32> to vector<16xi32>
        %gather3A_1846 = tpu.dynamic_gather %get3A_419[%gather3A_1845] in [0] : vector<16xi32>, vector<16xi32> -> vector<16xi32>
        %mul3A_1847 = arith.constant 64 : i32
        %mul3A_1848 = vector.broadcast %mul3A_1847 : i32 to vector<16xi32>
        %mul3A_1849 = arith.muli %gather3A_1846, %mul3A_1848 : vector<16xi32>
        %add3A_1850 = arith.addi %mul3A_1849, %iota3A_19 : vector<16xi32>
        %mul3A_1851 = arith.constant 20 : i32
        %mul3A_1852 = arith.muli %scan3A_407, %mul3A_1851 : i32
        %add3A_1853 = arith.constant 17 : i32
        %add3A_1854 = arith.addi %mul3A_1852, %add3A_1853 : i32
        %add3A_1855 = arith.constant 1 : i32
        %add3A_1856 = arith.addi %mul3A_476, %add3A_1855 : i32
        %add3A_1857 = arith.constant 17 : i32
        %add3A_1858 = arith.addi %add3A_1856, %add3A_1857 : i32
        %gather3A_1859 = arith.constant 0 : i32
        %gather3A_1860 = arith.constant 0 : i32
        %gather3A_1861 = tpu.memref_slice %arg19[%scan3A_398, %gather3A_1859, %gather3A_1860] : memref<2x320x128xf32, #tpu.memory_space<vmem>> -> memref<1x320x128xf32, #tpu.memory_space<vmem>>
        %gather3A_1862 = tpu.memref_squeeze %gather3A_1861 : memref<1x320x128xf32, #tpu.memory_space<vmem>> -> memref<320x128xf32, #tpu.memory_space<vmem>>
        %gather3A_1863 = arith.constant 0 : i32
        %gather3A_1864 = tpu.memref_slice %gather3A_1862[%add3A_1854, %gather3A_1863] : memref<320x128xf32, #tpu.memory_space<vmem>> -> memref<1x128xf32, #tpu.memory_space<vmem>>
        %gather3A_1865 = tpu.memref_squeeze %gather3A_1864 : memref<1x128xf32, #tpu.memory_space<vmem>> -> memref<128xf32, #tpu.memory_space<vmem>>
        %gather3A_1866 = tpu.vector_load_idx %gather3A_1865[%add3A_1850] : memref<128xf32, #tpu.memory_space<vmem>>[vector<16xi32>], vector<16xf32>,
        %mul3A_1867 = arith.mulf %gather3A_1866, %gather3A_441 : vector<16xf32>
        %add3A_1868 = arith.constant 16 : i32
        %add3A_1869 = vector.broadcast %add3A_1868 : i32 to vector<16xi32>
        %add3A_1870 = arith.addi %add3A_1850, %add3A_1869 : vector<16xi32>
        %gather3A_1871 = arith.constant 0 : i32
        %gather3A_1872 = arith.constant 0 : i32
        %gather3A_1873 = tpu.memref_slice %arg19[%scan3A_398, %gather3A_1871, %gather3A_1872] : memref<2x320x128xf32, #tpu.memory_space<vmem>> -> memref<1x320x128xf32, #tpu.memory_space<vmem>>
        %gather3A_1874 = tpu.memref_squeeze %gather3A_1873 : memref<1x320x128xf32, #tpu.memory_space<vmem>> -> memref<320x128xf32, #tpu.memory_space<vmem>>
        %gather3A_1875 = arith.constant 0 : i32
        %gather3A_1876 = tpu.memref_slice %gather3A_1874[%add3A_1854, %gather3A_1875] : memref<320x128xf32, #tpu.memory_space<vmem>> -> memref<1x128xf32, #tpu.memory_space<vmem>>
        %gather3A_1877 = tpu.memref_squeeze %gather3A_1876 : memref<1x128xf32, #tpu.memory_space<vmem>> -> memref<128xf32, #tpu.memory_space<vmem>>
        %gather3A_1878 = tpu.vector_load_idx %gather3A_1877[%add3A_1870] : memref<128xf32, #tpu.memory_space<vmem>>[vector<16xi32>], vector<16xf32>,
        %mul3A_1879 = arith.mulf %gather3A_1878, %gather3A_452 : vector<16xf32>
        %add3A_1880 = arith.addf %mul3A_1867, %mul3A_1879 : vector<16xf32>
        %add3A_1881 = arith.constant 32 : i32
        %add3A_1882 = vector.broadcast %add3A_1881 : i32 to vector<16xi32>
        %add3A_1883 = arith.addi %add3A_1850, %add3A_1882 : vector<16xi32>
        %gather3A_1884 = arith.constant 0 : i32
        %gather3A_1885 = arith.constant 0 : i32
        %gather3A_1886 = tpu.memref_slice %arg19[%scan3A_398, %gather3A_1884, %gather3A_1885] : memref<2x320x128xf32, #tpu.memory_space<vmem>> -> memref<1x320x128xf32, #tpu.memory_space<vmem>>
        %gather3A_1887 = tpu.memref_squeeze %gather3A_1886 : memref<1x320x128xf32, #tpu.memory_space<vmem>> -> memref<320x128xf32, #tpu.memory_space<vmem>>
        %gather3A_1888 = arith.constant 0 : i32
        %gather3A_1889 = tpu.memref_slice %gather3A_1887[%add3A_1854, %gather3A_1888] : memref<320x128xf32, #tpu.memory_space<vmem>> -> memref<1x128xf32, #tpu.memory_space<vmem>>
        %gather3A_1890 = tpu.memref_squeeze %gather3A_1889 : memref<1x128xf32, #tpu.memory_space<vmem>> -> memref<128xf32, #tpu.memory_space<vmem>>
        %gather3A_1891 = tpu.vector_load_idx %gather3A_1890[%add3A_1883] : memref<128xf32, #tpu.memory_space<vmem>>[vector<16xi32>], vector<16xf32>,
        %mul3A_1892 = arith.mulf %gather3A_1891, %gather3A_463 : vector<16xf32>
        %add3A_1893 = arith.addf %add3A_1880, %mul3A_1892 : vector<16xf32>
        %add3A_1894 = arith.constant 48 : i32
        %add3A_1895 = vector.broadcast %add3A_1894 : i32 to vector<16xi32>
        %add3A_1896 = arith.addi %add3A_1850, %add3A_1895 : vector<16xi32>
        %gather3A_1897 = arith.constant 0 : i32
        %gather3A_1898 = arith.constant 0 : i32
        %gather3A_1899 = tpu.memref_slice %arg19[%scan3A_398, %gather3A_1897, %gather3A_1898] : memref<2x320x128xf32, #tpu.memory_space<vmem>> -> memref<1x320x128xf32, #tpu.memory_space<vmem>>
        %gather3A_1900 = tpu.memref_squeeze %gather3A_1899 : memref<1x320x128xf32, #tpu.memory_space<vmem>> -> memref<320x128xf32, #tpu.memory_space<vmem>>
        %gather3A_1901 = arith.constant 0 : i32
        %gather3A_1902 = tpu.memref_slice %gather3A_1900[%add3A_1854, %gather3A_1901] : memref<320x128xf32, #tpu.memory_space<vmem>> -> memref<1x128xf32, #tpu.memory_space<vmem>>
        %gather3A_1903 = tpu.memref_squeeze %gather3A_1902 : memref<1x128xf32, #tpu.memory_space<vmem>> -> memref<128xf32, #tpu.memory_space<vmem>>
        %gather3A_1904 = tpu.vector_load_idx %gather3A_1903[%add3A_1896] : memref<128xf32, #tpu.memory_space<vmem>>[vector<16xi32>], vector<16xf32>,
        %mul3A_1905 = arith.mulf %gather3A_1904, %gather3A_474 : vector<16xf32>
        %add3A_1906 = arith.addf %add3A_1893, %mul3A_1905 : vector<16xf32>
        %broadcast_in_dim3A_1907 = arith.constant true
        %broadcast_in_dim3A_1908 = vector.broadcast %broadcast_in_dim3A_1907 : i1 to vector<16xi1>
        %masked_cumsum3A_1909 = tpu.scan <sum>, %add3A_1906 masked %broadcast_in_dim3A_1908 : vector<16xf32>, vector<16xi1> -> vector<16xf32>
        %broadcast_in_dim3A_1910 = vector.broadcast %add3A_1858 : i32 to vector<16xi32>
        tpu.vector_store_idx %arg20[%broadcast_in_dim3A_1910], %masked_cumsum3A_1909 masked %eq3A_18 : memref<10752xf32, #tpu.memory_space<vmem>>[vector<16xi32>], vector<16xf32>, vector<16xi1>
        %broadcast_in_dim3A_1911 = arith.constant 10 : i32
        %broadcast_in_dim3A_1912 = vector.broadcast %broadcast_in_dim3A_1911 : i32 to vector<16xi32>
        %lt3A_1913 = arith.constant 0 : i32
        %lt3A_1914 = vector.broadcast %lt3A_1913 : i32 to vector<16xi32>
        %lt3A_1915 = arith.cmpi slt, %broadcast_in_dim3A_1912, %lt3A_1914 : vector<16xi32>
        %add3A_1916 = arith.constant 16 : i32
        %add3A_1917 = vector.broadcast %add3A_1916 : i32 to vector<16xi32>
        %add3A_1918 = arith.addi %broadcast_in_dim3A_1912, %add3A_1917 : vector<16xi32>
        %select_n3A_1919 = arith.select %lt3A_1915, %add3A_1918, %broadcast_in_dim3A_1912 : vector<16xi1>, vector<16xi32>
        %reshape3A_1920 = vector.shape_cast %select_n3A_1919 : vector<16xi32> to vector<16x1xi32>
        %gather3A_1921 = vector.shape_cast %reshape3A_1920 : vector<16x1xi32> to vector<16xi32>
        %gather3A_1922 = tpu.dynamic_gather %get3A_419[%gather3A_1921] in [0] : vector<16xi32>, vector<16xi32> -> vector<16xi32>
        %mul3A_1923 = arith.constant 64 : i32
        %mul3A_1924 = vector.broadcast %mul3A_1923 : i32 to vector<16xi32>
        %mul3A_1925 = arith.muli %gather3A_1922, %mul3A_1924 : vector<16xi32>
        %add3A_1926 = arith.addi %mul3A_1925, %iota3A_19 : vector<16xi32>
        %mul3A_1927 = arith.constant 20 : i32
        %mul3A_1928 = arith.muli %scan3A_407, %mul3A_1927 : i32
        %add3A_1929 = arith.constant 18 : i32
        %add3A_1930 = arith.addi %mul3A_1928, %add3A_1929 : i32
        %add3A_1931 = arith.constant 1 : i32
        %add3A_1932 = arith.addi %mul3A_476, %add3A_1931 : i32
        %add3A_1933 = arith.constant 18 : i32
        %add3A_1934 = arith.addi %add3A_1932, %add3A_1933 : i32
        %gather3A_1935 = arith.constant 0 : i32
        %gather3A_1936 = arith.constant 0 : i32
        %gather3A_1937 = tpu.memref_slice %arg19[%scan3A_398, %gather3A_1935, %gather3A_1936] : memref<2x320x128xf32, #tpu.memory_space<vmem>> -> memref<1x320x128xf32, #tpu.memory_space<vmem>>
        %gather3A_1938 = tpu.memref_squeeze %gather3A_1937 : memref<1x320x128xf32, #tpu.memory_space<vmem>> -> memref<320x128xf32, #tpu.memory_space<vmem>>
        %gather3A_1939 = arith.constant 0 : i32
        %gather3A_1940 = tpu.memref_slice %gather3A_1938[%add3A_1930, %gather3A_1939] : memref<320x128xf32, #tpu.memory_space<vmem>> -> memref<1x128xf32, #tpu.memory_space<vmem>>
        %gather3A_1941 = tpu.memref_squeeze %gather3A_1940 : memref<1x128xf32, #tpu.memory_space<vmem>> -> memref<128xf32, #tpu.memory_space<vmem>>
        %gather3A_1942 = tpu.vector_load_idx %gather3A_1941[%add3A_1926] : memref<128xf32, #tpu.memory_space<vmem>>[vector<16xi32>], vector<16xf32>,
        %mul3A_1943 = arith.mulf %gather3A_1942, %gather3A_441 : vector<16xf32>
        %add3A_1944 = arith.constant 16 : i32
        %add3A_1945 = vector.broadcast %add3A_1944 : i32 to vector<16xi32>
        %add3A_1946 = arith.addi %add3A_1926, %add3A_1945 : vector<16xi32>
        %gather3A_1947 = arith.constant 0 : i32
        %gather3A_1948 = arith.constant 0 : i32
        %gather3A_1949 = tpu.memref_slice %arg19[%scan3A_398, %gather3A_1947, %gather3A_1948] : memref<2x320x128xf32, #tpu.memory_space<vmem>> -> memref<1x320x128xf32, #tpu.memory_space<vmem>>
        %gather3A_1950 = tpu.memref_squeeze %gather3A_1949 : memref<1x320x128xf32, #tpu.memory_space<vmem>> -> memref<320x128xf32, #tpu.memory_space<vmem>>
        %gather3A_1951 = arith.constant 0 : i32
        %gather3A_1952 = tpu.memref_slice %gather3A_1950[%add3A_1930, %gather3A_1951] : memref<320x128xf32, #tpu.memory_space<vmem>> -> memref<1x128xf32, #tpu.memory_space<vmem>>
        %gather3A_1953 = tpu.memref_squeeze %gather3A_1952 : memref<1x128xf32, #tpu.memory_space<vmem>> -> memref<128xf32, #tpu.memory_space<vmem>>
        %gather3A_1954 = tpu.vector_load_idx %gather3A_1953[%add3A_1946] : memref<128xf32, #tpu.memory_space<vmem>>[vector<16xi32>], vector<16xf32>,
        %mul3A_1955 = arith.mulf %gather3A_1954, %gather3A_452 : vector<16xf32>
        %add3A_1956 = arith.addf %mul3A_1943, %mul3A_1955 : vector<16xf32>
        %add3A_1957 = arith.constant 32 : i32
        %add3A_1958 = vector.broadcast %add3A_1957 : i32 to vector<16xi32>
        %add3A_1959 = arith.addi %add3A_1926, %add3A_1958 : vector<16xi32>
        %gather3A_1960 = arith.constant 0 : i32
        %gather3A_1961 = arith.constant 0 : i32
        %gather3A_1962 = tpu.memref_slice %arg19[%scan3A_398, %gather3A_1960, %gather3A_1961] : memref<2x320x128xf32, #tpu.memory_space<vmem>> -> memref<1x320x128xf32, #tpu.memory_space<vmem>>
        %gather3A_1963 = tpu.memref_squeeze %gather3A_1962 : memref<1x320x128xf32, #tpu.memory_space<vmem>> -> memref<320x128xf32, #tpu.memory_space<vmem>>
        %gather3A_1964 = arith.constant 0 : i32
        %gather3A_1965 = tpu.memref_slice %gather3A_1963[%add3A_1930, %gather3A_1964] : memref<320x128xf32, #tpu.memory_space<vmem>> -> memref<1x128xf32, #tpu.memory_space<vmem>>
        %gather3A_1966 = tpu.memref_squeeze %gather3A_1965 : memref<1x128xf32, #tpu.memory_space<vmem>> -> memref<128xf32, #tpu.memory_space<vmem>>
        %gather3A_1967 = tpu.vector_load_idx %gather3A_1966[%add3A_1959] : memref<128xf32, #tpu.memory_space<vmem>>[vector<16xi32>], vector<16xf32>,
        %mul3A_1968 = arith.mulf %gather3A_1967, %gather3A_463 : vector<16xf32>
        %add3A_1969 = arith.addf %add3A_1956, %mul3A_1968 : vector<16xf32>
        %add3A_1970 = arith.constant 48 : i32
        %add3A_1971 = vector.broadcast %add3A_1970 : i32 to vector<16xi32>
        %add3A_1972 = arith.addi %add3A_1926, %add3A_1971 : vector<16xi32>
        %gather3A_1973 = arith.constant 0 : i32
        %gather3A_1974 = arith.constant 0 : i32
        %gather3A_1975 = tpu.memref_slice %arg19[%scan3A_398, %gather3A_1973, %gather3A_1974] : memref<2x320x128xf32, #tpu.memory_space<vmem>> -> memref<1x320x128xf32, #tpu.memory_space<vmem>>
        %gather3A_1976 = tpu.memref_squeeze %gather3A_1975 : memref<1x320x128xf32, #tpu.memory_space<vmem>> -> memref<320x128xf32, #tpu.memory_space<vmem>>
        %gather3A_1977 = arith.constant 0 : i32
        %gather3A_1978 = tpu.memref_slice %gather3A_1976[%add3A_1930, %gather3A_1977] : memref<320x128xf32, #tpu.memory_space<vmem>> -> memref<1x128xf32, #tpu.memory_space<vmem>>
        %gather3A_1979 = tpu.memref_squeeze %gather3A_1978 : memref<1x128xf32, #tpu.memory_space<vmem>> -> memref<128xf32, #tpu.memory_space<vmem>>
        %gather3A_1980 = tpu.vector_load_idx %gather3A_1979[%add3A_1972] : memref<128xf32, #tpu.memory_space<vmem>>[vector<16xi32>], vector<16xf32>,
        %mul3A_1981 = arith.mulf %gather3A_1980, %gather3A_474 : vector<16xf32>
        %add3A_1982 = arith.addf %add3A_1969, %mul3A_1981 : vector<16xf32>
        %broadcast_in_dim3A_1983 = arith.constant true
        %broadcast_in_dim3A_1984 = vector.broadcast %broadcast_in_dim3A_1983 : i1 to vector<16xi1>
        %masked_cumsum3A_1985 = tpu.scan <sum>, %add3A_1982 masked %broadcast_in_dim3A_1984 : vector<16xf32>, vector<16xi1> -> vector<16xf32>
        %broadcast_in_dim3A_1986 = vector.broadcast %add3A_1934 : i32 to vector<16xi32>
        tpu.vector_store_idx %arg20[%broadcast_in_dim3A_1986], %masked_cumsum3A_1985 masked %eq3A_18 : memref<10752xf32, #tpu.memory_space<vmem>>[vector<16xi32>], vector<16xf32>, vector<16xi1>
        %broadcast_in_dim3A_1987 = arith.constant 11 : i32
        %broadcast_in_dim3A_1988 = vector.broadcast %broadcast_in_dim3A_1987 : i32 to vector<16xi32>
        %lt3A_1989 = arith.constant 0 : i32
        %lt3A_1990 = vector.broadcast %lt3A_1989 : i32 to vector<16xi32>
        %lt3A_1991 = arith.cmpi slt, %broadcast_in_dim3A_1988, %lt3A_1990 : vector<16xi32>
        %add3A_1992 = arith.constant 16 : i32
        %add3A_1993 = vector.broadcast %add3A_1992 : i32 to vector<16xi32>
        %add3A_1994 = arith.addi %broadcast_in_dim3A_1988, %add3A_1993 : vector<16xi32>
        %select_n3A_1995 = arith.select %lt3A_1991, %add3A_1994, %broadcast_in_dim3A_1988 : vector<16xi1>, vector<16xi32>
        %reshape3A_1996 = vector.shape_cast %select_n3A_1995 : vector<16xi32> to vector<16x1xi32>
        %gather3A_1997 = vector.shape_cast %reshape3A_1996 : vector<16x1xi32> to vector<16xi32>
        %gather3A_1998 = tpu.dynamic_gather %get3A_419[%gather3A_1997] in [0] : vector<16xi32>, vector<16xi32> -> vector<16xi32>
        %mul3A_1999 = arith.constant 64 : i32
        %mul3A_2000 = vector.broadcast %mul3A_1999 : i32 to vector<16xi32>
        %mul3A_2001 = arith.muli %gather3A_1998, %mul3A_2000 : vector<16xi32>
        %add3A_2002 = arith.addi %mul3A_2001, %iota3A_19 : vector<16xi32>
        %mul3A_2003 = arith.constant 20 : i32
        %mul3A_2004 = arith.muli %scan3A_407, %mul3A_2003 : i32
        %add3A_2005 = arith.constant 19 : i32
        %add3A_2006 = arith.addi %mul3A_2004, %add3A_2005 : i32
        %add3A_2007 = arith.constant 1 : i32
        %add3A_2008 = arith.addi %mul3A_476, %add3A_2007 : i32
        %add3A_2009 = arith.constant 19 : i32
        %add3A_2010 = arith.addi %add3A_2008, %add3A_2009 : i32
        %gather3A_2011 = arith.constant 0 : i32
        %gather3A_2012 = arith.constant 0 : i32
        %gather3A_2013 = tpu.memref_slice %arg19[%scan3A_398, %gather3A_2011, %gather3A_2012] : memref<2x320x128xf32, #tpu.memory_space<vmem>> -> memref<1x320x128xf32, #tpu.memory_space<vmem>>
        %gather3A_2014 = tpu.memref_squeeze %gather3A_2013 : memref<1x320x128xf32, #tpu.memory_space<vmem>> -> memref<320x128xf32, #tpu.memory_space<vmem>>
        %gather3A_2015 = arith.constant 0 : i32
        %gather3A_2016 = tpu.memref_slice %gather3A_2014[%add3A_2006, %gather3A_2015] : memref<320x128xf32, #tpu.memory_space<vmem>> -> memref<1x128xf32, #tpu.memory_space<vmem>>
        %gather3A_2017 = tpu.memref_squeeze %gather3A_2016 : memref<1x128xf32, #tpu.memory_space<vmem>> -> memref<128xf32, #tpu.memory_space<vmem>>
        %gather3A_2018 = tpu.vector_load_idx %gather3A_2017[%add3A_2002] : memref<128xf32, #tpu.memory_space<vmem>>[vector<16xi32>], vector<16xf32>,
        %mul3A_2019 = arith.mulf %gather3A_2018, %gather3A_441 : vector<16xf32>
        %add3A_2020 = arith.constant 16 : i32
        %add3A_2021 = vector.broadcast %add3A_2020 : i32 to vector<16xi32>
        %add3A_2022 = arith.addi %add3A_2002, %add3A_2021 : vector<16xi32>
        %gather3A_2023 = arith.constant 0 : i32
        %gather3A_2024 = arith.constant 0 : i32
        %gather3A_2025 = tpu.memref_slice %arg19[%scan3A_398, %gather3A_2023, %gather3A_2024] : memref<2x320x128xf32, #tpu.memory_space<vmem>> -> memref<1x320x128xf32, #tpu.memory_space<vmem>>
        %gather3A_2026 = tpu.memref_squeeze %gather3A_2025 : memref<1x320x128xf32, #tpu.memory_space<vmem>> -> memref<320x128xf32, #tpu.memory_space<vmem>>
        %gather3A_2027 = arith.constant 0 : i32
        %gather3A_2028 = tpu.memref_slice %gather3A_2026[%add3A_2006, %gather3A_2027] : memref<320x128xf32, #tpu.memory_space<vmem>> -> memref<1x128xf32, #tpu.memory_space<vmem>>
        %gather3A_2029 = tpu.memref_squeeze %gather3A_2028 : memref<1x128xf32, #tpu.memory_space<vmem>> -> memref<128xf32, #tpu.memory_space<vmem>>
        %gather3A_2030 = tpu.vector_load_idx %gather3A_2029[%add3A_2022] : memref<128xf32, #tpu.memory_space<vmem>>[vector<16xi32>], vector<16xf32>,
        %mul3A_2031 = arith.mulf %gather3A_2030, %gather3A_452 : vector<16xf32>
        %add3A_2032 = arith.addf %mul3A_2019, %mul3A_2031 : vector<16xf32>
        %add3A_2033 = arith.constant 32 : i32
        %add3A_2034 = vector.broadcast %add3A_2033 : i32 to vector<16xi32>
        %add3A_2035 = arith.addi %add3A_2002, %add3A_2034 : vector<16xi32>
        %gather3A_2036 = arith.constant 0 : i32
        %gather3A_2037 = arith.constant 0 : i32
        %gather3A_2038 = tpu.memref_slice %arg19[%scan3A_398, %gather3A_2036, %gather3A_2037] : memref<2x320x128xf32, #tpu.memory_space<vmem>> -> memref<1x320x128xf32, #tpu.memory_space<vmem>>
        %gather3A_2039 = tpu.memref_squeeze %gather3A_2038 : memref<1x320x128xf32, #tpu.memory_space<vmem>> -> memref<320x128xf32, #tpu.memory_space<vmem>>
        %gather3A_2040 = arith.constant 0 : i32
        %gather3A_2041 = tpu.memref_slice %gather3A_2039[%add3A_2006, %gather3A_2040] : memref<320x128xf32, #tpu.memory_space<vmem>> -> memref<1x128xf32, #tpu.memory_space<vmem>>
        %gather3A_2042 = tpu.memref_squeeze %gather3A_2041 : memref<1x128xf32, #tpu.memory_space<vmem>> -> memref<128xf32, #tpu.memory_space<vmem>>
        %gather3A_2043 = tpu.vector_load_idx %gather3A_2042[%add3A_2035] : memref<128xf32, #tpu.memory_space<vmem>>[vector<16xi32>], vector<16xf32>,
        %mul3A_2044 = arith.mulf %gather3A_2043, %gather3A_463 : vector<16xf32>
        %add3A_2045 = arith.addf %add3A_2032, %mul3A_2044 : vector<16xf32>
        %add3A_2046 = arith.constant 48 : i32
        %add3A_2047 = vector.broadcast %add3A_2046 : i32 to vector<16xi32>
        %add3A_2048 = arith.addi %add3A_2002, %add3A_2047 : vector<16xi32>
        %gather3A_2049 = arith.constant 0 : i32
        %gather3A_2050 = arith.constant 0 : i32
        %gather3A_2051 = tpu.memref_slice %arg19[%scan3A_398, %gather3A_2049, %gather3A_2050] : memref<2x320x128xf32, #tpu.memory_space<vmem>> -> memref<1x320x128xf32, #tpu.memory_space<vmem>>
        %gather3A_2052 = tpu.memref_squeeze %gather3A_2051 : memref<1x320x128xf32, #tpu.memory_space<vmem>> -> memref<320x128xf32, #tpu.memory_space<vmem>>
        %gather3A_2053 = arith.constant 0 : i32
        %gather3A_2054 = tpu.memref_slice %gather3A_2052[%add3A_2006, %gather3A_2053] : memref<320x128xf32, #tpu.memory_space<vmem>> -> memref<1x128xf32, #tpu.memory_space<vmem>>
        %gather3A_2055 = tpu.memref_squeeze %gather3A_2054 : memref<1x128xf32, #tpu.memory_space<vmem>> -> memref<128xf32, #tpu.memory_space<vmem>>
        %gather3A_2056 = tpu.vector_load_idx %gather3A_2055[%add3A_2048] : memref<128xf32, #tpu.memory_space<vmem>>[vector<16xi32>], vector<16xf32>,
        %mul3A_2057 = arith.mulf %gather3A_2056, %gather3A_474 : vector<16xf32>
        %add3A_2058 = arith.addf %add3A_2045, %mul3A_2057 : vector<16xf32>
        %broadcast_in_dim3A_2059 = arith.constant true
        %broadcast_in_dim3A_2060 = vector.broadcast %broadcast_in_dim3A_2059 : i1 to vector<16xi1>
        %masked_cumsum3A_2061 = tpu.scan <sum>, %add3A_2058 masked %broadcast_in_dim3A_2060 : vector<16xf32>, vector<16xi1> -> vector<16xf32>
        %broadcast_in_dim3A_2062 = vector.broadcast %add3A_2010 : i32 to vector<16xi32>
        tpu.vector_store_idx %arg20[%broadcast_in_dim3A_2062], %masked_cumsum3A_2061 masked %eq3A_18 : memref<10752xf32, #tpu.memory_space<vmem>>[vector<16xi32>], vector<16xf32>, vector<16xi1>
        %scan3A_2063 = arith.constant 0 : i32
        scf.yield %scan3A_2063 : i32
      }
      %scan3A_405 = arith.constant 16 : i32
      %scan3A_406 = arith.constant 0 : i32
      scf.yield %scan3A_406 : i32
    }
    %scan3A_94 = arith.constant 16 : i32
    %mul3A_95 = arith.constant 10752 : i32
    %mul3A_96 = arith.muli %add3A, %mul3A_95 : i32
    "tpu.region"() ({
      %run_scoped3A = tpu.sem_alloc : memref<!tpu.dma_semaphore, #tpu.memory_space<semaphore_mem>>
      %dma_start3A_97 = tpu.memref_slice %arg10[%mul3A_96] : memref<344064xf32, #tpu.memory_space<hbm>> -> memref<10752xf32, #tpu.memory_space<hbm>>
      %dma_start3A_98 = tpu.memref_slice %arg10[%mul3A_96] : memref<344064xf32, #tpu.memory_space<hbm>> -> memref<10752xf32, #tpu.memory_space<hbm>>
      tpu.enqueue_dma source(%arg20 : memref<10752xf32, #tpu.memory_space<vmem>>) target(%dma_start3A_98 : memref<10752xf32, #tpu.memory_space<hbm>>) target_semaphore(%run_scoped3A : memref<!tpu.dma_semaphore, #tpu.memory_space<semaphore_mem>>)
      %dma_wait3A = tpu.memref_slice %arg10[%mul3A_96] : memref<344064xf32, #tpu.memory_space<hbm>> -> memref<10752xf32, #tpu.memory_space<hbm>>
      %dma_wait3A_99 = tpu.memref_slice %arg10[%mul3A_96] : memref<344064xf32, #tpu.memory_space<hbm>> -> memref<10752xf32, #tpu.memory_space<hbm>>
      tpu.wait_dma2 semaphore(%run_scoped3A : memref<!tpu.dma_semaphore, #tpu.memory_space<semaphore_mem>>) src(%arg20 : memref<10752xf32, #tpu.memory_space<vmem>>) dst(%dma_wait3A_99 : memref<10752xf32, #tpu.memory_space<hbm>>)
      tpu.yield
    }) : () -> ()
    return
  }
}

module attributes {stable_mosaic.version = 14 : i64} {
  func.func @_loss_body(%arg0: memref<2688x128xf32, #tpu.memory_space<vmem>>, %arg1: memref<1x1xf32, #tpu.memory_space<smem>>) attributes {dimension_semantics = [], scalar_prefetch = 0 : i64, scratch_operands = 0 : i64, tpu.core_type = #tpu.core_type<tc>} {
    %get3A = arith.constant 0 : index
    %get3A_0 = arith.constant 0 : index
    %get3A_1 = vector.load %arg0[%get3A, %get3A_0] : memref<2688x128xf32, #tpu.memory_space<vmem>>, vector<2688x128xf32>
    %iota3A = tpu.iota {dimensions = array<i32: 0>} : vector<2688x128xi32>
    %iota3A_2 = tpu.iota {dimensions = array<i32: 1>} : vector<2688x128xi32>
    %mul3A = arith.constant 128 : i32
    %mul3A_3 = vector.broadcast %mul3A : i32 to vector<2688x128xi32>
    %mul3A_4 = arith.muli %iota3A, %mul3A_3 : vector<2688x128xi32>
    %add3A = arith.addi %mul3A_4, %iota3A_2 : vector<2688x128xi32>
    %jit3A = arith.constant 21 : i32
    %eq3A = arith.constant 0 : i32
    %eq3A_5 = arith.cmpi eq, %jit3A, %eq3A : i32
    %jit3A_6 = arith.constant 1 : i32
    %select_n3A = arith.select %eq3A_5, %jit3A_6, %jit3A : i32
    %rem3A = vector.broadcast %select_n3A : i32 to vector<2688x128xi32>
    %rem3A_7 = arith.remsi %add3A, %rem3A : vector<2688x128xi32>
    %ne3A = arith.constant 0 : i32
    %ne3A_8 = vector.broadcast %ne3A : i32 to vector<2688x128xi32>
    %ne3A_9 = arith.cmpi ne, %rem3A_7, %ne3A_8 : vector<2688x128xi32>
    %lt3A = arith.constant 0 : i32
    %lt3A_10 = vector.broadcast %lt3A : i32 to vector<2688x128xi32>
    %lt3A_11 = arith.cmpi slt, %rem3A_7, %lt3A_10 : vector<2688x128xi32>
    %lt3A_12 = arith.constant 0 : i32
    %lt3A_13 = arith.cmpi slt, %select_n3A, %lt3A_12 : i32
    %ne3A_14 = vector.broadcast %lt3A_13 : i1 to vector<2688x128xi1>
    %ne3A_15 = vector.broadcast %ne3A_14 : vector<2688x128xi1> to vector<2688x128xi1>
    %ne3A_16 = arith.xori %lt3A_11, %ne3A_15 : vector<2688x128xi1>
    %and3A = arith.andi %ne3A_16, %ne3A_9 : vector<2688x128xi1>
    %add3A_17 = vector.broadcast %select_n3A : i32 to vector<2688x128xi32>
    %add3A_18 = arith.addi %rem3A_7, %add3A_17 : vector<2688x128xi32>
    %select_n3A_19 = arith.select %and3A, %add3A_18, %rem3A_7 : vector<2688x128xi1>, vector<2688x128xi32>
    %eq3A_20 = arith.constant 0 : i32
    %eq3A_21 = vector.broadcast %eq3A_20 : i32 to vector<2688x128xi32>
    %eq3A_22 = arith.cmpi eq, %select_n3A_19, %eq3A_21 : vector<2688x128xi32>
    %neg3A = arith.constant 0.000000e+00 : f32
    %neg3A_23 = vector.broadcast %neg3A : f32 to vector<2688x128xf32>
    %neg3A_24 = arith.subf %neg3A_23, %get3A_1 : vector<2688x128xf32>
    %select_n3A_25 = arith.select %eq3A_22, %get3A_1, %neg3A_24 : vector<2688x128xi1>, vector<2688x128xf32>
    %min3A = arith.constant 0.000000e+00 : f32
    %min3A_26 = vector.broadcast %min3A : f32 to vector<2688x128xf32>
    %min3A_27 = arith.minimumf %select_n3A_25, %min3A_26 : vector<2688x128xf32>
    %abs3A = math.absf %select_n3A_25 : vector<2688x128xf32>
    %neg3A_28 = arith.constant 0.000000e+00 : f32
    %neg3A_29 = vector.broadcast %neg3A_28 : f32 to vector<2688x128xf32>
    %neg3A_30 = arith.subf %neg3A_29, %abs3A : vector<2688x128xf32>
    %exp3A = math.exp %neg3A_30 : vector<2688x128xf32>
    %log1p3A = math.log1p %exp3A : vector<2688x128xf32>
    %sub3A = arith.subf %min3A_27, %log1p3A : vector<2688x128xf32>
    %reduce_sum3A = vector.shape_cast %sub3A : vector<2688x128xf32> to vector<1x2688x128xf32>
    %reduce_sum3A_31 = arith.constant dense<0.000000e+00> : vector<1xf32>
    %reduce_sum3A_32 = vector.multi_reduction <add>, %reduce_sum3A, %reduce_sum3A_31 [1, 2] : vector<1x2688x128xf32> to vector<1xf32>
    %reduce_sum3A_33 = vector.shape_cast %reduce_sum3A_32 : vector<1xf32> to vector<1x1x1xf32>
    %reduce_sum3A_34 = vector.extract %reduce_sum3A_33[0, 0, 0] : f32 from vector<1x1x1xf32>
    %neg3A_35 = arith.constant 0.000000e+00 : f32
    %neg3A_36 = arith.subf %neg3A_35, %reduce_sum3A_34 : f32
    %div3A = arith.constant 1.638400e+04 : f32
    %div3A_37 = arith.divf %neg3A_36, %div3A : f32
    %swap3A = arith.constant 0 : index
    %swap3A_38 = arith.constant 0 : index
    %swap3A_39 = memref.load %arg1[%swap3A, %swap3A_38] : memref<1x1xf32, #tpu.memory_space<smem>>
    memref.store %div3A_37, %arg1[%swap3A, %swap3A_38] : memref<1x1xf32, #tpu.memory_space<smem>>
    return
  }
}

</mosaic_0001>

<sc_bundles>
// kernel: kernel.4.cloned.1.call-start
scs
__scs_entry_jumppad:
0x0: {  	(pc) =	sbr.rel $0x88, $3  }
0x1: {  	(tag) =	ssettag $0x0;
	lr =	simm.s32 $0x1  }
0x2: {  	[smem:$0x3F9C] =	sst lr;
	_ =	strace $0xD0000000  }
0x3: {  	_ = 	snop  }
0x4: {  	_ = 	snop  }
0x5: {  	_ = 	snop  }
0x6: {  	_ = 	snop  }
0x7: {  	_ = 	snop  }
__scs_overlays_trampoline_lowered:
0x8: {  	[smem:$0x3FAB] =	sst s0  }
0x9: {  	[smem:$0x3FAC] =	sst s1  }
0xa: {  	[smem:$0x3FAD] =	sst s2  }
0xb: {  	[smem:$0x3FAE] =	sst s3  }
0xc: {  	[smem:$0x3FAF] =	sst s4  }
0xd: {  	[smem:$0x3FB0] =	sst s5  }
0xe: {  	[smem:$0x3FB1] =	sst s6  }
0xf: {  	[smem:$0x3FB2] =	sst s7  }
0x10: {  	[smem:$0x3FB3] =	sst s8  }
0x11: {  	[smem:$0x3FB4] =	sst s9;
	s0 =	simm.s32 @!p0 $0x0  }
0x12: {  	s1 =	sld [smem:$0x3F9A];
	s0 =	simm.s32 @p0 $0x1  }
0x13: {  	[smem:$0x3FB5] =	sst s0;
	s0 =	simm.s32 @!p1 $0x0  }
0x14: {  	s2 =	sld [smem:$0x3F99];
	s0 =	simm.s32 @p1 $0x1  }
0x15: {  	[smem:$0x3FB6] =	sst s0;
	s0 =	simm.s32 @!p2 $0x0  }
0x16: {  	s3 =	sld [smem:$0x3FDB];
	s0 =	simm.s32 @p2 $0x1  }
0x17: {  	s4 =	simm.s32 $0x1BF5;
	[smem:$0x3FB8] =	sst s0  }
0x18: {  	s0 =	sld [smem:$0x3F9B];
	_ =	swait.ge [sflag:s4], $0x0  }
0x19: {  	s7 =	sld [smem:$0x3F9C]  }
0x1a: {  	s8 =	sadd.s32 $0xFFFFE003, lr  }
0x1b: {  	s9 =	sadd.s32 $0xFFFFFEF7, lr;
	s5 =	simm.s32 $0xFFFFFFFF;
	p2 =	slt.u32 s8, $0xFFFFF086  }
0x1c: {  	p1 =	slt.u32 s9, $0xF7A;
	s5 =	simm.s32 @!p2 $0x0  }
0x1d: {  	s5 =	simm.s32 @p1 $0x1;
	p0 =	seq.s32 s7, s2  }
0x1e: {  	s7 =	smul.u32 @!p0 $0xF7A, s2;
	p2 =	seq.s32 @!p0 s5, $0x0  }
0x1f: {  	s9 =	smul.u32 $0xF7A, s1;
	s8 =	simm.s32 @!p0 $0x1BF5;
	p2 =	por !p2, p0  }
0x20: {  	[sflag:s8] =	ssyncset.s32 @!p0 $0xFFFFF086;
	s6 =	sadd.s32 @!p0 s3, s7;
	s7 =	simm.s32 @!p0 $0x108  }
0x21: {  	s3 =	sadd.s32 s3, s9;
	s6 =	sadd.s32 @!p0 $0x88, s6;
	s7 =	simm.s32 @p2 $0x1082  }
0x22: {  	[simem:s7], [sflag:s8] =	dma.local @!p0 [hbm:s6], $0xF7A  }
0x23: {  	s9 =	sor.u32 $0xD0000000, s2;
	s6 =	simm.s32 $0x108;
	_ =	swait.ge @!p0 [sflag:s8], $0x0  }
0x24: {  	s3 =	sadd.s32 $0x88, s3;
	s6 =	simm.s32 @!p1 $0x1082;
	[sflag:s4] =	ssyncset.s32 $0xFFFFF086  }
0x25: {  	[simem:s6], [sflag:s4] =	dma.local [hbm:s3], $0xF7A  }
0x26: {  	[smem:$0x3F9C] =	sst s1;
	(tag) =	ssettag s2;
	_ =	strace s9  }
0x27: {  	s1 =	sld [smem:$0x3FAC]  }
0x28: {  	s2 =	sld [smem:$0x3FAD]  }
0x29: {  	s4 =	sld [smem:$0x3FAF]  }
0x2a: {  	p0 =	seq.s32 s5, $0x0;
	s5 =	sld [smem:$0x3FB0]  }
0x2b: {  	s6 =	sld [smem:$0x3FB1]  }
0x2c: {  	s7 =	sld [smem:$0x3FB2]  }
0x2d: {  	s3 =	simm.s32 $0x108;
	s8 =	sld [smem:$0x3FB3]  }
0x2e: {  	s3 =	simm.s32 @!p0 $0x1082;
	s9 =	sld [smem:$0x3FB4]  }
0x2f: {  	lr =	sadd.s32 s0, s3;
	s0 =	sld [smem:$0x3FAB]  }
0x30: {  	s3 =	sld [smem:$0x3FAE]  }
0x31: {  	[smem:$0x3FB7] =	sst s10  }
0x32: {  	s10 =	sld [smem:$0x3FB5];
	_ =	sdelay $0x3  }
0x33: {  	p0 =	seq.s32 s10, $0x1;
	s10 =	sld [smem:$0x3FB7];
	_ =	sdelay $0x3  }
0x34: {  	[smem:$0x3FB7] =	sst s10  }
0x35: {  	s10 =	sld [smem:$0x3FB6];
	_ =	sdelay $0x3  }
0x36: {  	p1 =	seq.s32 s10, $0x1;
	s10 =	sld [smem:$0x3FB7];
	_ =	sdelay $0x3  }
0x37: {  	[smem:$0x3FB7] =	sst s10  }
0x38: {  	s10 =	sld [smem:$0x3FB8]  }
0x39: {  	_ = 	snop;
	(pc) =	sbr.ind lr, $3  }
0x3a: {  	_ = 	snop  }
0x3b: {  	_ = 	snop  }
0x3c: {  	p2 =	seq.s32 s10, $0x1;
	s10 =	sld [smem:$0x3FB7]  }
0x3d: {  	_ =	shalt  }
0x3e: {  	_ =	shalt  }
0x3f: {  	_ =	shalt  }
0x40: {  	_ =	shalt  }
0x41: {  	_ =	shalt  }
0x42: {  	_ =	shalt  }
0x43: {  	_ =	shalt  }
0x44: {  	_ =	shalt  }
0x45: {  	_ =	shalt  }
0x46: {  	_ =	shalt  }
0x47: {  	_ =	shalt  }
0x48: {  	_ =	shalt  }
0x49: {  	_ =	shalt  }
0x4a: {  	_ =	shalt  }
0x4b: {  	_ =	shalt  }
0x4c: {  	_ =	shalt  }
0x4d: {  	_ =	shalt  }
0x4e: {  	_ =	shalt  }
0x4f: {  	_ =	shalt  }
0x50: {  	_ =	shalt  }
0x51: {  	_ =	shalt  }
0x52: {  	_ =	shalt  }
0x53: {  	_ =	shalt  }
0x54: {  	_ =	shalt  }
0x55: {  	_ =	shalt  }
0x56: {  	_ =	shalt  }
0x57: {  	_ =	shalt  }
0x58: {  	_ =	shalt  }
0x59: {  	_ =	shalt  }
0x5a: {  	_ =	shalt  }
0x5b: {  	_ =	shalt  }
0x5c: {  	_ =	shalt  }
0x5d: {  	_ =	shalt  }
0x5e: {  	_ =	shalt  }
0x5f: {  	_ =	shalt  }
0x60: {  	_ =	shalt  }
0x61: {  	_ =	shalt  }
0x62: {  	_ =	shalt  }
0x63: {  	_ =	shalt  }
0x64: {  	_ =	shalt  }
0x65: {  	_ =	shalt  }
0x66: {  	_ =	shalt  }
0x67: {  	_ =	shalt  }
0x68: {  	_ =	shalt  }
0x69: {  	_ =	shalt  }
0x6a: {  	_ =	shalt  }
0x6b: {  	_ =	shalt  }
0x6c: {  	_ =	shalt  }
0x6d: {  	_ =	shalt  }
0x6e: {  	_ =	shalt  }
0x6f: {  	_ =	shalt  }
0x70: {  	_ =	shalt  }
0x71: {  	_ =	shalt  }
0x72: {  	_ =	shalt  }
0x73: {  	_ =	shalt  }
0x74: {  	_ =	shalt  }
0x75: {  	_ =	shalt  }
0x76: {  	_ =	shalt  }
0x77: {  	_ =	shalt  }
0x78: {  	_ =	shalt  }
0x79: {  	_ =	shalt  }
0x7a: {  	_ =	shalt  }
0x7b: {  	_ =	shalt  }
0x7c: {  	_ =	shalt  }
0x7d: {  	_ =	shalt  }
0x7e: {  	_ =	shalt  }
0x7f: {  	_ =	shalt  }
0x80: {  	_ =	shalt  }
0x81: {  	_ =	shalt  }
0x82: {  	_ =	shalt  }
0x83: {  	_ =	shalt  }
0x84: {  	_ =	shalt  }
0x85: {  	_ =	shalt  }
0x86: {  	_ =	shalt  }
0x87: {  	_ =	shalt  }
.Lfunc_end0:
.L_simem_size_0:
called_computation_lowered:
.L_overlay_start_0:
0x88: {  	s2 =	sld [smem:$0x3FD9]  }
0x89: {  	s3 =	sld [smem:$0x3FFE];
	_ =	sdelay $0x1  }
0x8a: {  	s1 =	srdreg.scid  }
0x8b: {  	s0 =	sand.u32 $0x1, s1  }
0x8c: {  	s16 =	sshll.u32 s0, $0xA;
	s2 =	sadd.s32 s3, s2  }
0x8d: {  	s2 =	sadd.s32 s2, s16  }
0x8e: {  	[smem:$0x3FC3] =	sst s2  }
0x8f: {  	_ = 	snop  }
0x90: {  	(tm) =	ssettm $0x1  }
0x91: {  	s17 =	sld [smem:$0x3FFB];
	_ =	sdelay $0x3  }
0x92: {  	_ =	strace s17  }
0x93: {  	s2 =	sld [smem:$0x3FFC];
	_ =	sdelay $0x3  }
0x94: {  	_ =	strace s2  }
0x95: {  	s2 =	sld [smem:$0x3FFD];
	_ =	sdelay $0x3  }
0x96: {  	_ =	strace s2  }
0x97: {  	_ =	strace $0x8FFFFFFF  }
0x98: {  	s18 =	sld [smem:$0x3FDB];
	_ =	sdelay $0x1  }
0x99: {  	s19 =	simm.s32 $_scs_section_size  }
0x9a: {  	s4 =	simm.s32 $_size__tile_overlayer_lowered;
	s5 =	simm.s32 $_tile_overlayer_lowered  }
0x9b: {  	s22 =	simm.s32 $0x1BFF;
	s21 =	sshll.u32 s5, $0x1;
	s2 =	sadd.s32 s19, s18  }
0x9c: {  	s6 =	simm.s32 $0x0;
	s20 =	sshll.u32 s4, $0x1;
	s4 =	sadd.s32 s21, s2  }
0x9d: {  	[timem:s6], [sflag:s22] =	dma.local [hbm:s4], s20  }
0x9e: {  	_ =	swait.ge [sflag:s22], s20  }
0x9f: {  	s3 =	ssub.s32 $0x0, s20;
	[sflag:s22] =	ssyncset.done $0x0  }
0xa0: {  	[sflag:s22] =	ssyncadd.s32 s3;
	_ =	sdelay $0x1  }
0xa1: {  	s23 =	simm.s32 $0x1B8B  }
0xa2: {  	_ =	swait.ge [sflag:s23], $0x1  }
0xa3: {  	[sflag:s23] =	ssyncset.done $0x0  }
0xa4: {  	s25 =	simm.s32 $0x1B8E;
	s24 =	sld [smem:$0x3FFE];
	[sflag:s23] =	ssyncadd.s32 $0xFFFFFFFF  }
0xa5: {  	s26 =	simm.s32 $execute0_lowered;
	[smem:$0x3FD2] =	sst s25  }
0xa6: {  	s4 =	sshll.u32 s26, $0x1;
	_ =	strace $0x80000046;
	[dreg:$0x1] =	wrdreg $0xFFFFFFFF  }
0xa7: {  	s28 =	simm.s32 $_size_execute0_lowered;
	s2 =	sadd.s32 s2, s4;
	[dreg:$0x0] =	wrdreg $0x0  }
0xa8: {  	s4 =	sshll.u32 s28, $0x1;
	[dreg:$0x2] =	wrdreg s2  }
0xa9: {  	[dreg:$0x3] =	wrdreg s4  }
0xaa: {  	[dreg:$0x4] =	wrdreg $0xC0  }
0xab: {  	_ =	task [dreg:s6], $0x5FFFF  }
0xac: {  	[dreg:$0x1] =	wrdreg $0xFFFFFFFF  }
0xad: {  	[dreg:$0x0] =	wrdreg $0x60  }
0xae: {  	[dreg:$0x2] =	wrdreg s24  }
0xaf: {  	[dreg:$0x3] =	wrdreg $0x9  }
0xb0: {  	_ =	task.clear_ibuf [dreg:s6], $0x4FFFF;
	_ =	strace $0x90000046  }
0xb1: {  	s29 =	simm.s32 $0x9;
	_ =	strace $0x80000048  }
0xb2: {  	_ =	swait.ge [sflag:s29], $0x1  }
0xb3: {  	[sflag:s29] =	ssyncadd.s32 $0xFFFFFFFF  }
0xb4: {  	_ =	strace $0x90000048  }
0xb5: {  	_ =	sfence  }
0xb6: {  	s30 =	sld [smem:$0x0];
	_ =	sdelay $0x2  }
0xb7: {  	s31 =	sshll.u32 s1, $0xD;
	s1 =	sshrl.u32 s1, $0x2  }
0xb8: {  	s3 =	sand.u32 $0x4000, s31;
	s1 =	sadd.s32 s1, s30  }
0xb9: {  	s0 =	sor.u32 s3, s0;
	s1 =	sshll.u32 s1, $0x11  }
0xba: {  	s0 =	sor.u32 s1, s0  }
0xbb: {  	s0 =	sadd.s32 $0x8F2B, s0  }
0xbc: {  	[sflag:s0] =	ssyncadd.remote.s32 $0x1  }
0xbd: {  	_ =	sfence.sel $0xFFFF  }
0xbe: {  	[dreg:$0x0] =	wrdreg $0xFFFFFFFF;
	(pc) =	sbr.abs _section_cstart, $3  }
0xbf: {  	[dreg:$0x1] =	wrdreg $0xFFFFFFFF  }
0xc0: {  	_ =	task.clear_ibuf [dreg:s6], $0x2FFFF;
	_ =	strace $0x9FFFFFFF  }
0xc1: {  	(tm) =	ssettm $0x7FFFFFFF  }
tec
execute0_lowered:
.L_overlay_start_1:
0x0: {  	(tag) =	ssettag $0x1  }
0x1: {  	s0 =	rddreg [dreg:$0x0]  }
0x2: {  	s1 =	srdreg.scid;
	s3 =	stileid.u32;
	s2 =	simm.s32 $0x0  }
0x3: {  	s13 =	simm.s32 $0x3;
	s19 =	simm.s32 $0x10;
	s16 =	simm.s32 $0x7800  }
0x4: {  	s17 =	simm.s32 $0x12000;
	s18 =	simm.s32 $0x14000;
	s20 =	simm.s32 $0x16000  }
0x5: {  	s21 =	simm.s32 $0x18000;
	s28 =	simm.s32 $0x0;
	s1 =	sand.u32 $0x1, s1  }
0x6: {  	s3 =	sshll.u32 s3, $0x1;
	[smem:$0x7FF] =	sst s2;
	s4 =	sadd.s32 $0x16E4600, s0  }
0x7: {  	s5 =	sor.u32 s1, s3;
	_ =	strace $0x80000047;
	s3 =	sadd.s32 $0xF43400, s0  }
0x8: {  	s1 =	ssub.s32 $0x2, s1;
	s6 =	smul.u32 $0x500, s5;
	s8 =	sshll.u32 s5, $0x6  }
0x9: {  	s7 =	smul.u32 $0x600, s5;
	s22 =	sshrl.u32 s1, $0x1;
	s8 =	sadd.s32 s8, s0  }
0xa: {  	s5 =	smul.u32 $0x540, s5;
	s1 =	ssub.s32 s1, s22;
	s23 =	sadd.s32 $0x18000, s8  }
0xb: {  	s22 =	simm.s32 $0x40;
	s24 =	sadd.s32 $0x17800, s8;
	[dreg:$0x2] =	wrdreg s23  }
0xc: {  	s6 =	sadd.s32 s6, s0;
	s26 =	sadd.s32 $0x18800, s8;
	[dreg:$0x3] =	wrdreg s24  }
0xd: {  	v0 =	vimm.s32 $0x6;
	v1 =	vlaneseq.u32;
	s7 =	sadd.s32 s7, s0;
	s29 =	sadd.s32 $0x17000, s8;
	[dreg:$0x5] =	wrdreg s26  }
0xe: {  	vm0 =	vcmask $0x3F3C;
	v5 =	vimm.s32 $0x0;
	v6 =	vimm.s32 $0x1;
	s0 =	sadd.s32 s5, s0;
	s31 =	smax.u32 s1, $0x1;
	[dreg:$0x6] =	wrdreg s29  }
0xf: {  	v7 =	vimm.s32 $0x2;
	v8 =	vimm.s32 $0x3;
	v9 =	vimm.s32 $0x4;
	s1 =	simm.s32 $0x6800;
	s25 =	sadd.s32 $0x1000, s6;
	[dreg:$0x9] =	wrdreg s31  }
0x10: {  	v10 =	vimm.s32 $0x5;
	v11 =	vimm.s32 $0x7;
	v12 =	vimm.s32 $0x8;
	s30 =	sadd.s32 $0xB000, s7;
	s0 =	sadd.s32 $0x19000, s0;
	[dreg:$0x4] =	wrdreg s25  }
0x11: {  	v13 =	vimm.s32 $0x9;
	v14 =	vimm.s32 $0xA;
	v15 =	vimm.s32 $0xB;
	s23 =	simm.s32 $0x1A000;
	s24 =	simm.s32 $0x1;
	[dreg:$0x7] =	wrdreg s30  }
0x12: {  	v2 =	vor.u32 $0x10, v1;
	v3 =	vor.u32 $0x20, v1;
	v4 =	vor.u32 $0x30, v1;
	s26 =	simm.s32 $0x2;
	[dreg:$0x8] =	wrdreg s0;
	s25 =	simm.s32 $0x1C000  }
.LBB2_1:
0x13: {  	s0 =	rddreg [dreg:$0x2]  }
0x14: {  	[tilespmem:s2], [sflag:$0x3] =	stream.linear.gather [hbm4b:s0+s2], $0x200, $0x38;
	[tilespmem:$0x1EA00] =	vst v63  }
0x15: {  	_ =	swait.ge [sflag:s13], $0x200  }
0x16: {  	[sflag:s13] =	ssyncset.done $0x0  }
0x17: {  	s5 =	simm.s32 $0x200;
	s7 =	rddreg [dreg:$0x3];
	[sflag:s13] =	ssyncadd.s32 $0xFFFFFE00  }
0x18: {  	[tilespmem:s5], [sflag:$0x3] =	stream.linear.gather [hbm4b:s7+s2], $0x200, $0x38;
	[tilespmem:$0x1EA00] =	vst v63  }
0x19: {  	_ =	swait.ge [sflag:s13], $0x200  }
0x1a: {  	[sflag:s13] =	ssyncset.done $0x0  }
0x1b: {  	s6 =	simm.s32 $0x400;
	s8 =	rddreg [dreg:$0x4];
	[sflag:s13] =	ssyncadd.s32 $0xFFFFFE00  }
0x1c: {  	[tilespmem:s6], [sflag:$0x3] =	stream.linear.gather [hbm4b:s8+s2], $0x2800, $0x38;
	[tilespmem:$0x1EA00] =	vst v63  }
0x1d: {  	_ =	swait.ge [sflag:s13], $0x2800  }
0x1e: {  	[sflag:s13] =	ssyncset.done $0x0  }
0x1f: {  	s7 =	simm.s32 $0x2C00;
	s9 =	rddreg [dreg:$0x5];
	[sflag:s13] =	ssyncadd.s32 $0xFFFFD800  }
0x20: {  	[tilespmem:s7], [sflag:$0x3] =	stream.linear.gather [hbm4b:s9+s2], $0x200, $0x38;
	[tilespmem:$0x1EA00] =	vst v63  }
0x21: {  	_ =	swait.ge [sflag:s13], $0x200  }
0x22: {  	[sflag:s13] =	ssyncset.done $0x0  }
0x23: {  	s11 =	simm.s32 $0x2E00;
	s10 =	rddreg [dreg:$0x6];
	[sflag:s13] =	ssyncadd.s32 $0xFFFFFE00  }
0x24: {  	[tilespmem:s11], [sflag:$0x3] =	stream.linear.gather [hbm4b:s10+s2], $0x200, $0x38;
	[tilespmem:$0x1EA00] =	vst v63  }
0x25: {  	_ =	swait.ge [sflag:s13], $0x200  }
0x26: {  	[sflag:s13] =	ssyncset.done $0x0  }
0x27: {  	s14 =	simm.s32 $0x3000;
	s12 =	rddreg [dreg:$0x7];
	[sflag:s13] =	ssyncadd.s32 $0xFFFFFE00  }
0x28: {  	[tilespmem:s14], [sflag:$0x3] =	stream.linear.gather [hbm4b:s12+s2], $0x3000, $0x38;
	[tilespmem:$0x1EA00] =	vst v63  }
0x29: {  	_ =	swait.ge [sflag:s13], $0x3000  }
0x2a: {  	[sflag:s13] =	ssyncset.done $0x0  }
0x2b: {  	s15 =	simm.s32 $0x6000;
	[sflag:s13] =	ssyncadd.s32 $0xFFFFD000  }
0x2c: {  	[tilespmem:s15], [sflag:$0x1] =	stream.indirect.gather [hbm4b:s3+s19], $0x80, s2, s19, $0xb8;
	[tilespmem:$0x1EA00] =	vst v63  }
0x2d: {  	s29 =	simm.s32 $0x7000  }
0x2e: {  	[tilespmem:s29], [sflag:$0x1] =	stream.indirect.gather [hbm4b:s4+s19], $0x80, s5, s19, $0xb8;
	[tilespmem:$0x1EA00] =	vst v63  }
0x2f: {  	s7 =	simm.s32 $0x8000  }
0x30: {  	[tilespmem:s7], [sflag:$0x1] =	stream.indirect.gather [hbm4b:s4+s22], $0x80, s6, s22, $0xb8;
	[tilespmem:$0x1EA00] =	vst v63  }
0x31: {  	s30 =	simm.s32 $0x3188;
	s8 =	simm.s32 $0x440;
	s9 =	simm.s32 $0xA000  }
0x32: {  	[tilespmem:s9], [sflag:$0x1] =	stream.indirect.gather [hbm4b:s4+s22], $0x80, s8, s22, $0xb8;
	[tilespmem:$0x1EA00] =	vst v63  }
0x33: {  	s31 =	simm.s32 $0x0;
	s10 =	simm.s32 $0x480;
	s11 =	simm.s32 $0xC000  }
0x34: {  	[tilespmem:s11], [sflag:$0x1] =	stream.indirect.gather [hbm4b:s4+s22], $0x80, s10, s22, $0xb8;
	[tilespmem:$0x1EA00] =	vst v63  }
0x35: {  	s0 =	simm.s32 $0x0;
	s12 =	simm.s32 $0x4C0;
	s14 =	simm.s32 $0xE000  }
0x36: {  	[tilespmem:s14], [sflag:$0x1] =	stream.indirect.gather [hbm4b:s4+s22], $0x80, s12, s22, $0xb8;
	[tilespmem:$0x1EA00] =	vst v63  }
0x37: {  	s15 =	simm.s32 $0x500;
	s29 =	simm.s32 $0x10000;
	s9 =	simm.s32 $0x3008  }
0x38: {  	[tilespmem:s29], [sflag:$0x1] =	stream.indirect.gather [hbm4b:s4+s22], $0x80, s15, s22, $0xb8;
	[tilespmem:$0x1EA00] =	vst v63  }
.LBB2_2:
0x39: {  	s5 =	sshllo.u32 s0, $0x1  }
0x3a: {  	s14 =	sshll.u32 s5, $0x4;
	s5 =	smul.u32 $0x500, s5  }
0x3b: {  	[tilespmem:s1], [sflag:$0x2] =	stream.indirect.gather [hbm4b:s3+s19], $0x80, s14, s19, $0xb8;
	[tilespmem:$0x1EA00] =	vst v63  }
0x3c: {  	s6 =	sadd.s32 $0x200, s14;
	s5 =	sshra.s32 s5, $0x2  }
0x3d: {  	[tilespmem:s16], [sflag:$0x2] =	stream.indirect.gather [hbm4b:s4+s19], $0x80, s6, s19, $0xb8;
	[tilespmem:$0x1EA00] =	vst v63  }
0x3e: {  	s10 =	sadd.s32 $0x400, s5  }
0x3f: {  	[tilespmem:s17], [sflag:$0x2] =	stream.indirect.gather [hbm4b:s4+s22], $0x80, s10, s22, $0xb8;
	[tilespmem:$0x1EA00] =	vst v63  }
0x40: {  	s11 =	sadd.s32 $0x440, s5  }
0x41: {  	[tilespmem:s18], [sflag:$0x2] =	stream.indirect.gather [hbm4b:s4+s22], $0x80, s11, s22, $0xb8;
	[tilespmem:$0x1EA00] =	vst v63  }
0x42: {  	s12 =	sadd.s32 $0x480, s5  }
0x43: {  	[tilespmem:s20], [sflag:$0x2] =	stream.indirect.gather [hbm4b:s4+s22], $0x80, s12, s22, $0xb8;
	[tilespmem:$0x1EA00] =	vst v63  }
0x44: {  	s15 =	sadd.s32 $0x4C0, s5  }
0x45: {  	[tilespmem:s21], [sflag:$0x2] =	stream.indirect.gather [hbm4b:s4+s22], $0x80, s15, s22, $0xb8;
	[tilespmem:$0x1EA00] =	vst v63  }
0x46: {  	s5 =	sadd.s32 $0x500, s5  }
0x47: {  	[tilespmem:s23], [sflag:$0x2] =	stream.indirect.gather [hbm4b:s4+s22], $0x80, s5, s22, $0xb8;
	[tilespmem:$0x1EA00] =	vst v63  }
0x48: {  	_ =	swait.ge [sflag:s24], $0x800  }
0x49: {  	[sflag:s24] =	ssyncset.done $0x0  }
0x4a: {  	[sflag:s24] =	ssyncadd.s32 $0xFFFFF800  }
0x4b: {  	_ =	swait.ge [sflag:s24], $0x800  }
0x4c: {  	[sflag:s24] =	ssyncset.done $0x0  }
0x4d: {  	[sflag:s24] =	ssyncadd.s32 $0xFFFFF800  }
0x4e: {  	_ =	swait.ge [sflag:s24], $0x2000  }
0x4f: {  	[sflag:s24] =	ssyncset.done $0x0  }
0x50: {  	[sflag:s24] =	ssyncadd.s32 $0xFFFFE000  }
0x51: {  	_ =	swait.ge [sflag:s24], $0x2000  }
0x52: {  	[sflag:s24] =	ssyncset.done $0x0  }
0x53: {  	[sflag:s24] =	ssyncadd.s32 $0xFFFFE000  }
0x54: {  	_ =	swait.ge [sflag:s24], $0x2000  }
0x55: {  	[sflag:s24] =	ssyncset.done $0x0  }
0x56: {  	[sflag:s24] =	ssyncadd.s32 $0xFFFFE000  }
0x57: {  	_ =	swait.ge [sflag:s24], $0x2000  }
0x58: {  	[sflag:s24] =	ssyncset.done $0x0  }
0x59: {  	[sflag:s24] =	ssyncadd.s32 $0xFFFFE000  }
0x5a: {  	_ =	swait.ge [sflag:s24], $0x2000  }
0x5b: {  	[sflag:s24] =	ssyncset.done $0x0  }
0x5c: {  	s7 =	sshll.u32 s0, $0x5;
	[sflag:s24] =	ssyncadd.s32 $0xFFFFE000  }
0x5d: {  	v16 =	vld [tilespmem:s7+$0x2C00]  }
0x5e: {  	s8 =	simm.s32 $0x7000  }
0x5f: {  	s29 =	smov.u32 s9;
	s6 =	simm.s32 $0x8980;
	s10 =	simm.s32 $0x0;
	v17 =	vld [tilespmem:s7+$0x2E00]  }
0x60: {  	s15 =	sshll.u32 s0, $0x1;
	s5 =	simm.s32 $0x0;
	s7 =	simm.s32 $0x6000  }
.LBB2_3:
0x61: {  	v18 =	vmov s10  }
0x62: {  	v19 =	vperm.xlane v16, v18;
	_ =	sdelay $0x1  }
0x63: {  	v18 =	vperm.xlane v17, v18;
	v20 =	vshll.u32 v19, $0x6  }
0x64: {  	v19 =	vor.u32 v1, v20  }
0x65: {  	v22 =	vshll.u32 v18, $0x6;
	v21 =	vor.u32 v2, v20  }
0x66: {  	v23 =	vor.u32 v1, v22  }
0x67: {  	v24 =	vor.u32 v2, v22  }
0x68: {  	v25 =	vor.u32 v3, v20  }
0x69: {  	v26 =	vor.u32 v3, v22;
	v18 =	vld.idx.msk [tilespmem:v19+s7+$0x0], $0xffff  }
0x6a: {  	v51 =	vor.u32 v4, v20;
	v19 =	vld.idx.msk [tilespmem:v21+s7+$0x0], $0xffff  }
0x6b: {  	v22 =	vor.u32 v4, v22;
	v23 =	vld.idx.msk [tilespmem:v23+s8+$0x0], $0xffff  }
0x6c: {  	v24 =	vld.idx.msk [tilespmem:v24+s8+$0x0], $0xffff  }
0x6d: {  	v20 =	vld.idx.msk [tilespmem:v25+s7+$0x0], $0xffff  }
0x6e: {  	v52 =	vld.idx.msk [tilespmem:v26+s8+$0x0], $0xffff  }
0x6f: {  	v21 =	vld.idx.msk [tilespmem:v51+s7+$0x0], $0xffff  }
0x70: {  	v22 =	vld.idx.msk [tilespmem:v22+s8+$0x0], $0xffff  }
0x71: {  	v23 =	vmul.f32 v23, v18;
	v24 =	vmul.f32 v24, v19;
	_ =	sdelay $0x1  }
0x72: {  	v53 =	vmul.f32 v52, v20;
	v23 =	vadd.f32 v24, v23;
	_ =	sdelay $0x1  }
0x73: {  	v22 =	vmul.f32 v22, v21;
	v23 =	vadd.f32 v53, v23;
	_ =	sdelay $0x1  }
0x74: {  	v22 =	vadd.f32 v22, v23  }
0x75: {  	v23 =	vld [tilespmem:s29+$0xFFFFFFF8]  }
0x76: {  	(xrf2) =	vadd.scan.msk.f32 $0xffff, v22;
	_ =	sdelay $0x3  }
0x77: {  	v54 =	vperm.xlane v23, v5  }
0x78: {  	s11 =	sadd.s32 s5, s31  }
0x79: {  	v55 =	vmov s11;
	v56 =	vshll.u32 v54, $0x6  }
0x7a: {  	v57 =	vor.u32 v1, v56  }
0x7b: {  	v27 =	vor.u32 v2, v56;
	_ =	sdelay $0x1  }
0x7c: {  	v29 =	vor.u32 v3, v56;
	v28, _, _ =	vpop (xrf2)  }
0x7d: {  	v22 =	vld [tilespmem:s29+$0x0];
	[tilespmem:v55+s25+$0x0] =	vst.idx.msk vm0, v28  }
0x7e: {  	v25 =	vor.u32 v4, v56;
	v24 =	vld.idx.msk [tilespmem:v57+s6+$0xFFFFF680], $0xffff  }
0x7f: {  	v58 =	vld.idx.msk [tilespmem:v27+s6+$0xFFFFF680], $0xffff;
	_ =	sdelay $0x1  }
0x80: {  	v59 =	vld.idx.msk [tilespmem:v29+s6+$0xFFFFF680], $0xffff;
	_ =	sdelay $0x1  }
0x81: {  	v25 =	vld.idx.msk [tilespmem:v25+s6+$0xFFFFF680], $0xffff  }
0x82: {  	v24 =	vmul.f32 v24, v18;
	v26 =	vmul.f32 v58, v19;
	_ =	sdelay $0x1  }
0x83: {  	v60 =	vmul.f32 v59, v20;
	v24 =	vadd.f32 v26, v24;
	_ =	sdelay $0x1  }
0x84: {  	v25 =	vmul.f32 v25, v21;
	v24 =	vadd.f32 v60, v24;
	_ =	sdelay $0x1  }
0x85: {  	v24 =	vadd.f32 v25, v24;
	_ =	sdelay $0x1  }
0x86: {  	(xrf2) =	vadd.scan.msk.f32 $0xffff, v24;
	_ =	sdelay $0x3  }
0x87: {  	v61 =	vperm.xlane v23, v6  }
0x88: {  	s12 =	sadd.s32 $0x1, s11  }
0x89: {  	v62 =	vmov s12;
	v24 =	vshll.u32 v61, $0x6  }
0x8a: {  	v63 =	vor.u32 v1, v24  }
0x8b: {  	v32 =	vor.u32 v2, v24;
	_ =	sdelay $0x1  }
0x8c: {  	v34 =	vor.u32 v3, v24;
	v33, _, _ =	vpop (xrf2)  }
0x8d: {  	[tilespmem:v62+s25+$0x0] =	vst.idx.msk vm0, v33  }
0x8e: {  	v24 =	vor.u32 v4, v24;
	v25 =	vld.idx.msk [tilespmem:v63+s6+$0xFFFFF700], $0xffff  }
0x8f: {  	v35 =	vld.idx.msk [tilespmem:v32+s6+$0xFFFFF700], $0xffff;
	_ =	sdelay $0x1  }
0x90: {  	v36 =	vld.idx.msk [tilespmem:v34+s6+$0xFFFFF700], $0xffff;
	_ =	sdelay $0x1  }
0x91: {  	v24 =	vld.idx.msk [tilespmem:v24+s6+$0xFFFFF700], $0xffff  }
0x92: {  	v25 =	vmul.f32 v25, v18;
	v26 =	vmul.f32 v35, v19;
	_ =	sdelay $0x1  }
0x93: {  	v37 =	vmul.f32 v36, v20;
	v25 =	vadd.f32 v26, v25;
	_ =	sdelay $0x1  }
0x94: {  	v24 =	vmul.f32 v24, v21;
	v25 =	vadd.f32 v37, v25;
	_ =	sdelay $0x1  }
0x95: {  	v24 =	vadd.f32 v24, v25;
	_ =	sdelay $0x1  }
0x96: {  	(xrf2) =	vadd.scan.msk.f32 $0xffff, v24;
	_ =	sdelay $0x3  }
0x97: {  	v38 =	vperm.xlane v23, v7  }
0x98: {  	s12 =	sadd.s32 $0x2, s11  }
0x99: {  	v39 =	vmov s12;
	v24 =	vshll.u32 v38, $0x6  }
0x9a: {  	v40 =	vor.u32 v1, v24  }
0x9b: {  	v41 =	vor.u32 v2, v24;
	_ =	sdelay $0x1  }
0x9c: {  	v43 =	vor.u32 v3, v24;
	v42, _, _ =	vpop (xrf2)  }
0x9d: {  	[tilespmem:v39+s25+$0x0] =	vst.idx.msk vm0, v42  }
0x9e: {  	v24 =	vor.u32 v4, v24;
	v25 =	vld.idx.msk [tilespmem:v40+s6+$0xFFFFF780], $0xffff  }
0x9f: {  	v44 =	vld.idx.msk [tilespmem:v41+s6+$0xFFFFF780], $0xffff;
	_ =	sdelay $0x1  }
0xa0: {  	v45 =	vld.idx.msk [tilespmem:v43+s6+$0xFFFFF780], $0xffff;
	_ =	sdelay $0x1  }
0xa1: {  	v24 =	vld.idx.msk [tilespmem:v24+s6+$0xFFFFF780], $0xffff  }
0xa2: {  	v25 =	vmul.f32 v25, v18;
	v26 =	vmul.f32 v44, v19;
	_ =	sdelay $0x1  }
0xa3: {  	v46 =	vmul.f32 v45, v20;
	v25 =	vadd.f32 v26, v25;
	_ =	sdelay $0x1  }
0xa4: {  	v24 =	vmul.f32 v24, v21;
	v25 =	vadd.f32 v46, v25;
	_ =	sdelay $0x1  }
0xa5: {  	v24 =	vadd.f32 v24, v25;
	_ =	sdelay $0x1  }
0xa6: {  	(xrf2) =	vadd.scan.msk.f32 $0xffff, v24;
	_ =	sdelay $0x3  }
0xa7: {  	v47 =	vperm.xlane v23, v8  }
0xa8: {  	s12 =	sadd.s32 $0x3, s11  }
0xa9: {  	v48 =	vmov s12;
	v24 =	vshll.u32 v47, $0x6  }
0xaa: {  	v49 =	vor.u32 v1, v24  }
0xab: {  	v50 =	vor.u32 v2, v24;
	_ =	sdelay $0x1  }
0xac: {  	v52 =	vor.u32 v3, v24;
	v51, _, _ =	vpop (xrf2)  }
0xad: {  	[tilespmem:v48+s25+$0x0] =	vst.idx.msk vm0, v51  }
0xae: {  	v24 =	vor.u32 v4, v24;
	v25 =	vld.idx.msk [tilespmem:v49+s6+$0xFFFFF800], $0xffff  }
0xaf: {  	v53 =	vld.idx.msk [tilespmem:v50+s6+$0xFFFFF800], $0xffff;
	_ =	sdelay $0x1  }
0xb0: {  	v54 =	vld.idx.msk [tilespmem:v52+s6+$0xFFFFF800], $0xffff;
	_ =	sdelay $0x1  }
0xb1: {  	v24 =	vld.idx.msk [tilespmem:v24+s6+$0xFFFFF800], $0xffff  }
0xb2: {  	v25 =	vmul.f32 v25, v18;
	v26 =	vmul.f32 v53, v19;
	_ =	sdelay $0x1  }
0xb3: {  	v55 =	vmul.f32 v54, v20;
	v25 =	vadd.f32 v26, v25;
	_ =	sdelay $0x1  }
0xb4: {  	v24 =	vmul.f32 v24, v21;
	v25 =	vadd.f32 v55, v25;
	_ =	sdelay $0x1  }
0xb5: {  	v24 =	vadd.f32 v24, v25;
	_ =	sdelay $0x1  }
0xb6: {  	(xrf2) =	vadd.scan.msk.f32 $0xffff, v24;
	_ =	sdelay $0x3  }
0xb7: {  	v56 =	vperm.xlane v23, v9  }
0xb8: {  	s12 =	sadd.s32 $0x4, s11  }
0xb9: {  	v57 =	vmov s12;
	v24 =	vshll.u32 v56, $0x6  }
0xba: {  	v58 =	vor.u32 v1, v24  }
0xbb: {  	v59 =	vor.u32 v2, v24;
	_ =	sdelay $0x1  }
0xbc: {  	v61 =	vor.u32 v3, v24;
	v60, _, _ =	vpop (xrf2)  }
0xbd: {  	[tilespmem:v57+s25+$0x0] =	vst.idx.msk vm0, v60  }
0xbe: {  	v24 =	vor.u32 v4, v24;
	v25 =	vld.idx.msk [tilespmem:v58+s6+$0xFFFFF880], $0xffff  }
0xbf: {  	v62 =	vld.idx.msk [tilespmem:v59+s6+$0xFFFFF880], $0xffff;
	_ =	sdelay $0x1  }
0xc0: {  	v63 =	vld.idx.msk [tilespmem:v61+s6+$0xFFFFF880], $0xffff;
	_ =	sdelay $0x1  }
0xc1: {  	v24 =	vld.idx.msk [tilespmem:v24+s6+$0xFFFFF880], $0xffff  }
0xc2: {  	v25 =	vmul.f32 v25, v18;
	v26 =	vmul.f32 v62, v19;
	_ =	sdelay $0x1  }
0xc3: {  	v30 =	vmul.f32 v63, v20;
	v25 =	vadd.f32 v26, v25;
	_ =	sdelay $0x1  }
0xc4: {  	v24 =	vmul.f32 v24, v21;
	v25 =	vadd.f32 v30, v25;
	_ =	sdelay $0x1  }
0xc5: {  	v24 =	vadd.f32 v24, v25;
	_ =	sdelay $0x1  }
0xc6: {  	(xrf2) =	vadd.scan.msk.f32 $0xffff, v24;
	_ =	sdelay $0x3  }
0xc7: {  	v31 =	vperm.xlane v23, v10  }
0xc8: {  	s12 =	sadd.s32 $0x5, s11  }
0xc9: {  	v32 =	vmov s12;
	v24 =	vshll.u32 v31, $0x6  }
0xca: {  	v33 =	vor.u32 v1, v24  }
0xcb: {  	v34 =	vor.u32 v2, v24;
	_ =	sdelay $0x1  }
0xcc: {  	v36 =	vor.u32 v3, v24;
	v35, _, _ =	vpop (xrf2)  }
0xcd: {  	[tilespmem:v32+s25+$0x0] =	vst.idx.msk vm0, v35  }
0xce: {  	v24 =	vor.u32 v4, v24;
	v25 =	vld.idx.msk [tilespmem:v33+s6+$0xFFFFF900], $0xffff  }
0xcf: {  	v37 =	vld.idx.msk [tilespmem:v34+s6+$0xFFFFF900], $0xffff;
	_ =	sdelay $0x1  }
0xd0: {  	v38 =	vld.idx.msk [tilespmem:v36+s6+$0xFFFFF900], $0xffff;
	_ =	sdelay $0x1  }
0xd1: {  	v24 =	vld.idx.msk [tilespmem:v24+s6+$0xFFFFF900], $0xffff  }
0xd2: {  	v25 =	vmul.f32 v25, v18;
	v26 =	vmul.f32 v37, v19;
	_ =	sdelay $0x1  }
0xd3: {  	v39 =	vmul.f32 v38, v20;
	v25 =	vadd.f32 v26, v25;
	_ =	sdelay $0x1  }
0xd4: {  	v24 =	vmul.f32 v24, v21;
	v25 =	vadd.f32 v39, v25;
	_ =	sdelay $0x1  }
0xd5: {  	v24 =	vadd.f32 v24, v25;
	_ =	sdelay $0x1  }
0xd6: {  	(xrf2) =	vadd.scan.msk.f32 $0xffff, v24;
	_ =	sdelay $0x3  }
0xd7: {  	v40 =	vperm.xlane v23, v0  }
0xd8: {  	s12 =	sadd.s32 $0x6, s11  }
0xd9: {  	v41 =	vmov s12;
	v24 =	vshll.u32 v40, $0x6  }
0xda: {  	v42 =	vor.u32 v1, v24  }
0xdb: {  	v43 =	vor.u32 v2, v24;
	_ =	sdelay $0x1  }
0xdc: {  	v45 =	vor.u32 v3, v24;
	v44, _, _ =	vpop (xrf2)  }
0xdd: {  	[tilespmem:v41+s25+$0x0] =	vst.idx.msk vm0, v44  }
0xde: {  	v24 =	vor.u32 v4, v24;
	v25 =	vld.idx.msk [tilespmem:v42+s6+$0xFFFFF980], $0xffff  }
0xdf: {  	v46 =	vld.idx.msk [tilespmem:v43+s6+$0xFFFFF980], $0xffff;
	_ =	sdelay $0x1  }
0xe0: {  	v47 =	vld.idx.msk [tilespmem:v45+s6+$0xFFFFF980], $0xffff;
	_ =	sdelay $0x1  }
0xe1: {  	v24 =	vld.idx.msk [tilespmem:v24+s6+$0xFFFFF980], $0xffff  }
0xe2: {  	v25 =	vmul.f32 v25, v18;
	v26 =	vmul.f32 v46, v19;
	_ =	sdelay $0x1  }
0xe3: {  	v48 =	vmul.f32 v47, v20;
	v25 =	vadd.f32 v26, v25;
	_ =	sdelay $0x1  }
0xe4: {  	v24 =	vmul.f32 v24, v21;
	v25 =	vadd.f32 v48, v25;
	_ =	sdelay $0x1  }
0xe5: {  	v24 =	vadd.f32 v24, v25;
	_ =	sdelay $0x1  }
0xe6: {  	(xrf2) =	vadd.scan.msk.f32 $0xffff, v24;
	_ =	sdelay $0x3  }
0xe7: {  	v23 =	vperm.xlane v23, v11  }
0xe8: {  	s12 =	sadd.s32 $0x7, s11  }
0xe9: {  	v23 =	vshll.u32 v23, $0x6;
	v49 =	vmov s12  }
0xea: {  	v50 =	vor.u32 v1, v23  }
0xeb: {  	v51 =	vor.u32 v2, v23;
	_ =	sdelay $0x1  }
0xec: {  	v53 =	vor.u32 v3, v23;
	v52, _, _ =	vpop (xrf2)  }
0xed: {  	[tilespmem:v49+s25+$0x0] =	vst.idx.msk vm0, v52  }
0xee: {  	v23 =	vor.u32 v4, v23;
	v24 =	vld.idx.msk [tilespmem:v50+s6+$0xFFFFFA00], $0xffff  }
0xef: {  	v54 =	vld.idx.msk [tilespmem:v51+s6+$0xFFFFFA00], $0xffff;
	_ =	sdelay $0x1  }
0xf0: {  	v55 =	vld.idx.msk [tilespmem:v53+s6+$0xFFFFFA00], $0xffff;
	_ =	sdelay $0x1  }
0xf1: {  	v23 =	vld.idx.msk [tilespmem:v23+s6+$0xFFFFFA00], $0xffff  }
0xf2: {  	v24 =	vmul.f32 v24, v18;
	v25 =	vmul.f32 v54, v19;
	_ =	sdelay $0x1  }
0xf3: {  	v56 =	vmul.f32 v55, v20;
	v24 =	vadd.f32 v25, v24;
	_ =	sdelay $0x1  }
0xf4: {  	v23 =	vmul.f32 v23, v21;
	v24 =	vadd.f32 v56, v24;
	_ =	sdelay $0x1  }
0xf5: {  	v23 =	vadd.f32 v23, v24;
	_ =	sdelay $0x1  }
0xf6: {  	(xrf2) =	vadd.scan.msk.f32 $0xffff, v23;
	_ =	sdelay $0x3  }
0xf7: {  	v57 =	vperm.xlane v22, v5  }
0xf8: {  	s12 =	sadd.s32 $0x8, s11  }
0xf9: {  	v58 =	vmov s12;
	v23 =	vshll.u32 v57, $0x6  }
0xfa: {  	v59 =	vor.u32 v1, v23  }
0xfb: {  	v60 =	vor.u32 v2, v23;
	_ =	sdelay $0x1  }
0xfc: {  	v62 =	vor.u32 v3, v23;
	v61, _, _ =	vpop (xrf2)  }
0xfd: {  	[tilespmem:v58+s25+$0x0] =	vst.idx.msk vm0, v61  }
0xfe: {  	v23 =	vor.u32 v4, v23;
	v24 =	vld.idx.msk [tilespmem:v59+s6+$0xFFFFFA80], $0xffff  }
0xff: {  	v63 =	vld.idx.msk [tilespmem:v60+s6+$0xFFFFFA80], $0xffff;
	_ =	sdelay $0x1  }
0x100: {  	v29 =	vld.idx.msk [tilespmem:v62+s6+$0xFFFFFA80], $0xffff;
	_ =	sdelay $0x1  }
0x101: {  	v23 =	vld.idx.msk [tilespmem:v23+s6+$0xFFFFFA80], $0xffff  }
0x102: {  	v24 =	vmul.f32 v24, v18;
	v25 =	vmul.f32 v63, v19;
	_ =	sdelay $0x1  }
0x103: {  	v30 =	vmul.f32 v29, v20;
	v24 =	vadd.f32 v25, v24;
	_ =	sdelay $0x1  }
0x104: {  	v23 =	vmul.f32 v23, v21;
	v24 =	vadd.f32 v30, v24;
	_ =	sdelay $0x1  }
0x105: {  	v23 =	vadd.f32 v23, v24;
	_ =	sdelay $0x1  }
0x106: {  	(xrf2) =	vadd.scan.msk.f32 $0xffff, v23;
	_ =	sdelay $0x3  }
0x107: {  	v31 =	vperm.xlane v22, v6  }
0x108: {  	s12 =	sadd.s32 $0x9, s11  }
0x109: {  	v32 =	vmov s12;
	v23 =	vshll.u32 v31, $0x6  }
0x10a: {  	v33 =	vor.u32 v1, v23  }
0x10b: {  	v34 =	vor.u32 v2, v23;
	_ =	sdelay $0x1  }
0x10c: {  	v36 =	vor.u32 v3, v23;
	v35, _, _ =	vpop (xrf2)  }
0x10d: {  	[tilespmem:v32+s25+$0x0] =	vst.idx.msk vm0, v35  }
0x10e: {  	v23 =	vor.u32 v4, v23;
	v24 =	vld.idx.msk [tilespmem:v33+s6+$0xFFFFFB00], $0xffff  }
0x10f: {  	v37 =	vld.idx.msk [tilespmem:v34+s6+$0xFFFFFB00], $0xffff;
	_ =	sdelay $0x1  }
0x110: {  	v38 =	vld.idx.msk [tilespmem:v36+s6+$0xFFFFFB00], $0xffff;
	_ =	sdelay $0x1  }
0x111: {  	v23 =	vld.idx.msk [tilespmem:v23+s6+$0xFFFFFB00], $0xffff  }
0x112: {  	v24 =	vmul.f32 v24, v18;
	v25 =	vmul.f32 v37, v19;
	_ =	sdelay $0x1  }
0x113: {  	v39 =	vmul.f32 v38, v20;
	v24 =	vadd.f32 v25, v24;
	_ =	sdelay $0x1  }
0x114: {  	v23 =	vmul.f32 v23, v21;
	v24 =	vadd.f32 v39, v24;
	_ =	sdelay $0x1  }
0x115: {  	v23 =	vadd.f32 v23, v24;
	_ =	sdelay $0x1  }
0x116: {  	(xrf2) =	vadd.scan.msk.f32 $0xffff, v23;
	_ =	sdelay $0x3  }
0x117: {  	v40 =	vperm.xlane v22, v7  }
0x118: {  	s12 =	sadd.s32 $0xA, s11  }
0x119: {  	v41 =	vmov s12;
	v23 =	vshll.u32 v40, $0x6  }
0x11a: {  	v42 =	vor.u32 v1, v23  }
0x11b: {  	v43 =	vor.u32 v2, v23;
	_ =	sdelay $0x1  }
0x11c: {  	v45 =	vor.u32 v3, v23;
	v44, _, _ =	vpop (xrf2)  }
0x11d: {  	[tilespmem:v41+s25+$0x0] =	vst.idx.msk vm0, v44  }
0x11e: {  	v23 =	vor.u32 v4, v23;
	v24 =	vld.idx.msk [tilespmem:v42+s6+$0xFFFFFB80], $0xffff  }
0x11f: {  	v46 =	vld.idx.msk [tilespmem:v43+s6+$0xFFFFFB80], $0xffff;
	_ =	sdelay $0x1  }
0x120: {  	v47 =	vld.idx.msk [tilespmem:v45+s6+$0xFFFFFB80], $0xffff;
	_ =	sdelay $0x1  }
0x121: {  	v23 =	vld.idx.msk [tilespmem:v23+s6+$0xFFFFFB80], $0xffff  }
0x122: {  	v24 =	vmul.f32 v24, v18;
	v25 =	vmul.f32 v46, v19;
	_ =	sdelay $0x1  }
0x123: {  	v48 =	vmul.f32 v47, v20;
	v24 =	vadd.f32 v25, v24;
	_ =	sdelay $0x1  }
0x124: {  	v23 =	vmul.f32 v23, v21;
	v24 =	vadd.f32 v48, v24;
	_ =	sdelay $0x1  }
0x125: {  	v23 =	vadd.f32 v23, v24;
	_ =	sdelay $0x1  }
0x126: {  	(xrf2) =	vadd.scan.msk.f32 $0xffff, v23;
	_ =	sdelay $0x3  }
0x127: {  	v49 =	vperm.xlane v22, v8  }
0x128: {  	s12 =	sadd.s32 $0xB, s11  }
0x129: {  	v50 =	vmov s12;
	v23 =	vshll.u32 v49, $0x6  }
0x12a: {  	v51 =	vor.u32 v1, v23  }
0x12b: {  	v52 =	vor.u32 v2, v23;
	_ =	sdelay $0x1  }
0x12c: {  	v54 =	vor.u32 v3, v23;
	v53, _, _ =	vpop (xrf2)  }
0x12d: {  	[tilespmem:v50+s25+$0x0] =	vst.idx.msk vm0, v53  }
0x12e: {  	v23 =	vor.u32 v4, v23;
	v24 =	vld.idx.msk [tilespmem:v51+s6+$0xFFFFFC00], $0xffff  }
0x12f: {  	v55 =	vld.idx.msk [tilespmem:v52+s6+$0xFFFFFC00], $0xffff;
	_ =	sdelay $0x1  }
0x130: {  	v56 =	vld.idx.msk [tilespmem:v54+s6+$0xFFFFFC00], $0xffff;
	_ =	sdelay $0x1  }
0x131: {  	v23 =	vld.idx.msk [tilespmem:v23+s6+$0xFFFFFC00], $0xffff  }
0x132: {  	v24 =	vmul.f32 v24, v18;
	v25 =	vmul.f32 v55, v19;
	_ =	sdelay $0x1  }
0x133: {  	v57 =	vmul.f32 v56, v20;
	v24 =	vadd.f32 v25, v24;
	_ =	sdelay $0x1  }
0x134: {  	v23 =	vmul.f32 v23, v21;
	v24 =	vadd.f32 v57, v24;
	_ =	sdelay $0x1  }
0x135: {  	v23 =	vadd.f32 v23, v24;
	_ =	sdelay $0x1  }
0x136: {  	(xrf2) =	vadd.scan.msk.f32 $0xffff, v23;
	_ =	sdelay $0x3  }
0x137: {  	v58 =	vperm.xlane v22, v9  }
0x138: {  	s12 =	sadd.s32 $0xC, s11  }
0x139: {  	v59 =	vmov s12;
	v23 =	vshll.u32 v58, $0x6  }
0x13a: {  	v60 =	vor.u32 v1, v23  }
0x13b: {  	v61 =	vor.u32 v2, v23;
	_ =	sdelay $0x1  }
0x13c: {  	v63 =	vor.u32 v3, v23;
	v62, _, _ =	vpop (xrf2)  }
0x13d: {  	[tilespmem:v59+s25+$0x0] =	vst.idx.msk vm0, v62  }
0x13e: {  	v23 =	vor.u32 v4, v23;
	v24 =	vld.idx.msk [tilespmem:v60+s6+$0xFFFFFC80], $0xffff  }
0x13f: {  	v32 =	vld.idx.msk [tilespmem:v61+s6+$0xFFFFFC80], $0xffff;
	_ =	sdelay $0x1  }
0x140: {  	v33 =	vld.idx.msk [tilespmem:v63+s6+$0xFFFFFC80], $0xffff;
	_ =	sdelay $0x1  }
0x141: {  	v23 =	vld.idx.msk [tilespmem:v23+s6+$0xFFFFFC80], $0xffff  }
0x142: {  	v24 =	vmul.f32 v24, v18;
	v25 =	vmul.f32 v32, v19;
	_ =	sdelay $0x1  }
0x143: {  	v34 =	vmul.f32 v33, v20;
	v24 =	vadd.f32 v25, v24;
	_ =	sdelay $0x1  }
0x144: {  	v23 =	vmul.f32 v23, v21;
	v24 =	vadd.f32 v34, v24;
	_ =	sdelay $0x1  }
0x145: {  	v23 =	vadd.f32 v23, v24;
	_ =	sdelay $0x1  }
0x146: {  	(xrf2) =	vadd.scan.msk.f32 $0xffff, v23;
	_ =	sdelay $0x3  }
0x147: {  	v35 =	vperm.xlane v22, v10  }
0x148: {  	s12 =	sadd.s32 $0xD, s11  }
0x149: {  	v36 =	vmov s12;
	v23 =	vshll.u32 v35, $0x6  }
0x14a: {  	v37 =	vor.u32 v1, v23  }
0x14b: {  	v38 =	vor.u32 v2, v23;
	_ =	sdelay $0x1  }
0x14c: {  	v40 =	vor.u32 v3, v23;
	v39, _, _ =	vpop (xrf2)  }
0x14d: {  	[tilespmem:v36+s25+$0x0] =	vst.idx.msk vm0, v39  }
0x14e: {  	v23 =	vor.u32 v4, v23;
	v24 =	vld.idx.msk [tilespmem:v37+s6+$0xFFFFFD00], $0xffff  }
0x14f: {  	v41 =	vld.idx.msk [tilespmem:v38+s6+$0xFFFFFD00], $0xffff;
	_ =	sdelay $0x1  }
0x150: {  	v42 =	vld.idx.msk [tilespmem:v40+s6+$0xFFFFFD00], $0xffff;
	_ =	sdelay $0x1  }
0x151: {  	v23 =	vld.idx.msk [tilespmem:v23+s6+$0xFFFFFD00], $0xffff  }
0x152: {  	v24 =	vmul.f32 v24, v18;
	v25 =	vmul.f32 v41, v19;
	_ =	sdelay $0x1  }
0x153: {  	v43 =	vmul.f32 v42, v20;
	v24 =	vadd.f32 v25, v24;
	_ =	sdelay $0x1  }
0x154: {  	v23 =	vmul.f32 v23, v21;
	v24 =	vadd.f32 v43, v24;
	_ =	sdelay $0x1  }
0x155: {  	v23 =	vadd.f32 v23, v24;
	_ =	sdelay $0x1  }
0x156: {  	(xrf2) =	vadd.scan.msk.f32 $0xffff, v23;
	_ =	sdelay $0x3  }
0x157: {  	v44 =	vperm.xlane v22, v0  }
0x158: {  	s12 =	sadd.s32 $0xE, s11  }
0x159: {  	v45 =	vmov s12;
	v23 =	vshll.u32 v44, $0x6  }
0x15a: {  	v46 =	vor.u32 v1, v23  }
0x15b: {  	v47 =	vor.u32 v2, v23;
	_ =	sdelay $0x1  }
0x15c: {  	v49 =	vor.u32 v3, v23;
	v48, _, _ =	vpop (xrf2)  }
0x15d: {  	[tilespmem:v45+s25+$0x0] =	vst.idx.msk vm0, v48  }
0x15e: {  	v23 =	vor.u32 v4, v23;
	v24 =	vld.idx.msk [tilespmem:v46+s6+$0xFFFFFD80], $0xffff  }
0x15f: {  	v50 =	vld.idx.msk [tilespmem:v47+s6+$0xFFFFFD80], $0xffff;
	_ =	sdelay $0x1  }
0x160: {  	v51 =	vld.idx.msk [tilespmem:v49+s6+$0xFFFFFD80], $0xffff;
	_ =	sdelay $0x1  }
0x161: {  	v23 =	vld.idx.msk [tilespmem:v23+s6+$0xFFFFFD80], $0xffff  }
0x162: {  	v24 =	vmul.f32 v24, v18;
	v25 =	vmul.f32 v50, v19;
	_ =	sdelay $0x1  }
0x163: {  	v52 =	vmul.f32 v51, v20;
	v24 =	vadd.f32 v25, v24;
	_ =	sdelay $0x1  }
0x164: {  	v23 =	vmul.f32 v23, v21;
	v24 =	vadd.f32 v52, v24;
	_ =	sdelay $0x1  }
0x165: {  	v23 =	vadd.f32 v23, v24;
	_ =	sdelay $0x1  }
0x166: {  	(xrf2) =	vadd.scan.msk.f32 $0xffff, v23;
	_ =	sdelay $0x3  }
0x167: {  	v53 =	vperm.xlane v22, v11  }
0x168: {  	s12 =	sadd.s32 $0xF, s11  }
0x169: {  	v54 =	vmov s12;
	v23 =	vshll.u32 v53, $0x6  }
0x16a: {  	v55 =	vor.u32 v1, v23  }
0x16b: {  	v56 =	vor.u32 v2, v23;
	_ =	sdelay $0x1  }
0x16c: {  	v58 =	vor.u32 v3, v23;
	v57, _, _ =	vpop (xrf2)  }
0x16d: {  	[tilespmem:v54+s25+$0x0] =	vst.idx.msk vm0, v57  }
0x16e: {  	v23 =	vor.u32 v4, v23;
	v24 =	vld.idx.msk [tilespmem:v55+s6+$0xFFFFFE00], $0xffff  }
0x16f: {  	v59 =	vld.idx.msk [tilespmem:v56+s6+$0xFFFFFE00], $0xffff;
	_ =	sdelay $0x1  }
0x170: {  	v60 =	vld.idx.msk [tilespmem:v58+s6+$0xFFFFFE00], $0xffff;
	_ =	sdelay $0x1  }
0x171: {  	v23 =	vld.idx.msk [tilespmem:v23+s6+$0xFFFFFE00], $0xffff  }
0x172: {  	v24 =	vmul.f32 v24, v18;
	v25 =	vmul.f32 v59, v19;
	_ =	sdelay $0x1  }
0x173: {  	v61 =	vmul.f32 v60, v20;
	v24 =	vadd.f32 v25, v24;
	_ =	sdelay $0x1  }
0x174: {  	v23 =	vmul.f32 v23, v21;
	v24 =	vadd.f32 v61, v24;
	_ =	sdelay $0x1  }
0x175: {  	v23 =	vadd.f32 v23, v24;
	_ =	sdelay $0x1  }
0x176: {  	(xrf2) =	vadd.scan.msk.f32 $0xffff, v23;
	_ =	sdelay $0x3  }
0x177: {  	v62 =	vperm.xlane v22, v12  }
0x178: {  	s12 =	sadd.s32 $0x10, s11  }
0x179: {  	v63 =	vmov s12;
	v23 =	vshll.u32 v62, $0x6  }
0x17a: {  	v32 =	vor.u32 v1, v23  }
0x17b: {  	v33 =	vor.u32 v2, v23;
	_ =	sdelay $0x1  }
0x17c: {  	v35 =	vor.u32 v3, v23;
	v34, _, _ =	vpop (xrf2)  }
0x17d: {  	[tilespmem:v63+s25+$0x0] =	vst.idx.msk vm0, v34  }
0x17e: {  	v23 =	vor.u32 v4, v23;
	v24 =	vld.idx.msk [tilespmem:v32+s6+$0xFFFFFE80], $0xffff  }
0x17f: {  	v36 =	vld.idx.msk [tilespmem:v33+s6+$0xFFFFFE80], $0xffff;
	_ =	sdelay $0x1  }
0x180: {  	v37 =	vld.idx.msk [tilespmem:v35+s6+$0xFFFFFE80], $0xffff;
	_ =	sdelay $0x1  }
0x181: {  	v23 =	vld.idx.msk [tilespmem:v23+s6+$0xFFFFFE80], $0xffff  }
0x182: {  	v24 =	vmul.f32 v24, v18;
	v25 =	vmul.f32 v36, v19;
	_ =	sdelay $0x1  }
0x183: {  	v38 =	vmul.f32 v37, v20;
	v24 =	vadd.f32 v25, v24;
	_ =	sdelay $0x1  }
0x184: {  	v23 =	vmul.f32 v23, v21;
	v24 =	vadd.f32 v38, v24;
	_ =	sdelay $0x1  }
0x185: {  	v23 =	vadd.f32 v23, v24;
	_ =	sdelay $0x1  }
0x186: {  	(xrf2) =	vadd.scan.msk.f32 $0xffff, v23;
	_ =	sdelay $0x3  }
0x187: {  	v39 =	vperm.xlane v22, v13  }
0x188: {  	s12 =	sadd.s32 $0x11, s11  }
0x189: {  	v40 =	vmov s12;
	v23 =	vshll.u32 v39, $0x6  }
0x18a: {  	v41 =	vor.u32 v1, v23  }
0x18b: {  	v42 =	vor.u32 v2, v23;
	_ =	sdelay $0x1  }
0x18c: {  	v44 =	vor.u32 v3, v23;
	v43, _, _ =	vpop (xrf2)  }
0x18d: {  	[tilespmem:v40+s25+$0x0] =	vst.idx.msk vm0, v43  }
0x18e: {  	v23 =	vor.u32 v4, v23;
	v24 =	vld.idx.msk [tilespmem:v41+s6+$0xFFFFFF00], $0xffff  }
0x18f: {  	v45 =	vld.idx.msk [tilespmem:v42+s6+$0xFFFFFF00], $0xffff;
	_ =	sdelay $0x1  }
0x190: {  	v46 =	vld.idx.msk [tilespmem:v44+s6+$0xFFFFFF00], $0xffff;
	_ =	sdelay $0x1  }
0x191: {  	v23 =	vld.idx.msk [tilespmem:v23+s6+$0xFFFFFF00], $0xffff  }
0x192: {  	v24 =	vmul.f32 v24, v18;
	v25 =	vmul.f32 v45, v19;
	_ =	sdelay $0x1  }
0x193: {  	v47 =	vmul.f32 v46, v20;
	v24 =	vadd.f32 v25, v24;
	_ =	sdelay $0x1  }
0x194: {  	v23 =	vmul.f32 v23, v21;
	v24 =	vadd.f32 v47, v24;
	_ =	sdelay $0x1  }
0x195: {  	v23 =	vadd.f32 v23, v24;
	_ =	sdelay $0x1  }
0x196: {  	(xrf2) =	vadd.scan.msk.f32 $0xffff, v23;
	_ =	sdelay $0x3  }
0x197: {  	v48 =	vperm.xlane v22, v14  }
0x198: {  	s12 =	sadd.s32 $0x12, s11  }
0x199: {  	v49 =	vmov s12;
	v23 =	vshll.u32 v48, $0x6  }
0x19a: {  	v50 =	vor.u32 v1, v23  }
0x19b: {  	v51 =	vor.u32 v2, v23;
	_ =	sdelay $0x1  }
0x19c: {  	v53 =	vor.u32 v3, v23;
	v52, _, _ =	vpop (xrf2)  }
0x19d: {  	[tilespmem:v49+s25+$0x0] =	vst.idx.msk vm0, v52  }
0x19e: {  	v23 =	vor.u32 v4, v23;
	v24 =	vld.idx.msk [tilespmem:v50+s6+$0xFFFFFF80], $0xffff  }
0x19f: {  	v54 =	vld.idx.msk [tilespmem:v51+s6+$0xFFFFFF80], $0xffff;
	_ =	sdelay $0x1  }
0x1a0: {  	v55 =	vld.idx.msk [tilespmem:v53+s6+$0xFFFFFF80], $0xffff;
	_ =	sdelay $0x1  }
0x1a1: {  	v23 =	vld.idx.msk [tilespmem:v23+s6+$0xFFFFFF80], $0xffff  }
0x1a2: {  	v24 =	vmul.f32 v24, v18;
	v25 =	vmul.f32 v54, v19;
	_ =	sdelay $0x1  }
0x1a3: {  	v56 =	vmul.f32 v55, v20;
	v24 =	vadd.f32 v25, v24;
	_ =	sdelay $0x1  }
0x1a4: {  	v23 =	vmul.f32 v23, v21;
	v24 =	vadd.f32 v56, v24;
	_ =	sdelay $0x1  }
0x1a5: {  	v23 =	vadd.f32 v23, v24;
	_ =	sdelay $0x1  }
0x1a6: {  	(xrf2) =	vadd.scan.msk.f32 $0xffff, v23;
	_ =	sdelay $0x3  }
0x1a7: {  	v22 =	vperm.xlane v22, v15  }
0x1a8: {  	s12 =	sadd.s32 $0x13, s11  }
0x1a9: {  	v22 =	vshll.u32 v22, $0x6;
	v57 =	vmov s12  }
0x1aa: {  	v58 =	vor.u32 v1, v22  }
0x1ab: {  	v59 =	vor.u32 v2, v22;
	_ =	sdelay $0x1  }
0x1ac: {  	v61 =	vor.u32 v3, v22;
	v60, _, _ =	vpop (xrf2)  }
0x1ad: {  	[tilespmem:v57+s25+$0x0] =	vst.idx.msk vm0, v60  }
0x1ae: {  	v22 =	vor.u32 v4, v22;
	v23 =	vld.idx.msk [tilespmem:v58+s6+$0x0], $0xffff  }
0x1af: {  	v62 =	vld.idx.msk [tilespmem:v59+s6+$0x0], $0xffff;
	_ =	sdelay $0x1  }
0x1b0: {  	v63 =	vld.idx.msk [tilespmem:v61+s6+$0x0], $0xffff;
	_ =	sdelay $0x1  }
0x1b1: {  	v22 =	vld.idx.msk [tilespmem:v22+s6+$0x0], $0xffff  }
0x1b2: {  	v18 =	vmul.f32 v23, v18;
	v19 =	vmul.f32 v62, v19;
	_ =	sdelay $0x1  }
0x1b3: {  	v18 =	vadd.f32 v19, v18;
	v19 =	vmul.f32 v63, v20;
	_ =	sdelay $0x1  }
0x1b4: {  	v18 =	vadd.f32 v19, v18;
	v19 =	vmul.f32 v22, v21;
	_ =	sdelay $0x1  }
0x1b5: {  	v18 =	vadd.f32 v19, v18;
	_ =	sdelay $0x1  }
0x1b6: {  	(xrf2) =	vadd.scan.msk.f32 $0xffff, v18;
	_ =	sdelay $0x4  }
0x1b7: {  	s11 =	sadd.s32 $0x14, s11  }
0x1b8: {  	p0 =	sne.s32 s5, $0x13B;
	v18 =	vmov s11  }
.Ltmp0:
0x1b9: {  	_ = 	snop;
	(pc) =	sbr.rel @p0 .LBB2_3-.Ltmp0, $3  }
0x1ba: {  	_ =	sdelay $0x1  }
0x1bb: {  	s10 =	sadd.s32 $0x1, s10;
	s5 =	sadd.s32 $0x15, s5;
	s7 =	sadd.s32 $0x80, s7;
	v19, _, _ =	vpop (xrf2)  }
0x1bc: {  	s8 =	sadd.s32 $0x80, s8;
	s29 =	sadd.s32 $0x18, s29;
	s6 =	sadd.s32 $0xA00, s6;
	[tilespmem:v18+s25+$0x0] =	vst.idx.msk vm0, v19  }
0x1bd: {  	p0 =	seq.s32 s0, $0xF  }
0x1be: {  	s5 =	sadd.s32 @!p0 $0x2, s15;
	s7 =	simm.s32 @!p0 $0x10  }
0x1bf: {  	s8 =	simm.s32 @!p0 $0x6000;
	s6 =	sshll.u32 @!p0 s5, $0x4;
	s5 =	smul.u32 @!p0 $0x500, s5  }
0x1c0: {  	[tilespmem:s8], [sflag:$0x1] =	stream.indirect.gather @!p0 [hbm4b:s3+s7], $0x80, s6, s7, $0xb8;
	[tilespmem:$0x1EA00] =	vst v63  }
0x1c1: {  	s6 =	sadd.s32 @!p0 $0x200, s6;
	s8 =	simm.s32 @!p0 $0x7000;
	s5 =	sshra.s32 @!p0 s5, $0x2  }
0x1c2: {  	[tilespmem:s8], [sflag:$0x1] =	stream.indirect.gather @!p0 [hbm4b:s4+s7], $0x80, s6, s7, $0xb8;
	[tilespmem:$0x1EA00] =	vst v63  }
0x1c3: {  	s6 =	sadd.s32 @!p0 $0x400, s5;
	s7 =	simm.s32 @!p0 $0x40;
	s8 =	simm.s32 @!p0 $0x8000  }
0x1c4: {  	[tilespmem:s8], [sflag:$0x1] =	stream.indirect.gather @!p0 [hbm4b:s4+s7], $0x80, s6, s7, $0xb8;
	[tilespmem:$0x1EA00] =	vst v63  }
0x1c5: {  	s6 =	sadd.s32 @!p0 $0x440, s5;
	s8 =	simm.s32 @!p0 $0xA000  }
0x1c6: {  	[tilespmem:s8], [sflag:$0x1] =	stream.indirect.gather @!p0 [hbm4b:s4+s7], $0x80, s6, s7, $0xb8;
	[tilespmem:$0x1EA00] =	vst v63  }
0x1c7: {  	s6 =	sadd.s32 @!p0 $0x480, s5;
	s8 =	simm.s32 @!p0 $0xC000  }
0x1c8: {  	[tilespmem:s8], [sflag:$0x1] =	stream.indirect.gather @!p0 [hbm4b:s4+s7], $0x80, s6, s7, $0xb8;
	[tilespmem:$0x1EA00] =	vst v63  }
0x1c9: {  	s6 =	sadd.s32 @!p0 $0x4C0, s5;
	s8 =	simm.s32 @!p0 $0xE000  }
0x1ca: {  	[tilespmem:s8], [sflag:$0x1] =	stream.indirect.gather @!p0 [hbm4b:s4+s7], $0x80, s6, s7, $0xb8;
	[tilespmem:$0x1EA00] =	vst v63  }
0x1cb: {  	s5 =	sadd.s32 @!p0 $0x500, s5;
	s6 =	simm.s32 @!p0 $0x10000  }
0x1cc: {  	[tilespmem:s6], [sflag:$0x1] =	stream.indirect.gather @!p0 [hbm4b:s4+s7], $0x80, s5, s7, $0xb8;
	[tilespmem:$0x1EA00] =	vst v63  }
0x1cd: {  	_ =	swait.ge [sflag:s26], $0x800  }
0x1ce: {  	[sflag:s26] =	ssyncset.done $0x0  }
0x1cf: {  	[sflag:s26] =	ssyncadd.s32 $0xFFFFF800  }
0x1d0: {  	_ =	swait.ge [sflag:s26], $0x800  }
0x1d1: {  	[sflag:s26] =	ssyncset.done $0x0  }
0x1d2: {  	[sflag:s26] =	ssyncadd.s32 $0xFFFFF800  }
0x1d3: {  	_ =	swait.ge [sflag:s26], $0x2000  }
0x1d4: {  	[sflag:s26] =	ssyncset.done $0x0  }
0x1d5: {  	[sflag:s26] =	ssyncadd.s32 $0xFFFFE000  }
0x1d6: {  	_ =	swait.ge [sflag:s26], $0x2000  }
0x1d7: {  	[sflag:s26] =	ssyncset.done $0x0  }
0x1d8: {  	[sflag:s26] =	ssyncadd.s32 $0xFFFFE000  }
0x1d9: {  	_ =	swait.ge [sflag:s26], $0x2000  }
0x1da: {  	[sflag:s26] =	ssyncset.done $0x0  }
0x1db: {  	[sflag:s26] =	ssyncadd.s32 $0xFFFFE000  }
0x1dc: {  	_ =	swait.ge [sflag:s26], $0x2000  }
0x1dd: {  	[sflag:s26] =	ssyncset.done $0x0  }
0x1de: {  	[sflag:s26] =	ssyncadd.s32 $0xFFFFE000  }
0x1df: {  	_ =	swait.ge [sflag:s26], $0x2000  }
0x1e0: {  	[sflag:s26] =	ssyncset.done $0x0  }
0x1e1: {  	[sflag:s26] =	ssyncadd.s32 $0xFFFFE000  }
0x1e2: {  	v16 =	vld [tilespmem:s14+$0x2C00];
	_ =	sdelay $0x1  }
0x1e3: {  	s15 =	simm.s32 $0x0;
	s8 =	smov.u32 s30;
	s5 =	simm.s32 $0x12980;
	v17 =	vld [tilespmem:s14+$0x2E00]  }
0x1e4: {  	s6 =	simm.s32 $0x6800;
	s7 =	simm.s32 $0x7800;
	s14 =	simm.s32 $0x0  }
.LBB2_5:
0x1e5: {  	v18 =	vmov s14  }
0x1e6: {  	v19 =	vperm.xlane v16, v18;
	_ =	sdelay $0x1  }
0x1e7: {  	v18 =	vperm.xlane v17, v18;
	v20 =	vshll.u32 v19, $0x6  }
0x1e8: {  	v19 =	vor.u32 v1, v20  }
0x1e9: {  	v22 =	vshll.u32 v18, $0x6;
	v21 =	vor.u32 v2, v20  }
0x1ea: {  	v23 =	vor.u32 v1, v22  }
0x1eb: {  	v24 =	vor.u32 v2, v22  }
0x1ec: {  	v25 =	vor.u32 v3, v20  }
0x1ed: {  	v26 =	vor.u32 v3, v22;
	v18 =	vld.idx.msk [tilespmem:v19+s6+$0x0], $0xffff  }
0x1ee: {  	v51 =	vor.u32 v4, v20;
	v19 =	vld.idx.msk [tilespmem:v21+s6+$0x0], $0xffff  }
0x1ef: {  	v22 =	vor.u32 v4, v22;
	v23 =	vld.idx.msk [tilespmem:v23+s7+$0x0], $0xffff  }
0x1f0: {  	v24 =	vld.idx.msk [tilespmem:v24+s7+$0x0], $0xffff  }
0x1f1: {  	v20 =	vld.idx.msk [tilespmem:v25+s6+$0x0], $0xffff  }
0x1f2: {  	v52 =	vld.idx.msk [tilespmem:v26+s7+$0x0], $0xffff  }
0x1f3: {  	v21 =	vld.idx.msk [tilespmem:v51+s6+$0x0], $0xffff  }
0x1f4: {  	v22 =	vld.idx.msk [tilespmem:v22+s7+$0x0], $0xffff  }
0x1f5: {  	v23 =	vmul.f32 v23, v18;
	v24 =	vmul.f32 v24, v19;
	_ =	sdelay $0x1  }
0x1f6: {  	v53 =	vmul.f32 v52, v20;
	v23 =	vadd.f32 v24, v23;
	_ =	sdelay $0x1  }
0x1f7: {  	v22 =	vmul.f32 v22, v21;
	v23 =	vadd.f32 v53, v23;
	_ =	sdelay $0x1  }
0x1f8: {  	v22 =	vadd.f32 v22, v23  }
0x1f9: {  	v23 =	vld [tilespmem:s8+$0xFFFFFFF8]  }
0x1fa: {  	(xrf2) =	vadd.scan.msk.f32 $0xffff, v22;
	_ =	sdelay $0x3  }
0x1fb: {  	s10 =	sadd.s32 s15, s31;
	v54 =	vperm.xlane v23, v5  }
0x1fc: {  	s11 =	sadd.s32 $0x150, s10  }
0x1fd: {  	v55 =	vmov s11;
	v56 =	vshll.u32 v54, $0x6  }
0x1fe: {  	v57 =	vor.u32 v1, v56  }
0x1ff: {  	v27 =	vor.u32 v2, v56;
	_ =	sdelay $0x1  }
0x200: {  	v29 =	vor.u32 v3, v56;
	v28, _, _ =	vpop (xrf2)  }
0x201: {  	v22 =	vld [tilespmem:s8+$0x0];
	[tilespmem:v55+s25+$0x0] =	vst.idx.msk vm0, v28  }
0x202: {  	v25 =	vor.u32 v4, v56;
	v24 =	vld.idx.msk [tilespmem:v57+s5+$0xFFFFF680], $0xffff  }
0x203: {  	v58 =	vld.idx.msk [tilespmem:v27+s5+$0xFFFFF680], $0xffff;
	_ =	sdelay $0x1  }
0x204: {  	v59 =	vld.idx.msk [tilespmem:v29+s5+$0xFFFFF680], $0xffff;
	_ =	sdelay $0x1  }
0x205: {  	v25 =	vld.idx.msk [tilespmem:v25+s5+$0xFFFFF680], $0xffff  }
0x206: {  	v24 =	vmul.f32 v24, v18;
	v26 =	vmul.f32 v58, v19;
	_ =	sdelay $0x1  }
0x207: {  	v60 =	vmul.f32 v59, v20;
	v24 =	vadd.f32 v26, v24;
	_ =	sdelay $0x1  }
0x208: {  	v25 =	vmul.f32 v25, v21;
	v24 =	vadd.f32 v60, v24;
	_ =	sdelay $0x1  }
0x209: {  	v24 =	vadd.f32 v25, v24;
	_ =	sdelay $0x1  }
0x20a: {  	(xrf2) =	vadd.scan.msk.f32 $0xffff, v24;
	_ =	sdelay $0x3  }
0x20b: {  	v61 =	vperm.xlane v23, v6  }
0x20c: {  	s29 =	sadd.s32 $0x151, s10  }
0x20d: {  	v62 =	vmov s29;
	v24 =	vshll.u32 v61, $0x6  }
0x20e: {  	v63 =	vor.u32 v1, v24  }
0x20f: {  	v32 =	vor.u32 v2, v24;
	_ =	sdelay $0x1  }
0x210: {  	v34 =	vor.u32 v3, v24;
	v33, _, _ =	vpop (xrf2)  }
0x211: {  	[tilespmem:v62+s25+$0x0] =	vst.idx.msk vm0, v33  }
0x212: {  	v24 =	vor.u32 v4, v24;
	v25 =	vld.idx.msk [tilespmem:v63+s5+$0xFFFFF700], $0xffff  }
0x213: {  	v35 =	vld.idx.msk [tilespmem:v32+s5+$0xFFFFF700], $0xffff;
	_ =	sdelay $0x1  }
0x214: {  	v36 =	vld.idx.msk [tilespmem:v34+s5+$0xFFFFF700], $0xffff;
	_ =	sdelay $0x1  }
0x215: {  	v24 =	vld.idx.msk [tilespmem:v24+s5+$0xFFFFF700], $0xffff  }
0x216: {  	v25 =	vmul.f32 v25, v18;
	v26 =	vmul.f32 v35, v19;
	_ =	sdelay $0x1  }
0x217: {  	v37 =	vmul.f32 v36, v20;
	v25 =	vadd.f32 v26, v25;
	_ =	sdelay $0x1  }
0x218: {  	v24 =	vmul.f32 v24, v21;
	v25 =	vadd.f32 v37, v25;
	_ =	sdelay $0x1  }
0x219: {  	v24 =	vadd.f32 v24, v25;
	_ =	sdelay $0x1  }
0x21a: {  	(xrf2) =	vadd.scan.msk.f32 $0xffff, v24;
	_ =	sdelay $0x3  }
0x21b: {  	v38 =	vperm.xlane v23, v7  }
0x21c: {  	s12 =	sadd.s32 $0x152, s10  }
0x21d: {  	v39 =	vmov s12;
	v24 =	vshll.u32 v38, $0x6  }
0x21e: {  	v40 =	vor.u32 v1, v24  }
0x21f: {  	v41 =	vor.u32 v2, v24;
	_ =	sdelay $0x1  }
0x220: {  	v43 =	vor.u32 v3, v24;
	v42, _, _ =	vpop (xrf2)  }
0x221: {  	[tilespmem:v39+s25+$0x0] =	vst.idx.msk vm0, v42  }
0x222: {  	v24 =	vor.u32 v4, v24;
	v25 =	vld.idx.msk [tilespmem:v40+s5+$0xFFFFF780], $0xffff  }
0x223: {  	v44 =	vld.idx.msk [tilespmem:v41+s5+$0xFFFFF780], $0xffff;
	_ =	sdelay $0x1  }
0x224: {  	v45 =	vld.idx.msk [tilespmem:v43+s5+$0xFFFFF780], $0xffff;
	_ =	sdelay $0x1  }
0x225: {  	v24 =	vld.idx.msk [tilespmem:v24+s5+$0xFFFFF780], $0xffff  }
0x226: {  	v25 =	vmul.f32 v25, v18;
	v26 =	vmul.f32 v44, v19;
	_ =	sdelay $0x1  }
0x227: {  	v46 =	vmul.f32 v45, v20;
	v25 =	vadd.f32 v26, v25;
	_ =	sdelay $0x1  }
0x228: {  	v24 =	vmul.f32 v24, v21;
	v25 =	vadd.f32 v46, v25;
	_ =	sdelay $0x1  }
0x229: {  	v24 =	vadd.f32 v24, v25;
	_ =	sdelay $0x1  }
0x22a: {  	(xrf2) =	vadd.scan.msk.f32 $0xffff, v24;
	_ =	sdelay $0x3  }
0x22b: {  	v47 =	vperm.xlane v23, v8  }
0x22c: {  	s29 =	sadd.s32 $0x153, s10  }
0x22d: {  	v48 =	vmov s29;
	v24 =	vshll.u32 v47, $0x6  }
0x22e: {  	v49 =	vor.u32 v1, v24  }
0x22f: {  	v50 =	vor.u32 v2, v24;
	_ =	sdelay $0x1  }
0x230: {  	v52 =	vor.u32 v3, v24;
	v51, _, _ =	vpop (xrf2)  }
0x231: {  	[tilespmem:v48+s25+$0x0] =	vst.idx.msk vm0, v51  }
0x232: {  	v24 =	vor.u32 v4, v24;
	v25 =	vld.idx.msk [tilespmem:v49+s5+$0xFFFFF800], $0xffff  }
0x233: {  	v53 =	vld.idx.msk [tilespmem:v50+s5+$0xFFFFF800], $0xffff;
	_ =	sdelay $0x1  }
0x234: {  	v54 =	vld.idx.msk [tilespmem:v52+s5+$0xFFFFF800], $0xffff;
	_ =	sdelay $0x1  }
0x235: {  	v24 =	vld.idx.msk [tilespmem:v24+s5+$0xFFFFF800], $0xffff  }
0x236: {  	v25 =	vmul.f32 v25, v18;
	v26 =	vmul.f32 v53, v19;
	_ =	sdelay $0x1  }
0x237: {  	v55 =	vmul.f32 v54, v20;
	v25 =	vadd.f32 v26, v25;
	_ =	sdelay $0x1  }
0x238: {  	v24 =	vmul.f32 v24, v21;
	v25 =	vadd.f32 v55, v25;
	_ =	sdelay $0x1  }
0x239: {  	v24 =	vadd.f32 v24, v25;
	_ =	sdelay $0x1  }
0x23a: {  	(xrf2) =	vadd.scan.msk.f32 $0xffff, v24;
	_ =	sdelay $0x3  }
0x23b: {  	v56 =	vperm.xlane v23, v9  }
0x23c: {  	s12 =	sadd.s32 $0x154, s10  }
0x23d: {  	v57 =	vmov s12;
	v24 =	vshll.u32 v56, $0x6  }
0x23e: {  	v58 =	vor.u32 v1, v24  }
0x23f: {  	v59 =	vor.u32 v2, v24;
	_ =	sdelay $0x1  }
0x240: {  	v61 =	vor.u32 v3, v24;
	v60, _, _ =	vpop (xrf2)  }
0x241: {  	[tilespmem:v57+s25+$0x0] =	vst.idx.msk vm0, v60  }
0x242: {  	v24 =	vor.u32 v4, v24;
	v25 =	vld.idx.msk [tilespmem:v58+s5+$0xFFFFF880], $0xffff  }
0x243: {  	v62 =	vld.idx.msk [tilespmem:v59+s5+$0xFFFFF880], $0xffff;
	_ =	sdelay $0x1  }
0x244: {  	v63 =	vld.idx.msk [tilespmem:v61+s5+$0xFFFFF880], $0xffff;
	_ =	sdelay $0x1  }
0x245: {  	v24 =	vld.idx.msk [tilespmem:v24+s5+$0xFFFFF880], $0xffff  }
0x246: {  	v25 =	vmul.f32 v25, v18;
	v26 =	vmul.f32 v62, v19;
	_ =	sdelay $0x1  }
0x247: {  	v30 =	vmul.f32 v63, v20;
	v25 =	vadd.f32 v26, v25;
	_ =	sdelay $0x1  }
0x248: {  	v24 =	vmul.f32 v24, v21;
	v25 =	vadd.f32 v30, v25;
	_ =	sdelay $0x1  }
0x249: {  	v24 =	vadd.f32 v24, v25;
	_ =	sdelay $0x1  }
0x24a: {  	(xrf2) =	vadd.scan.msk.f32 $0xffff, v24;
	_ =	sdelay $0x3  }
0x24b: {  	v31 =	vperm.xlane v23, v10  }
0x24c: {  	s29 =	sadd.s32 $0x155, s10  }
0x24d: {  	v32 =	vmov s29;
	v24 =	vshll.u32 v31, $0x6  }
0x24e: {  	v33 =	vor.u32 v1, v24  }
0x24f: {  	v34 =	vor.u32 v2, v24;
	_ =	sdelay $0x1  }
0x250: {  	v36 =	vor.u32 v3, v24;
	v35, _, _ =	vpop (xrf2)  }
0x251: {  	[tilespmem:v32+s25+$0x0] =	vst.idx.msk vm0, v35  }
0x252: {  	v24 =	vor.u32 v4, v24;
	v25 =	vld.idx.msk [tilespmem:v33+s5+$0xFFFFF900], $0xffff  }
0x253: {  	v37 =	vld.idx.msk [tilespmem:v34+s5+$0xFFFFF900], $0xffff;
	_ =	sdelay $0x1  }
0x254: {  	v38 =	vld.idx.msk [tilespmem:v36+s5+$0xFFFFF900], $0xffff;
	_ =	sdelay $0x1  }
0x255: {  	v24 =	vld.idx.msk [tilespmem:v24+s5+$0xFFFFF900], $0xffff  }
0x256: {  	v25 =	vmul.f32 v25, v18;
	v26 =	vmul.f32 v37, v19;
	_ =	sdelay $0x1  }
0x257: {  	v39 =	vmul.f32 v38, v20;
	v25 =	vadd.f32 v26, v25;
	_ =	sdelay $0x1  }
0x258: {  	v24 =	vmul.f32 v24, v21;
	v25 =	vadd.f32 v39, v25;
	_ =	sdelay $0x1  }
0x259: {  	v24 =	vadd.f32 v24, v25;
	_ =	sdelay $0x1  }
0x25a: {  	(xrf2) =	vadd.scan.msk.f32 $0xffff, v24;
	_ =	sdelay $0x3  }
0x25b: {  	v40 =	vperm.xlane v23, v0  }
0x25c: {  	s12 =	sadd.s32 $0x156, s10  }
0x25d: {  	v41 =	vmov s12;
	v24 =	vshll.u32 v40, $0x6  }
0x25e: {  	v42 =	vor.u32 v1, v24  }
0x25f: {  	v43 =	vor.u32 v2, v24;
	_ =	sdelay $0x1  }
0x260: {  	v45 =	vor.u32 v3, v24;
	v44, _, _ =	vpop (xrf2)  }
0x261: {  	[tilespmem:v41+s25+$0x0] =	vst.idx.msk vm0, v44  }
0x262: {  	v24 =	vor.u32 v4, v24;
	v25 =	vld.idx.msk [tilespmem:v42+s5+$0xFFFFF980], $0xffff  }
0x263: {  	v46 =	vld.idx.msk [tilespmem:v43+s5+$0xFFFFF980], $0xffff;
	_ =	sdelay $0x1  }
0x264: {  	v47 =	vld.idx.msk [tilespmem:v45+s5+$0xFFFFF980], $0xffff;
	_ =	sdelay $0x1  }
0x265: {  	v24 =	vld.idx.msk [tilespmem:v24+s5+$0xFFFFF980], $0xffff  }
0x266: {  	v25 =	vmul.f32 v25, v18;
	v26 =	vmul.f32 v46, v19;
	_ =	sdelay $0x1  }
0x267: {  	v48 =	vmul.f32 v47, v20;
	v25 =	vadd.f32 v26, v25;
	_ =	sdelay $0x1  }
0x268: {  	v24 =	vmul.f32 v24, v21;
	v25 =	vadd.f32 v48, v25;
	_ =	sdelay $0x1  }
0x269: {  	v24 =	vadd.f32 v24, v25;
	_ =	sdelay $0x1  }
0x26a: {  	(xrf2) =	vadd.scan.msk.f32 $0xffff, v24;
	_ =	sdelay $0x3  }
0x26b: {  	v23 =	vperm.xlane v23, v11  }
0x26c: {  	s29 =	sadd.s32 $0x157, s10  }
0x26d: {  	v23 =	vshll.u32 v23, $0x6;
	v49 =	vmov s29  }
0x26e: {  	v50 =	vor.u32 v1, v23  }
0x26f: {  	v51 =	vor.u32 v2, v23;
	_ =	sdelay $0x1  }
0x270: {  	v53 =	vor.u32 v3, v23;
	v52, _, _ =	vpop (xrf2)  }
0x271: {  	[tilespmem:v49+s25+$0x0] =	vst.idx.msk vm0, v52  }
0x272: {  	v23 =	vor.u32 v4, v23;
	v24 =	vld.idx.msk [tilespmem:v50+s5+$0xFFFFFA00], $0xffff  }
0x273: {  	v54 =	vld.idx.msk [tilespmem:v51+s5+$0xFFFFFA00], $0xffff;
	_ =	sdelay $0x1  }
0x274: {  	v55 =	vld.idx.msk [tilespmem:v53+s5+$0xFFFFFA00], $0xffff;
	_ =	sdelay $0x1  }
0x275: {  	v23 =	vld.idx.msk [tilespmem:v23+s5+$0xFFFFFA00], $0xffff  }
0x276: {  	v24 =	vmul.f32 v24, v18;
	v25 =	vmul.f32 v54, v19;
	_ =	sdelay $0x1  }
0x277: {  	v56 =	vmul.f32 v55, v20;
	v24 =	vadd.f32 v25, v24;
	_ =	sdelay $0x1  }
0x278: {  	v23 =	vmul.f32 v23, v21;
	v24 =	vadd.f32 v56, v24;
	_ =	sdelay $0x1  }
0x279: {  	v23 =	vadd.f32 v23, v24;
	_ =	sdelay $0x1  }
0x27a: {  	(xrf2) =	vadd.scan.msk.f32 $0xffff, v23;
	_ =	sdelay $0x3  }
0x27b: {  	v57 =	vperm.xlane v22, v5  }
0x27c: {  	s12 =	sadd.s32 $0x158, s10  }
0x27d: {  	v58 =	vmov s12;
	v23 =	vshll.u32 v57, $0x6  }
0x27e: {  	v59 =	vor.u32 v1, v23  }
0x27f: {  	v60 =	vor.u32 v2, v23;
	_ =	sdelay $0x1  }
0x280: {  	v62 =	vor.u32 v3, v23;
	v61, _, _ =	vpop (xrf2)  }
0x281: {  	[tilespmem:v58+s25+$0x0] =	vst.idx.msk vm0, v61  }
0x282: {  	v23 =	vor.u32 v4, v23;
	v24 =	vld.idx.msk [tilespmem:v59+s5+$0xFFFFFA80], $0xffff  }
0x283: {  	v63 =	vld.idx.msk [tilespmem:v60+s5+$0xFFFFFA80], $0xffff;
	_ =	sdelay $0x1  }
0x284: {  	v29 =	vld.idx.msk [tilespmem:v62+s5+$0xFFFFFA80], $0xffff;
	_ =	sdelay $0x1  }
0x285: {  	v23 =	vld.idx.msk [tilespmem:v23+s5+$0xFFFFFA80], $0xffff  }
0x286: {  	v24 =	vmul.f32 v24, v18;
	v25 =	vmul.f32 v63, v19;
	_ =	sdelay $0x1  }
0x287: {  	v30 =	vmul.f32 v29, v20;
	v24 =	vadd.f32 v25, v24;
	_ =	sdelay $0x1  }
0x288: {  	v23 =	vmul.f32 v23, v21;
	v24 =	vadd.f32 v30, v24;
	_ =	sdelay $0x1  }
0x289: {  	v23 =	vadd.f32 v23, v24;
	_ =	sdelay $0x1  }
0x28a: {  	(xrf2) =	vadd.scan.msk.f32 $0xffff, v23;
	_ =	sdelay $0x3  }
0x28b: {  	v31 =	vperm.xlane v22, v6  }
0x28c: {  	s29 =	sadd.s32 $0x159, s10  }
0x28d: {  	v32 =	vmov s29;
	v23 =	vshll.u32 v31, $0x6  }
0x28e: {  	v33 =	vor.u32 v1, v23  }
0x28f: {  	v34 =	vor.u32 v2, v23;
	_ =	sdelay $0x1  }
0x290: {  	v36 =	vor.u32 v3, v23;
	v35, _, _ =	vpop (xrf2)  }
0x291: {  	[tilespmem:v32+s25+$0x0] =	vst.idx.msk vm0, v35  }
0x292: {  	v23 =	vor.u32 v4, v23;
	v24 =	vld.idx.msk [tilespmem:v33+s5+$0xFFFFFB00], $0xffff  }
0x293: {  	v37 =	vld.idx.msk [tilespmem:v34+s5+$0xFFFFFB00], $0xffff;
	_ =	sdelay $0x1  }
0x294: {  	v38 =	vld.idx.msk [tilespmem:v36+s5+$0xFFFFFB00], $0xffff;
	_ =	sdelay $0x1  }
0x295: {  	v23 =	vld.idx.msk [tilespmem:v23+s5+$0xFFFFFB00], $0xffff  }
0x296: {  	v24 =	vmul.f32 v24, v18;
	v25 =	vmul.f32 v37, v19;
	_ =	sdelay $0x1  }
0x297: {  	v39 =	vmul.f32 v38, v20;
	v24 =	vadd.f32 v25, v24;
	_ =	sdelay $0x1  }
0x298: {  	v23 =	vmul.f32 v23, v21;
	v24 =	vadd.f32 v39, v24;
	_ =	sdelay $0x1  }
0x299: {  	v23 =	vadd.f32 v23, v24;
	_ =	sdelay $0x1  }
0x29a: {  	(xrf2) =	vadd.scan.msk.f32 $0xffff, v23;
	_ =	sdelay $0x3  }
0x29b: {  	v40 =	vperm.xlane v22, v7  }
0x29c: {  	s12 =	sadd.s32 $0x15A, s10  }
0x29d: {  	v41 =	vmov s12;
	v23 =	vshll.u32 v40, $0x6  }
0x29e: {  	v42 =	vor.u32 v1, v23  }
0x29f: {  	v43 =	vor.u32 v2, v23;
	_ =	sdelay $0x1  }
0x2a0: {  	v45 =	vor.u32 v3, v23;
	v44, _, _ =	vpop (xrf2)  }
0x2a1: {  	[tilespmem:v41+s25+$0x0] =	vst.idx.msk vm0, v44  }
0x2a2: {  	v23 =	vor.u32 v4, v23;
	v24 =	vld.idx.msk [tilespmem:v42+s5+$0xFFFFFB80], $0xffff  }
0x2a3: {  	v46 =	vld.idx.msk [tilespmem:v43+s5+$0xFFFFFB80], $0xffff;
	_ =	sdelay $0x1  }
0x2a4: {  	v47 =	vld.idx.msk [tilespmem:v45+s5+$0xFFFFFB80], $0xffff;
	_ =	sdelay $0x1  }
0x2a5: {  	v23 =	vld.idx.msk [tilespmem:v23+s5+$0xFFFFFB80], $0xffff  }
0x2a6: {  	v24 =	vmul.f32 v24, v18;
	v25 =	vmul.f32 v46, v19;
	_ =	sdelay $0x1  }
0x2a7: {  	v48 =	vmul.f32 v47, v20;
	v24 =	vadd.f32 v25, v24;
	_ =	sdelay $0x1  }
0x2a8: {  	v23 =	vmul.f32 v23, v21;
	v24 =	vadd.f32 v48, v24;
	_ =	sdelay $0x1  }
0x2a9: {  	v23 =	vadd.f32 v23, v24;
	_ =	sdelay $0x1  }
0x2aa: {  	(xrf2) =	vadd.scan.msk.f32 $0xffff, v23;
	_ =	sdelay $0x3  }
0x2ab: {  	v49 =	vperm.xlane v22, v8  }
0x2ac: {  	s29 =	sadd.s32 $0x15B, s10  }
0x2ad: {  	v50 =	vmov s29;
	v23 =	vshll.u32 v49, $0x6  }
0x2ae: {  	v51 =	vor.u32 v1, v23  }
0x2af: {  	v52 =	vor.u32 v2, v23;
	_ =	sdelay $0x1  }
0x2b0: {  	v54 =	vor.u32 v3, v23;
	v53, _, _ =	vpop (xrf2)  }
0x2b1: {  	[tilespmem:v50+s25+$0x0] =	vst.idx.msk vm0, v53  }
0x2b2: {  	v23 =	vor.u32 v4, v23;
	v24 =	vld.idx.msk [tilespmem:v51+s5+$0xFFFFFC00], $0xffff  }
0x2b3: {  	v55 =	vld.idx.msk [tilespmem:v52+s5+$0xFFFFFC00], $0xffff;
	_ =	sdelay $0x1  }
0x2b4: {  	v56 =	vld.idx.msk [tilespmem:v54+s5+$0xFFFFFC00], $0xffff;
	_ =	sdelay $0x1  }
0x2b5: {  	v23 =	vld.idx.msk [tilespmem:v23+s5+$0xFFFFFC00], $0xffff  }
0x2b6: {  	v24 =	vmul.f32 v24, v18;
	v25 =	vmul.f32 v55, v19;
	_ =	sdelay $0x1  }
0x2b7: {  	v57 =	vmul.f32 v56, v20;
	v24 =	vadd.f32 v25, v24;
	_ =	sdelay $0x1  }
0x2b8: {  	v23 =	vmul.f32 v23, v21;
	v24 =	vadd.f32 v57, v24;
	_ =	sdelay $0x1  }
0x2b9: {  	v23 =	vadd.f32 v23, v24;
	_ =	sdelay $0x1  }
0x2ba: {  	(xrf2) =	vadd.scan.msk.f32 $0xffff, v23;
	_ =	sdelay $0x3  }
0x2bb: {  	v58 =	vperm.xlane v22, v9  }
0x2bc: {  	s12 =	sadd.s32 $0x15C, s10  }
0x2bd: {  	v59 =	vmov s12;
	v23 =	vshll.u32 v58, $0x6  }
0x2be: {  	v60 =	vor.u32 v1, v23  }
0x2bf: {  	v61 =	vor.u32 v2, v23;
	_ =	sdelay $0x1  }
0x2c0: {  	v63 =	vor.u32 v3, v23;
	v62, _, _ =	vpop (xrf2)  }
0x2c1: {  	[tilespmem:v59+s25+$0x0] =	vst.idx.msk vm0, v62  }
0x2c2: {  	v23 =	vor.u32 v4, v23;
	v24 =	vld.idx.msk [tilespmem:v60+s5+$0xFFFFFC80], $0xffff  }
0x2c3: {  	v32 =	vld.idx.msk [tilespmem:v61+s5+$0xFFFFFC80], $0xffff;
	_ =	sdelay $0x1  }
0x2c4: {  	v33 =	vld.idx.msk [tilespmem:v63+s5+$0xFFFFFC80], $0xffff;
	_ =	sdelay $0x1  }
0x2c5: {  	v23 =	vld.idx.msk [tilespmem:v23+s5+$0xFFFFFC80], $0xffff  }
0x2c6: {  	v24 =	vmul.f32 v24, v18;
	v25 =	vmul.f32 v32, v19;
	_ =	sdelay $0x1  }
0x2c7: {  	v34 =	vmul.f32 v33, v20;
	v24 =	vadd.f32 v25, v24;
	_ =	sdelay $0x1  }
0x2c8: {  	v23 =	vmul.f32 v23, v21;
	v24 =	vadd.f32 v34, v24;
	_ =	sdelay $0x1  }
0x2c9: {  	v23 =	vadd.f32 v23, v24;
	_ =	sdelay $0x1  }
0x2ca: {  	(xrf2) =	vadd.scan.msk.f32 $0xffff, v23;
	_ =	sdelay $0x3  }
0x2cb: {  	v35 =	vperm.xlane v22, v10  }
0x2cc: {  	s29 =	sadd.s32 $0x15D, s10  }
0x2cd: {  	v36 =	vmov s29;
	v23 =	vshll.u32 v35, $0x6  }
0x2ce: {  	v37 =	vor.u32 v1, v23  }
0x2cf: {  	v38 =	vor.u32 v2, v23;
	_ =	sdelay $0x1  }
0x2d0: {  	v40 =	vor.u32 v3, v23;
	v39, _, _ =	vpop (xrf2)  }
0x2d1: {  	[tilespmem:v36+s25+$0x0] =	vst.idx.msk vm0, v39  }
0x2d2: {  	v23 =	vor.u32 v4, v23;
	v24 =	vld.idx.msk [tilespmem:v37+s5+$0xFFFFFD00], $0xffff  }
0x2d3: {  	v41 =	vld.idx.msk [tilespmem:v38+s5+$0xFFFFFD00], $0xffff;
	_ =	sdelay $0x1  }
0x2d4: {  	v42 =	vld.idx.msk [tilespmem:v40+s5+$0xFFFFFD00], $0xffff;
	_ =	sdelay $0x1  }
0x2d5: {  	v23 =	vld.idx.msk [tilespmem:v23+s5+$0xFFFFFD00], $0xffff  }
0x2d6: {  	v24 =	vmul.f32 v24, v18;
	v25 =	vmul.f32 v41, v19;
	_ =	sdelay $0x1  }
0x2d7: {  	v43 =	vmul.f32 v42, v20;
	v24 =	vadd.f32 v25, v24;
	_ =	sdelay $0x1  }
0x2d8: {  	v23 =	vmul.f32 v23, v21;
	v24 =	vadd.f32 v43, v24;
	_ =	sdelay $0x1  }
0x2d9: {  	v23 =	vadd.f32 v23, v24;
	_ =	sdelay $0x1  }
0x2da: {  	(xrf2) =	vadd.scan.msk.f32 $0xffff, v23;
	_ =	sdelay $0x3  }
0x2db: {  	v44 =	vperm.xlane v22, v0  }
0x2dc: {  	s12 =	sadd.s32 $0x15E, s10  }
0x2dd: {  	v45 =	vmov s12;
	v23 =	vshll.u32 v44, $0x6  }
0x2de: {  	v46 =	vor.u32 v1, v23  }
0x2df: {  	v47 =	vor.u32 v2, v23;
	_ =	sdelay $0x1  }
0x2e0: {  	v49 =	vor.u32 v3, v23;
	v48, _, _ =	vpop (xrf2)  }
0x2e1: {  	[tilespmem:v45+s25+$0x0] =	vst.idx.msk vm0, v48  }
0x2e2: {  	v23 =	vor.u32 v4, v23;
	v24 =	vld.idx.msk [tilespmem:v46+s5+$0xFFFFFD80], $0xffff  }
0x2e3: {  	v50 =	vld.idx.msk [tilespmem:v47+s5+$0xFFFFFD80], $0xffff;
	_ =	sdelay $0x1  }
0x2e4: {  	v51 =	vld.idx.msk [tilespmem:v49+s5+$0xFFFFFD80], $0xffff;
	_ =	sdelay $0x1  }
0x2e5: {  	v23 =	vld.idx.msk [tilespmem:v23+s5+$0xFFFFFD80], $0xffff  }
0x2e6: {  	v24 =	vmul.f32 v24, v18;
	v25 =	vmul.f32 v50, v19;
	_ =	sdelay $0x1  }
0x2e7: {  	v52 =	vmul.f32 v51, v20;
	v24 =	vadd.f32 v25, v24;
	_ =	sdelay $0x1  }
0x2e8: {  	v23 =	vmul.f32 v23, v21;
	v24 =	vadd.f32 v52, v24;
	_ =	sdelay $0x1  }
0x2e9: {  	v23 =	vadd.f32 v23, v24;
	_ =	sdelay $0x1  }
0x2ea: {  	(xrf2) =	vadd.scan.msk.f32 $0xffff, v23;
	_ =	sdelay $0x3  }
0x2eb: {  	v53 =	vperm.xlane v22, v11  }
0x2ec: {  	s29 =	sadd.s32 $0x15F, s10  }
0x2ed: {  	v54 =	vmov s29;
	v23 =	vshll.u32 v53, $0x6  }
0x2ee: {  	v55 =	vor.u32 v1, v23  }
0x2ef: {  	v56 =	vor.u32 v2, v23;
	_ =	sdelay $0x1  }
0x2f0: {  	v58 =	vor.u32 v3, v23;
	v57, _, _ =	vpop (xrf2)  }
0x2f1: {  	[tilespmem:v54+s25+$0x0] =	vst.idx.msk vm0, v57  }
0x2f2: {  	v23 =	vor.u32 v4, v23;
	v24 =	vld.idx.msk [tilespmem:v55+s5+$0xFFFFFE00], $0xffff  }
0x2f3: {  	v59 =	vld.idx.msk [tilespmem:v56+s5+$0xFFFFFE00], $0xffff;
	_ =	sdelay $0x1  }
0x2f4: {  	v60 =	vld.idx.msk [tilespmem:v58+s5+$0xFFFFFE00], $0xffff;
	_ =	sdelay $0x1  }
0x2f5: {  	v23 =	vld.idx.msk [tilespmem:v23+s5+$0xFFFFFE00], $0xffff  }
0x2f6: {  	v24 =	vmul.f32 v24, v18;
	v25 =	vmul.f32 v59, v19;
	_ =	sdelay $0x1  }
0x2f7: {  	v61 =	vmul.f32 v60, v20;
	v24 =	vadd.f32 v25, v24;
	_ =	sdelay $0x1  }
0x2f8: {  	v23 =	vmul.f32 v23, v21;
	v24 =	vadd.f32 v61, v24;
	_ =	sdelay $0x1  }
0x2f9: {  	v23 =	vadd.f32 v23, v24;
	_ =	sdelay $0x1  }
0x2fa: {  	(xrf2) =	vadd.scan.msk.f32 $0xffff, v23;
	_ =	sdelay $0x3  }
0x2fb: {  	v62 =	vperm.xlane v22, v12  }
0x2fc: {  	s12 =	sadd.s32 $0x160, s10  }
0x2fd: {  	v63 =	vmov s12;
	v23 =	vshll.u32 v62, $0x6  }
0x2fe: {  	v32 =	vor.u32 v1, v23  }
0x2ff: {  	v33 =	vor.u32 v2, v23;
	_ =	sdelay $0x1  }
0x300: {  	v35 =	vor.u32 v3, v23;
	v34, _, _ =	vpop (xrf2)  }
0x301: {  	[tilespmem:v63+s25+$0x0] =	vst.idx.msk vm0, v34  }
0x302: {  	v23 =	vor.u32 v4, v23;
	v24 =	vld.idx.msk [tilespmem:v32+s5+$0xFFFFFE80], $0xffff  }
0x303: {  	v36 =	vld.idx.msk [tilespmem:v33+s5+$0xFFFFFE80], $0xffff;
	_ =	sdelay $0x1  }
0x304: {  	v37 =	vld.idx.msk [tilespmem:v35+s5+$0xFFFFFE80], $0xffff;
	_ =	sdelay $0x1  }
0x305: {  	v23 =	vld.idx.msk [tilespmem:v23+s5+$0xFFFFFE80], $0xffff  }
0x306: {  	v24 =	vmul.f32 v24, v18;
	v25 =	vmul.f32 v36, v19;
	_ =	sdelay $0x1  }
0x307: {  	v38 =	vmul.f32 v37, v20;
	v24 =	vadd.f32 v25, v24;
	_ =	sdelay $0x1  }
0x308: {  	v23 =	vmul.f32 v23, v21;
	v24 =	vadd.f32 v38, v24;
	_ =	sdelay $0x1  }
0x309: {  	v23 =	vadd.f32 v23, v24;
	_ =	sdelay $0x1  }
0x30a: {  	(xrf2) =	vadd.scan.msk.f32 $0xffff, v23;
	_ =	sdelay $0x3  }
0x30b: {  	v39 =	vperm.xlane v22, v13  }
0x30c: {  	s29 =	sadd.s32 $0x161, s10  }
0x30d: {  	v40 =	vmov s29;
	v23 =	vshll.u32 v39, $0x6  }
0x30e: {  	v41 =	vor.u32 v1, v23  }
0x30f: {  	v42 =	vor.u32 v2, v23;
	_ =	sdelay $0x1  }
0x310: {  	v44 =	vor.u32 v3, v23;
	v43, _, _ =	vpop (xrf2)  }
0x311: {  	[tilespmem:v40+s25+$0x0] =	vst.idx.msk vm0, v43  }
0x312: {  	v23 =	vor.u32 v4, v23;
	v24 =	vld.idx.msk [tilespmem:v41+s5+$0xFFFFFF00], $0xffff  }
0x313: {  	v45 =	vld.idx.msk [tilespmem:v42+s5+$0xFFFFFF00], $0xffff;
	_ =	sdelay $0x1  }
0x314: {  	v46 =	vld.idx.msk [tilespmem:v44+s5+$0xFFFFFF00], $0xffff;
	_ =	sdelay $0x1  }
0x315: {  	v23 =	vld.idx.msk [tilespmem:v23+s5+$0xFFFFFF00], $0xffff  }
0x316: {  	v24 =	vmul.f32 v24, v18;
	v25 =	vmul.f32 v45, v19;
	_ =	sdelay $0x1  }
0x317: {  	v47 =	vmul.f32 v46, v20;
	v24 =	vadd.f32 v25, v24;
	_ =	sdelay $0x1  }
0x318: {  	v23 =	vmul.f32 v23, v21;
	v24 =	vadd.f32 v47, v24;
	_ =	sdelay $0x1  }
0x319: {  	v23 =	vadd.f32 v23, v24;
	_ =	sdelay $0x1  }
0x31a: {  	(xrf2) =	vadd.scan.msk.f32 $0xffff, v23;
	_ =	sdelay $0x3  }
0x31b: {  	v48 =	vperm.xlane v22, v14  }
0x31c: {  	s12 =	sadd.s32 $0x162, s10  }
0x31d: {  	v49 =	vmov s12;
	v23 =	vshll.u32 v48, $0x6  }
0x31e: {  	v50 =	vor.u32 v1, v23  }
0x31f: {  	v51 =	vor.u32 v2, v23;
	_ =	sdelay $0x1  }
0x320: {  	v53 =	vor.u32 v3, v23;
	v52, _, _ =	vpop (xrf2)  }
0x321: {  	[tilespmem:v49+s25+$0x0] =	vst.idx.msk vm0, v52  }
0x322: {  	v23 =	vor.u32 v4, v23;
	v24 =	vld.idx.msk [tilespmem:v50+s5+$0xFFFFFF80], $0xffff  }
0x323: {  	v54 =	vld.idx.msk [tilespmem:v51+s5+$0xFFFFFF80], $0xffff;
	_ =	sdelay $0x1  }
0x324: {  	v55 =	vld.idx.msk [tilespmem:v53+s5+$0xFFFFFF80], $0xffff;
	_ =	sdelay $0x1  }
0x325: {  	v23 =	vld.idx.msk [tilespmem:v23+s5+$0xFFFFFF80], $0xffff  }
0x326: {  	v24 =	vmul.f32 v24, v18;
	v25 =	vmul.f32 v54, v19;
	_ =	sdelay $0x1  }
0x327: {  	v56 =	vmul.f32 v55, v20;
	v24 =	vadd.f32 v25, v24;
	_ =	sdelay $0x1  }
0x328: {  	v23 =	vmul.f32 v23, v21;
	v24 =	vadd.f32 v56, v24;
	_ =	sdelay $0x1  }
0x329: {  	v23 =	vadd.f32 v23, v24;
	_ =	sdelay $0x1  }
0x32a: {  	(xrf2) =	vadd.scan.msk.f32 $0xffff, v23;
	_ =	sdelay $0x3  }
0x32b: {  	v22 =	vperm.xlane v22, v15  }
0x32c: {  	s29 =	sadd.s32 $0x163, s10  }
0x32d: {  	v22 =	vshll.u32 v22, $0x6;
	v57 =	vmov s29  }
0x32e: {  	v58 =	vor.u32 v1, v22  }
0x32f: {  	v59 =	vor.u32 v2, v22;
	_ =	sdelay $0x1  }
0x330: {  	v61 =	vor.u32 v3, v22;
	v60, _, _ =	vpop (xrf2)  }
0x331: {  	[tilespmem:v57+s25+$0x0] =	vst.idx.msk vm0, v60  }
0x332: {  	v22 =	vor.u32 v4, v22;
	v23 =	vld.idx.msk [tilespmem:v58+s5+$0x0], $0xffff  }
0x333: {  	v62 =	vld.idx.msk [tilespmem:v59+s5+$0x0], $0xffff;
	_ =	sdelay $0x1  }
0x334: {  	v63 =	vld.idx.msk [tilespmem:v61+s5+$0x0], $0xffff;
	_ =	sdelay $0x1  }
0x335: {  	v22 =	vld.idx.msk [tilespmem:v22+s5+$0x0], $0xffff  }
0x336: {  	v18 =	vmul.f32 v23, v18;
	v19 =	vmul.f32 v62, v19;
	_ =	sdelay $0x1  }
0x337: {  	v18 =	vadd.f32 v19, v18;
	v19 =	vmul.f32 v63, v20;
	_ =	sdelay $0x1  }
0x338: {  	v18 =	vadd.f32 v19, v18;
	v19 =	vmul.f32 v22, v21;
	_ =	sdelay $0x1  }
0x339: {  	v18 =	vadd.f32 v19, v18;
	_ =	sdelay $0x1  }
0x33a: {  	(xrf2) =	vadd.scan.msk.f32 $0xffff, v18;
	_ =	sdelay $0x4  }
0x33b: {  	s10 =	sadd.s32 $0x164, s10  }
0x33c: {  	p0 =	sne.s32 s15, $0x13B;
	v18 =	vmov s10  }
.Ltmp1:
0x33d: {  	_ = 	snop;
	(pc) =	sbr.rel @p0 .LBB2_5-.Ltmp1, $3  }
0x33e: {  	_ =	sdelay $0x1  }
0x33f: {  	s14 =	sadd.s32 $0x1, s14;
	s15 =	sadd.s32 $0x15, s15;
	s6 =	sadd.s32 $0x80, s6;
	v19, _, _ =	vpop (xrf2)  }
0x340: {  	s7 =	sadd.s32 $0x80, s7;
	s8 =	sadd.s32 $0x18, s8;
	s5 =	sadd.s32 $0xA00, s5;
	[tilespmem:v18+s25+$0x0] =	vst.idx.msk vm0, v19  }
0x341: {  	s0 =	sadd.s32 $0x1, s0  }
0x342: {  	p0 =	sne.s32 s0, $0x10  }
.Ltmp2:
0x343: {  	_ = 	snop;
	(pc) =	sbr.rel @p0 .LBB2_2-.Ltmp2, $2  }
0x344: {  	_ =	sdelay $0x2  }
0x345: {  	s31 =	sadd.s32 $0x2A0, s31;
	s9 =	sadd.s32 $0x300, s9;
	s30 =	sadd.s32 $0x300, s30  }
0x346: {  	s0 =	rddreg [dreg:$0x8]  }
0x347: {  	[hbm4b:s0+s2] =	stream.linear.scatter [tilespmem:s25], [sflag:$0x3], $0x2A00, $0x38;
	[tilespmem:$0x1EA00] =	vst v63  }
0x348: {  	_ =	swait.ge [sflag:s13], $0x2A00  }
0x349: {  	s28 =	sadd.s32 $0x1, s28;
	s31 =	rddreg [dreg:$0x9]  }
0x34a: {  	p0 =	sne.s32 s28, s31  }
.Ltmp3:
0x34b: {  	_ = 	snop;
	(pc) =	sbr.rel @p0 .LBB2_1-.Ltmp3, $3  }
0x34c: {  	_ =	sdelay $0x1  }
0x34d: {  	[sflag:s13] =	ssyncset.done $0x0  }
0x34e: {  	[sflag:s13] =	ssyncadd.s32 $0xFFFFD600  }
0x34f: {  	_ =	sfence.sel $0x180000  }
0x350: {  	[bflag:$0x0] =	sbarrier.arrive $0xFFFF  }
0x351: {  	_ =	strace $0x90000047  }
0x352: {  	s0 =	stileid.u32;
	[bflag:$0x2] =	sbarrier.arrive $0xFFFF  }
0x353: {  	p0 =	sne.s32 s0, $0x0;
	s0 =	rddreg [dreg:$0x1]  }
0x354: {  	s0 =	sadd.s32 @!p0 $0x100000, s0  }
0x355: {  	[sflag:s0] =	ssyncadd.tile.s32 @!p0 $0x1;
	_ =	shalt  }
.Lfunc_end2:
_tile_overlayer_lowered:
.L_overlay_start_2:
0x356: {  	(tag) =	ssettag $0x2  }
0x357: {  	s0 =	rddreg [dreg:$0x0];
	s2 =	stileid.u32  }
0x358: {  	s1 =	rddreg [dreg:$0x1];
	p0 =	sne.s32 s2, $0x0  }
0x359: {  	s3 =	rddreg [dreg:$0x2];
	[bflag:$0x3] =	sbarrier.arrive $0xFFFF;
	s2 =	simm.s32 @!p0 $0x1C03  }
0x35a: {  	[timem:s3], [sflag:s2] =	dma.local @!p0 [hbm:s0], s1  }
0x35b: {  	s0 =	simm.s32 @!p0 $0x3  }
0x35c: {  	_ =	swait.ge @!p0 [sflag:s0], s1  }
0x35d: {  	s1 =	ssub.s32 @!p0 $0x0, s1;
	[sflag:s0] =	ssyncset.done @!p0 $0x0  }
0x35e: {  	[sflag:s0] =	ssyncadd.s32 @!p0 s1  }
0x35f: {  	[bflag:$0x3] =	sbarrier.arrive $0xFFFF  }
0x360: {  	_ =	shalt  }

</sc_bundles>
